<compile_context>
chip_gen: v7x
topology: tpu7x:2x2x1
jax: 0.10.2.dev20260603
libtpu: 0.0.44.dev20260713+nightly
codegen_flags: <defaults>
</compile_context>

<pallas_src>
import functools

import jax
import jax.numpy as jnp
from jax import lax
from jax.experimental import pallas as pl
from jax.experimental.pallas import tpu as pltpu
from jax.experimental.pallas import tpu_sc as plsc

B = 16384
D_IN = 65
UNITS = 48
STATES = 1000
SPAD = 1024
BLK = 4096
NBLK = B // BLK
DP = 128
IDX_CH = 128
NW = 32
BPW = B // NW
SLOTS_PW = SPAD // NW


def _sc_gather_and_tables(table, idx):
    V, D = table.shape
    nch = BPW // IDX_CH
    mesh = plsc.VectorSubcoreMesh(core_axis_name="c", subcore_axis_name="s")

    @functools.partial(
        pl.kernel, mesh=mesh,
        compiler_params=pltpu.CompilerParams(needs_layout_passes=False),
        out_type=[
            jax.ShapeDtypeStruct((B, D), jnp.float32),
            jax.ShapeDtypeStruct((NW * SPAD,), jnp.int32),
        ],
        scratch_types=[
            pltpu.VMEM((BPW,), jnp.int32),
            pltpu.VMEM((BPW, D), jnp.float32),
            pltpu.VMEM((SPAD,), jnp.int32),
            pltpu.VMEM((16,), jnp.int32),
            pltpu.SemaphoreType.DMA,
            pltpu.SemaphoreType.DMA,
        ],
    )
    def k(table_hbm, idx_hbm, out_hbm, wt_hbm, idx_v, rows_v, tab_v, scr_v,
          sem, wsem):
        wid = lax.axis_index("s") * 2 + lax.axis_index("c")
        base = wid * BPW
        pltpu.sync_copy(idx_hbm.at[pl.ds(base, BPW)], idx_v)
        cps = [
            pltpu.async_copy(table_hbm.at[idx_v.at[pl.ds(j * IDX_CH, IDX_CH)]],
                             rows_v.at[pl.ds(j * IDX_CH, IDX_CH)], sem)
            for j in range(nch)
        ]
        neg = jnp.full((16,), -1, jnp.int32)
        for t in range(SPAD // 16):
            tab_v[pl.ds(t * 16, 16)] = neg
        lane = lax.iota(jnp.int32, 16)
        shifts = [jnp.minimum(lane + k, 15) for k in range(1, 16)]
        guards = [lane <= 15 - k for k in range(1, 16)]
        for j in range(nch):
            for t in range(IDX_CH // 16):
                ids16 = idx_v[pl.ds(j * IDX_CH + t * 16, 16)]
                bidx = lane + (base + j * IDX_CH + t * 16)
                scr_v[...] = ids16
                not_last = lane < 0
                for k in range(15):
                    g = plsc.load_gather(scr_v, [shifts[k]])
                    not_last = not_last | ((ids16 == g) & guards[k])
                plsc.store_scatter(tab_v, [ids16], bidx,
                                   mask=jnp.logical_not(not_last))
        pltpu.sync_copy(tab_v, wt_hbm.at[pl.ds(wid * SPAD, SPAD)])
        wcps = []
        for j, cp in enumerate(cps):
            cp.wait()
            wcps.append(pltpu.async_copy(
                rows_v.at[pl.ds(j * IDX_CH, IDX_CH)],
                out_hbm.at[pl.ds(base + j * IDX_CH, IDX_CH)], wsem))
        for w in wcps:
            w.wait()

    return k(table, idx)


SLOTS_B = 128
NW_B = SPAD // SLOTS_B


def _sc_resolve_state(fi, h_all):
    mesh = plsc.VectorSubcoreMesh(core_axis_name="c", subcore_axis_name="s")

    @functools.partial(
        pl.kernel, mesh=mesh,
        compiler_params=pltpu.CompilerParams(needs_layout_passes=False),
        out_type=jax.ShapeDtypeStruct((SPAD, DP), jnp.float32),
        scratch_types=[
            pltpu.VMEM((SLOTS_B,), jnp.int32),
            pltpu.VMEM((SLOTS_B, DP), jnp.float32),
            pltpu.SemaphoreType.DMA,
        ],
    )
    def k(fi_hbm, hall_hbm, out_hbm, fi_v, rows_v, gsem):
        wid = lax.axis_index("s") * 2 + lax.axis_index("c")

        @pl.when(wid < NW_B)
        def _():
            s0 = wid * SLOTS_B
            pltpu.sync_copy(fi_hbm.at[pl.ds(s0, SLOTS_B)], fi_v)
            pltpu.async_copy(hall_hbm.at[fi_v], rows_v, gsem).wait()
            pltpu.sync_copy(rows_v, out_hbm.at[pl.ds(s0, SLOTS_B)])

    return k(fi, h_all)


def _gru_body(x_ref, h_ref, state_ref, wt_ref, Wz_ref, Wr_ref, Wh_ref,
              Uz_ref, Ur_ref, Uh_ref, bz_ref, br_ref, bh_ref,
              wo_ref, bo_ref, out_ref, hall_ref, fi_ref):
    i = pl.program_id(0)

    @pl.when(i < NBLK)
    def _():
        x = x_ref[...]
        h = h_ref[:, :UNITS]
        hf = h
        dot = lambda a, b: jnp.dot(a, b, preferred_element_type=jnp.float32)
        z = jax.nn.sigmoid(dot(x, Wz_ref[...]) + dot(h, Uz_ref[...])
                           + bz_ref[...])
        r = jax.nn.sigmoid(dot(x, Wr_ref[...]) + dot(h, Ur_ref[...])
                           + br_ref[...])
        hh = jnp.tanh(dot(x, Wh_ref[...]) + r * dot(h, Uh_ref[...])
                      + bh_ref[...])
        h_new = z * hf + (1.0 - z) * hh
        head = jax.nn.sigmoid(
            lax.dot_general(wo_ref[...], h_new, (((1,), (1,)), ((), ())),
                            preferred_element_type=jnp.float32)
            + bo_ref[...])
        out_ref[...] = head
        hall_ref[:, :UNITS] = h_new

    @pl.when(i == NBLK)
    def _():
        hall_ref[:SPAD, :] = state_ref[...]
        wtv = wt_ref[...]
        acc = wtv[:SPAD]
        for w in range(1, NW):
            acc = jnp.maximum(acc, wtv[w * SPAD:(w + 1) * SPAD])
        slot = lax.broadcasted_iota(jnp.int32, (SPAD,), 0) + B
        fi_ref[...] = jnp.where(acc >= 0, acc, slot)


def _tc_gru(inputs, h_prev, state_pad, wt, W, U, b, W_out, b_out):
    cap = lambda i: jnp.minimum(i, NBLK - 1)
    out, h_all, fi = pl.pallas_call(
        _gru_body,
        grid=(NBLK + 1,),
        in_specs=[
            pl.BlockSpec((BLK, D_IN), lambda i: (cap(i), 0)),
            pl.BlockSpec((BLK, DP), lambda i: (cap(i), 0)),
            pl.BlockSpec((SPAD, DP), lambda i: (0, 0)),
            pl.BlockSpec((NW * SPAD,), lambda i: (0,)),
            pl.BlockSpec((D_IN, UNITS), lambda i: (0, 0)),
            pl.BlockSpec((D_IN, UNITS), lambda i: (0, 0)),
            pl.BlockSpec((D_IN, UNITS), lambda i: (0, 0)),
            pl.BlockSpec((UNITS, UNITS), lambda i: (0, 0)),
            pl.BlockSpec((UNITS, UNITS), lambda i: (0, 0)),
            pl.BlockSpec((UNITS, UNITS), lambda i: (0, 0)),
            pl.BlockSpec((1, UNITS), lambda i: (0, 0)),
            pl.BlockSpec((1, UNITS), lambda i: (0, 0)),
            pl.BlockSpec((1, UNITS), lambda i: (0, 0)),
            pl.BlockSpec((1, UNITS), lambda i: (0, 0)),
            pl.BlockSpec((1, 1), lambda i: (0, 0)),
        ],
        out_specs=[
            pl.BlockSpec((1, BLK), lambda i: (0, cap(i))),
            pl.BlockSpec((BLK, DP), lambda i: (i, 0)),
            pl.BlockSpec((SPAD,), lambda i: (0,)),
        ],
        out_shape=[
            jax.ShapeDtypeStruct((1, B), jnp.float32),
            jax.ShapeDtypeStruct((B + BLK, DP), jnp.float32),
            jax.ShapeDtypeStruct((SPAD,), jnp.int32),
        ],
    )(inputs, h_prev, state_pad, wt,
      W[:, :UNITS], W[:, UNITS:2 * UNITS], W[:, 2 * UNITS:],
      U[:, :UNITS], U[:, UNITS:2 * UNITS], U[:, 2 * UNITS:],
      b[:UNITS].reshape(1, -1), b[UNITS:2 * UNITS].reshape(1, -1),
      b[2 * UNITS:].reshape(1, -1),
      W_out.reshape(1, UNITS), b_out.reshape(1, 1))
    return out, h_all, fi


def kernel(inputs, state, W, U, b, W_out, b_out):
    ids = jnp.clip(inputs[:, 0].astype(jnp.int32), 0, state.shape[0] - 1)
    state_pad = jnp.pad(state, ((0, SPAD - STATES), (0, DP - UNITS)))
    h_prev, wt = _sc_gather_and_tables(state_pad, ids)
    out2, h_all, fi = _tc_gru(inputs, h_prev, state_pad, wt, W, U, b,
                              W_out, b_out)
    ns_pad = _sc_resolve_state(fi, h_all)
    return out2.reshape(B, 1), ns_pad[:STATES, :UNITS]

# --- scband reference (transcript-rebuilt; emitter-appended) ---
"""Pipeline reference for scband-feedzai-production-53223234732111 (READ-ONLY COPY).

The authoritative reference and input builder live on the scoring server;
editing this copy changes nothing except your own understanding.
"""

import jax, jax.numpy as jnp
import numpy as np

B = 16384          # batch of transactions
N_FEAT = 64        # transaction features (plus 1 id column => d_in = 65)
UNITS = 48         # GRU units (hard-coded in FeedzaiProduction)
STATES = 1000      # shared_state_size (hard-coded)
CARD_ID_COLUMN = 0


def setup_inputs(seed: int = 0) -> dict:
    key = jax.random.key(seed)
    k1, k2, k3, k4, k5, k6 = jax.random.split(key, 6)
    # column 0 carries the card id (as float, like a raw feature column),
    # remaining columns are transaction features
    ids = jax.random.randint(k1, (B,), 0, STATES)
    feats = jax.random.normal(k2, (B, N_FEAT), dtype=jnp.float32)
    inputs = jnp.concatenate([ids.astype(jnp.float32)[:, None], feats], axis=1)
    d_in = N_FEAT + 1
    # shared per-card GRU state memory [STATES, UNITS]
    state = jax.random.normal(k3, (STATES, UNITS), dtype=jnp.float32) * 0.1
    # GRU cell weights (keras GRU layout: [z | r | h] blocks of size UNITS)
    W = jax.random.normal(k4, (d_in, 3 * UNITS), dtype=jnp.float32) * (1.0 / np.sqrt(d_in))
    U = jax.random.normal(k5, (UNITS, 3 * UNITS), dtype=jnp.float32) * (1.0 / np.sqrt(UNITS))
    b = jnp.zeros((3 * UNITS,), dtype=jnp.float32)
    # Dense(1, sigmoid) head
    W_out = jax.random.normal(k6, (UNITS, 1), dtype=jnp.float32) * (1.0 / np.sqrt(UNITS))
    b_out = jnp.zeros((1,), dtype=jnp.float32)
    return {"inputs": inputs, "state": state, "W": W, "U": U, "b": b,
            "W_out": W_out, "b_out": b_out}


def _gru_step(x, h, W, U, b):
    # keras GRU cell: gates ordered [z, r, hh]
    u = h.shape[-1]
    xp = x @ W + b
    hp = h @ U
    z = jax.nn.sigmoid(xp[:, :u] + hp[:, :u])
    r = jax.nn.sigmoid(xp[:, u:2 * u] + hp[:, u:2 * u])
    hh = jnp.tanh(xp[:, 2 * u:] + r * hp[:, 2 * u:])
    return z * h + (1.0 - z) * hh


def reference(inputs, state, W, U, b, W_out, b_out):
    # SharedState GRU: gather per-card state by the id column, run one GRU
    # step, scatter the updated state back into the shared memory table.
    ids = jax.lax.stop_gradient(inputs[:, CARD_ID_COLUMN]).astype(jnp.int32)
    ids = jnp.clip(ids, 0, state.shape[0] - 1)
    h_prev = jnp.take(state, ids, axis=0)          # gather from shared memory
    h_new = _gru_step(inputs, h_prev, W, U, b)     # GRU step (card_out)
    new_state = state.at[ids].set(h_new)           # scatter-overwrite memory
    out = jax.nn.sigmoid(h_new @ W_out + b_out)    # Dense(1, sigmoid)
    return out, new_state

if __name__ == "__main__":
    import jax
    _d = setup_inputs()
    print(jax.jit(kernel)(*tuple(_d.values())))

</pallas_src>

<mosaic_0001>
#map = affine_map<(d0, d1) -> (0, 0)>
#map1 = affine_map<(d0, d1) -> (0)>
module attributes {stable_mosaic.version = 14 : i64} {
  func.func @k(%arg0: i32, %arg1: i32, %arg2: memref<1024x128xf32, #tpu.memory_space<hbm>>, %arg3: memref<16384xi32, #tpu.memory_space<hbm>>, %arg4: memref<16384x128xf32, #tpu.memory_space<hbm>>, %arg5: memref<32768xi32, #tpu.memory_space<hbm>>, %arg6: memref<512xi32, #tpu.memory_space<vmem>>, %arg7: memref<512x128xf32, #tpu.memory_space<vmem>>, %arg8: memref<1024xi32, #tpu.memory_space<vmem>>, %arg9: memref<16xi32, #tpu.memory_space<vmem>>, %arg10: memref<!tpu.dma_semaphore, #tpu.memory_space<semaphore_mem>>, %arg11: memref<!tpu.dma_semaphore, #tpu.memory_space<semaphore_mem>>) attributes {dimension_semantics = [#tpu.dimension_semantics<core_parallel>, #tpu.dimension_semantics<subcore_parallel>], iteration_bounds = array<i64: 2, 16>, scalar_prefetch = 0 : i64, scratch_operands = 6 : i64, tpu.core_type = #tpu.core_type<sc_vector_subcore>, window_params = [{transform_indices = #map}, {transform_indices = #map1}, {transform_indices = #map}, {transform_indices = #map1}]} {
    %mul3A = arith.constant 2 : i32
    %mul3A_0 = arith.muli %arg1, %mul3A : i32
    %add3A = arith.addi %mul3A_0, %arg0 : i32
    %mul3A_1 = arith.constant 512 : i32
    %mul3A_2 = arith.muli %add3A, %mul3A_1 : i32
    "tpu.region"() ({
      %run_scoped3A = tpu.sem_alloc : memref<!tpu.dma_semaphore, #tpu.memory_space<semaphore_mem>>
      %dma_start3A_2809 = tpu.memref_slice %arg3[%mul3A_2] : memref<16384xi32, #tpu.memory_space<hbm>> -> memref<512xi32, #tpu.memory_space<hbm>>
      %dma_start3A_2810 = tpu.memref_slice %arg3[%mul3A_2] : memref<16384xi32, #tpu.memory_space<hbm>> -> memref<512xi32, #tpu.memory_space<hbm>>
      tpu.enqueue_dma source(%dma_start3A_2810 : memref<512xi32, #tpu.memory_space<hbm>>) target(%arg6 : memref<512xi32, #tpu.memory_space<vmem>>) target_semaphore(%run_scoped3A : memref<!tpu.dma_semaphore, #tpu.memory_space<semaphore_mem>>)
      %dma_wait3A_2811 = tpu.memref_slice %arg3[%mul3A_2] : memref<16384xi32, #tpu.memory_space<hbm>> -> memref<512xi32, #tpu.memory_space<hbm>>
      %dma_wait3A_2812 = tpu.memref_slice %arg3[%mul3A_2] : memref<16384xi32, #tpu.memory_space<hbm>> -> memref<512xi32, #tpu.memory_space<hbm>>
      tpu.wait_dma2 semaphore(%run_scoped3A : memref<!tpu.dma_semaphore, #tpu.memory_space<semaphore_mem>>) src(%dma_wait3A_2812 : memref<512xi32, #tpu.memory_space<hbm>>) dst(%arg6 : memref<512xi32, #tpu.memory_space<vmem>>)
      tpu.yield
    }) : () -> ()
    %dma_start3A = arith.constant 0 : i32
    %dma_start3A_3 = arith.constant 0 : i32
    %dma_start3A_4 = tpu.memref_slice %arg7[%dma_start3A, %dma_start3A_3] : memref<512x128xf32, #tpu.memory_space<vmem>> -> memref<128x128xf32, #tpu.memory_space<vmem>>
    %dma_start3A_5 = arith.constant 0 : i32
    %dma_start3A_6 = tpu.memref_slice %arg6[%dma_start3A_5] : memref<512xi32, #tpu.memory_space<vmem>> -> memref<128xi32, #tpu.memory_space<vmem>>
    %dma_start3A_7 = arith.constant 0 : i32
    %dma_start3A_8 = arith.constant 0 : i32
    %dma_start3A_9 = tpu.memref_slice %arg2[%dma_start3A_7, %dma_start3A_8] : memref<1024x128xf32, #tpu.memory_space<hbm>> -> memref<1024x128xf32, #tpu.memory_space<hbm>>
    tpu.enqueue_indirect_dma source(%dma_start3A_9 : memref<1024x128xf32, #tpu.memory_space<hbm>>) target(%dma_start3A_4 : memref<128x128xf32, #tpu.memory_space<vmem>>) offsets(%dma_start3A_6 : memref<128xi32, #tpu.memory_space<vmem>>) semaphore(%arg10 : memref<!tpu.dma_semaphore, #tpu.memory_space<semaphore_mem>>)
    %dma_start3A_10 = arith.constant 128 : i32
    %dma_start3A_11 = arith.constant 0 : i32
    %dma_start3A_12 = tpu.memref_slice %arg7[%dma_start3A_10, %dma_start3A_11] : memref<512x128xf32, #tpu.memory_space<vmem>> -> memref<128x128xf32, #tpu.memory_space<vmem>>
    %dma_start3A_13 = arith.constant 128 : i32
    %dma_start3A_14 = tpu.memref_slice %arg6[%dma_start3A_13] : memref<512xi32, #tpu.memory_space<vmem>> -> memref<128xi32, #tpu.memory_space<vmem>>
    %dma_start3A_15 = arith.constant 0 : i32
    %dma_start3A_16 = arith.constant 0 : i32
    %dma_start3A_17 = tpu.memref_slice %arg2[%dma_start3A_15, %dma_start3A_16] : memref<1024x128xf32, #tpu.memory_space<hbm>> -> memref<1024x128xf32, #tpu.memory_space<hbm>>
    tpu.enqueue_indirect_dma source(%dma_start3A_17 : memref<1024x128xf32, #tpu.memory_space<hbm>>) target(%dma_start3A_12 : memref<128x128xf32, #tpu.memory_space<vmem>>) offsets(%dma_start3A_14 : memref<128xi32, #tpu.memory_space<vmem>>) semaphore(%arg10 : memref<!tpu.dma_semaphore, #tpu.memory_space<semaphore_mem>>)
    %dma_start3A_18 = arith.constant 256 : i32
    %dma_start3A_19 = arith.constant 0 : i32
    %dma_start3A_20 = tpu.memref_slice %arg7[%dma_start3A_18, %dma_start3A_19] : memref<512x128xf32, #tpu.memory_space<vmem>> -> memref<128x128xf32, #tpu.memory_space<vmem>>
    %dma_start3A_21 = arith.constant 256 : i32
    %dma_start3A_22 = tpu.memref_slice %arg6[%dma_start3A_21] : memref<512xi32, #tpu.memory_space<vmem>> -> memref<128xi32, #tpu.memory_space<vmem>>
    %dma_start3A_23 = arith.constant 0 : i32
    %dma_start3A_24 = arith.constant 0 : i32
    %dma_start3A_25 = tpu.memref_slice %arg2[%dma_start3A_23, %dma_start3A_24] : memref<1024x128xf32, #tpu.memory_space<hbm>> -> memref<1024x128xf32, #tpu.memory_space<hbm>>
    tpu.enqueue_indirect_dma source(%dma_start3A_25 : memref<1024x128xf32, #tpu.memory_space<hbm>>) target(%dma_start3A_20 : memref<128x128xf32, #tpu.memory_space<vmem>>) offsets(%dma_start3A_22 : memref<128xi32, #tpu.memory_space<vmem>>) semaphore(%arg10 : memref<!tpu.dma_semaphore, #tpu.memory_space<semaphore_mem>>)
    %dma_start3A_26 = arith.constant 384 : i32
    %dma_start3A_27 = arith.constant 0 : i32
    %dma_start3A_28 = tpu.memref_slice %arg7[%dma_start3A_26, %dma_start3A_27] : memref<512x128xf32, #tpu.memory_space<vmem>> -> memref<128x128xf32, #tpu.memory_space<vmem>>
    %dma_start3A_29 = arith.constant 384 : i32
    %dma_start3A_30 = tpu.memref_slice %arg6[%dma_start3A_29] : memref<512xi32, #tpu.memory_space<vmem>> -> memref<128xi32, #tpu.memory_space<vmem>>
    %dma_start3A_31 = arith.constant 0 : i32
    %dma_start3A_32 = arith.constant 0 : i32
    %dma_start3A_33 = tpu.memref_slice %arg2[%dma_start3A_31, %dma_start3A_32] : memref<1024x128xf32, #tpu.memory_space<hbm>> -> memref<1024x128xf32, #tpu.memory_space<hbm>>
    tpu.enqueue_indirect_dma source(%dma_start3A_33 : memref<1024x128xf32, #tpu.memory_space<hbm>>) target(%dma_start3A_28 : memref<128x128xf32, #tpu.memory_space<vmem>>) offsets(%dma_start3A_30 : memref<128xi32, #tpu.memory_space<vmem>>) semaphore(%arg10 : memref<!tpu.dma_semaphore, #tpu.memory_space<semaphore_mem>>)
    %broadcast_in_dim3A = arith.constant -1 : i32
    %broadcast_in_dim3A_34 = vector.broadcast %broadcast_in_dim3A : i32 to vector<16xi32>
    %swap3A = arith.constant 0 : index
    %swap3A_35 = tpu.vector_load %arg8[%swap3A] {strides = array<i32>} : memref<1024xi32, #tpu.memory_space<vmem>>, vector<16xi32>,
    tpu.vector_store %arg8[%swap3A], %broadcast_in_dim3A_34 {strides = array<i32>} : memref<1024xi32, #tpu.memory_space<vmem>>, vector<16xi32>,
    %swap3A_36 = arith.constant 16 : index
    %swap3A_37 = tpu.vector_load %arg8[%swap3A_36] {strides = array<i32>} : memref<1024xi32, #tpu.memory_space<vmem>>, vector<16xi32>,
    tpu.vector_store %arg8[%swap3A_36], %broadcast_in_dim3A_34 {strides = array<i32>} : memref<1024xi32, #tpu.memory_space<vmem>>, vector<16xi32>,
    %swap3A_38 = arith.constant 32 : index
    %swap3A_39 = tpu.vector_load %arg8[%swap3A_38] {strides = array<i32>} : memref<1024xi32, #tpu.memory_space<vmem>>, vector<16xi32>,
    tpu.vector_store %arg8[%swap3A_38], %broadcast_in_dim3A_34 {strides = array<i32>} : memref<1024xi32, #tpu.memory_space<vmem>>, vector<16xi32>,
    %swap3A_40 = arith.constant 48 : index
    %swap3A_41 = tpu.vector_load %arg8[%swap3A_40] {strides = array<i32>} : memref<1024xi32, #tpu.memory_space<vmem>>, vector<16xi32>,
    tpu.vector_store %arg8[%swap3A_40], %broadcast_in_dim3A_34 {strides = array<i32>} : memref<1024xi32, #tpu.memory_space<vmem>>, vector<16xi32>,
    %swap3A_42 = arith.constant 64 : index
    %swap3A_43 = tpu.vector_load %arg8[%swap3A_42] {strides = array<i32>} : memref<1024xi32, #tpu.memory_space<vmem>>, vector<16xi32>,
    tpu.vector_store %arg8[%swap3A_42], %broadcast_in_dim3A_34 {strides = array<i32>} : memref<1024xi32, #tpu.memory_space<vmem>>, vector<16xi32>,
    %swap3A_44 = arith.constant 80 : index
    %swap3A_45 = tpu.vector_load %arg8[%swap3A_44] {strides = array<i32>} : memref<1024xi32, #tpu.memory_space<vmem>>, vector<16xi32>,
    tpu.vector_store %arg8[%swap3A_44], %broadcast_in_dim3A_34 {strides = array<i32>} : memref<1024xi32, #tpu.memory_space<vmem>>, vector<16xi32>,
    %swap3A_46 = arith.constant 96 : index
    %swap3A_47 = tpu.vector_load %arg8[%swap3A_46] {strides = array<i32>} : memref<1024xi32, #tpu.memory_space<vmem>>, vector<16xi32>,
    tpu.vector_store %arg8[%swap3A_46], %broadcast_in_dim3A_34 {strides = array<i32>} : memref<1024xi32, #tpu.memory_space<vmem>>, vector<16xi32>,
    %swap3A_48 = arith.constant 112 : index
    %swap3A_49 = tpu.vector_load %arg8[%swap3A_48] {strides = array<i32>} : memref<1024xi32, #tpu.memory_space<vmem>>, vector<16xi32>,
    tpu.vector_store %arg8[%swap3A_48], %broadcast_in_dim3A_34 {strides = array<i32>} : memref<1024xi32, #tpu.memory_space<vmem>>, vector<16xi32>,
    %swap3A_50 = arith.constant 128 : index
    %swap3A_51 = tpu.vector_load %arg8[%swap3A_50] {strides = array<i32>} : memref<1024xi32, #tpu.memory_space<vmem>>, vector<16xi32>,
    tpu.vector_store %arg8[%swap3A_50], %broadcast_in_dim3A_34 {strides = array<i32>} : memref<1024xi32, #tpu.memory_space<vmem>>, vector<16xi32>,
    %swap3A_52 = arith.constant 144 : index
    %swap3A_53 = tpu.vector_load %arg8[%swap3A_52] {strides = array<i32>} : memref<1024xi32, #tpu.memory_space<vmem>>, vector<16xi32>,
    tpu.vector_store %arg8[%swap3A_52], %broadcast_in_dim3A_34 {strides = array<i32>} : memref<1024xi32, #tpu.memory_space<vmem>>, vector<16xi32>,
    %swap3A_54 = arith.constant 160 : index
    %swap3A_55 = tpu.vector_load %arg8[%swap3A_54] {strides = array<i32>} : memref<1024xi32, #tpu.memory_space<vmem>>, vector<16xi32>,
    tpu.vector_store %arg8[%swap3A_54], %broadcast_in_dim3A_34 {strides = array<i32>} : memref<1024xi32, #tpu.memory_space<vmem>>, vector<16xi32>,
    %swap3A_56 = arith.constant 176 : index
    %swap3A_57 = tpu.vector_load %arg8[%swap3A_56] {strides = array<i32>} : memref<1024xi32, #tpu.memory_space<vmem>>, vector<16xi32>,
    tpu.vector_store %arg8[%swap3A_56], %broadcast_in_dim3A_34 {strides = array<i32>} : memref<1024xi32, #tpu.memory_space<vmem>>, vector<16xi32>,
    %swap3A_58 = arith.constant 192 : index
    %swap3A_59 = tpu.vector_load %arg8[%swap3A_58] {strides = array<i32>} : memref<1024xi32, #tpu.memory_space<vmem>>, vector<16xi32>,
    tpu.vector_store %arg8[%swap3A_58], %broadcast_in_dim3A_34 {strides = array<i32>} : memref<1024xi32, #tpu.memory_space<vmem>>, vector<16xi32>,
    %swap3A_60 = arith.constant 208 : index
    %swap3A_61 = tpu.vector_load %arg8[%swap3A_60] {strides = array<i32>} : memref<1024xi32, #tpu.memory_space<vmem>>, vector<16xi32>,
    tpu.vector_store %arg8[%swap3A_60], %broadcast_in_dim3A_34 {strides = array<i32>} : memref<1024xi32, #tpu.memory_space<vmem>>, vector<16xi32>,
    %swap3A_62 = arith.constant 224 : index
    %swap3A_63 = tpu.vector_load %arg8[%swap3A_62] {strides = array<i32>} : memref<1024xi32, #tpu.memory_space<vmem>>, vector<16xi32>,
    tpu.vector_store %arg8[%swap3A_62], %broadcast_in_dim3A_34 {strides = array<i32>} : memref<1024xi32, #tpu.memory_space<vmem>>, vector<16xi32>,
    %swap3A_64 = arith.constant 240 : index
    %swap3A_65 = tpu.vector_load %arg8[%swap3A_64] {strides = array<i32>} : memref<1024xi32, #tpu.memory_space<vmem>>, vector<16xi32>,
    tpu.vector_store %arg8[%swap3A_64], %broadcast_in_dim3A_34 {strides = array<i32>} : memref<1024xi32, #tpu.memory_space<vmem>>, vector<16xi32>,
    %swap3A_66 = arith.constant 256 : index
    %swap3A_67 = tpu.vector_load %arg8[%swap3A_66] {strides = array<i32>} : memref<1024xi32, #tpu.memory_space<vmem>>, vector<16xi32>,
    tpu.vector_store %arg8[%swap3A_66], %broadcast_in_dim3A_34 {strides = array<i32>} : memref<1024xi32, #tpu.memory_space<vmem>>, vector<16xi32>,
    %swap3A_68 = arith.constant 272 : index
    %swap3A_69 = tpu.vector_load %arg8[%swap3A_68] {strides = array<i32>} : memref<1024xi32, #tpu.memory_space<vmem>>, vector<16xi32>,
    tpu.vector_store %arg8[%swap3A_68], %broadcast_in_dim3A_34 {strides = array<i32>} : memref<1024xi32, #tpu.memory_space<vmem>>, vector<16xi32>,
    %swap3A_70 = arith.constant 288 : index
    %swap3A_71 = tpu.vector_load %arg8[%swap3A_70] {strides = array<i32>} : memref<1024xi32, #tpu.memory_space<vmem>>, vector<16xi32>,
    tpu.vector_store %arg8[%swap3A_70], %broadcast_in_dim3A_34 {strides = array<i32>} : memref<1024xi32, #tpu.memory_space<vmem>>, vector<16xi32>,
    %swap3A_72 = arith.constant 304 : index
    %swap3A_73 = tpu.vector_load %arg8[%swap3A_72] {strides = array<i32>} : memref<1024xi32, #tpu.memory_space<vmem>>, vector<16xi32>,
    tpu.vector_store %arg8[%swap3A_72], %broadcast_in_dim3A_34 {strides = array<i32>} : memref<1024xi32, #tpu.memory_space<vmem>>, vector<16xi32>,
    %swap3A_74 = arith.constant 320 : index
    %swap3A_75 = tpu.vector_load %arg8[%swap3A_74] {strides = array<i32>} : memref<1024xi32, #tpu.memory_space<vmem>>, vector<16xi32>,
    tpu.vector_store %arg8[%swap3A_74], %broadcast_in_dim3A_34 {strides = array<i32>} : memref<1024xi32, #tpu.memory_space<vmem>>, vector<16xi32>,
    %swap3A_76 = arith.constant 336 : index
    %swap3A_77 = tpu.vector_load %arg8[%swap3A_76] {strides = array<i32>} : memref<1024xi32, #tpu.memory_space<vmem>>, vector<16xi32>,
    tpu.vector_store %arg8[%swap3A_76], %broadcast_in_dim3A_34 {strides = array<i32>} : memref<1024xi32, #tpu.memory_space<vmem>>, vector<16xi32>,
    %swap3A_78 = arith.constant 352 : index
    %swap3A_79 = tpu.vector_load %arg8[%swap3A_78] {strides = array<i32>} : memref<1024xi32, #tpu.memory_space<vmem>>, vector<16xi32>,
    tpu.vector_store %arg8[%swap3A_78], %broadcast_in_dim3A_34 {strides = array<i32>} : memref<1024xi32, #tpu.memory_space<vmem>>, vector<16xi32>,
    %swap3A_80 = arith.constant 368 : index
    %swap3A_81 = tpu.vector_load %arg8[%swap3A_80] {strides = array<i32>} : memref<1024xi32, #tpu.memory_space<vmem>>, vector<16xi32>,
    tpu.vector_store %arg8[%swap3A_80], %broadcast_in_dim3A_34 {strides = array<i32>} : memref<1024xi32, #tpu.memory_space<vmem>>, vector<16xi32>,
    %swap3A_82 = arith.constant 384 : index
    %swap3A_83 = tpu.vector_load %arg8[%swap3A_82] {strides = array<i32>} : memref<1024xi32, #tpu.memory_space<vmem>>, vector<16xi32>,
    tpu.vector_store %arg8[%swap3A_82], %broadcast_in_dim3A_34 {strides = array<i32>} : memref<1024xi32, #tpu.memory_space<vmem>>, vector<16xi32>,
    %swap3A_84 = arith.constant 400 : index
    %swap3A_85 = tpu.vector_load %arg8[%swap3A_84] {strides = array<i32>} : memref<1024xi32, #tpu.memory_space<vmem>>, vector<16xi32>,
    tpu.vector_store %arg8[%swap3A_84], %broadcast_in_dim3A_34 {strides = array<i32>} : memref<1024xi32, #tpu.memory_space<vmem>>, vector<16xi32>,
    %swap3A_86 = arith.constant 416 : index
    %swap3A_87 = tpu.vector_load %arg8[%swap3A_86] {strides = array<i32>} : memref<1024xi32, #tpu.memory_space<vmem>>, vector<16xi32>,
    tpu.vector_store %arg8[%swap3A_86], %broadcast_in_dim3A_34 {strides = array<i32>} : memref<1024xi32, #tpu.memory_space<vmem>>, vector<16xi32>,
    %swap3A_88 = arith.constant 432 : index
    %swap3A_89 = tpu.vector_load %arg8[%swap3A_88] {strides = array<i32>} : memref<1024xi32, #tpu.memory_space<vmem>>, vector<16xi32>,
    tpu.vector_store %arg8[%swap3A_88], %broadcast_in_dim3A_34 {strides = array<i32>} : memref<1024xi32, #tpu.memory_space<vmem>>, vector<16xi32>,
    %swap3A_90 = arith.constant 448 : index
    %swap3A_91 = tpu.vector_load %arg8[%swap3A_90] {strides = array<i32>} : memref<1024xi32, #tpu.memory_space<vmem>>, vector<16xi32>,
    tpu.vector_store %arg8[%swap3A_90], %broadcast_in_dim3A_34 {strides = array<i32>} : memref<1024xi32, #tpu.memory_space<vmem>>, vector<16xi32>,
    %swap3A_92 = arith.constant 464 : index
    %swap3A_93 = tpu.vector_load %arg8[%swap3A_92] {strides = array<i32>} : memref<1024xi32, #tpu.memory_space<vmem>>, vector<16xi32>,
    tpu.vector_store %arg8[%swap3A_92], %broadcast_in_dim3A_34 {strides = array<i32>} : memref<1024xi32, #tpu.memory_space<vmem>>, vector<16xi32>,
    %swap3A_94 = arith.constant 480 : index
    %swap3A_95 = tpu.vector_load %arg8[%swap3A_94] {strides = array<i32>} : memref<1024xi32, #tpu.memory_space<vmem>>, vector<16xi32>,
    tpu.vector_store %arg8[%swap3A_94], %broadcast_in_dim3A_34 {strides = array<i32>} : memref<1024xi32, #tpu.memory_space<vmem>>, vector<16xi32>,
    %swap3A_96 = arith.constant 496 : index
    %swap3A_97 = tpu.vector_load %arg8[%swap3A_96] {strides = array<i32>} : memref<1024xi32, #tpu.memory_space<vmem>>, vector<16xi32>,
    tpu.vector_store %arg8[%swap3A_96], %broadcast_in_dim3A_34 {strides = array<i32>} : memref<1024xi32, #tpu.memory_space<vmem>>, vector<16xi32>,
    %swap3A_98 = arith.constant 512 : index
    %swap3A_99 = tpu.vector_load %arg8[%swap3A_98] {strides = array<i32>} : memref<1024xi32, #tpu.memory_space<vmem>>, vector<16xi32>,
    tpu.vector_store %arg8[%swap3A_98], %broadcast_in_dim3A_34 {strides = array<i32>} : memref<1024xi32, #tpu.memory_space<vmem>>, vector<16xi32>,
    %swap3A_100 = arith.constant 528 : index
    %swap3A_101 = tpu.vector_load %arg8[%swap3A_100] {strides = array<i32>} : memref<1024xi32, #tpu.memory_space<vmem>>, vector<16xi32>,
    tpu.vector_store %arg8[%swap3A_100], %broadcast_in_dim3A_34 {strides = array<i32>} : memref<1024xi32, #tpu.memory_space<vmem>>, vector<16xi32>,
    %swap3A_102 = arith.constant 544 : index
    %swap3A_103 = tpu.vector_load %arg8[%swap3A_102] {strides = array<i32>} : memref<1024xi32, #tpu.memory_space<vmem>>, vector<16xi32>,
    tpu.vector_store %arg8[%swap3A_102], %broadcast_in_dim3A_34 {strides = array<i32>} : memref<1024xi32, #tpu.memory_space<vmem>>, vector<16xi32>,
    %swap3A_104 = arith.constant 560 : index
    %swap3A_105 = tpu.vector_load %arg8[%swap3A_104] {strides = array<i32>} : memref<1024xi32, #tpu.memory_space<vmem>>, vector<16xi32>,
    tpu.vector_store %arg8[%swap3A_104], %broadcast_in_dim3A_34 {strides = array<i32>} : memref<1024xi32, #tpu.memory_space<vmem>>, vector<16xi32>,
    %swap3A_106 = arith.constant 576 : index
    %swap3A_107 = tpu.vector_load %arg8[%swap3A_106] {strides = array<i32>} : memref<1024xi32, #tpu.memory_space<vmem>>, vector<16xi32>,
    tpu.vector_store %arg8[%swap3A_106], %broadcast_in_dim3A_34 {strides = array<i32>} : memref<1024xi32, #tpu.memory_space<vmem>>, vector<16xi32>,
    %swap3A_108 = arith.constant 592 : index
    %swap3A_109 = tpu.vector_load %arg8[%swap3A_108] {strides = array<i32>} : memref<1024xi32, #tpu.memory_space<vmem>>, vector<16xi32>,
    tpu.vector_store %arg8[%swap3A_108], %broadcast_in_dim3A_34 {strides = array<i32>} : memref<1024xi32, #tpu.memory_space<vmem>>, vector<16xi32>,
    %swap3A_110 = arith.constant 608 : index
    %swap3A_111 = tpu.vector_load %arg8[%swap3A_110] {strides = array<i32>} : memref<1024xi32, #tpu.memory_space<vmem>>, vector<16xi32>,
    tpu.vector_store %arg8[%swap3A_110], %broadcast_in_dim3A_34 {strides = array<i32>} : memref<1024xi32, #tpu.memory_space<vmem>>, vector<16xi32>,
    %swap3A_112 = arith.constant 624 : index
    %swap3A_113 = tpu.vector_load %arg8[%swap3A_112] {strides = array<i32>} : memref<1024xi32, #tpu.memory_space<vmem>>, vector<16xi32>,
    tpu.vector_store %arg8[%swap3A_112], %broadcast_in_dim3A_34 {strides = array<i32>} : memref<1024xi32, #tpu.memory_space<vmem>>, vector<16xi32>,
    %swap3A_114 = arith.constant 640 : index
    %swap3A_115 = tpu.vector_load %arg8[%swap3A_114] {strides = array<i32>} : memref<1024xi32, #tpu.memory_space<vmem>>, vector<16xi32>,
    tpu.vector_store %arg8[%swap3A_114], %broadcast_in_dim3A_34 {strides = array<i32>} : memref<1024xi32, #tpu.memory_space<vmem>>, vector<16xi32>,
    %swap3A_116 = arith.constant 656 : index
    %swap3A_117 = tpu.vector_load %arg8[%swap3A_116] {strides = array<i32>} : memref<1024xi32, #tpu.memory_space<vmem>>, vector<16xi32>,
    tpu.vector_store %arg8[%swap3A_116], %broadcast_in_dim3A_34 {strides = array<i32>} : memref<1024xi32, #tpu.memory_space<vmem>>, vector<16xi32>,
    %swap3A_118 = arith.constant 672 : index
    %swap3A_119 = tpu.vector_load %arg8[%swap3A_118] {strides = array<i32>} : memref<1024xi32, #tpu.memory_space<vmem>>, vector<16xi32>,
    tpu.vector_store %arg8[%swap3A_118], %broadcast_in_dim3A_34 {strides = array<i32>} : memref<1024xi32, #tpu.memory_space<vmem>>, vector<16xi32>,
    %swap3A_120 = arith.constant 688 : index
    %swap3A_121 = tpu.vector_load %arg8[%swap3A_120] {strides = array<i32>} : memref<1024xi32, #tpu.memory_space<vmem>>, vector<16xi32>,
    tpu.vector_store %arg8[%swap3A_120], %broadcast_in_dim3A_34 {strides = array<i32>} : memref<1024xi32, #tpu.memory_space<vmem>>, vector<16xi32>,
    %swap3A_122 = arith.constant 704 : index
    %swap3A_123 = tpu.vector_load %arg8[%swap3A_122] {strides = array<i32>} : memref<1024xi32, #tpu.memory_space<vmem>>, vector<16xi32>,
    tpu.vector_store %arg8[%swap3A_122], %broadcast_in_dim3A_34 {strides = array<i32>} : memref<1024xi32, #tpu.memory_space<vmem>>, vector<16xi32>,
    %swap3A_124 = arith.constant 720 : index
    %swap3A_125 = tpu.vector_load %arg8[%swap3A_124] {strides = array<i32>} : memref<1024xi32, #tpu.memory_space<vmem>>, vector<16xi32>,
    tpu.vector_store %arg8[%swap3A_124], %broadcast_in_dim3A_34 {strides = array<i32>} : memref<1024xi32, #tpu.memory_space<vmem>>, vector<16xi32>,
    %swap3A_126 = arith.constant 736 : index
    %swap3A_127 = tpu.vector_load %arg8[%swap3A_126] {strides = array<i32>} : memref<1024xi32, #tpu.memory_space<vmem>>, vector<16xi32>,
    tpu.vector_store %arg8[%swap3A_126], %broadcast_in_dim3A_34 {strides = array<i32>} : memref<1024xi32, #tpu.memory_space<vmem>>, vector<16xi32>,
    %swap3A_128 = arith.constant 752 : index
    %swap3A_129 = tpu.vector_load %arg8[%swap3A_128] {strides = array<i32>} : memref<1024xi32, #tpu.memory_space<vmem>>, vector<16xi32>,
    tpu.vector_store %arg8[%swap3A_128], %broadcast_in_dim3A_34 {strides = array<i32>} : memref<1024xi32, #tpu.memory_space<vmem>>, vector<16xi32>,
    %swap3A_130 = arith.constant 768 : index
    %swap3A_131 = tpu.vector_load %arg8[%swap3A_130] {strides = array<i32>} : memref<1024xi32, #tpu.memory_space<vmem>>, vector<16xi32>,
    tpu.vector_store %arg8[%swap3A_130], %broadcast_in_dim3A_34 {strides = array<i32>} : memref<1024xi32, #tpu.memory_space<vmem>>, vector<16xi32>,
    %swap3A_132 = arith.constant 784 : index
    %swap3A_133 = tpu.vector_load %arg8[%swap3A_132] {strides = array<i32>} : memref<1024xi32, #tpu.memory_space<vmem>>, vector<16xi32>,
    tpu.vector_store %arg8[%swap3A_132], %broadcast_in_dim3A_34 {strides = array<i32>} : memref<1024xi32, #tpu.memory_space<vmem>>, vector<16xi32>,
    %swap3A_134 = arith.constant 800 : index
    %swap3A_135 = tpu.vector_load %arg8[%swap3A_134] {strides = array<i32>} : memref<1024xi32, #tpu.memory_space<vmem>>, vector<16xi32>,
    tpu.vector_store %arg8[%swap3A_134], %broadcast_in_dim3A_34 {strides = array<i32>} : memref<1024xi32, #tpu.memory_space<vmem>>, vector<16xi32>,
    %swap3A_136 = arith.constant 816 : index
    %swap3A_137 = tpu.vector_load %arg8[%swap3A_136] {strides = array<i32>} : memref<1024xi32, #tpu.memory_space<vmem>>, vector<16xi32>,
    tpu.vector_store %arg8[%swap3A_136], %broadcast_in_dim3A_34 {strides = array<i32>} : memref<1024xi32, #tpu.memory_space<vmem>>, vector<16xi32>,
    %swap3A_138 = arith.constant 832 : index
    %swap3A_139 = tpu.vector_load %arg8[%swap3A_138] {strides = array<i32>} : memref<1024xi32, #tpu.memory_space<vmem>>, vector<16xi32>,
    tpu.vector_store %arg8[%swap3A_138], %broadcast_in_dim3A_34 {strides = array<i32>} : memref<1024xi32, #tpu.memory_space<vmem>>, vector<16xi32>,
    %swap3A_140 = arith.constant 848 : index
    %swap3A_141 = tpu.vector_load %arg8[%swap3A_140] {strides = array<i32>} : memref<1024xi32, #tpu.memory_space<vmem>>, vector<16xi32>,
    tpu.vector_store %arg8[%swap3A_140], %broadcast_in_dim3A_34 {strides = array<i32>} : memref<1024xi32, #tpu.memory_space<vmem>>, vector<16xi32>,
    %swap3A_142 = arith.constant 864 : index
    %swap3A_143 = tpu.vector_load %arg8[%swap3A_142] {strides = array<i32>} : memref<1024xi32, #tpu.memory_space<vmem>>, vector<16xi32>,
    tpu.vector_store %arg8[%swap3A_142], %broadcast_in_dim3A_34 {strides = array<i32>} : memref<1024xi32, #tpu.memory_space<vmem>>, vector<16xi32>,
    %swap3A_144 = arith.constant 880 : index
    %swap3A_145 = tpu.vector_load %arg8[%swap3A_144] {strides = array<i32>} : memref<1024xi32, #tpu.memory_space<vmem>>, vector<16xi32>,
    tpu.vector_store %arg8[%swap3A_144], %broadcast_in_dim3A_34 {strides = array<i32>} : memref<1024xi32, #tpu.memory_space<vmem>>, vector<16xi32>,
    %swap3A_146 = arith.constant 896 : index
    %swap3A_147 = tpu.vector_load %arg8[%swap3A_146] {strides = array<i32>} : memref<1024xi32, #tpu.memory_space<vmem>>, vector<16xi32>,
    tpu.vector_store %arg8[%swap3A_146], %broadcast_in_dim3A_34 {strides = array<i32>} : memref<1024xi32, #tpu.memory_space<vmem>>, vector<16xi32>,
    %swap3A_148 = arith.constant 912 : index
    %swap3A_149 = tpu.vector_load %arg8[%swap3A_148] {strides = array<i32>} : memref<1024xi32, #tpu.memory_space<vmem>>, vector<16xi32>,
    tpu.vector_store %arg8[%swap3A_148], %broadcast_in_dim3A_34 {strides = array<i32>} : memref<1024xi32, #tpu.memory_space<vmem>>, vector<16xi32>,
    %swap3A_150 = arith.constant 928 : index
    %swap3A_151 = tpu.vector_load %arg8[%swap3A_150] {strides = array<i32>} : memref<1024xi32, #tpu.memory_space<vmem>>, vector<16xi32>,
    tpu.vector_store %arg8[%swap3A_150], %broadcast_in_dim3A_34 {strides = array<i32>} : memref<1024xi32, #tpu.memory_space<vmem>>, vector<16xi32>,
    %swap3A_152 = arith.constant 944 : index
    %swap3A_153 = tpu.vector_load %arg8[%swap3A_152] {strides = array<i32>} : memref<1024xi32, #tpu.memory_space<vmem>>, vector<16xi32>,
    tpu.vector_store %arg8[%swap3A_152], %broadcast_in_dim3A_34 {strides = array<i32>} : memref<1024xi32, #tpu.memory_space<vmem>>, vector<16xi32>,
    %swap3A_154 = arith.constant 960 : index
    %swap3A_155 = tpu.vector_load %arg8[%swap3A_154] {strides = array<i32>} : memref<1024xi32, #tpu.memory_space<vmem>>, vector<16xi32>,
    tpu.vector_store %arg8[%swap3A_154], %broadcast_in_dim3A_34 {strides = array<i32>} : memref<1024xi32, #tpu.memory_space<vmem>>, vector<16xi32>,
    %swap3A_156 = arith.constant 976 : index
    %swap3A_157 = tpu.vector_load %arg8[%swap3A_156] {strides = array<i32>} : memref<1024xi32, #tpu.memory_space<vmem>>, vector<16xi32>,
    tpu.vector_store %arg8[%swap3A_156], %broadcast_in_dim3A_34 {strides = array<i32>} : memref<1024xi32, #tpu.memory_space<vmem>>, vector<16xi32>,
    %swap3A_158 = arith.constant 992 : index
    %swap3A_159 = tpu.vector_load %arg8[%swap3A_158] {strides = array<i32>} : memref<1024xi32, #tpu.memory_space<vmem>>, vector<16xi32>,
    tpu.vector_store %arg8[%swap3A_158], %broadcast_in_dim3A_34 {strides = array<i32>} : memref<1024xi32, #tpu.memory_space<vmem>>, vector<16xi32>,
    %swap3A_160 = arith.constant 1008 : index
    %swap3A_161 = tpu.vector_load %arg8[%swap3A_160] {strides = array<i32>} : memref<1024xi32, #tpu.memory_space<vmem>>, vector<16xi32>,
    tpu.vector_store %arg8[%swap3A_160], %broadcast_in_dim3A_34 {strides = array<i32>} : memref<1024xi32, #tpu.memory_space<vmem>>, vector<16xi32>,
    %iota3A = tpu.iota {dimensions = array<i32: 0>} : vector<16xi32>
    %add3A_162 = arith.constant 1 : i32
    %add3A_163 = vector.broadcast %add3A_162 : i32 to vector<16xi32>
    %add3A_164 = arith.addi %iota3A, %add3A_163 : vector<16xi32>
    %min3A = arith.constant 15 : i32
    %min3A_165 = vector.broadcast %min3A : i32 to vector<16xi32>
    %min3A_166 = arith.minsi %add3A_164, %min3A_165 : vector<16xi32>
    %add3A_167 = arith.constant 2 : i32
    %add3A_168 = vector.broadcast %add3A_167 : i32 to vector<16xi32>
    %add3A_169 = arith.addi %iota3A, %add3A_168 : vector<16xi32>
    %min3A_170 = arith.constant 15 : i32
    %min3A_171 = vector.broadcast %min3A_170 : i32 to vector<16xi32>
    %min3A_172 = arith.minsi %add3A_169, %min3A_171 : vector<16xi32>
    %add3A_173 = arith.constant 3 : i32
    %add3A_174 = vector.broadcast %add3A_173 : i32 to vector<16xi32>
    %add3A_175 = arith.addi %iota3A, %add3A_174 : vector<16xi32>
    %min3A_176 = arith.constant 15 : i32
    %min3A_177 = vector.broadcast %min3A_176 : i32 to vector<16xi32>
    %min3A_178 = arith.minsi %add3A_175, %min3A_177 : vector<16xi32>
    %add3A_179 = arith.constant 4 : i32
    %add3A_180 = vector.broadcast %add3A_179 : i32 to vector<16xi32>
    %add3A_181 = arith.addi %iota3A, %add3A_180 : vector<16xi32>
    %min3A_182 = arith.constant 15 : i32
    %min3A_183 = vector.broadcast %min3A_182 : i32 to vector<16xi32>
    %min3A_184 = arith.minsi %add3A_181, %min3A_183 : vector<16xi32>
    %add3A_185 = arith.constant 5 : i32
    %add3A_186 = vector.broadcast %add3A_185 : i32 to vector<16xi32>
    %add3A_187 = arith.addi %iota3A, %add3A_186 : vector<16xi32>
    %min3A_188 = arith.constant 15 : i32
    %min3A_189 = vector.broadcast %min3A_188 : i32 to vector<16xi32>
    %min3A_190 = arith.minsi %add3A_187, %min3A_189 : vector<16xi32>
    %add3A_191 = arith.constant 6 : i32
    %add3A_192 = vector.broadcast %add3A_191 : i32 to vector<16xi32>
    %add3A_193 = arith.addi %iota3A, %add3A_192 : vector<16xi32>
    %min3A_194 = arith.constant 15 : i32
    %min3A_195 = vector.broadcast %min3A_194 : i32 to vector<16xi32>
    %min3A_196 = arith.minsi %add3A_193, %min3A_195 : vector<16xi32>
    %add3A_197 = arith.constant 7 : i32
    %add3A_198 = vector.broadcast %add3A_197 : i32 to vector<16xi32>
    %add3A_199 = arith.addi %iota3A, %add3A_198 : vector<16xi32>
    %min3A_200 = arith.constant 15 : i32
    %min3A_201 = vector.broadcast %min3A_200 : i32 to vector<16xi32>
    %min3A_202 = arith.minsi %add3A_199, %min3A_201 : vector<16xi32>
    %add3A_203 = arith.constant 8 : i32
    %add3A_204 = vector.broadcast %add3A_203 : i32 to vector<16xi32>
    %add3A_205 = arith.addi %iota3A, %add3A_204 : vector<16xi32>
    %min3A_206 = arith.constant 15 : i32
    %min3A_207 = vector.broadcast %min3A_206 : i32 to vector<16xi32>
    %min3A_208 = arith.minsi %add3A_205, %min3A_207 : vector<16xi32>
    %add3A_209 = arith.constant 9 : i32
    %add3A_210 = vector.broadcast %add3A_209 : i32 to vector<16xi32>
    %add3A_211 = arith.addi %iota3A, %add3A_210 : vector<16xi32>
    %min3A_212 = arith.constant 15 : i32
    %min3A_213 = vector.broadcast %min3A_212 : i32 to vector<16xi32>
    %min3A_214 = arith.minsi %add3A_211, %min3A_213 : vector<16xi32>
    %add3A_215 = arith.constant 10 : i32
    %add3A_216 = vector.broadcast %add3A_215 : i32 to vector<16xi32>
    %add3A_217 = arith.addi %iota3A, %add3A_216 : vector<16xi32>
    %min3A_218 = arith.constant 15 : i32
    %min3A_219 = vector.broadcast %min3A_218 : i32 to vector<16xi32>
    %min3A_220 = arith.minsi %add3A_217, %min3A_219 : vector<16xi32>
    %add3A_221 = arith.constant 11 : i32
    %add3A_222 = vector.broadcast %add3A_221 : i32 to vector<16xi32>
    %add3A_223 = arith.addi %iota3A, %add3A_222 : vector<16xi32>
    %min3A_224 = arith.constant 15 : i32
    %min3A_225 = vector.broadcast %min3A_224 : i32 to vector<16xi32>
    %min3A_226 = arith.minsi %add3A_223, %min3A_225 : vector<16xi32>
    %add3A_227 = arith.constant 12 : i32
    %add3A_228 = vector.broadcast %add3A_227 : i32 to vector<16xi32>
    %add3A_229 = arith.addi %iota3A, %add3A_228 : vector<16xi32>
    %min3A_230 = arith.constant 15 : i32
    %min3A_231 = vector.broadcast %min3A_230 : i32 to vector<16xi32>
    %min3A_232 = arith.minsi %add3A_229, %min3A_231 : vector<16xi32>
    %add3A_233 = arith.constant 13 : i32
    %add3A_234 = vector.broadcast %add3A_233 : i32 to vector<16xi32>
    %add3A_235 = arith.addi %iota3A, %add3A_234 : vector<16xi32>
    %min3A_236 = arith.constant 15 : i32
    %min3A_237 = vector.broadcast %min3A_236 : i32 to vector<16xi32>
    %min3A_238 = arith.minsi %add3A_235, %min3A_237 : vector<16xi32>
    %add3A_239 = arith.constant 14 : i32
    %add3A_240 = vector.broadcast %add3A_239 : i32 to vector<16xi32>
    %add3A_241 = arith.addi %iota3A, %add3A_240 : vector<16xi32>
    %min3A_242 = arith.constant 15 : i32
    %min3A_243 = vector.broadcast %min3A_242 : i32 to vector<16xi32>
    %min3A_244 = arith.minsi %add3A_241, %min3A_243 : vector<16xi32>
    %add3A_245 = arith.constant 15 : i32
    %add3A_246 = vector.broadcast %add3A_245 : i32 to vector<16xi32>
    %add3A_247 = arith.addi %iota3A, %add3A_246 : vector<16xi32>
    %min3A_248 = arith.constant 15 : i32
    %min3A_249 = vector.broadcast %min3A_248 : i32 to vector<16xi32>
    %min3A_250 = arith.minsi %add3A_247, %min3A_249 : vector<16xi32>
    %le3A = arith.constant 14 : i32
    %le3A_251 = vector.broadcast %le3A : i32 to vector<16xi32>
    %le3A_252 = arith.cmpi sle, %iota3A, %le3A_251 : vector<16xi32>
    %le3A_253 = arith.constant 13 : i32
    %le3A_254 = vector.broadcast %le3A_253 : i32 to vector<16xi32>
    %le3A_255 = arith.cmpi sle, %iota3A, %le3A_254 : vector<16xi32>
    %le3A_256 = arith.constant 12 : i32
    %le3A_257 = vector.broadcast %le3A_256 : i32 to vector<16xi32>
    %le3A_258 = arith.cmpi sle, %iota3A, %le3A_257 : vector<16xi32>
    %le3A_259 = arith.constant 11 : i32
    %le3A_260 = vector.broadcast %le3A_259 : i32 to vector<16xi32>
    %le3A_261 = arith.cmpi sle, %iota3A, %le3A_260 : vector<16xi32>
    %le3A_262 = arith.constant 10 : i32
    %le3A_263 = vector.broadcast %le3A_262 : i32 to vector<16xi32>
    %le3A_264 = arith.cmpi sle, %iota3A, %le3A_263 : vector<16xi32>
    %le3A_265 = arith.constant 9 : i32
    %le3A_266 = vector.broadcast %le3A_265 : i32 to vector<16xi32>
    %le3A_267 = arith.cmpi sle, %iota3A, %le3A_266 : vector<16xi32>
    %le3A_268 = arith.constant 8 : i32
    %le3A_269 = vector.broadcast %le3A_268 : i32 to vector<16xi32>
    %le3A_270 = arith.cmpi sle, %iota3A, %le3A_269 : vector<16xi32>
    %le3A_271 = arith.constant 7 : i32
    %le3A_272 = vector.broadcast %le3A_271 : i32 to vector<16xi32>
    %le3A_273 = arith.cmpi sle, %iota3A, %le3A_272 : vector<16xi32>
    %le3A_274 = arith.constant 6 : i32
    %le3A_275 = vector.broadcast %le3A_274 : i32 to vector<16xi32>
    %le3A_276 = arith.cmpi sle, %iota3A, %le3A_275 : vector<16xi32>
    %le3A_277 = arith.constant 5 : i32
    %le3A_278 = vector.broadcast %le3A_277 : i32 to vector<16xi32>
    %le3A_279 = arith.cmpi sle, %iota3A, %le3A_278 : vector<16xi32>
    %le3A_280 = arith.constant 4 : i32
    %le3A_281 = vector.broadcast %le3A_280 : i32 to vector<16xi32>
    %le3A_282 = arith.cmpi sle, %iota3A, %le3A_281 : vector<16xi32>
    %le3A_283 = arith.constant 3 : i32
    %le3A_284 = vector.broadcast %le3A_283 : i32 to vector<16xi32>
    %le3A_285 = arith.cmpi sle, %iota3A, %le3A_284 : vector<16xi32>
    %le3A_286 = arith.constant 2 : i32
    %le3A_287 = vector.broadcast %le3A_286 : i32 to vector<16xi32>
    %le3A_288 = arith.cmpi sle, %iota3A, %le3A_287 : vector<16xi32>
    %le3A_289 = arith.constant 1 : i32
    %le3A_290 = vector.broadcast %le3A_289 : i32 to vector<16xi32>
    %le3A_291 = arith.cmpi sle, %iota3A, %le3A_290 : vector<16xi32>
    %le3A_292 = arith.constant 0 : i32
    %le3A_293 = vector.broadcast %le3A_292 : i32 to vector<16xi32>
    %le3A_294 = arith.cmpi sle, %iota3A, %le3A_293 : vector<16xi32>
    %get3A = arith.constant 0 : index
    %get3A_295 = tpu.vector_load %arg6[%get3A] {strides = array<i32>} : memref<512xi32, #tpu.memory_space<vmem>>, vector<16xi32>,
    %add3A_296 = arith.constant 0 : i32
    %add3A_297 = arith.addi %mul3A_2, %add3A_296 : i32
    %add3A_298 = arith.constant 0 : i32
    %add3A_299 = arith.addi %add3A_297, %add3A_298 : i32
    %add3A_300 = vector.broadcast %add3A_299 : i32 to vector<16xi32>
    %add3A_301 = arith.addi %iota3A, %add3A_300 : vector<16xi32>
    %swap3A_302 = arith.constant 0 : index
    %swap3A_303 = tpu.vector_load %arg9[%swap3A_302] {strides = array<i32>} : memref<16xi32, #tpu.memory_space<vmem>>, vector<16xi32>,
    tpu.vector_store %arg9[%swap3A_302], %get3A_295 {strides = array<i32>} : memref<16xi32, #tpu.memory_space<vmem>>, vector<16xi32>,
    %lt3A = arith.constant 0 : i32
    %lt3A_304 = vector.broadcast %lt3A : i32 to vector<16xi32>
    %lt3A_305 = arith.cmpi slt, %iota3A, %lt3A_304 : vector<16xi32>
    %gather3A = tpu.vector_load_idx %arg9[%min3A_166] : memref<16xi32, #tpu.memory_space<vmem>>[vector<16xi32>], vector<16xi32>,
    %eq3A = arith.cmpi eq, %get3A_295, %gather3A : vector<16xi32>
    %and3A = arith.andi %eq3A, %le3A_252 : vector<16xi1>
    %or3A = arith.ori %lt3A_305, %and3A : vector<16xi1>
    %gather3A_306 = tpu.vector_load_idx %arg9[%min3A_172] : memref<16xi32, #tpu.memory_space<vmem>>[vector<16xi32>], vector<16xi32>,
    %eq3A_307 = arith.cmpi eq, %get3A_295, %gather3A_306 : vector<16xi32>
    %and3A_308 = arith.andi %eq3A_307, %le3A_255 : vector<16xi1>
    %or3A_309 = arith.ori %or3A, %and3A_308 : vector<16xi1>
    %gather3A_310 = tpu.vector_load_idx %arg9[%min3A_178] : memref<16xi32, #tpu.memory_space<vmem>>[vector<16xi32>], vector<16xi32>,
    %eq3A_311 = arith.cmpi eq, %get3A_295, %gather3A_310 : vector<16xi32>
    %and3A_312 = arith.andi %eq3A_311, %le3A_258 : vector<16xi1>
    %or3A_313 = arith.ori %or3A_309, %and3A_312 : vector<16xi1>
    %gather3A_314 = tpu.vector_load_idx %arg9[%min3A_184] : memref<16xi32, #tpu.memory_space<vmem>>[vector<16xi32>], vector<16xi32>,
    %eq3A_315 = arith.cmpi eq, %get3A_295, %gather3A_314 : vector<16xi32>
    %and3A_316 = arith.andi %eq3A_315, %le3A_261 : vector<16xi1>
    %or3A_317 = arith.ori %or3A_313, %and3A_316 : vector<16xi1>
    %gather3A_318 = tpu.vector_load_idx %arg9[%min3A_190] : memref<16xi32, #tpu.memory_space<vmem>>[vector<16xi32>], vector<16xi32>,
    %eq3A_319 = arith.cmpi eq, %get3A_295, %gather3A_318 : vector<16xi32>
    %and3A_320 = arith.andi %eq3A_319, %le3A_264 : vector<16xi1>
    %or3A_321 = arith.ori %or3A_317, %and3A_320 : vector<16xi1>
    %gather3A_322 = tpu.vector_load_idx %arg9[%min3A_196] : memref<16xi32, #tpu.memory_space<vmem>>[vector<16xi32>], vector<16xi32>,
    %eq3A_323 = arith.cmpi eq, %get3A_295, %gather3A_322 : vector<16xi32>
    %and3A_324 = arith.andi %eq3A_323, %le3A_267 : vector<16xi1>
    %or3A_325 = arith.ori %or3A_321, %and3A_324 : vector<16xi1>
    %gather3A_326 = tpu.vector_load_idx %arg9[%min3A_202] : memref<16xi32, #tpu.memory_space<vmem>>[vector<16xi32>], vector<16xi32>,
    %eq3A_327 = arith.cmpi eq, %get3A_295, %gather3A_326 : vector<16xi32>
    %and3A_328 = arith.andi %eq3A_327, %le3A_270 : vector<16xi1>
    %or3A_329 = arith.ori %or3A_325, %and3A_328 : vector<16xi1>
    %gather3A_330 = tpu.vector_load_idx %arg9[%min3A_208] : memref<16xi32, #tpu.memory_space<vmem>>[vector<16xi32>], vector<16xi32>,
    %eq3A_331 = arith.cmpi eq, %get3A_295, %gather3A_330 : vector<16xi32>
    %and3A_332 = arith.andi %eq3A_331, %le3A_273 : vector<16xi1>
    %or3A_333 = arith.ori %or3A_329, %and3A_332 : vector<16xi1>
    %gather3A_334 = tpu.vector_load_idx %arg9[%min3A_214] : memref<16xi32, #tpu.memory_space<vmem>>[vector<16xi32>], vector<16xi32>,
    %eq3A_335 = arith.cmpi eq, %get3A_295, %gather3A_334 : vector<16xi32>
    %and3A_336 = arith.andi %eq3A_335, %le3A_276 : vector<16xi1>
    %or3A_337 = arith.ori %or3A_333, %and3A_336 : vector<16xi1>
    %gather3A_338 = tpu.vector_load_idx %arg9[%min3A_220] : memref<16xi32, #tpu.memory_space<vmem>>[vector<16xi32>], vector<16xi32>,
    %eq3A_339 = arith.cmpi eq, %get3A_295, %gather3A_338 : vector<16xi32>
    %and3A_340 = arith.andi %eq3A_339, %le3A_279 : vector<16xi1>
    %or3A_341 = arith.ori %or3A_337, %and3A_340 : vector<16xi1>
    %gather3A_342 = tpu.vector_load_idx %arg9[%min3A_226] : memref<16xi32, #tpu.memory_space<vmem>>[vector<16xi32>], vector<16xi32>,
    %eq3A_343 = arith.cmpi eq, %get3A_295, %gather3A_342 : vector<16xi32>
    %and3A_344 = arith.andi %eq3A_343, %le3A_282 : vector<16xi1>
    %or3A_345 = arith.ori %or3A_341, %and3A_344 : vector<16xi1>
    %gather3A_346 = tpu.vector_load_idx %arg9[%min3A_232] : memref<16xi32, #tpu.memory_space<vmem>>[vector<16xi32>], vector<16xi32>,
    %eq3A_347 = arith.cmpi eq, %get3A_295, %gather3A_346 : vector<16xi32>
    %and3A_348 = arith.andi %eq3A_347, %le3A_285 : vector<16xi1>
    %or3A_349 = arith.ori %or3A_345, %and3A_348 : vector<16xi1>
    %gather3A_350 = tpu.vector_load_idx %arg9[%min3A_238] : memref<16xi32, #tpu.memory_space<vmem>>[vector<16xi32>], vector<16xi32>,
    %eq3A_351 = arith.cmpi eq, %get3A_295, %gather3A_350 : vector<16xi32>
    %and3A_352 = arith.andi %eq3A_351, %le3A_288 : vector<16xi1>
    %or3A_353 = arith.ori %or3A_349, %and3A_352 : vector<16xi1>
    %gather3A_354 = tpu.vector_load_idx %arg9[%min3A_244] : memref<16xi32, #tpu.memory_space<vmem>>[vector<16xi32>], vector<16xi32>,
    %eq3A_355 = arith.cmpi eq, %get3A_295, %gather3A_354 : vector<16xi32>
    %and3A_356 = arith.andi %eq3A_355, %le3A_291 : vector<16xi1>
    %or3A_357 = arith.ori %or3A_353, %and3A_356 : vector<16xi1>
    %gather3A_358 = tpu.vector_load_idx %arg9[%min3A_250] : memref<16xi32, #tpu.memory_space<vmem>>[vector<16xi32>], vector<16xi32>,
    %eq3A_359 = arith.cmpi eq, %get3A_295, %gather3A_358 : vector<16xi32>
    %and3A_360 = arith.andi %eq3A_359, %le3A_294 : vector<16xi1>
    %or3A_361 = arith.ori %or3A_357, %and3A_360 : vector<16xi1>
    %not3A = arith.constant dense<true> : vector<16xi1>
    %not3A_362 = arith.xori %or3A_361, %not3A : vector<16xi1>
    tpu.vector_store_idx %arg8[%get3A_295], %add3A_301 masked %not3A_362 : memref<1024xi32, #tpu.memory_space<vmem>>[vector<16xi32>], vector<16xi32>, vector<16xi1>
    %get3A_363 = arith.constant 16 : index
    %get3A_364 = tpu.vector_load %arg6[%get3A_363] {strides = array<i32>} : memref<512xi32, #tpu.memory_space<vmem>>, vector<16xi32>,
    %add3A_365 = arith.constant 0 : i32
    %add3A_366 = arith.addi %mul3A_2, %add3A_365 : i32
    %add3A_367 = arith.constant 16 : i32
    %add3A_368 = arith.addi %add3A_366, %add3A_367 : i32
    %add3A_369 = vector.broadcast %add3A_368 : i32 to vector<16xi32>
    %add3A_370 = arith.addi %iota3A, %add3A_369 : vector<16xi32>
    %swap3A_371 = arith.constant 0 : index
    %swap3A_372 = tpu.vector_load %arg9[%swap3A_371] {strides = array<i32>} : memref<16xi32, #tpu.memory_space<vmem>>, vector<16xi32>,
    tpu.vector_store %arg9[%swap3A_371], %get3A_364 {strides = array<i32>} : memref<16xi32, #tpu.memory_space<vmem>>, vector<16xi32>,
    %lt3A_373 = arith.constant 0 : i32
    %lt3A_374 = vector.broadcast %lt3A_373 : i32 to vector<16xi32>
    %lt3A_375 = arith.cmpi slt, %iota3A, %lt3A_374 : vector<16xi32>
    %gather3A_376 = tpu.vector_load_idx %arg9[%min3A_166] : memref<16xi32, #tpu.memory_space<vmem>>[vector<16xi32>], vector<16xi32>,
    %eq3A_377 = arith.cmpi eq, %get3A_364, %gather3A_376 : vector<16xi32>
    %and3A_378 = arith.andi %eq3A_377, %le3A_252 : vector<16xi1>
    %or3A_379 = arith.ori %lt3A_375, %and3A_378 : vector<16xi1>
    %gather3A_380 = tpu.vector_load_idx %arg9[%min3A_172] : memref<16xi32, #tpu.memory_space<vmem>>[vector<16xi32>], vector<16xi32>,
    %eq3A_381 = arith.cmpi eq, %get3A_364, %gather3A_380 : vector<16xi32>
    %and3A_382 = arith.andi %eq3A_381, %le3A_255 : vector<16xi1>
    %or3A_383 = arith.ori %or3A_379, %and3A_382 : vector<16xi1>
    %gather3A_384 = tpu.vector_load_idx %arg9[%min3A_178] : memref<16xi32, #tpu.memory_space<vmem>>[vector<16xi32>], vector<16xi32>,
    %eq3A_385 = arith.cmpi eq, %get3A_364, %gather3A_384 : vector<16xi32>
    %and3A_386 = arith.andi %eq3A_385, %le3A_258 : vector<16xi1>
    %or3A_387 = arith.ori %or3A_383, %and3A_386 : vector<16xi1>
    %gather3A_388 = tpu.vector_load_idx %arg9[%min3A_184] : memref<16xi32, #tpu.memory_space<vmem>>[vector<16xi32>], vector<16xi32>,
    %eq3A_389 = arith.cmpi eq, %get3A_364, %gather3A_388 : vector<16xi32>
    %and3A_390 = arith.andi %eq3A_389, %le3A_261 : vector<16xi1>
    %or3A_391 = arith.ori %or3A_387, %and3A_390 : vector<16xi1>
    %gather3A_392 = tpu.vector_load_idx %arg9[%min3A_190] : memref<16xi32, #tpu.memory_space<vmem>>[vector<16xi32>], vector<16xi32>,
    %eq3A_393 = arith.cmpi eq, %get3A_364, %gather3A_392 : vector<16xi32>
    %and3A_394 = arith.andi %eq3A_393, %le3A_264 : vector<16xi1>
    %or3A_395 = arith.ori %or3A_391, %and3A_394 : vector<16xi1>
    %gather3A_396 = tpu.vector_load_idx %arg9[%min3A_196] : memref<16xi32, #tpu.memory_space<vmem>>[vector<16xi32>], vector<16xi32>,
    %eq3A_397 = arith.cmpi eq, %get3A_364, %gather3A_396 : vector<16xi32>
    %and3A_398 = arith.andi %eq3A_397, %le3A_267 : vector<16xi1>
    %or3A_399 = arith.ori %or3A_395, %and3A_398 : vector<16xi1>
    %gather3A_400 = tpu.vector_load_idx %arg9[%min3A_202] : memref<16xi32, #tpu.memory_space<vmem>>[vector<16xi32>], vector<16xi32>,
    %eq3A_401 = arith.cmpi eq, %get3A_364, %gather3A_400 : vector<16xi32>
    %and3A_402 = arith.andi %eq3A_401, %le3A_270 : vector<16xi1>
    %or3A_403 = arith.ori %or3A_399, %and3A_402 : vector<16xi1>
    %gather3A_404 = tpu.vector_load_idx %arg9[%min3A_208] : memref<16xi32, #tpu.memory_space<vmem>>[vector<16xi32>], vector<16xi32>,
    %eq3A_405 = arith.cmpi eq, %get3A_364, %gather3A_404 : vector<16xi32>
    %and3A_406 = arith.andi %eq3A_405, %le3A_273 : vector<16xi1>
    %or3A_407 = arith.ori %or3A_403, %and3A_406 : vector<16xi1>
    %gather3A_408 = tpu.vector_load_idx %arg9[%min3A_214] : memref<16xi32, #tpu.memory_space<vmem>>[vector<16xi32>], vector<16xi32>,
    %eq3A_409 = arith.cmpi eq, %get3A_364, %gather3A_408 : vector<16xi32>
    %and3A_410 = arith.andi %eq3A_409, %le3A_276 : vector<16xi1>
    %or3A_411 = arith.ori %or3A_407, %and3A_410 : vector<16xi1>
    %gather3A_412 = tpu.vector_load_idx %arg9[%min3A_220] : memref<16xi32, #tpu.memory_space<vmem>>[vector<16xi32>], vector<16xi32>,
    %eq3A_413 = arith.cmpi eq, %get3A_364, %gather3A_412 : vector<16xi32>
    %and3A_414 = arith.andi %eq3A_413, %le3A_279 : vector<16xi1>
    %or3A_415 = arith.ori %or3A_411, %and3A_414 : vector<16xi1>
    %gather3A_416 = tpu.vector_load_idx %arg9[%min3A_226] : memref<16xi32, #tpu.memory_space<vmem>>[vector<16xi32>], vector<16xi32>,
    %eq3A_417 = arith.cmpi eq, %get3A_364, %gather3A_416 : vector<16xi32>
    %and3A_418 = arith.andi %eq3A_417, %le3A_282 : vector<16xi1>
    %or3A_419 = arith.ori %or3A_415, %and3A_418 : vector<16xi1>
    %gather3A_420 = tpu.vector_load_idx %arg9[%min3A_232] : memref<16xi32, #tpu.memory_space<vmem>>[vector<16xi32>], vector<16xi32>,
    %eq3A_421 = arith.cmpi eq, %get3A_364, %gather3A_420 : vector<16xi32>
    %and3A_422 = arith.andi %eq3A_421, %le3A_285 : vector<16xi1>
    %or3A_423 = arith.ori %or3A_419, %and3A_422 : vector<16xi1>
    %gather3A_424 = tpu.vector_load_idx %arg9[%min3A_238] : memref<16xi32, #tpu.memory_space<vmem>>[vector<16xi32>], vector<16xi32>,
    %eq3A_425 = arith.cmpi eq, %get3A_364, %gather3A_424 : vector<16xi32>
    %and3A_426 = arith.andi %eq3A_425, %le3A_288 : vector<16xi1>
    %or3A_427 = arith.ori %or3A_423, %and3A_426 : vector<16xi1>
    %gather3A_428 = tpu.vector_load_idx %arg9[%min3A_244] : memref<16xi32, #tpu.memory_space<vmem>>[vector<16xi32>], vector<16xi32>,
    %eq3A_429 = arith.cmpi eq, %get3A_364, %gather3A_428 : vector<16xi32>
    %and3A_430 = arith.andi %eq3A_429, %le3A_291 : vector<16xi1>
    %or3A_431 = arith.ori %or3A_427, %and3A_430 : vector<16xi1>
    %gather3A_432 = tpu.vector_load_idx %arg9[%min3A_250] : memref<16xi32, #tpu.memory_space<vmem>>[vector<16xi32>], vector<16xi32>,
    %eq3A_433 = arith.cmpi eq, %get3A_364, %gather3A_432 : vector<16xi32>
    %and3A_434 = arith.andi %eq3A_433, %le3A_294 : vector<16xi1>
    %or3A_435 = arith.ori %or3A_431, %and3A_434 : vector<16xi1>
    %not3A_436 = arith.constant dense<true> : vector<16xi1>
    %not3A_437 = arith.xori %or3A_435, %not3A_436 : vector<16xi1>
    tpu.vector_store_idx %arg8[%get3A_364], %add3A_370 masked %not3A_437 : memref<1024xi32, #tpu.memory_space<vmem>>[vector<16xi32>], vector<16xi32>, vector<16xi1>
    %get3A_438 = arith.constant 32 : index
    %get3A_439 = tpu.vector_load %arg6[%get3A_438] {strides = array<i32>} : memref<512xi32, #tpu.memory_space<vmem>>, vector<16xi32>,
    %add3A_440 = arith.constant 0 : i32
    %add3A_441 = arith.addi %mul3A_2, %add3A_440 : i32
    %add3A_442 = arith.constant 32 : i32
    %add3A_443 = arith.addi %add3A_441, %add3A_442 : i32
    %add3A_444 = vector.broadcast %add3A_443 : i32 to vector<16xi32>
    %add3A_445 = arith.addi %iota3A, %add3A_444 : vector<16xi32>
    %swap3A_446 = arith.constant 0 : index
    %swap3A_447 = tpu.vector_load %arg9[%swap3A_446] {strides = array<i32>} : memref<16xi32, #tpu.memory_space<vmem>>, vector<16xi32>,
    tpu.vector_store %arg9[%swap3A_446], %get3A_439 {strides = array<i32>} : memref<16xi32, #tpu.memory_space<vmem>>, vector<16xi32>,
    %lt3A_448 = arith.constant 0 : i32
    %lt3A_449 = vector.broadcast %lt3A_448 : i32 to vector<16xi32>
    %lt3A_450 = arith.cmpi slt, %iota3A, %lt3A_449 : vector<16xi32>
    %gather3A_451 = tpu.vector_load_idx %arg9[%min3A_166] : memref<16xi32, #tpu.memory_space<vmem>>[vector<16xi32>], vector<16xi32>,
    %eq3A_452 = arith.cmpi eq, %get3A_439, %gather3A_451 : vector<16xi32>
    %and3A_453 = arith.andi %eq3A_452, %le3A_252 : vector<16xi1>
    %or3A_454 = arith.ori %lt3A_450, %and3A_453 : vector<16xi1>
    %gather3A_455 = tpu.vector_load_idx %arg9[%min3A_172] : memref<16xi32, #tpu.memory_space<vmem>>[vector<16xi32>], vector<16xi32>,
    %eq3A_456 = arith.cmpi eq, %get3A_439, %gather3A_455 : vector<16xi32>
    %and3A_457 = arith.andi %eq3A_456, %le3A_255 : vector<16xi1>
    %or3A_458 = arith.ori %or3A_454, %and3A_457 : vector<16xi1>
    %gather3A_459 = tpu.vector_load_idx %arg9[%min3A_178] : memref<16xi32, #tpu.memory_space<vmem>>[vector<16xi32>], vector<16xi32>,
    %eq3A_460 = arith.cmpi eq, %get3A_439, %gather3A_459 : vector<16xi32>
    %and3A_461 = arith.andi %eq3A_460, %le3A_258 : vector<16xi1>
    %or3A_462 = arith.ori %or3A_458, %and3A_461 : vector<16xi1>
    %gather3A_463 = tpu.vector_load_idx %arg9[%min3A_184] : memref<16xi32, #tpu.memory_space<vmem>>[vector<16xi32>], vector<16xi32>,
    %eq3A_464 = arith.cmpi eq, %get3A_439, %gather3A_463 : vector<16xi32>
    %and3A_465 = arith.andi %eq3A_464, %le3A_261 : vector<16xi1>
    %or3A_466 = arith.ori %or3A_462, %and3A_465 : vector<16xi1>
    %gather3A_467 = tpu.vector_load_idx %arg9[%min3A_190] : memref<16xi32, #tpu.memory_space<vmem>>[vector<16xi32>], vector<16xi32>,
    %eq3A_468 = arith.cmpi eq, %get3A_439, %gather3A_467 : vector<16xi32>
    %and3A_469 = arith.andi %eq3A_468, %le3A_264 : vector<16xi1>
    %or3A_470 = arith.ori %or3A_466, %and3A_469 : vector<16xi1>
    %gather3A_471 = tpu.vector_load_idx %arg9[%min3A_196] : memref<16xi32, #tpu.memory_space<vmem>>[vector<16xi32>], vector<16xi32>,
    %eq3A_472 = arith.cmpi eq, %get3A_439, %gather3A_471 : vector<16xi32>
    %and3A_473 = arith.andi %eq3A_472, %le3A_267 : vector<16xi1>
    %or3A_474 = arith.ori %or3A_470, %and3A_473 : vector<16xi1>
    %gather3A_475 = tpu.vector_load_idx %arg9[%min3A_202] : memref<16xi32, #tpu.memory_space<vmem>>[vector<16xi32>], vector<16xi32>,
    %eq3A_476 = arith.cmpi eq, %get3A_439, %gather3A_475 : vector<16xi32>
    %and3A_477 = arith.andi %eq3A_476, %le3A_270 : vector<16xi1>
    %or3A_478 = arith.ori %or3A_474, %and3A_477 : vector<16xi1>
    %gather3A_479 = tpu.vector_load_idx %arg9[%min3A_208] : memref<16xi32, #tpu.memory_space<vmem>>[vector<16xi32>], vector<16xi32>,
    %eq3A_480 = arith.cmpi eq, %get3A_439, %gather3A_479 : vector<16xi32>
    %and3A_481 = arith.andi %eq3A_480, %le3A_273 : vector<16xi1>
    %or3A_482 = arith.ori %or3A_478, %and3A_481 : vector<16xi1>
    %gather3A_483 = tpu.vector_load_idx %arg9[%min3A_214] : memref<16xi32, #tpu.memory_space<vmem>>[vector<16xi32>], vector<16xi32>,
    %eq3A_484 = arith.cmpi eq, %get3A_439, %gather3A_483 : vector<16xi32>
    %and3A_485 = arith.andi %eq3A_484, %le3A_276 : vector<16xi1>
    %or3A_486 = arith.ori %or3A_482, %and3A_485 : vector<16xi1>
    %gather3A_487 = tpu.vector_load_idx %arg9[%min3A_220] : memref<16xi32, #tpu.memory_space<vmem>>[vector<16xi32>], vector<16xi32>,
    %eq3A_488 = arith.cmpi eq, %get3A_439, %gather3A_487 : vector<16xi32>
    %and3A_489 = arith.andi %eq3A_488, %le3A_279 : vector<16xi1>
    %or3A_490 = arith.ori %or3A_486, %and3A_489 : vector<16xi1>
    %gather3A_491 = tpu.vector_load_idx %arg9[%min3A_226] : memref<16xi32, #tpu.memory_space<vmem>>[vector<16xi32>], vector<16xi32>,
    %eq3A_492 = arith.cmpi eq, %get3A_439, %gather3A_491 : vector<16xi32>
    %and3A_493 = arith.andi %eq3A_492, %le3A_282 : vector<16xi1>
    %or3A_494 = arith.ori %or3A_490, %and3A_493 : vector<16xi1>
    %gather3A_495 = tpu.vector_load_idx %arg9[%min3A_232] : memref<16xi32, #tpu.memory_space<vmem>>[vector<16xi32>], vector<16xi32>,
    %eq3A_496 = arith.cmpi eq, %get3A_439, %gather3A_495 : vector<16xi32>
    %and3A_497 = arith.andi %eq3A_496, %le3A_285 : vector<16xi1>
    %or3A_498 = arith.ori %or3A_494, %and3A_497 : vector<16xi1>
    %gather3A_499 = tpu.vector_load_idx %arg9[%min3A_238] : memref<16xi32, #tpu.memory_space<vmem>>[vector<16xi32>], vector<16xi32>,
    %eq3A_500 = arith.cmpi eq, %get3A_439, %gather3A_499 : vector<16xi32>
    %and3A_501 = arith.andi %eq3A_500, %le3A_288 : vector<16xi1>
    %or3A_502 = arith.ori %or3A_498, %and3A_501 : vector<16xi1>
    %gather3A_503 = tpu.vector_load_idx %arg9[%min3A_244] : memref<16xi32, #tpu.memory_space<vmem>>[vector<16xi32>], vector<16xi32>,
    %eq3A_504 = arith.cmpi eq, %get3A_439, %gather3A_503 : vector<16xi32>
    %and3A_505 = arith.andi %eq3A_504, %le3A_291 : vector<16xi1>
    %or3A_506 = arith.ori %or3A_502, %and3A_505 : vector<16xi1>
    %gather3A_507 = tpu.vector_load_idx %arg9[%min3A_250] : memref<16xi32, #tpu.memory_space<vmem>>[vector<16xi32>], vector<16xi32>,
    %eq3A_508 = arith.cmpi eq, %get3A_439, %gather3A_507 : vector<16xi32>
    %and3A_509 = arith.andi %eq3A_508, %le3A_294 : vector<16xi1>
    %or3A_510 = arith.ori %or3A_506, %and3A_509 : vector<16xi1>
    %not3A_511 = arith.constant dense<true> : vector<16xi1>
    %not3A_512 = arith.xori %or3A_510, %not3A_511 : vector<16xi1>
    tpu.vector_store_idx %arg8[%get3A_439], %add3A_445 masked %not3A_512 : memref<1024xi32, #tpu.memory_space<vmem>>[vector<16xi32>], vector<16xi32>, vector<16xi1>
    %get3A_513 = arith.constant 48 : index
    %get3A_514 = tpu.vector_load %arg6[%get3A_513] {strides = array<i32>} : memref<512xi32, #tpu.memory_space<vmem>>, vector<16xi32>,
    %add3A_515 = arith.constant 0 : i32
    %add3A_516 = arith.addi %mul3A_2, %add3A_515 : i32
    %add3A_517 = arith.constant 48 : i32
    %add3A_518 = arith.addi %add3A_516, %add3A_517 : i32
    %add3A_519 = vector.broadcast %add3A_518 : i32 to vector<16xi32>
    %add3A_520 = arith.addi %iota3A, %add3A_519 : vector<16xi32>
    %swap3A_521 = arith.constant 0 : index
    %swap3A_522 = tpu.vector_load %arg9[%swap3A_521] {strides = array<i32>} : memref<16xi32, #tpu.memory_space<vmem>>, vector<16xi32>,
    tpu.vector_store %arg9[%swap3A_521], %get3A_514 {strides = array<i32>} : memref<16xi32, #tpu.memory_space<vmem>>, vector<16xi32>,
    %lt3A_523 = arith.constant 0 : i32
    %lt3A_524 = vector.broadcast %lt3A_523 : i32 to vector<16xi32>
    %lt3A_525 = arith.cmpi slt, %iota3A, %lt3A_524 : vector<16xi32>
    %gather3A_526 = tpu.vector_load_idx %arg9[%min3A_166] : memref<16xi32, #tpu.memory_space<vmem>>[vector<16xi32>], vector<16xi32>,
    %eq3A_527 = arith.cmpi eq, %get3A_514, %gather3A_526 : vector<16xi32>
    %and3A_528 = arith.andi %eq3A_527, %le3A_252 : vector<16xi1>
    %or3A_529 = arith.ori %lt3A_525, %and3A_528 : vector<16xi1>
    %gather3A_530 = tpu.vector_load_idx %arg9[%min3A_172] : memref<16xi32, #tpu.memory_space<vmem>>[vector<16xi32>], vector<16xi32>,
    %eq3A_531 = arith.cmpi eq, %get3A_514, %gather3A_530 : vector<16xi32>
    %and3A_532 = arith.andi %eq3A_531, %le3A_255 : vector<16xi1>
    %or3A_533 = arith.ori %or3A_529, %and3A_532 : vector<16xi1>
    %gather3A_534 = tpu.vector_load_idx %arg9[%min3A_178] : memref<16xi32, #tpu.memory_space<vmem>>[vector<16xi32>], vector<16xi32>,
    %eq3A_535 = arith.cmpi eq, %get3A_514, %gather3A_534 : vector<16xi32>
    %and3A_536 = arith.andi %eq3A_535, %le3A_258 : vector<16xi1>
    %or3A_537 = arith.ori %or3A_533, %and3A_536 : vector<16xi1>
    %gather3A_538 = tpu.vector_load_idx %arg9[%min3A_184] : memref<16xi32, #tpu.memory_space<vmem>>[vector<16xi32>], vector<16xi32>,
    %eq3A_539 = arith.cmpi eq, %get3A_514, %gather3A_538 : vector<16xi32>
    %and3A_540 = arith.andi %eq3A_539, %le3A_261 : vector<16xi1>
    %or3A_541 = arith.ori %or3A_537, %and3A_540 : vector<16xi1>
    %gather3A_542 = tpu.vector_load_idx %arg9[%min3A_190] : memref<16xi32, #tpu.memory_space<vmem>>[vector<16xi32>], vector<16xi32>,
    %eq3A_543 = arith.cmpi eq, %get3A_514, %gather3A_542 : vector<16xi32>
    %and3A_544 = arith.andi %eq3A_543, %le3A_264 : vector<16xi1>
    %or3A_545 = arith.ori %or3A_541, %and3A_544 : vector<16xi1>
    %gather3A_546 = tpu.vector_load_idx %arg9[%min3A_196] : memref<16xi32, #tpu.memory_space<vmem>>[vector<16xi32>], vector<16xi32>,
    %eq3A_547 = arith.cmpi eq, %get3A_514, %gather3A_546 : vector<16xi32>
    %and3A_548 = arith.andi %eq3A_547, %le3A_267 : vector<16xi1>
    %or3A_549 = arith.ori %or3A_545, %and3A_548 : vector<16xi1>
    %gather3A_550 = tpu.vector_load_idx %arg9[%min3A_202] : memref<16xi32, #tpu.memory_space<vmem>>[vector<16xi32>], vector<16xi32>,
    %eq3A_551 = arith.cmpi eq, %get3A_514, %gather3A_550 : vector<16xi32>
    %and3A_552 = arith.andi %eq3A_551, %le3A_270 : vector<16xi1>
    %or3A_553 = arith.ori %or3A_549, %and3A_552 : vector<16xi1>
    %gather3A_554 = tpu.vector_load_idx %arg9[%min3A_208] : memref<16xi32, #tpu.memory_space<vmem>>[vector<16xi32>], vector<16xi32>,
    %eq3A_555 = arith.cmpi eq, %get3A_514, %gather3A_554 : vector<16xi32>
    %and3A_556 = arith.andi %eq3A_555, %le3A_273 : vector<16xi1>
    %or3A_557 = arith.ori %or3A_553, %and3A_556 : vector<16xi1>
    %gather3A_558 = tpu.vector_load_idx %arg9[%min3A_214] : memref<16xi32, #tpu.memory_space<vmem>>[vector<16xi32>], vector<16xi32>,
    %eq3A_559 = arith.cmpi eq, %get3A_514, %gather3A_558 : vector<16xi32>
    %and3A_560 = arith.andi %eq3A_559, %le3A_276 : vector<16xi1>
    %or3A_561 = arith.ori %or3A_557, %and3A_560 : vector<16xi1>
    %gather3A_562 = tpu.vector_load_idx %arg9[%min3A_220] : memref<16xi32, #tpu.memory_space<vmem>>[vector<16xi32>], vector<16xi32>,
    %eq3A_563 = arith.cmpi eq, %get3A_514, %gather3A_562 : vector<16xi32>
    %and3A_564 = arith.andi %eq3A_563, %le3A_279 : vector<16xi1>
    %or3A_565 = arith.ori %or3A_561, %and3A_564 : vector<16xi1>
    %gather3A_566 = tpu.vector_load_idx %arg9[%min3A_226] : memref<16xi32, #tpu.memory_space<vmem>>[vector<16xi32>], vector<16xi32>,
    %eq3A_567 = arith.cmpi eq, %get3A_514, %gather3A_566 : vector<16xi32>
    %and3A_568 = arith.andi %eq3A_567, %le3A_282 : vector<16xi1>
    %or3A_569 = arith.ori %or3A_565, %and3A_568 : vector<16xi1>
    %gather3A_570 = tpu.vector_load_idx %arg9[%min3A_232] : memref<16xi32, #tpu.memory_space<vmem>>[vector<16xi32>], vector<16xi32>,
    %eq3A_571 = arith.cmpi eq, %get3A_514, %gather3A_570 : vector<16xi32>
    %and3A_572 = arith.andi %eq3A_571, %le3A_285 : vector<16xi1>
    %or3A_573 = arith.ori %or3A_569, %and3A_572 : vector<16xi1>
    %gather3A_574 = tpu.vector_load_idx %arg9[%min3A_238] : memref<16xi32, #tpu.memory_space<vmem>>[vector<16xi32>], vector<16xi32>,
    %eq3A_575 = arith.cmpi eq, %get3A_514, %gather3A_574 : vector<16xi32>
    %and3A_576 = arith.andi %eq3A_575, %le3A_288 : vector<16xi1>
    %or3A_577 = arith.ori %or3A_573, %and3A_576 : vector<16xi1>
    %gather3A_578 = tpu.vector_load_idx %arg9[%min3A_244] : memref<16xi32, #tpu.memory_space<vmem>>[vector<16xi32>], vector<16xi32>,
    %eq3A_579 = arith.cmpi eq, %get3A_514, %gather3A_578 : vector<16xi32>
    %and3A_580 = arith.andi %eq3A_579, %le3A_291 : vector<16xi1>
    %or3A_581 = arith.ori %or3A_577, %and3A_580 : vector<16xi1>
    %gather3A_582 = tpu.vector_load_idx %arg9[%min3A_250] : memref<16xi32, #tpu.memory_space<vmem>>[vector<16xi32>], vector<16xi32>,
    %eq3A_583 = arith.cmpi eq, %get3A_514, %gather3A_582 : vector<16xi32>
    %and3A_584 = arith.andi %eq3A_583, %le3A_294 : vector<16xi1>
    %or3A_585 = arith.ori %or3A_581, %and3A_584 : vector<16xi1>
    %not3A_586 = arith.constant dense<true> : vector<16xi1>
    %not3A_587 = arith.xori %or3A_585, %not3A_586 : vector<16xi1>
    tpu.vector_store_idx %arg8[%get3A_514], %add3A_520 masked %not3A_587 : memref<1024xi32, #tpu.memory_space<vmem>>[vector<16xi32>], vector<16xi32>, vector<16xi1>
    %get3A_588 = arith.constant 64 : index
    %get3A_589 = tpu.vector_load %arg6[%get3A_588] {strides = array<i32>} : memref<512xi32, #tpu.memory_space<vmem>>, vector<16xi32>,
    %add3A_590 = arith.constant 0 : i32
    %add3A_591 = arith.addi %mul3A_2, %add3A_590 : i32
    %add3A_592 = arith.constant 64 : i32
    %add3A_593 = arith.addi %add3A_591, %add3A_592 : i32
    %add3A_594 = vector.broadcast %add3A_593 : i32 to vector<16xi32>
    %add3A_595 = arith.addi %iota3A, %add3A_594 : vector<16xi32>
    %swap3A_596 = arith.constant 0 : index
    %swap3A_597 = tpu.vector_load %arg9[%swap3A_596] {strides = array<i32>} : memref<16xi32, #tpu.memory_space<vmem>>, vector<16xi32>,
    tpu.vector_store %arg9[%swap3A_596], %get3A_589 {strides = array<i32>} : memref<16xi32, #tpu.memory_space<vmem>>, vector<16xi32>,
    %lt3A_598 = arith.constant 0 : i32
    %lt3A_599 = vector.broadcast %lt3A_598 : i32 to vector<16xi32>
    %lt3A_600 = arith.cmpi slt, %iota3A, %lt3A_599 : vector<16xi32>
    %gather3A_601 = tpu.vector_load_idx %arg9[%min3A_166] : memref<16xi32, #tpu.memory_space<vmem>>[vector<16xi32>], vector<16xi32>,
    %eq3A_602 = arith.cmpi eq, %get3A_589, %gather3A_601 : vector<16xi32>
    %and3A_603 = arith.andi %eq3A_602, %le3A_252 : vector<16xi1>
    %or3A_604 = arith.ori %lt3A_600, %and3A_603 : vector<16xi1>
    %gather3A_605 = tpu.vector_load_idx %arg9[%min3A_172] : memref<16xi32, #tpu.memory_space<vmem>>[vector<16xi32>], vector<16xi32>,
    %eq3A_606 = arith.cmpi eq, %get3A_589, %gather3A_605 : vector<16xi32>
    %and3A_607 = arith.andi %eq3A_606, %le3A_255 : vector<16xi1>
    %or3A_608 = arith.ori %or3A_604, %and3A_607 : vector<16xi1>
    %gather3A_609 = tpu.vector_load_idx %arg9[%min3A_178] : memref<16xi32, #tpu.memory_space<vmem>>[vector<16xi32>], vector<16xi32>,
    %eq3A_610 = arith.cmpi eq, %get3A_589, %gather3A_609 : vector<16xi32>
    %and3A_611 = arith.andi %eq3A_610, %le3A_258 : vector<16xi1>
    %or3A_612 = arith.ori %or3A_608, %and3A_611 : vector<16xi1>
    %gather3A_613 = tpu.vector_load_idx %arg9[%min3A_184] : memref<16xi32, #tpu.memory_space<vmem>>[vector<16xi32>], vector<16xi32>,
    %eq3A_614 = arith.cmpi eq, %get3A_589, %gather3A_613 : vector<16xi32>
    %and3A_615 = arith.andi %eq3A_614, %le3A_261 : vector<16xi1>
    %or3A_616 = arith.ori %or3A_612, %and3A_615 : vector<16xi1>
    %gather3A_617 = tpu.vector_load_idx %arg9[%min3A_190] : memref<16xi32, #tpu.memory_space<vmem>>[vector<16xi32>], vector<16xi32>,
    %eq3A_618 = arith.cmpi eq, %get3A_589, %gather3A_617 : vector<16xi32>
    %and3A_619 = arith.andi %eq3A_618, %le3A_264 : vector<16xi1>
    %or3A_620 = arith.ori %or3A_616, %and3A_619 : vector<16xi1>
    %gather3A_621 = tpu.vector_load_idx %arg9[%min3A_196] : memref<16xi32, #tpu.memory_space<vmem>>[vector<16xi32>], vector<16xi32>,
    %eq3A_622 = arith.cmpi eq, %get3A_589, %gather3A_621 : vector<16xi32>
    %and3A_623 = arith.andi %eq3A_622, %le3A_267 : vector<16xi1>
    %or3A_624 = arith.ori %or3A_620, %and3A_623 : vector<16xi1>
    %gather3A_625 = tpu.vector_load_idx %arg9[%min3A_202] : memref<16xi32, #tpu.memory_space<vmem>>[vector<16xi32>], vector<16xi32>,
    %eq3A_626 = arith.cmpi eq, %get3A_589, %gather3A_625 : vector<16xi32>
    %and3A_627 = arith.andi %eq3A_626, %le3A_270 : vector<16xi1>
    %or3A_628 = arith.ori %or3A_624, %and3A_627 : vector<16xi1>
    %gather3A_629 = tpu.vector_load_idx %arg9[%min3A_208] : memref<16xi32, #tpu.memory_space<vmem>>[vector<16xi32>], vector<16xi32>,
    %eq3A_630 = arith.cmpi eq, %get3A_589, %gather3A_629 : vector<16xi32>
    %and3A_631 = arith.andi %eq3A_630, %le3A_273 : vector<16xi1>
    %or3A_632 = arith.ori %or3A_628, %and3A_631 : vector<16xi1>
    %gather3A_633 = tpu.vector_load_idx %arg9[%min3A_214] : memref<16xi32, #tpu.memory_space<vmem>>[vector<16xi32>], vector<16xi32>,
    %eq3A_634 = arith.cmpi eq, %get3A_589, %gather3A_633 : vector<16xi32>
    %and3A_635 = arith.andi %eq3A_634, %le3A_276 : vector<16xi1>
    %or3A_636 = arith.ori %or3A_632, %and3A_635 : vector<16xi1>
    %gather3A_637 = tpu.vector_load_idx %arg9[%min3A_220] : memref<16xi32, #tpu.memory_space<vmem>>[vector<16xi32>], vector<16xi32>,
    %eq3A_638 = arith.cmpi eq, %get3A_589, %gather3A_637 : vector<16xi32>
    %and3A_639 = arith.andi %eq3A_638, %le3A_279 : vector<16xi1>
    %or3A_640 = arith.ori %or3A_636, %and3A_639 : vector<16xi1>
    %gather3A_641 = tpu.vector_load_idx %arg9[%min3A_226] : memref<16xi32, #tpu.memory_space<vmem>>[vector<16xi32>], vector<16xi32>,
    %eq3A_642 = arith.cmpi eq, %get3A_589, %gather3A_641 : vector<16xi32>
    %and3A_643 = arith.andi %eq3A_642, %le3A_282 : vector<16xi1>
    %or3A_644 = arith.ori %or3A_640, %and3A_643 : vector<16xi1>
    %gather3A_645 = tpu.vector_load_idx %arg9[%min3A_232] : memref<16xi32, #tpu.memory_space<vmem>>[vector<16xi32>], vector<16xi32>,
    %eq3A_646 = arith.cmpi eq, %get3A_589, %gather3A_645 : vector<16xi32>
    %and3A_647 = arith.andi %eq3A_646, %le3A_285 : vector<16xi1>
    %or3A_648 = arith.ori %or3A_644, %and3A_647 : vector<16xi1>
    %gather3A_649 = tpu.vector_load_idx %arg9[%min3A_238] : memref<16xi32, #tpu.memory_space<vmem>>[vector<16xi32>], vector<16xi32>,
    %eq3A_650 = arith.cmpi eq, %get3A_589, %gather3A_649 : vector<16xi32>
    %and3A_651 = arith.andi %eq3A_650, %le3A_288 : vector<16xi1>
    %or3A_652 = arith.ori %or3A_648, %and3A_651 : vector<16xi1>
    %gather3A_653 = tpu.vector_load_idx %arg9[%min3A_244] : memref<16xi32, #tpu.memory_space<vmem>>[vector<16xi32>], vector<16xi32>,
    %eq3A_654 = arith.cmpi eq, %get3A_589, %gather3A_653 : vector<16xi32>
    %and3A_655 = arith.andi %eq3A_654, %le3A_291 : vector<16xi1>
    %or3A_656 = arith.ori %or3A_652, %and3A_655 : vector<16xi1>
    %gather3A_657 = tpu.vector_load_idx %arg9[%min3A_250] : memref<16xi32, #tpu.memory_space<vmem>>[vector<16xi32>], vector<16xi32>,
    %eq3A_658 = arith.cmpi eq, %get3A_589, %gather3A_657 : vector<16xi32>
    %and3A_659 = arith.andi %eq3A_658, %le3A_294 : vector<16xi1>
    %or3A_660 = arith.ori %or3A_656, %and3A_659 : vector<16xi1>
    %not3A_661 = arith.constant dense<true> : vector<16xi1>
    %not3A_662 = arith.xori %or3A_660, %not3A_661 : vector<16xi1>
    tpu.vector_store_idx %arg8[%get3A_589], %add3A_595 masked %not3A_662 : memref<1024xi32, #tpu.memory_space<vmem>>[vector<16xi32>], vector<16xi32>, vector<16xi1>
    %get3A_663 = arith.constant 80 : index
    %get3A_664 = tpu.vector_load %arg6[%get3A_663] {strides = array<i32>} : memref<512xi32, #tpu.memory_space<vmem>>, vector<16xi32>,
    %add3A_665 = arith.constant 0 : i32
    %add3A_666 = arith.addi %mul3A_2, %add3A_665 : i32
    %add3A_667 = arith.constant 80 : i32
    %add3A_668 = arith.addi %add3A_666, %add3A_667 : i32
    %add3A_669 = vector.broadcast %add3A_668 : i32 to vector<16xi32>
    %add3A_670 = arith.addi %iota3A, %add3A_669 : vector<16xi32>
    %swap3A_671 = arith.constant 0 : index
    %swap3A_672 = tpu.vector_load %arg9[%swap3A_671] {strides = array<i32>} : memref<16xi32, #tpu.memory_space<vmem>>, vector<16xi32>,
    tpu.vector_store %arg9[%swap3A_671], %get3A_664 {strides = array<i32>} : memref<16xi32, #tpu.memory_space<vmem>>, vector<16xi32>,
    %lt3A_673 = arith.constant 0 : i32
    %lt3A_674 = vector.broadcast %lt3A_673 : i32 to vector<16xi32>
    %lt3A_675 = arith.cmpi slt, %iota3A, %lt3A_674 : vector<16xi32>
    %gather3A_676 = tpu.vector_load_idx %arg9[%min3A_166] : memref<16xi32, #tpu.memory_space<vmem>>[vector<16xi32>], vector<16xi32>,
    %eq3A_677 = arith.cmpi eq, %get3A_664, %gather3A_676 : vector<16xi32>
    %and3A_678 = arith.andi %eq3A_677, %le3A_252 : vector<16xi1>
    %or3A_679 = arith.ori %lt3A_675, %and3A_678 : vector<16xi1>
    %gather3A_680 = tpu.vector_load_idx %arg9[%min3A_172] : memref<16xi32, #tpu.memory_space<vmem>>[vector<16xi32>], vector<16xi32>,
    %eq3A_681 = arith.cmpi eq, %get3A_664, %gather3A_680 : vector<16xi32>
    %and3A_682 = arith.andi %eq3A_681, %le3A_255 : vector<16xi1>
    %or3A_683 = arith.ori %or3A_679, %and3A_682 : vector<16xi1>
    %gather3A_684 = tpu.vector_load_idx %arg9[%min3A_178] : memref<16xi32, #tpu.memory_space<vmem>>[vector<16xi32>], vector<16xi32>,
    %eq3A_685 = arith.cmpi eq, %get3A_664, %gather3A_684 : vector<16xi32>
    %and3A_686 = arith.andi %eq3A_685, %le3A_258 : vector<16xi1>
    %or3A_687 = arith.ori %or3A_683, %and3A_686 : vector<16xi1>
    %gather3A_688 = tpu.vector_load_idx %arg9[%min3A_184] : memref<16xi32, #tpu.memory_space<vmem>>[vector<16xi32>], vector<16xi32>,
    %eq3A_689 = arith.cmpi eq, %get3A_664, %gather3A_688 : vector<16xi32>
    %and3A_690 = arith.andi %eq3A_689, %le3A_261 : vector<16xi1>
    %or3A_691 = arith.ori %or3A_687, %and3A_690 : vector<16xi1>
    %gather3A_692 = tpu.vector_load_idx %arg9[%min3A_190] : memref<16xi32, #tpu.memory_space<vmem>>[vector<16xi32>], vector<16xi32>,
    %eq3A_693 = arith.cmpi eq, %get3A_664, %gather3A_692 : vector<16xi32>
    %and3A_694 = arith.andi %eq3A_693, %le3A_264 : vector<16xi1>
    %or3A_695 = arith.ori %or3A_691, %and3A_694 : vector<16xi1>
    %gather3A_696 = tpu.vector_load_idx %arg9[%min3A_196] : memref<16xi32, #tpu.memory_space<vmem>>[vector<16xi32>], vector<16xi32>,
    %eq3A_697 = arith.cmpi eq, %get3A_664, %gather3A_696 : vector<16xi32>
    %and3A_698 = arith.andi %eq3A_697, %le3A_267 : vector<16xi1>
    %or3A_699 = arith.ori %or3A_695, %and3A_698 : vector<16xi1>
    %gather3A_700 = tpu.vector_load_idx %arg9[%min3A_202] : memref<16xi32, #tpu.memory_space<vmem>>[vector<16xi32>], vector<16xi32>,
    %eq3A_701 = arith.cmpi eq, %get3A_664, %gather3A_700 : vector<16xi32>
    %and3A_702 = arith.andi %eq3A_701, %le3A_270 : vector<16xi1>
    %or3A_703 = arith.ori %or3A_699, %and3A_702 : vector<16xi1>
    %gather3A_704 = tpu.vector_load_idx %arg9[%min3A_208] : memref<16xi32, #tpu.memory_space<vmem>>[vector<16xi32>], vector<16xi32>,
    %eq3A_705 = arith.cmpi eq, %get3A_664, %gather3A_704 : vector<16xi32>
    %and3A_706 = arith.andi %eq3A_705, %le3A_273 : vector<16xi1>
    %or3A_707 = arith.ori %or3A_703, %and3A_706 : vector<16xi1>
    %gather3A_708 = tpu.vector_load_idx %arg9[%min3A_214] : memref<16xi32, #tpu.memory_space<vmem>>[vector<16xi32>], vector<16xi32>,
    %eq3A_709 = arith.cmpi eq, %get3A_664, %gather3A_708 : vector<16xi32>
    %and3A_710 = arith.andi %eq3A_709, %le3A_276 : vector<16xi1>
    %or3A_711 = arith.ori %or3A_707, %and3A_710 : vector<16xi1>
    %gather3A_712 = tpu.vector_load_idx %arg9[%min3A_220] : memref<16xi32, #tpu.memory_space<vmem>>[vector<16xi32>], vector<16xi32>,
    %eq3A_713 = arith.cmpi eq, %get3A_664, %gather3A_712 : vector<16xi32>
    %and3A_714 = arith.andi %eq3A_713, %le3A_279 : vector<16xi1>
    %or3A_715 = arith.ori %or3A_711, %and3A_714 : vector<16xi1>
    %gather3A_716 = tpu.vector_load_idx %arg9[%min3A_226] : memref<16xi32, #tpu.memory_space<vmem>>[vector<16xi32>], vector<16xi32>,
    %eq3A_717 = arith.cmpi eq, %get3A_664, %gather3A_716 : vector<16xi32>
    %and3A_718 = arith.andi %eq3A_717, %le3A_282 : vector<16xi1>
    %or3A_719 = arith.ori %or3A_715, %and3A_718 : vector<16xi1>
    %gather3A_720 = tpu.vector_load_idx %arg9[%min3A_232] : memref<16xi32, #tpu.memory_space<vmem>>[vector<16xi32>], vector<16xi32>,
    %eq3A_721 = arith.cmpi eq, %get3A_664, %gather3A_720 : vector<16xi32>
    %and3A_722 = arith.andi %eq3A_721, %le3A_285 : vector<16xi1>
    %or3A_723 = arith.ori %or3A_719, %and3A_722 : vector<16xi1>
    %gather3A_724 = tpu.vector_load_idx %arg9[%min3A_238] : memref<16xi32, #tpu.memory_space<vmem>>[vector<16xi32>], vector<16xi32>,
    %eq3A_725 = arith.cmpi eq, %get3A_664, %gather3A_724 : vector<16xi32>
    %and3A_726 = arith.andi %eq3A_725, %le3A_288 : vector<16xi1>
    %or3A_727 = arith.ori %or3A_723, %and3A_726 : vector<16xi1>
    %gather3A_728 = tpu.vector_load_idx %arg9[%min3A_244] : memref<16xi32, #tpu.memory_space<vmem>>[vector<16xi32>], vector<16xi32>,
    %eq3A_729 = arith.cmpi eq, %get3A_664, %gather3A_728 : vector<16xi32>
    %and3A_730 = arith.andi %eq3A_729, %le3A_291 : vector<16xi1>
    %or3A_731 = arith.ori %or3A_727, %and3A_730 : vector<16xi1>
    %gather3A_732 = tpu.vector_load_idx %arg9[%min3A_250] : memref<16xi32, #tpu.memory_space<vmem>>[vector<16xi32>], vector<16xi32>,
    %eq3A_733 = arith.cmpi eq, %get3A_664, %gather3A_732 : vector<16xi32>
    %and3A_734 = arith.andi %eq3A_733, %le3A_294 : vector<16xi1>
    %or3A_735 = arith.ori %or3A_731, %and3A_734 : vector<16xi1>
    %not3A_736 = arith.constant dense<true> : vector<16xi1>
    %not3A_737 = arith.xori %or3A_735, %not3A_736 : vector<16xi1>
    tpu.vector_store_idx %arg8[%get3A_664], %add3A_670 masked %not3A_737 : memref<1024xi32, #tpu.memory_space<vmem>>[vector<16xi32>], vector<16xi32>, vector<16xi1>
    %get3A_738 = arith.constant 96 : index
    %get3A_739 = tpu.vector_load %arg6[%get3A_738] {strides = array<i32>} : memref<512xi32, #tpu.memory_space<vmem>>, vector<16xi32>,
    %add3A_740 = arith.constant 0 : i32
    %add3A_741 = arith.addi %mul3A_2, %add3A_740 : i32
    %add3A_742 = arith.constant 96 : i32
    %add3A_743 = arith.addi %add3A_741, %add3A_742 : i32
    %add3A_744 = vector.broadcast %add3A_743 : i32 to vector<16xi32>
    %add3A_745 = arith.addi %iota3A, %add3A_744 : vector<16xi32>
    %swap3A_746 = arith.constant 0 : index
    %swap3A_747 = tpu.vector_load %arg9[%swap3A_746] {strides = array<i32>} : memref<16xi32, #tpu.memory_space<vmem>>, vector<16xi32>,
    tpu.vector_store %arg9[%swap3A_746], %get3A_739 {strides = array<i32>} : memref<16xi32, #tpu.memory_space<vmem>>, vector<16xi32>,
    %lt3A_748 = arith.constant 0 : i32
    %lt3A_749 = vector.broadcast %lt3A_748 : i32 to vector<16xi32>
    %lt3A_750 = arith.cmpi slt, %iota3A, %lt3A_749 : vector<16xi32>
    %gather3A_751 = tpu.vector_load_idx %arg9[%min3A_166] : memref<16xi32, #tpu.memory_space<vmem>>[vector<16xi32>], vector<16xi32>,
    %eq3A_752 = arith.cmpi eq, %get3A_739, %gather3A_751 : vector<16xi32>
    %and3A_753 = arith.andi %eq3A_752, %le3A_252 : vector<16xi1>
    %or3A_754 = arith.ori %lt3A_750, %and3A_753 : vector<16xi1>
    %gather3A_755 = tpu.vector_load_idx %arg9[%min3A_172] : memref<16xi32, #tpu.memory_space<vmem>>[vector<16xi32>], vector<16xi32>,
    %eq3A_756 = arith.cmpi eq, %get3A_739, %gather3A_755 : vector<16xi32>
    %and3A_757 = arith.andi %eq3A_756, %le3A_255 : vector<16xi1>
    %or3A_758 = arith.ori %or3A_754, %and3A_757 : vector<16xi1>
    %gather3A_759 = tpu.vector_load_idx %arg9[%min3A_178] : memref<16xi32, #tpu.memory_space<vmem>>[vector<16xi32>], vector<16xi32>,
    %eq3A_760 = arith.cmpi eq, %get3A_739, %gather3A_759 : vector<16xi32>
    %and3A_761 = arith.andi %eq3A_760, %le3A_258 : vector<16xi1>
    %or3A_762 = arith.ori %or3A_758, %and3A_761 : vector<16xi1>
    %gather3A_763 = tpu.vector_load_idx %arg9[%min3A_184] : memref<16xi32, #tpu.memory_space<vmem>>[vector<16xi32>], vector<16xi32>,
    %eq3A_764 = arith.cmpi eq, %get3A_739, %gather3A_763 : vector<16xi32>
    %and3A_765 = arith.andi %eq3A_764, %le3A_261 : vector<16xi1>
    %or3A_766 = arith.ori %or3A_762, %and3A_765 : vector<16xi1>
    %gather3A_767 = tpu.vector_load_idx %arg9[%min3A_190] : memref<16xi32, #tpu.memory_space<vmem>>[vector<16xi32>], vector<16xi32>,
    %eq3A_768 = arith.cmpi eq, %get3A_739, %gather3A_767 : vector<16xi32>
    %and3A_769 = arith.andi %eq3A_768, %le3A_264 : vector<16xi1>
    %or3A_770 = arith.ori %or3A_766, %and3A_769 : vector<16xi1>
    %gather3A_771 = tpu.vector_load_idx %arg9[%min3A_196] : memref<16xi32, #tpu.memory_space<vmem>>[vector<16xi32>], vector<16xi32>,
    %eq3A_772 = arith.cmpi eq, %get3A_739, %gather3A_771 : vector<16xi32>
    %and3A_773 = arith.andi %eq3A_772, %le3A_267 : vector<16xi1>
    %or3A_774 = arith.ori %or3A_770, %and3A_773 : vector<16xi1>
    %gather3A_775 = tpu.vector_load_idx %arg9[%min3A_202] : memref<16xi32, #tpu.memory_space<vmem>>[vector<16xi32>], vector<16xi32>,
    %eq3A_776 = arith.cmpi eq, %get3A_739, %gather3A_775 : vector<16xi32>
    %and3A_777 = arith.andi %eq3A_776, %le3A_270 : vector<16xi1>
    %or3A_778 = arith.ori %or3A_774, %and3A_777 : vector<16xi1>
    %gather3A_779 = tpu.vector_load_idx %arg9[%min3A_208] : memref<16xi32, #tpu.memory_space<vmem>>[vector<16xi32>], vector<16xi32>,
    %eq3A_780 = arith.cmpi eq, %get3A_739, %gather3A_779 : vector<16xi32>
    %and3A_781 = arith.andi %eq3A_780, %le3A_273 : vector<16xi1>
    %or3A_782 = arith.ori %or3A_778, %and3A_781 : vector<16xi1>
    %gather3A_783 = tpu.vector_load_idx %arg9[%min3A_214] : memref<16xi32, #tpu.memory_space<vmem>>[vector<16xi32>], vector<16xi32>,
    %eq3A_784 = arith.cmpi eq, %get3A_739, %gather3A_783 : vector<16xi32>
    %and3A_785 = arith.andi %eq3A_784, %le3A_276 : vector<16xi1>
    %or3A_786 = arith.ori %or3A_782, %and3A_785 : vector<16xi1>
    %gather3A_787 = tpu.vector_load_idx %arg9[%min3A_220] : memref<16xi32, #tpu.memory_space<vmem>>[vector<16xi32>], vector<16xi32>,
    %eq3A_788 = arith.cmpi eq, %get3A_739, %gather3A_787 : vector<16xi32>
    %and3A_789 = arith.andi %eq3A_788, %le3A_279 : vector<16xi1>
    %or3A_790 = arith.ori %or3A_786, %and3A_789 : vector<16xi1>
    %gather3A_791 = tpu.vector_load_idx %arg9[%min3A_226] : memref<16xi32, #tpu.memory_space<vmem>>[vector<16xi32>], vector<16xi32>,
    %eq3A_792 = arith.cmpi eq, %get3A_739, %gather3A_791 : vector<16xi32>
    %and3A_793 = arith.andi %eq3A_792, %le3A_282 : vector<16xi1>
    %or3A_794 = arith.ori %or3A_790, %and3A_793 : vector<16xi1>
    %gather3A_795 = tpu.vector_load_idx %arg9[%min3A_232] : memref<16xi32, #tpu.memory_space<vmem>>[vector<16xi32>], vector<16xi32>,
    %eq3A_796 = arith.cmpi eq, %get3A_739, %gather3A_795 : vector<16xi32>
    %and3A_797 = arith.andi %eq3A_796, %le3A_285 : vector<16xi1>
    %or3A_798 = arith.ori %or3A_794, %and3A_797 : vector<16xi1>
    %gather3A_799 = tpu.vector_load_idx %arg9[%min3A_238] : memref<16xi32, #tpu.memory_space<vmem>>[vector<16xi32>], vector<16xi32>,
    %eq3A_800 = arith.cmpi eq, %get3A_739, %gather3A_799 : vector<16xi32>
    %and3A_801 = arith.andi %eq3A_800, %le3A_288 : vector<16xi1>
    %or3A_802 = arith.ori %or3A_798, %and3A_801 : vector<16xi1>
    %gather3A_803 = tpu.vector_load_idx %arg9[%min3A_244] : memref<16xi32, #tpu.memory_space<vmem>>[vector<16xi32>], vector<16xi32>,
    %eq3A_804 = arith.cmpi eq, %get3A_739, %gather3A_803 : vector<16xi32>
    %and3A_805 = arith.andi %eq3A_804, %le3A_291 : vector<16xi1>
    %or3A_806 = arith.ori %or3A_802, %and3A_805 : vector<16xi1>
    %gather3A_807 = tpu.vector_load_idx %arg9[%min3A_250] : memref<16xi32, #tpu.memory_space<vmem>>[vector<16xi32>], vector<16xi32>,
    %eq3A_808 = arith.cmpi eq, %get3A_739, %gather3A_807 : vector<16xi32>
    %and3A_809 = arith.andi %eq3A_808, %le3A_294 : vector<16xi1>
    %or3A_810 = arith.ori %or3A_806, %and3A_809 : vector<16xi1>
    %not3A_811 = arith.constant dense<true> : vector<16xi1>
    %not3A_812 = arith.xori %or3A_810, %not3A_811 : vector<16xi1>
    tpu.vector_store_idx %arg8[%get3A_739], %add3A_745 masked %not3A_812 : memref<1024xi32, #tpu.memory_space<vmem>>[vector<16xi32>], vector<16xi32>, vector<16xi1>
    %get3A_813 = arith.constant 112 : index
    %get3A_814 = tpu.vector_load %arg6[%get3A_813] {strides = array<i32>} : memref<512xi32, #tpu.memory_space<vmem>>, vector<16xi32>,
    %add3A_815 = arith.constant 0 : i32
    %add3A_816 = arith.addi %mul3A_2, %add3A_815 : i32
    %add3A_817 = arith.constant 112 : i32
    %add3A_818 = arith.addi %add3A_816, %add3A_817 : i32
    %add3A_819 = vector.broadcast %add3A_818 : i32 to vector<16xi32>
    %add3A_820 = arith.addi %iota3A, %add3A_819 : vector<16xi32>
    %swap3A_821 = arith.constant 0 : index
    %swap3A_822 = tpu.vector_load %arg9[%swap3A_821] {strides = array<i32>} : memref<16xi32, #tpu.memory_space<vmem>>, vector<16xi32>,
    tpu.vector_store %arg9[%swap3A_821], %get3A_814 {strides = array<i32>} : memref<16xi32, #tpu.memory_space<vmem>>, vector<16xi32>,
    %lt3A_823 = arith.constant 0 : i32
    %lt3A_824 = vector.broadcast %lt3A_823 : i32 to vector<16xi32>
    %lt3A_825 = arith.cmpi slt, %iota3A, %lt3A_824 : vector<16xi32>
    %gather3A_826 = tpu.vector_load_idx %arg9[%min3A_166] : memref<16xi32, #tpu.memory_space<vmem>>[vector<16xi32>], vector<16xi32>,
    %eq3A_827 = arith.cmpi eq, %get3A_814, %gather3A_826 : vector<16xi32>
    %and3A_828 = arith.andi %eq3A_827, %le3A_252 : vector<16xi1>
    %or3A_829 = arith.ori %lt3A_825, %and3A_828 : vector<16xi1>
    %gather3A_830 = tpu.vector_load_idx %arg9[%min3A_172] : memref<16xi32, #tpu.memory_space<vmem>>[vector<16xi32>], vector<16xi32>,
    %eq3A_831 = arith.cmpi eq, %get3A_814, %gather3A_830 : vector<16xi32>
    %and3A_832 = arith.andi %eq3A_831, %le3A_255 : vector<16xi1>
    %or3A_833 = arith.ori %or3A_829, %and3A_832 : vector<16xi1>
    %gather3A_834 = tpu.vector_load_idx %arg9[%min3A_178] : memref<16xi32, #tpu.memory_space<vmem>>[vector<16xi32>], vector<16xi32>,
    %eq3A_835 = arith.cmpi eq, %get3A_814, %gather3A_834 : vector<16xi32>
    %and3A_836 = arith.andi %eq3A_835, %le3A_258 : vector<16xi1>
    %or3A_837 = arith.ori %or3A_833, %and3A_836 : vector<16xi1>
    %gather3A_838 = tpu.vector_load_idx %arg9[%min3A_184] : memref<16xi32, #tpu.memory_space<vmem>>[vector<16xi32>], vector<16xi32>,
    %eq3A_839 = arith.cmpi eq, %get3A_814, %gather3A_838 : vector<16xi32>
    %and3A_840 = arith.andi %eq3A_839, %le3A_261 : vector<16xi1>
    %or3A_841 = arith.ori %or3A_837, %and3A_840 : vector<16xi1>
    %gather3A_842 = tpu.vector_load_idx %arg9[%min3A_190] : memref<16xi32, #tpu.memory_space<vmem>>[vector<16xi32>], vector<16xi32>,
    %eq3A_843 = arith.cmpi eq, %get3A_814, %gather3A_842 : vector<16xi32>
    %and3A_844 = arith.andi %eq3A_843, %le3A_264 : vector<16xi1>
    %or3A_845 = arith.ori %or3A_841, %and3A_844 : vector<16xi1>
    %gather3A_846 = tpu.vector_load_idx %arg9[%min3A_196] : memref<16xi32, #tpu.memory_space<vmem>>[vector<16xi32>], vector<16xi32>,
    %eq3A_847 = arith.cmpi eq, %get3A_814, %gather3A_846 : vector<16xi32>
    %and3A_848 = arith.andi %eq3A_847, %le3A_267 : vector<16xi1>
    %or3A_849 = arith.ori %or3A_845, %and3A_848 : vector<16xi1>
    %gather3A_850 = tpu.vector_load_idx %arg9[%min3A_202] : memref<16xi32, #tpu.memory_space<vmem>>[vector<16xi32>], vector<16xi32>,
    %eq3A_851 = arith.cmpi eq, %get3A_814, %gather3A_850 : vector<16xi32>
    %and3A_852 = arith.andi %eq3A_851, %le3A_270 : vector<16xi1>
    %or3A_853 = arith.ori %or3A_849, %and3A_852 : vector<16xi1>
    %gather3A_854 = tpu.vector_load_idx %arg9[%min3A_208] : memref<16xi32, #tpu.memory_space<vmem>>[vector<16xi32>], vector<16xi32>,
    %eq3A_855 = arith.cmpi eq, %get3A_814, %gather3A_854 : vector<16xi32>
    %and3A_856 = arith.andi %eq3A_855, %le3A_273 : vector<16xi1>
    %or3A_857 = arith.ori %or3A_853, %and3A_856 : vector<16xi1>
    %gather3A_858 = tpu.vector_load_idx %arg9[%min3A_214] : memref<16xi32, #tpu.memory_space<vmem>>[vector<16xi32>], vector<16xi32>,
    %eq3A_859 = arith.cmpi eq, %get3A_814, %gather3A_858 : vector<16xi32>
    %and3A_860 = arith.andi %eq3A_859, %le3A_276 : vector<16xi1>
    %or3A_861 = arith.ori %or3A_857, %and3A_860 : vector<16xi1>
    %gather3A_862 = tpu.vector_load_idx %arg9[%min3A_220] : memref<16xi32, #tpu.memory_space<vmem>>[vector<16xi32>], vector<16xi32>,
    %eq3A_863 = arith.cmpi eq, %get3A_814, %gather3A_862 : vector<16xi32>
    %and3A_864 = arith.andi %eq3A_863, %le3A_279 : vector<16xi1>
    %or3A_865 = arith.ori %or3A_861, %and3A_864 : vector<16xi1>
    %gather3A_866 = tpu.vector_load_idx %arg9[%min3A_226] : memref<16xi32, #tpu.memory_space<vmem>>[vector<16xi32>], vector<16xi32>,
    %eq3A_867 = arith.cmpi eq, %get3A_814, %gather3A_866 : vector<16xi32>
    %and3A_868 = arith.andi %eq3A_867, %le3A_282 : vector<16xi1>
    %or3A_869 = arith.ori %or3A_865, %and3A_868 : vector<16xi1>
    %gather3A_870 = tpu.vector_load_idx %arg9[%min3A_232] : memref<16xi32, #tpu.memory_space<vmem>>[vector<16xi32>], vector<16xi32>,
    %eq3A_871 = arith.cmpi eq, %get3A_814, %gather3A_870 : vector<16xi32>
    %and3A_872 = arith.andi %eq3A_871, %le3A_285 : vector<16xi1>
    %or3A_873 = arith.ori %or3A_869, %and3A_872 : vector<16xi1>
    %gather3A_874 = tpu.vector_load_idx %arg9[%min3A_238] : memref<16xi32, #tpu.memory_space<vmem>>[vector<16xi32>], vector<16xi32>,
    %eq3A_875 = arith.cmpi eq, %get3A_814, %gather3A_874 : vector<16xi32>
    %and3A_876 = arith.andi %eq3A_875, %le3A_288 : vector<16xi1>
    %or3A_877 = arith.ori %or3A_873, %and3A_876 : vector<16xi1>
    %gather3A_878 = tpu.vector_load_idx %arg9[%min3A_244] : memref<16xi32, #tpu.memory_space<vmem>>[vector<16xi32>], vector<16xi32>,
    %eq3A_879 = arith.cmpi eq, %get3A_814, %gather3A_878 : vector<16xi32>
    %and3A_880 = arith.andi %eq3A_879, %le3A_291 : vector<16xi1>
    %or3A_881 = arith.ori %or3A_877, %and3A_880 : vector<16xi1>
    %gather3A_882 = tpu.vector_load_idx %arg9[%min3A_250] : memref<16xi32, #tpu.memory_space<vmem>>[vector<16xi32>], vector<16xi32>,
    %eq3A_883 = arith.cmpi eq, %get3A_814, %gather3A_882 : vector<16xi32>
    %and3A_884 = arith.andi %eq3A_883, %le3A_294 : vector<16xi1>
    %or3A_885 = arith.ori %or3A_881, %and3A_884 : vector<16xi1>
    %not3A_886 = arith.constant dense<true> : vector<16xi1>
    %not3A_887 = arith.xori %or3A_885, %not3A_886 : vector<16xi1>
    tpu.vector_store_idx %arg8[%get3A_814], %add3A_820 masked %not3A_887 : memref<1024xi32, #tpu.memory_space<vmem>>[vector<16xi32>], vector<16xi32>, vector<16xi1>
    %get3A_888 = arith.constant 128 : index
    %get3A_889 = tpu.vector_load %arg6[%get3A_888] {strides = array<i32>} : memref<512xi32, #tpu.memory_space<vmem>>, vector<16xi32>,
    %add3A_890 = arith.constant 128 : i32
    %add3A_891 = arith.addi %mul3A_2, %add3A_890 : i32
    %add3A_892 = arith.constant 0 : i32
    %add3A_893 = arith.addi %add3A_891, %add3A_892 : i32
    %add3A_894 = vector.broadcast %add3A_893 : i32 to vector<16xi32>
    %add3A_895 = arith.addi %iota3A, %add3A_894 : vector<16xi32>
    %swap3A_896 = arith.constant 0 : index
    %swap3A_897 = tpu.vector_load %arg9[%swap3A_896] {strides = array<i32>} : memref<16xi32, #tpu.memory_space<vmem>>, vector<16xi32>,
    tpu.vector_store %arg9[%swap3A_896], %get3A_889 {strides = array<i32>} : memref<16xi32, #tpu.memory_space<vmem>>, vector<16xi32>,
    %lt3A_898 = arith.constant 0 : i32
    %lt3A_899 = vector.broadcast %lt3A_898 : i32 to vector<16xi32>
    %lt3A_900 = arith.cmpi slt, %iota3A, %lt3A_899 : vector<16xi32>
    %gather3A_901 = tpu.vector_load_idx %arg9[%min3A_166] : memref<16xi32, #tpu.memory_space<vmem>>[vector<16xi32>], vector<16xi32>,
    %eq3A_902 = arith.cmpi eq, %get3A_889, %gather3A_901 : vector<16xi32>
    %and3A_903 = arith.andi %eq3A_902, %le3A_252 : vector<16xi1>
    %or3A_904 = arith.ori %lt3A_900, %and3A_903 : vector<16xi1>
    %gather3A_905 = tpu.vector_load_idx %arg9[%min3A_172] : memref<16xi32, #tpu.memory_space<vmem>>[vector<16xi32>], vector<16xi32>,
    %eq3A_906 = arith.cmpi eq, %get3A_889, %gather3A_905 : vector<16xi32>
    %and3A_907 = arith.andi %eq3A_906, %le3A_255 : vector<16xi1>
    %or3A_908 = arith.ori %or3A_904, %and3A_907 : vector<16xi1>
    %gather3A_909 = tpu.vector_load_idx %arg9[%min3A_178] : memref<16xi32, #tpu.memory_space<vmem>>[vector<16xi32>], vector<16xi32>,
    %eq3A_910 = arith.cmpi eq, %get3A_889, %gather3A_909 : vector<16xi32>
    %and3A_911 = arith.andi %eq3A_910, %le3A_258 : vector<16xi1>
    %or3A_912 = arith.ori %or3A_908, %and3A_911 : vector<16xi1>
    %gather3A_913 = tpu.vector_load_idx %arg9[%min3A_184] : memref<16xi32, #tpu.memory_space<vmem>>[vector<16xi32>], vector<16xi32>,
    %eq3A_914 = arith.cmpi eq, %get3A_889, %gather3A_913 : vector<16xi32>
    %and3A_915 = arith.andi %eq3A_914, %le3A_261 : vector<16xi1>
    %or3A_916 = arith.ori %or3A_912, %and3A_915 : vector<16xi1>
    %gather3A_917 = tpu.vector_load_idx %arg9[%min3A_190] : memref<16xi32, #tpu.memory_space<vmem>>[vector<16xi32>], vector<16xi32>,
    %eq3A_918 = arith.cmpi eq, %get3A_889, %gather3A_917 : vector<16xi32>
    %and3A_919 = arith.andi %eq3A_918, %le3A_264 : vector<16xi1>
    %or3A_920 = arith.ori %or3A_916, %and3A_919 : vector<16xi1>
    %gather3A_921 = tpu.vector_load_idx %arg9[%min3A_196] : memref<16xi32, #tpu.memory_space<vmem>>[vector<16xi32>], vector<16xi32>,
    %eq3A_922 = arith.cmpi eq, %get3A_889, %gather3A_921 : vector<16xi32>
    %and3A_923 = arith.andi %eq3A_922, %le3A_267 : vector<16xi1>
    %or3A_924 = arith.ori %or3A_920, %and3A_923 : vector<16xi1>
    %gather3A_925 = tpu.vector_load_idx %arg9[%min3A_202] : memref<16xi32, #tpu.memory_space<vmem>>[vector<16xi32>], vector<16xi32>,
    %eq3A_926 = arith.cmpi eq, %get3A_889, %gather3A_925 : vector<16xi32>
    %and3A_927 = arith.andi %eq3A_926, %le3A_270 : vector<16xi1>
    %or3A_928 = arith.ori %or3A_924, %and3A_927 : vector<16xi1>
    %gather3A_929 = tpu.vector_load_idx %arg9[%min3A_208] : memref<16xi32, #tpu.memory_space<vmem>>[vector<16xi32>], vector<16xi32>,
    %eq3A_930 = arith.cmpi eq, %get3A_889, %gather3A_929 : vector<16xi32>
    %and3A_931 = arith.andi %eq3A_930, %le3A_273 : vector<16xi1>
    %or3A_932 = arith.ori %or3A_928, %and3A_931 : vector<16xi1>
    %gather3A_933 = tpu.vector_load_idx %arg9[%min3A_214] : memref<16xi32, #tpu.memory_space<vmem>>[vector<16xi32>], vector<16xi32>,
    %eq3A_934 = arith.cmpi eq, %get3A_889, %gather3A_933 : vector<16xi32>
    %and3A_935 = arith.andi %eq3A_934, %le3A_276 : vector<16xi1>
    %or3A_936 = arith.ori %or3A_932, %and3A_935 : vector<16xi1>
    %gather3A_937 = tpu.vector_load_idx %arg9[%min3A_220] : memref<16xi32, #tpu.memory_space<vmem>>[vector<16xi32>], vector<16xi32>,
    %eq3A_938 = arith.cmpi eq, %get3A_889, %gather3A_937 : vector<16xi32>
    %and3A_939 = arith.andi %eq3A_938, %le3A_279 : vector<16xi1>
    %or3A_940 = arith.ori %or3A_936, %and3A_939 : vector<16xi1>
    %gather3A_941 = tpu.vector_load_idx %arg9[%min3A_226] : memref<16xi32, #tpu.memory_space<vmem>>[vector<16xi32>], vector<16xi32>,
    %eq3A_942 = arith.cmpi eq, %get3A_889, %gather3A_941 : vector<16xi32>
    %and3A_943 = arith.andi %eq3A_942, %le3A_282 : vector<16xi1>
    %or3A_944 = arith.ori %or3A_940, %and3A_943 : vector<16xi1>
    %gather3A_945 = tpu.vector_load_idx %arg9[%min3A_232] : memref<16xi32, #tpu.memory_space<vmem>>[vector<16xi32>], vector<16xi32>,
    %eq3A_946 = arith.cmpi eq, %get3A_889, %gather3A_945 : vector<16xi32>
    %and3A_947 = arith.andi %eq3A_946, %le3A_285 : vector<16xi1>
    %or3A_948 = arith.ori %or3A_944, %and3A_947 : vector<16xi1>
    %gather3A_949 = tpu.vector_load_idx %arg9[%min3A_238] : memref<16xi32, #tpu.memory_space<vmem>>[vector<16xi32>], vector<16xi32>,
    %eq3A_950 = arith.cmpi eq, %get3A_889, %gather3A_949 : vector<16xi32>
    %and3A_951 = arith.andi %eq3A_950, %le3A_288 : vector<16xi1>
    %or3A_952 = arith.ori %or3A_948, %and3A_951 : vector<16xi1>
    %gather3A_953 = tpu.vector_load_idx %arg9[%min3A_244] : memref<16xi32, #tpu.memory_space<vmem>>[vector<16xi32>], vector<16xi32>,
    %eq3A_954 = arith.cmpi eq, %get3A_889, %gather3A_953 : vector<16xi32>
    %and3A_955 = arith.andi %eq3A_954, %le3A_291 : vector<16xi1>
    %or3A_956 = arith.ori %or3A_952, %and3A_955 : vector<16xi1>
    %gather3A_957 = tpu.vector_load_idx %arg9[%min3A_250] : memref<16xi32, #tpu.memory_space<vmem>>[vector<16xi32>], vector<16xi32>,
    %eq3A_958 = arith.cmpi eq, %get3A_889, %gather3A_957 : vector<16xi32>
    %and3A_959 = arith.andi %eq3A_958, %le3A_294 : vector<16xi1>
    %or3A_960 = arith.ori %or3A_956, %and3A_959 : vector<16xi1>
    %not3A_961 = arith.constant dense<true> : vector<16xi1>
    %not3A_962 = arith.xori %or3A_960, %not3A_961 : vector<16xi1>
    tpu.vector_store_idx %arg8[%get3A_889], %add3A_895 masked %not3A_962 : memref<1024xi32, #tpu.memory_space<vmem>>[vector<16xi32>], vector<16xi32>, vector<16xi1>
    %get3A_963 = arith.constant 144 : index
    %get3A_964 = tpu.vector_load %arg6[%get3A_963] {strides = array<i32>} : memref<512xi32, #tpu.memory_space<vmem>>, vector<16xi32>,
    %add3A_965 = arith.constant 128 : i32
    %add3A_966 = arith.addi %mul3A_2, %add3A_965 : i32
    %add3A_967 = arith.constant 16 : i32
    %add3A_968 = arith.addi %add3A_966, %add3A_967 : i32
    %add3A_969 = vector.broadcast %add3A_968 : i32 to vector<16xi32>
    %add3A_970 = arith.addi %iota3A, %add3A_969 : vector<16xi32>
    %swap3A_971 = arith.constant 0 : index
    %swap3A_972 = tpu.vector_load %arg9[%swap3A_971] {strides = array<i32>} : memref<16xi32, #tpu.memory_space<vmem>>, vector<16xi32>,
    tpu.vector_store %arg9[%swap3A_971], %get3A_964 {strides = array<i32>} : memref<16xi32, #tpu.memory_space<vmem>>, vector<16xi32>,
    %lt3A_973 = arith.constant 0 : i32
    %lt3A_974 = vector.broadcast %lt3A_973 : i32 to vector<16xi32>
    %lt3A_975 = arith.cmpi slt, %iota3A, %lt3A_974 : vector<16xi32>
    %gather3A_976 = tpu.vector_load_idx %arg9[%min3A_166] : memref<16xi32, #tpu.memory_space<vmem>>[vector<16xi32>], vector<16xi32>,
    %eq3A_977 = arith.cmpi eq, %get3A_964, %gather3A_976 : vector<16xi32>
    %and3A_978 = arith.andi %eq3A_977, %le3A_252 : vector<16xi1>
    %or3A_979 = arith.ori %lt3A_975, %and3A_978 : vector<16xi1>
    %gather3A_980 = tpu.vector_load_idx %arg9[%min3A_172] : memref<16xi32, #tpu.memory_space<vmem>>[vector<16xi32>], vector<16xi32>,
    %eq3A_981 = arith.cmpi eq, %get3A_964, %gather3A_980 : vector<16xi32>
    %and3A_982 = arith.andi %eq3A_981, %le3A_255 : vector<16xi1>
    %or3A_983 = arith.ori %or3A_979, %and3A_982 : vector<16xi1>
    %gather3A_984 = tpu.vector_load_idx %arg9[%min3A_178] : memref<16xi32, #tpu.memory_space<vmem>>[vector<16xi32>], vector<16xi32>,
    %eq3A_985 = arith.cmpi eq, %get3A_964, %gather3A_984 : vector<16xi32>
    %and3A_986 = arith.andi %eq3A_985, %le3A_258 : vector<16xi1>
    %or3A_987 = arith.ori %or3A_983, %and3A_986 : vector<16xi1>
    %gather3A_988 = tpu.vector_load_idx %arg9[%min3A_184] : memref<16xi32, #tpu.memory_space<vmem>>[vector<16xi32>], vector<16xi32>,
    %eq3A_989 = arith.cmpi eq, %get3A_964, %gather3A_988 : vector<16xi32>
    %and3A_990 = arith.andi %eq3A_989, %le3A_261 : vector<16xi1>
    %or3A_991 = arith.ori %or3A_987, %and3A_990 : vector<16xi1>
    %gather3A_992 = tpu.vector_load_idx %arg9[%min3A_190] : memref<16xi32, #tpu.memory_space<vmem>>[vector<16xi32>], vector<16xi32>,
    %eq3A_993 = arith.cmpi eq, %get3A_964, %gather3A_992 : vector<16xi32>
    %and3A_994 = arith.andi %eq3A_993, %le3A_264 : vector<16xi1>
    %or3A_995 = arith.ori %or3A_991, %and3A_994 : vector<16xi1>
    %gather3A_996 = tpu.vector_load_idx %arg9[%min3A_196] : memref<16xi32, #tpu.memory_space<vmem>>[vector<16xi32>], vector<16xi32>,
    %eq3A_997 = arith.cmpi eq, %get3A_964, %gather3A_996 : vector<16xi32>
    %and3A_998 = arith.andi %eq3A_997, %le3A_267 : vector<16xi1>
    %or3A_999 = arith.ori %or3A_995, %and3A_998 : vector<16xi1>
    %gather3A_1000 = tpu.vector_load_idx %arg9[%min3A_202] : memref<16xi32, #tpu.memory_space<vmem>>[vector<16xi32>], vector<16xi32>,
    %eq3A_1001 = arith.cmpi eq, %get3A_964, %gather3A_1000 : vector<16xi32>
    %and3A_1002 = arith.andi %eq3A_1001, %le3A_270 : vector<16xi1>
    %or3A_1003 = arith.ori %or3A_999, %and3A_1002 : vector<16xi1>
    %gather3A_1004 = tpu.vector_load_idx %arg9[%min3A_208] : memref<16xi32, #tpu.memory_space<vmem>>[vector<16xi32>], vector<16xi32>,
    %eq3A_1005 = arith.cmpi eq, %get3A_964, %gather3A_1004 : vector<16xi32>
    %and3A_1006 = arith.andi %eq3A_1005, %le3A_273 : vector<16xi1>
    %or3A_1007 = arith.ori %or3A_1003, %and3A_1006 : vector<16xi1>
    %gather3A_1008 = tpu.vector_load_idx %arg9[%min3A_214] : memref<16xi32, #tpu.memory_space<vmem>>[vector<16xi32>], vector<16xi32>,
    %eq3A_1009 = arith.cmpi eq, %get3A_964, %gather3A_1008 : vector<16xi32>
    %and3A_1010 = arith.andi %eq3A_1009, %le3A_276 : vector<16xi1>
    %or3A_1011 = arith.ori %or3A_1007, %and3A_1010 : vector<16xi1>
    %gather3A_1012 = tpu.vector_load_idx %arg9[%min3A_220] : memref<16xi32, #tpu.memory_space<vmem>>[vector<16xi32>], vector<16xi32>,
    %eq3A_1013 = arith.cmpi eq, %get3A_964, %gather3A_1012 : vector<16xi32>
    %and3A_1014 = arith.andi %eq3A_1013, %le3A_279 : vector<16xi1>
    %or3A_1015 = arith.ori %or3A_1011, %and3A_1014 : vector<16xi1>
    %gather3A_1016 = tpu.vector_load_idx %arg9[%min3A_226] : memref<16xi32, #tpu.memory_space<vmem>>[vector<16xi32>], vector<16xi32>,
    %eq3A_1017 = arith.cmpi eq, %get3A_964, %gather3A_1016 : vector<16xi32>
    %and3A_1018 = arith.andi %eq3A_1017, %le3A_282 : vector<16xi1>
    %or3A_1019 = arith.ori %or3A_1015, %and3A_1018 : vector<16xi1>
    %gather3A_1020 = tpu.vector_load_idx %arg9[%min3A_232] : memref<16xi32, #tpu.memory_space<vmem>>[vector<16xi32>], vector<16xi32>,
    %eq3A_1021 = arith.cmpi eq, %get3A_964, %gather3A_1020 : vector<16xi32>
    %and3A_1022 = arith.andi %eq3A_1021, %le3A_285 : vector<16xi1>
    %or3A_1023 = arith.ori %or3A_1019, %and3A_1022 : vector<16xi1>
    %gather3A_1024 = tpu.vector_load_idx %arg9[%min3A_238] : memref<16xi32, #tpu.memory_space<vmem>>[vector<16xi32>], vector<16xi32>,
    %eq3A_1025 = arith.cmpi eq, %get3A_964, %gather3A_1024 : vector<16xi32>
    %and3A_1026 = arith.andi %eq3A_1025, %le3A_288 : vector<16xi1>
    %or3A_1027 = arith.ori %or3A_1023, %and3A_1026 : vector<16xi1>
    %gather3A_1028 = tpu.vector_load_idx %arg9[%min3A_244] : memref<16xi32, #tpu.memory_space<vmem>>[vector<16xi32>], vector<16xi32>,
    %eq3A_1029 = arith.cmpi eq, %get3A_964, %gather3A_1028 : vector<16xi32>
    %and3A_1030 = arith.andi %eq3A_1029, %le3A_291 : vector<16xi1>
    %or3A_1031 = arith.ori %or3A_1027, %and3A_1030 : vector<16xi1>
    %gather3A_1032 = tpu.vector_load_idx %arg9[%min3A_250] : memref<16xi32, #tpu.memory_space<vmem>>[vector<16xi32>], vector<16xi32>,
    %eq3A_1033 = arith.cmpi eq, %get3A_964, %gather3A_1032 : vector<16xi32>
    %and3A_1034 = arith.andi %eq3A_1033, %le3A_294 : vector<16xi1>
    %or3A_1035 = arith.ori %or3A_1031, %and3A_1034 : vector<16xi1>
    %not3A_1036 = arith.constant dense<true> : vector<16xi1>
    %not3A_1037 = arith.xori %or3A_1035, %not3A_1036 : vector<16xi1>
    tpu.vector_store_idx %arg8[%get3A_964], %add3A_970 masked %not3A_1037 : memref<1024xi32, #tpu.memory_space<vmem>>[vector<16xi32>], vector<16xi32>, vector<16xi1>
    %get3A_1038 = arith.constant 160 : index
    %get3A_1039 = tpu.vector_load %arg6[%get3A_1038] {strides = array<i32>} : memref<512xi32, #tpu.memory_space<vmem>>, vector<16xi32>,
    %add3A_1040 = arith.constant 128 : i32
    %add3A_1041 = arith.addi %mul3A_2, %add3A_1040 : i32
    %add3A_1042 = arith.constant 32 : i32
    %add3A_1043 = arith.addi %add3A_1041, %add3A_1042 : i32
    %add3A_1044 = vector.broadcast %add3A_1043 : i32 to vector<16xi32>
    %add3A_1045 = arith.addi %iota3A, %add3A_1044 : vector<16xi32>
    %swap3A_1046 = arith.constant 0 : index
    %swap3A_1047 = tpu.vector_load %arg9[%swap3A_1046] {strides = array<i32>} : memref<16xi32, #tpu.memory_space<vmem>>, vector<16xi32>,
    tpu.vector_store %arg9[%swap3A_1046], %get3A_1039 {strides = array<i32>} : memref<16xi32, #tpu.memory_space<vmem>>, vector<16xi32>,
    %lt3A_1048 = arith.constant 0 : i32
    %lt3A_1049 = vector.broadcast %lt3A_1048 : i32 to vector<16xi32>
    %lt3A_1050 = arith.cmpi slt, %iota3A, %lt3A_1049 : vector<16xi32>
    %gather3A_1051 = tpu.vector_load_idx %arg9[%min3A_166] : memref<16xi32, #tpu.memory_space<vmem>>[vector<16xi32>], vector<16xi32>,
    %eq3A_1052 = arith.cmpi eq, %get3A_1039, %gather3A_1051 : vector<16xi32>
    %and3A_1053 = arith.andi %eq3A_1052, %le3A_252 : vector<16xi1>
    %or3A_1054 = arith.ori %lt3A_1050, %and3A_1053 : vector<16xi1>
    %gather3A_1055 = tpu.vector_load_idx %arg9[%min3A_172] : memref<16xi32, #tpu.memory_space<vmem>>[vector<16xi32>], vector<16xi32>,
    %eq3A_1056 = arith.cmpi eq, %get3A_1039, %gather3A_1055 : vector<16xi32>
    %and3A_1057 = arith.andi %eq3A_1056, %le3A_255 : vector<16xi1>
    %or3A_1058 = arith.ori %or3A_1054, %and3A_1057 : vector<16xi1>
    %gather3A_1059 = tpu.vector_load_idx %arg9[%min3A_178] : memref<16xi32, #tpu.memory_space<vmem>>[vector<16xi32>], vector<16xi32>,
    %eq3A_1060 = arith.cmpi eq, %get3A_1039, %gather3A_1059 : vector<16xi32>
    %and3A_1061 = arith.andi %eq3A_1060, %le3A_258 : vector<16xi1>
    %or3A_1062 = arith.ori %or3A_1058, %and3A_1061 : vector<16xi1>
    %gather3A_1063 = tpu.vector_load_idx %arg9[%min3A_184] : memref<16xi32, #tpu.memory_space<vmem>>[vector<16xi32>], vector<16xi32>,
    %eq3A_1064 = arith.cmpi eq, %get3A_1039, %gather3A_1063 : vector<16xi32>
    %and3A_1065 = arith.andi %eq3A_1064, %le3A_261 : vector<16xi1>
    %or3A_1066 = arith.ori %or3A_1062, %and3A_1065 : vector<16xi1>
    %gather3A_1067 = tpu.vector_load_idx %arg9[%min3A_190] : memref<16xi32, #tpu.memory_space<vmem>>[vector<16xi32>], vector<16xi32>,
    %eq3A_1068 = arith.cmpi eq, %get3A_1039, %gather3A_1067 : vector<16xi32>
    %and3A_1069 = arith.andi %eq3A_1068, %le3A_264 : vector<16xi1>
    %or3A_1070 = arith.ori %or3A_1066, %and3A_1069 : vector<16xi1>
    %gather3A_1071 = tpu.vector_load_idx %arg9[%min3A_196] : memref<16xi32, #tpu.memory_space<vmem>>[vector<16xi32>], vector<16xi32>,
    %eq3A_1072 = arith.cmpi eq, %get3A_1039, %gather3A_1071 : vector<16xi32>
    %and3A_1073 = arith.andi %eq3A_1072, %le3A_267 : vector<16xi1>
    %or3A_1074 = arith.ori %or3A_1070, %and3A_1073 : vector<16xi1>
    %gather3A_1075 = tpu.vector_load_idx %arg9[%min3A_202] : memref<16xi32, #tpu.memory_space<vmem>>[vector<16xi32>], vector<16xi32>,
    %eq3A_1076 = arith.cmpi eq, %get3A_1039, %gather3A_1075 : vector<16xi32>
    %and3A_1077 = arith.andi %eq3A_1076, %le3A_270 : vector<16xi1>
    %or3A_1078 = arith.ori %or3A_1074, %and3A_1077 : vector<16xi1>
    %gather3A_1079 = tpu.vector_load_idx %arg9[%min3A_208] : memref<16xi32, #tpu.memory_space<vmem>>[vector<16xi32>], vector<16xi32>,
    %eq3A_1080 = arith.cmpi eq, %get3A_1039, %gather3A_1079 : vector<16xi32>
    %and3A_1081 = arith.andi %eq3A_1080, %le3A_273 : vector<16xi1>
    %or3A_1082 = arith.ori %or3A_1078, %and3A_1081 : vector<16xi1>
    %gather3A_1083 = tpu.vector_load_idx %arg9[%min3A_214] : memref<16xi32, #tpu.memory_space<vmem>>[vector<16xi32>], vector<16xi32>,
    %eq3A_1084 = arith.cmpi eq, %get3A_1039, %gather3A_1083 : vector<16xi32>
    %and3A_1085 = arith.andi %eq3A_1084, %le3A_276 : vector<16xi1>
    %or3A_1086 = arith.ori %or3A_1082, %and3A_1085 : vector<16xi1>
    %gather3A_1087 = tpu.vector_load_idx %arg9[%min3A_220] : memref<16xi32, #tpu.memory_space<vmem>>[vector<16xi32>], vector<16xi32>,
    %eq3A_1088 = arith.cmpi eq, %get3A_1039, %gather3A_1087 : vector<16xi32>
    %and3A_1089 = arith.andi %eq3A_1088, %le3A_279 : vector<16xi1>
    %or3A_1090 = arith.ori %or3A_1086, %and3A_1089 : vector<16xi1>
    %gather3A_1091 = tpu.vector_load_idx %arg9[%min3A_226] : memref<16xi32, #tpu.memory_space<vmem>>[vector<16xi32>], vector<16xi32>,
    %eq3A_1092 = arith.cmpi eq, %get3A_1039, %gather3A_1091 : vector<16xi32>
    %and3A_1093 = arith.andi %eq3A_1092, %le3A_282 : vector<16xi1>
    %or3A_1094 = arith.ori %or3A_1090, %and3A_1093 : vector<16xi1>
    %gather3A_1095 = tpu.vector_load_idx %arg9[%min3A_232] : memref<16xi32, #tpu.memory_space<vmem>>[vector<16xi32>], vector<16xi32>,
    %eq3A_1096 = arith.cmpi eq, %get3A_1039, %gather3A_1095 : vector<16xi32>
    %and3A_1097 = arith.andi %eq3A_1096, %le3A_285 : vector<16xi1>
    %or3A_1098 = arith.ori %or3A_1094, %and3A_1097 : vector<16xi1>
    %gather3A_1099 = tpu.vector_load_idx %arg9[%min3A_238] : memref<16xi32, #tpu.memory_space<vmem>>[vector<16xi32>], vector<16xi32>,
    %eq3A_1100 = arith.cmpi eq, %get3A_1039, %gather3A_1099 : vector<16xi32>
    %and3A_1101 = arith.andi %eq3A_1100, %le3A_288 : vector<16xi1>
    %or3A_1102 = arith.ori %or3A_1098, %and3A_1101 : vector<16xi1>
    %gather3A_1103 = tpu.vector_load_idx %arg9[%min3A_244] : memref<16xi32, #tpu.memory_space<vmem>>[vector<16xi32>], vector<16xi32>,
    %eq3A_1104 = arith.cmpi eq, %get3A_1039, %gather3A_1103 : vector<16xi32>
    %and3A_1105 = arith.andi %eq3A_1104, %le3A_291 : vector<16xi1>
    %or3A_1106 = arith.ori %or3A_1102, %and3A_1105 : vector<16xi1>
    %gather3A_1107 = tpu.vector_load_idx %arg9[%min3A_250] : memref<16xi32, #tpu.memory_space<vmem>>[vector<16xi32>], vector<16xi32>,
    %eq3A_1108 = arith.cmpi eq, %get3A_1039, %gather3A_1107 : vector<16xi32>
    %and3A_1109 = arith.andi %eq3A_1108, %le3A_294 : vector<16xi1>
    %or3A_1110 = arith.ori %or3A_1106, %and3A_1109 : vector<16xi1>
    %not3A_1111 = arith.constant dense<true> : vector<16xi1>
    %not3A_1112 = arith.xori %or3A_1110, %not3A_1111 : vector<16xi1>
    tpu.vector_store_idx %arg8[%get3A_1039], %add3A_1045 masked %not3A_1112 : memref<1024xi32, #tpu.memory_space<vmem>>[vector<16xi32>], vector<16xi32>, vector<16xi1>
    %get3A_1113 = arith.constant 176 : index
    %get3A_1114 = tpu.vector_load %arg6[%get3A_1113] {strides = array<i32>} : memref<512xi32, #tpu.memory_space<vmem>>, vector<16xi32>,
    %add3A_1115 = arith.constant 128 : i32
    %add3A_1116 = arith.addi %mul3A_2, %add3A_1115 : i32
    %add3A_1117 = arith.constant 48 : i32
    %add3A_1118 = arith.addi %add3A_1116, %add3A_1117 : i32
    %add3A_1119 = vector.broadcast %add3A_1118 : i32 to vector<16xi32>
    %add3A_1120 = arith.addi %iota3A, %add3A_1119 : vector<16xi32>
    %swap3A_1121 = arith.constant 0 : index
    %swap3A_1122 = tpu.vector_load %arg9[%swap3A_1121] {strides = array<i32>} : memref<16xi32, #tpu.memory_space<vmem>>, vector<16xi32>,
    tpu.vector_store %arg9[%swap3A_1121], %get3A_1114 {strides = array<i32>} : memref<16xi32, #tpu.memory_space<vmem>>, vector<16xi32>,
    %lt3A_1123 = arith.constant 0 : i32
    %lt3A_1124 = vector.broadcast %lt3A_1123 : i32 to vector<16xi32>
    %lt3A_1125 = arith.cmpi slt, %iota3A, %lt3A_1124 : vector<16xi32>
    %gather3A_1126 = tpu.vector_load_idx %arg9[%min3A_166] : memref<16xi32, #tpu.memory_space<vmem>>[vector<16xi32>], vector<16xi32>,
    %eq3A_1127 = arith.cmpi eq, %get3A_1114, %gather3A_1126 : vector<16xi32>
    %and3A_1128 = arith.andi %eq3A_1127, %le3A_252 : vector<16xi1>
    %or3A_1129 = arith.ori %lt3A_1125, %and3A_1128 : vector<16xi1>
    %gather3A_1130 = tpu.vector_load_idx %arg9[%min3A_172] : memref<16xi32, #tpu.memory_space<vmem>>[vector<16xi32>], vector<16xi32>,
    %eq3A_1131 = arith.cmpi eq, %get3A_1114, %gather3A_1130 : vector<16xi32>
    %and3A_1132 = arith.andi %eq3A_1131, %le3A_255 : vector<16xi1>
    %or3A_1133 = arith.ori %or3A_1129, %and3A_1132 : vector<16xi1>
    %gather3A_1134 = tpu.vector_load_idx %arg9[%min3A_178] : memref<16xi32, #tpu.memory_space<vmem>>[vector<16xi32>], vector<16xi32>,
    %eq3A_1135 = arith.cmpi eq, %get3A_1114, %gather3A_1134 : vector<16xi32>
    %and3A_1136 = arith.andi %eq3A_1135, %le3A_258 : vector<16xi1>
    %or3A_1137 = arith.ori %or3A_1133, %and3A_1136 : vector<16xi1>
    %gather3A_1138 = tpu.vector_load_idx %arg9[%min3A_184] : memref<16xi32, #tpu.memory_space<vmem>>[vector<16xi32>], vector<16xi32>,
    %eq3A_1139 = arith.cmpi eq, %get3A_1114, %gather3A_1138 : vector<16xi32>
    %and3A_1140 = arith.andi %eq3A_1139, %le3A_261 : vector<16xi1>
    %or3A_1141 = arith.ori %or3A_1137, %and3A_1140 : vector<16xi1>
    %gather3A_1142 = tpu.vector_load_idx %arg9[%min3A_190] : memref<16xi32, #tpu.memory_space<vmem>>[vector<16xi32>], vector<16xi32>,
    %eq3A_1143 = arith.cmpi eq, %get3A_1114, %gather3A_1142 : vector<16xi32>
    %and3A_1144 = arith.andi %eq3A_1143, %le3A_264 : vector<16xi1>
    %or3A_1145 = arith.ori %or3A_1141, %and3A_1144 : vector<16xi1>
    %gather3A_1146 = tpu.vector_load_idx %arg9[%min3A_196] : memref<16xi32, #tpu.memory_space<vmem>>[vector<16xi32>], vector<16xi32>,
    %eq3A_1147 = arith.cmpi eq, %get3A_1114, %gather3A_1146 : vector<16xi32>
    %and3A_1148 = arith.andi %eq3A_1147, %le3A_267 : vector<16xi1>
    %or3A_1149 = arith.ori %or3A_1145, %and3A_1148 : vector<16xi1>
    %gather3A_1150 = tpu.vector_load_idx %arg9[%min3A_202] : memref<16xi32, #tpu.memory_space<vmem>>[vector<16xi32>], vector<16xi32>,
    %eq3A_1151 = arith.cmpi eq, %get3A_1114, %gather3A_1150 : vector<16xi32>
    %and3A_1152 = arith.andi %eq3A_1151, %le3A_270 : vector<16xi1>
    %or3A_1153 = arith.ori %or3A_1149, %and3A_1152 : vector<16xi1>
    %gather3A_1154 = tpu.vector_load_idx %arg9[%min3A_208] : memref<16xi32, #tpu.memory_space<vmem>>[vector<16xi32>], vector<16xi32>,
    %eq3A_1155 = arith.cmpi eq, %get3A_1114, %gather3A_1154 : vector<16xi32>
    %and3A_1156 = arith.andi %eq3A_1155, %le3A_273 : vector<16xi1>
    %or3A_1157 = arith.ori %or3A_1153, %and3A_1156 : vector<16xi1>
    %gather3A_1158 = tpu.vector_load_idx %arg9[%min3A_214] : memref<16xi32, #tpu.memory_space<vmem>>[vector<16xi32>], vector<16xi32>,
    %eq3A_1159 = arith.cmpi eq, %get3A_1114, %gather3A_1158 : vector<16xi32>
    %and3A_1160 = arith.andi %eq3A_1159, %le3A_276 : vector<16xi1>
    %or3A_1161 = arith.ori %or3A_1157, %and3A_1160 : vector<16xi1>
    %gather3A_1162 = tpu.vector_load_idx %arg9[%min3A_220] : memref<16xi32, #tpu.memory_space<vmem>>[vector<16xi32>], vector<16xi32>,
    %eq3A_1163 = arith.cmpi eq, %get3A_1114, %gather3A_1162 : vector<16xi32>
    %and3A_1164 = arith.andi %eq3A_1163, %le3A_279 : vector<16xi1>
    %or3A_1165 = arith.ori %or3A_1161, %and3A_1164 : vector<16xi1>
    %gather3A_1166 = tpu.vector_load_idx %arg9[%min3A_226] : memref<16xi32, #tpu.memory_space<vmem>>[vector<16xi32>], vector<16xi32>,
    %eq3A_1167 = arith.cmpi eq, %get3A_1114, %gather3A_1166 : vector<16xi32>
    %and3A_1168 = arith.andi %eq3A_1167, %le3A_282 : vector<16xi1>
    %or3A_1169 = arith.ori %or3A_1165, %and3A_1168 : vector<16xi1>
    %gather3A_1170 = tpu.vector_load_idx %arg9[%min3A_232] : memref<16xi32, #tpu.memory_space<vmem>>[vector<16xi32>], vector<16xi32>,
    %eq3A_1171 = arith.cmpi eq, %get3A_1114, %gather3A_1170 : vector<16xi32>
    %and3A_1172 = arith.andi %eq3A_1171, %le3A_285 : vector<16xi1>
    %or3A_1173 = arith.ori %or3A_1169, %and3A_1172 : vector<16xi1>
    %gather3A_1174 = tpu.vector_load_idx %arg9[%min3A_238] : memref<16xi32, #tpu.memory_space<vmem>>[vector<16xi32>], vector<16xi32>,
    %eq3A_1175 = arith.cmpi eq, %get3A_1114, %gather3A_1174 : vector<16xi32>
    %and3A_1176 = arith.andi %eq3A_1175, %le3A_288 : vector<16xi1>
    %or3A_1177 = arith.ori %or3A_1173, %and3A_1176 : vector<16xi1>
    %gather3A_1178 = tpu.vector_load_idx %arg9[%min3A_244] : memref<16xi32, #tpu.memory_space<vmem>>[vector<16xi32>], vector<16xi32>,
    %eq3A_1179 = arith.cmpi eq, %get3A_1114, %gather3A_1178 : vector<16xi32>
    %and3A_1180 = arith.andi %eq3A_1179, %le3A_291 : vector<16xi1>
    %or3A_1181 = arith.ori %or3A_1177, %and3A_1180 : vector<16xi1>
    %gather3A_1182 = tpu.vector_load_idx %arg9[%min3A_250] : memref<16xi32, #tpu.memory_space<vmem>>[vector<16xi32>], vector<16xi32>,
    %eq3A_1183 = arith.cmpi eq, %get3A_1114, %gather3A_1182 : vector<16xi32>
    %and3A_1184 = arith.andi %eq3A_1183, %le3A_294 : vector<16xi1>
    %or3A_1185 = arith.ori %or3A_1181, %and3A_1184 : vector<16xi1>
    %not3A_1186 = arith.constant dense<true> : vector<16xi1>
    %not3A_1187 = arith.xori %or3A_1185, %not3A_1186 : vector<16xi1>
    tpu.vector_store_idx %arg8[%get3A_1114], %add3A_1120 masked %not3A_1187 : memref<1024xi32, #tpu.memory_space<vmem>>[vector<16xi32>], vector<16xi32>, vector<16xi1>
    %get3A_1188 = arith.constant 192 : index
    %get3A_1189 = tpu.vector_load %arg6[%get3A_1188] {strides = array<i32>} : memref<512xi32, #tpu.memory_space<vmem>>, vector<16xi32>,
    %add3A_1190 = arith.constant 128 : i32
    %add3A_1191 = arith.addi %mul3A_2, %add3A_1190 : i32
    %add3A_1192 = arith.constant 64 : i32
    %add3A_1193 = arith.addi %add3A_1191, %add3A_1192 : i32
    %add3A_1194 = vector.broadcast %add3A_1193 : i32 to vector<16xi32>
    %add3A_1195 = arith.addi %iota3A, %add3A_1194 : vector<16xi32>
    %swap3A_1196 = arith.constant 0 : index
    %swap3A_1197 = tpu.vector_load %arg9[%swap3A_1196] {strides = array<i32>} : memref<16xi32, #tpu.memory_space<vmem>>, vector<16xi32>,
    tpu.vector_store %arg9[%swap3A_1196], %get3A_1189 {strides = array<i32>} : memref<16xi32, #tpu.memory_space<vmem>>, vector<16xi32>,
    %lt3A_1198 = arith.constant 0 : i32
    %lt3A_1199 = vector.broadcast %lt3A_1198 : i32 to vector<16xi32>
    %lt3A_1200 = arith.cmpi slt, %iota3A, %lt3A_1199 : vector<16xi32>
    %gather3A_1201 = tpu.vector_load_idx %arg9[%min3A_166] : memref<16xi32, #tpu.memory_space<vmem>>[vector<16xi32>], vector<16xi32>,
    %eq3A_1202 = arith.cmpi eq, %get3A_1189, %gather3A_1201 : vector<16xi32>
    %and3A_1203 = arith.andi %eq3A_1202, %le3A_252 : vector<16xi1>
    %or3A_1204 = arith.ori %lt3A_1200, %and3A_1203 : vector<16xi1>
    %gather3A_1205 = tpu.vector_load_idx %arg9[%min3A_172] : memref<16xi32, #tpu.memory_space<vmem>>[vector<16xi32>], vector<16xi32>,
    %eq3A_1206 = arith.cmpi eq, %get3A_1189, %gather3A_1205 : vector<16xi32>
    %and3A_1207 = arith.andi %eq3A_1206, %le3A_255 : vector<16xi1>
    %or3A_1208 = arith.ori %or3A_1204, %and3A_1207 : vector<16xi1>
    %gather3A_1209 = tpu.vector_load_idx %arg9[%min3A_178] : memref<16xi32, #tpu.memory_space<vmem>>[vector<16xi32>], vector<16xi32>,
    %eq3A_1210 = arith.cmpi eq, %get3A_1189, %gather3A_1209 : vector<16xi32>
    %and3A_1211 = arith.andi %eq3A_1210, %le3A_258 : vector<16xi1>
    %or3A_1212 = arith.ori %or3A_1208, %and3A_1211 : vector<16xi1>
    %gather3A_1213 = tpu.vector_load_idx %arg9[%min3A_184] : memref<16xi32, #tpu.memory_space<vmem>>[vector<16xi32>], vector<16xi32>,
    %eq3A_1214 = arith.cmpi eq, %get3A_1189, %gather3A_1213 : vector<16xi32>
    %and3A_1215 = arith.andi %eq3A_1214, %le3A_261 : vector<16xi1>
    %or3A_1216 = arith.ori %or3A_1212, %and3A_1215 : vector<16xi1>
    %gather3A_1217 = tpu.vector_load_idx %arg9[%min3A_190] : memref<16xi32, #tpu.memory_space<vmem>>[vector<16xi32>], vector<16xi32>,
    %eq3A_1218 = arith.cmpi eq, %get3A_1189, %gather3A_1217 : vector<16xi32>
    %and3A_1219 = arith.andi %eq3A_1218, %le3A_264 : vector<16xi1>
    %or3A_1220 = arith.ori %or3A_1216, %and3A_1219 : vector<16xi1>
    %gather3A_1221 = tpu.vector_load_idx %arg9[%min3A_196] : memref<16xi32, #tpu.memory_space<vmem>>[vector<16xi32>], vector<16xi32>,
    %eq3A_1222 = arith.cmpi eq, %get3A_1189, %gather3A_1221 : vector<16xi32>
    %and3A_1223 = arith.andi %eq3A_1222, %le3A_267 : vector<16xi1>
    %or3A_1224 = arith.ori %or3A_1220, %and3A_1223 : vector<16xi1>
    %gather3A_1225 = tpu.vector_load_idx %arg9[%min3A_202] : memref<16xi32, #tpu.memory_space<vmem>>[vector<16xi32>], vector<16xi32>,
    %eq3A_1226 = arith.cmpi eq, %get3A_1189, %gather3A_1225 : vector<16xi32>
    %and3A_1227 = arith.andi %eq3A_1226, %le3A_270 : vector<16xi1>
    %or3A_1228 = arith.ori %or3A_1224, %and3A_1227 : vector<16xi1>
    %gather3A_1229 = tpu.vector_load_idx %arg9[%min3A_208] : memref<16xi32, #tpu.memory_space<vmem>>[vector<16xi32>], vector<16xi32>,
    %eq3A_1230 = arith.cmpi eq, %get3A_1189, %gather3A_1229 : vector<16xi32>
    %and3A_1231 = arith.andi %eq3A_1230, %le3A_273 : vector<16xi1>
    %or3A_1232 = arith.ori %or3A_1228, %and3A_1231 : vector<16xi1>
    %gather3A_1233 = tpu.vector_load_idx %arg9[%min3A_214] : memref<16xi32, #tpu.memory_space<vmem>>[vector<16xi32>], vector<16xi32>,
    %eq3A_1234 = arith.cmpi eq, %get3A_1189, %gather3A_1233 : vector<16xi32>
    %and3A_1235 = arith.andi %eq3A_1234, %le3A_276 : vector<16xi1>
    %or3A_1236 = arith.ori %or3A_1232, %and3A_1235 : vector<16xi1>
    %gather3A_1237 = tpu.vector_load_idx %arg9[%min3A_220] : memref<16xi32, #tpu.memory_space<vmem>>[vector<16xi32>], vector<16xi32>,
    %eq3A_1238 = arith.cmpi eq, %get3A_1189, %gather3A_1237 : vector<16xi32>
    %and3A_1239 = arith.andi %eq3A_1238, %le3A_279 : vector<16xi1>
    %or3A_1240 = arith.ori %or3A_1236, %and3A_1239 : vector<16xi1>
    %gather3A_1241 = tpu.vector_load_idx %arg9[%min3A_226] : memref<16xi32, #tpu.memory_space<vmem>>[vector<16xi32>], vector<16xi32>,
    %eq3A_1242 = arith.cmpi eq, %get3A_1189, %gather3A_1241 : vector<16xi32>
    %and3A_1243 = arith.andi %eq3A_1242, %le3A_282 : vector<16xi1>
    %or3A_1244 = arith.ori %or3A_1240, %and3A_1243 : vector<16xi1>
    %gather3A_1245 = tpu.vector_load_idx %arg9[%min3A_232] : memref<16xi32, #tpu.memory_space<vmem>>[vector<16xi32>], vector<16xi32>,
    %eq3A_1246 = arith.cmpi eq, %get3A_1189, %gather3A_1245 : vector<16xi32>
    %and3A_1247 = arith.andi %eq3A_1246, %le3A_285 : vector<16xi1>
    %or3A_1248 = arith.ori %or3A_1244, %and3A_1247 : vector<16xi1>
    %gather3A_1249 = tpu.vector_load_idx %arg9[%min3A_238] : memref<16xi32, #tpu.memory_space<vmem>>[vector<16xi32>], vector<16xi32>,
    %eq3A_1250 = arith.cmpi eq, %get3A_1189, %gather3A_1249 : vector<16xi32>
    %and3A_1251 = arith.andi %eq3A_1250, %le3A_288 : vector<16xi1>
    %or3A_1252 = arith.ori %or3A_1248, %and3A_1251 : vector<16xi1>
    %gather3A_1253 = tpu.vector_load_idx %arg9[%min3A_244] : memref<16xi32, #tpu.memory_space<vmem>>[vector<16xi32>], vector<16xi32>,
    %eq3A_1254 = arith.cmpi eq, %get3A_1189, %gather3A_1253 : vector<16xi32>
    %and3A_1255 = arith.andi %eq3A_1254, %le3A_291 : vector<16xi1>
    %or3A_1256 = arith.ori %or3A_1252, %and3A_1255 : vector<16xi1>
    %gather3A_1257 = tpu.vector_load_idx %arg9[%min3A_250] : memref<16xi32, #tpu.memory_space<vmem>>[vector<16xi32>], vector<16xi32>,
    %eq3A_1258 = arith.cmpi eq, %get3A_1189, %gather3A_1257 : vector<16xi32>
    %and3A_1259 = arith.andi %eq3A_1258, %le3A_294 : vector<16xi1>
    %or3A_1260 = arith.ori %or3A_1256, %and3A_1259 : vector<16xi1>
    %not3A_1261 = arith.constant dense<true> : vector<16xi1>
    %not3A_1262 = arith.xori %or3A_1260, %not3A_1261 : vector<16xi1>
    tpu.vector_store_idx %arg8[%get3A_1189], %add3A_1195 masked %not3A_1262 : memref<1024xi32, #tpu.memory_space<vmem>>[vector<16xi32>], vector<16xi32>, vector<16xi1>
    %get3A_1263 = arith.constant 208 : index
    %get3A_1264 = tpu.vector_load %arg6[%get3A_1263] {strides = array<i32>} : memref<512xi32, #tpu.memory_space<vmem>>, vector<16xi32>,
    %add3A_1265 = arith.constant 128 : i32
    %add3A_1266 = arith.addi %mul3A_2, %add3A_1265 : i32
    %add3A_1267 = arith.constant 80 : i32
    %add3A_1268 = arith.addi %add3A_1266, %add3A_1267 : i32
    %add3A_1269 = vector.broadcast %add3A_1268 : i32 to vector<16xi32>
    %add3A_1270 = arith.addi %iota3A, %add3A_1269 : vector<16xi32>
    %swap3A_1271 = arith.constant 0 : index
    %swap3A_1272 = tpu.vector_load %arg9[%swap3A_1271] {strides = array<i32>} : memref<16xi32, #tpu.memory_space<vmem>>, vector<16xi32>,
    tpu.vector_store %arg9[%swap3A_1271], %get3A_1264 {strides = array<i32>} : memref<16xi32, #tpu.memory_space<vmem>>, vector<16xi32>,
    %lt3A_1273 = arith.constant 0 : i32
    %lt3A_1274 = vector.broadcast %lt3A_1273 : i32 to vector<16xi32>
    %lt3A_1275 = arith.cmpi slt, %iota3A, %lt3A_1274 : vector<16xi32>
    %gather3A_1276 = tpu.vector_load_idx %arg9[%min3A_166] : memref<16xi32, #tpu.memory_space<vmem>>[vector<16xi32>], vector<16xi32>,
    %eq3A_1277 = arith.cmpi eq, %get3A_1264, %gather3A_1276 : vector<16xi32>
    %and3A_1278 = arith.andi %eq3A_1277, %le3A_252 : vector<16xi1>
    %or3A_1279 = arith.ori %lt3A_1275, %and3A_1278 : vector<16xi1>
    %gather3A_1280 = tpu.vector_load_idx %arg9[%min3A_172] : memref<16xi32, #tpu.memory_space<vmem>>[vector<16xi32>], vector<16xi32>,
    %eq3A_1281 = arith.cmpi eq, %get3A_1264, %gather3A_1280 : vector<16xi32>
    %and3A_1282 = arith.andi %eq3A_1281, %le3A_255 : vector<16xi1>
    %or3A_1283 = arith.ori %or3A_1279, %and3A_1282 : vector<16xi1>
    %gather3A_1284 = tpu.vector_load_idx %arg9[%min3A_178] : memref<16xi32, #tpu.memory_space<vmem>>[vector<16xi32>], vector<16xi32>,
    %eq3A_1285 = arith.cmpi eq, %get3A_1264, %gather3A_1284 : vector<16xi32>
    %and3A_1286 = arith.andi %eq3A_1285, %le3A_258 : vector<16xi1>
    %or3A_1287 = arith.ori %or3A_1283, %and3A_1286 : vector<16xi1>
    %gather3A_1288 = tpu.vector_load_idx %arg9[%min3A_184] : memref<16xi32, #tpu.memory_space<vmem>>[vector<16xi32>], vector<16xi32>,
    %eq3A_1289 = arith.cmpi eq, %get3A_1264, %gather3A_1288 : vector<16xi32>
    %and3A_1290 = arith.andi %eq3A_1289, %le3A_261 : vector<16xi1>
    %or3A_1291 = arith.ori %or3A_1287, %and3A_1290 : vector<16xi1>
    %gather3A_1292 = tpu.vector_load_idx %arg9[%min3A_190] : memref<16xi32, #tpu.memory_space<vmem>>[vector<16xi32>], vector<16xi32>,
    %eq3A_1293 = arith.cmpi eq, %get3A_1264, %gather3A_1292 : vector<16xi32>
    %and3A_1294 = arith.andi %eq3A_1293, %le3A_264 : vector<16xi1>
    %or3A_1295 = arith.ori %or3A_1291, %and3A_1294 : vector<16xi1>
    %gather3A_1296 = tpu.vector_load_idx %arg9[%min3A_196] : memref<16xi32, #tpu.memory_space<vmem>>[vector<16xi32>], vector<16xi32>,
    %eq3A_1297 = arith.cmpi eq, %get3A_1264, %gather3A_1296 : vector<16xi32>
    %and3A_1298 = arith.andi %eq3A_1297, %le3A_267 : vector<16xi1>
    %or3A_1299 = arith.ori %or3A_1295, %and3A_1298 : vector<16xi1>
    %gather3A_1300 = tpu.vector_load_idx %arg9[%min3A_202] : memref<16xi32, #tpu.memory_space<vmem>>[vector<16xi32>], vector<16xi32>,
    %eq3A_1301 = arith.cmpi eq, %get3A_1264, %gather3A_1300 : vector<16xi32>
    %and3A_1302 = arith.andi %eq3A_1301, %le3A_270 : vector<16xi1>
    %or3A_1303 = arith.ori %or3A_1299, %and3A_1302 : vector<16xi1>
    %gather3A_1304 = tpu.vector_load_idx %arg9[%min3A_208] : memref<16xi32, #tpu.memory_space<vmem>>[vector<16xi32>], vector<16xi32>,
    %eq3A_1305 = arith.cmpi eq, %get3A_1264, %gather3A_1304 : vector<16xi32>
    %and3A_1306 = arith.andi %eq3A_1305, %le3A_273 : vector<16xi1>
    %or3A_1307 = arith.ori %or3A_1303, %and3A_1306 : vector<16xi1>
    %gather3A_1308 = tpu.vector_load_idx %arg9[%min3A_214] : memref<16xi32, #tpu.memory_space<vmem>>[vector<16xi32>], vector<16xi32>,
    %eq3A_1309 = arith.cmpi eq, %get3A_1264, %gather3A_1308 : vector<16xi32>
    %and3A_1310 = arith.andi %eq3A_1309, %le3A_276 : vector<16xi1>
    %or3A_1311 = arith.ori %or3A_1307, %and3A_1310 : vector<16xi1>
    %gather3A_1312 = tpu.vector_load_idx %arg9[%min3A_220] : memref<16xi32, #tpu.memory_space<vmem>>[vector<16xi32>], vector<16xi32>,
    %eq3A_1313 = arith.cmpi eq, %get3A_1264, %gather3A_1312 : vector<16xi32>
    %and3A_1314 = arith.andi %eq3A_1313, %le3A_279 : vector<16xi1>
    %or3A_1315 = arith.ori %or3A_1311, %and3A_1314 : vector<16xi1>
    %gather3A_1316 = tpu.vector_load_idx %arg9[%min3A_226] : memref<16xi32, #tpu.memory_space<vmem>>[vector<16xi32>], vector<16xi32>,
    %eq3A_1317 = arith.cmpi eq, %get3A_1264, %gather3A_1316 : vector<16xi32>
    %and3A_1318 = arith.andi %eq3A_1317, %le3A_282 : vector<16xi1>
    %or3A_1319 = arith.ori %or3A_1315, %and3A_1318 : vector<16xi1>
    %gather3A_1320 = tpu.vector_load_idx %arg9[%min3A_232] : memref<16xi32, #tpu.memory_space<vmem>>[vector<16xi32>], vector<16xi32>,
    %eq3A_1321 = arith.cmpi eq, %get3A_1264, %gather3A_1320 : vector<16xi32>
    %and3A_1322 = arith.andi %eq3A_1321, %le3A_285 : vector<16xi1>
    %or3A_1323 = arith.ori %or3A_1319, %and3A_1322 : vector<16xi1>
    %gather3A_1324 = tpu.vector_load_idx %arg9[%min3A_238] : memref<16xi32, #tpu.memory_space<vmem>>[vector<16xi32>], vector<16xi32>,
    %eq3A_1325 = arith.cmpi eq, %get3A_1264, %gather3A_1324 : vector<16xi32>
    %and3A_1326 = arith.andi %eq3A_1325, %le3A_288 : vector<16xi1>
    %or3A_1327 = arith.ori %or3A_1323, %and3A_1326 : vector<16xi1>
    %gather3A_1328 = tpu.vector_load_idx %arg9[%min3A_244] : memref<16xi32, #tpu.memory_space<vmem>>[vector<16xi32>], vector<16xi32>,
    %eq3A_1329 = arith.cmpi eq, %get3A_1264, %gather3A_1328 : vector<16xi32>
    %and3A_1330 = arith.andi %eq3A_1329, %le3A_291 : vector<16xi1>
    %or3A_1331 = arith.ori %or3A_1327, %and3A_1330 : vector<16xi1>
    %gather3A_1332 = tpu.vector_load_idx %arg9[%min3A_250] : memref<16xi32, #tpu.memory_space<vmem>>[vector<16xi32>], vector<16xi32>,
    %eq3A_1333 = arith.cmpi eq, %get3A_1264, %gather3A_1332 : vector<16xi32>
    %and3A_1334 = arith.andi %eq3A_1333, %le3A_294 : vector<16xi1>
    %or3A_1335 = arith.ori %or3A_1331, %and3A_1334 : vector<16xi1>
    %not3A_1336 = arith.constant dense<true> : vector<16xi1>
    %not3A_1337 = arith.xori %or3A_1335, %not3A_1336 : vector<16xi1>
    tpu.vector_store_idx %arg8[%get3A_1264], %add3A_1270 masked %not3A_1337 : memref<1024xi32, #tpu.memory_space<vmem>>[vector<16xi32>], vector<16xi32>, vector<16xi1>
    %get3A_1338 = arith.constant 224 : index
    %get3A_1339 = tpu.vector_load %arg6[%get3A_1338] {strides = array<i32>} : memref<512xi32, #tpu.memory_space<vmem>>, vector<16xi32>,
    %add3A_1340 = arith.constant 128 : i32
    %add3A_1341 = arith.addi %mul3A_2, %add3A_1340 : i32
    %add3A_1342 = arith.constant 96 : i32
    %add3A_1343 = arith.addi %add3A_1341, %add3A_1342 : i32
    %add3A_1344 = vector.broadcast %add3A_1343 : i32 to vector<16xi32>
    %add3A_1345 = arith.addi %iota3A, %add3A_1344 : vector<16xi32>
    %swap3A_1346 = arith.constant 0 : index
    %swap3A_1347 = tpu.vector_load %arg9[%swap3A_1346] {strides = array<i32>} : memref<16xi32, #tpu.memory_space<vmem>>, vector<16xi32>,
    tpu.vector_store %arg9[%swap3A_1346], %get3A_1339 {strides = array<i32>} : memref<16xi32, #tpu.memory_space<vmem>>, vector<16xi32>,
    %lt3A_1348 = arith.constant 0 : i32
    %lt3A_1349 = vector.broadcast %lt3A_1348 : i32 to vector<16xi32>
    %lt3A_1350 = arith.cmpi slt, %iota3A, %lt3A_1349 : vector<16xi32>
    %gather3A_1351 = tpu.vector_load_idx %arg9[%min3A_166] : memref<16xi32, #tpu.memory_space<vmem>>[vector<16xi32>], vector<16xi32>,
    %eq3A_1352 = arith.cmpi eq, %get3A_1339, %gather3A_1351 : vector<16xi32>
    %and3A_1353 = arith.andi %eq3A_1352, %le3A_252 : vector<16xi1>
    %or3A_1354 = arith.ori %lt3A_1350, %and3A_1353 : vector<16xi1>
    %gather3A_1355 = tpu.vector_load_idx %arg9[%min3A_172] : memref<16xi32, #tpu.memory_space<vmem>>[vector<16xi32>], vector<16xi32>,
    %eq3A_1356 = arith.cmpi eq, %get3A_1339, %gather3A_1355 : vector<16xi32>
    %and3A_1357 = arith.andi %eq3A_1356, %le3A_255 : vector<16xi1>
    %or3A_1358 = arith.ori %or3A_1354, %and3A_1357 : vector<16xi1>
    %gather3A_1359 = tpu.vector_load_idx %arg9[%min3A_178] : memref<16xi32, #tpu.memory_space<vmem>>[vector<16xi32>], vector<16xi32>,
    %eq3A_1360 = arith.cmpi eq, %get3A_1339, %gather3A_1359 : vector<16xi32>
    %and3A_1361 = arith.andi %eq3A_1360, %le3A_258 : vector<16xi1>
    %or3A_1362 = arith.ori %or3A_1358, %and3A_1361 : vector<16xi1>
    %gather3A_1363 = tpu.vector_load_idx %arg9[%min3A_184] : memref<16xi32, #tpu.memory_space<vmem>>[vector<16xi32>], vector<16xi32>,
    %eq3A_1364 = arith.cmpi eq, %get3A_1339, %gather3A_1363 : vector<16xi32>
    %and3A_1365 = arith.andi %eq3A_1364, %le3A_261 : vector<16xi1>
    %or3A_1366 = arith.ori %or3A_1362, %and3A_1365 : vector<16xi1>
    %gather3A_1367 = tpu.vector_load_idx %arg9[%min3A_190] : memref<16xi32, #tpu.memory_space<vmem>>[vector<16xi32>], vector<16xi32>,
    %eq3A_1368 = arith.cmpi eq, %get3A_1339, %gather3A_1367 : vector<16xi32>
    %and3A_1369 = arith.andi %eq3A_1368, %le3A_264 : vector<16xi1>
    %or3A_1370 = arith.ori %or3A_1366, %and3A_1369 : vector<16xi1>
    %gather3A_1371 = tpu.vector_load_idx %arg9[%min3A_196] : memref<16xi32, #tpu.memory_space<vmem>>[vector<16xi32>], vector<16xi32>,
    %eq3A_1372 = arith.cmpi eq, %get3A_1339, %gather3A_1371 : vector<16xi32>
    %and3A_1373 = arith.andi %eq3A_1372, %le3A_267 : vector<16xi1>
    %or3A_1374 = arith.ori %or3A_1370, %and3A_1373 : vector<16xi1>
    %gather3A_1375 = tpu.vector_load_idx %arg9[%min3A_202] : memref<16xi32, #tpu.memory_space<vmem>>[vector<16xi32>], vector<16xi32>,
    %eq3A_1376 = arith.cmpi eq, %get3A_1339, %gather3A_1375 : vector<16xi32>
    %and3A_1377 = arith.andi %eq3A_1376, %le3A_270 : vector<16xi1>
    %or3A_1378 = arith.ori %or3A_1374, %and3A_1377 : vector<16xi1>
    %gather3A_1379 = tpu.vector_load_idx %arg9[%min3A_208] : memref<16xi32, #tpu.memory_space<vmem>>[vector<16xi32>], vector<16xi32>,
    %eq3A_1380 = arith.cmpi eq, %get3A_1339, %gather3A_1379 : vector<16xi32>
    %and3A_1381 = arith.andi %eq3A_1380, %le3A_273 : vector<16xi1>
    %or3A_1382 = arith.ori %or3A_1378, %and3A_1381 : vector<16xi1>
    %gather3A_1383 = tpu.vector_load_idx %arg9[%min3A_214] : memref<16xi32, #tpu.memory_space<vmem>>[vector<16xi32>], vector<16xi32>,
    %eq3A_1384 = arith.cmpi eq, %get3A_1339, %gather3A_1383 : vector<16xi32>
    %and3A_1385 = arith.andi %eq3A_1384, %le3A_276 : vector<16xi1>
    %or3A_1386 = arith.ori %or3A_1382, %and3A_1385 : vector<16xi1>
    %gather3A_1387 = tpu.vector_load_idx %arg9[%min3A_220] : memref<16xi32, #tpu.memory_space<vmem>>[vector<16xi32>], vector<16xi32>,
    %eq3A_1388 = arith.cmpi eq, %get3A_1339, %gather3A_1387 : vector<16xi32>
    %and3A_1389 = arith.andi %eq3A_1388, %le3A_279 : vector<16xi1>
    %or3A_1390 = arith.ori %or3A_1386, %and3A_1389 : vector<16xi1>
    %gather3A_1391 = tpu.vector_load_idx %arg9[%min3A_226] : memref<16xi32, #tpu.memory_space<vmem>>[vector<16xi32>], vector<16xi32>,
    %eq3A_1392 = arith.cmpi eq, %get3A_1339, %gather3A_1391 : vector<16xi32>
    %and3A_1393 = arith.andi %eq3A_1392, %le3A_282 : vector<16xi1>
    %or3A_1394 = arith.ori %or3A_1390, %and3A_1393 : vector<16xi1>
    %gather3A_1395 = tpu.vector_load_idx %arg9[%min3A_232] : memref<16xi32, #tpu.memory_space<vmem>>[vector<16xi32>], vector<16xi32>,
    %eq3A_1396 = arith.cmpi eq, %get3A_1339, %gather3A_1395 : vector<16xi32>
    %and3A_1397 = arith.andi %eq3A_1396, %le3A_285 : vector<16xi1>
    %or3A_1398 = arith.ori %or3A_1394, %and3A_1397 : vector<16xi1>
    %gather3A_1399 = tpu.vector_load_idx %arg9[%min3A_238] : memref<16xi32, #tpu.memory_space<vmem>>[vector<16xi32>], vector<16xi32>,
    %eq3A_1400 = arith.cmpi eq, %get3A_1339, %gather3A_1399 : vector<16xi32>
    %and3A_1401 = arith.andi %eq3A_1400, %le3A_288 : vector<16xi1>
    %or3A_1402 = arith.ori %or3A_1398, %and3A_1401 : vector<16xi1>
    %gather3A_1403 = tpu.vector_load_idx %arg9[%min3A_244] : memref<16xi32, #tpu.memory_space<vmem>>[vector<16xi32>], vector<16xi32>,
    %eq3A_1404 = arith.cmpi eq, %get3A_1339, %gather3A_1403 : vector<16xi32>
    %and3A_1405 = arith.andi %eq3A_1404, %le3A_291 : vector<16xi1>
    %or3A_1406 = arith.ori %or3A_1402, %and3A_1405 : vector<16xi1>
    %gather3A_1407 = tpu.vector_load_idx %arg9[%min3A_250] : memref<16xi32, #tpu.memory_space<vmem>>[vector<16xi32>], vector<16xi32>,
    %eq3A_1408 = arith.cmpi eq, %get3A_1339, %gather3A_1407 : vector<16xi32>
    %and3A_1409 = arith.andi %eq3A_1408, %le3A_294 : vector<16xi1>
    %or3A_1410 = arith.ori %or3A_1406, %and3A_1409 : vector<16xi1>
    %not3A_1411 = arith.constant dense<true> : vector<16xi1>
    %not3A_1412 = arith.xori %or3A_1410, %not3A_1411 : vector<16xi1>
    tpu.vector_store_idx %arg8[%get3A_1339], %add3A_1345 masked %not3A_1412 : memref<1024xi32, #tpu.memory_space<vmem>>[vector<16xi32>], vector<16xi32>, vector<16xi1>
    %get3A_1413 = arith.constant 240 : index
    %get3A_1414 = tpu.vector_load %arg6[%get3A_1413] {strides = array<i32>} : memref<512xi32, #tpu.memory_space<vmem>>, vector<16xi32>,
    %add3A_1415 = arith.constant 128 : i32
    %add3A_1416 = arith.addi %mul3A_2, %add3A_1415 : i32
    %add3A_1417 = arith.constant 112 : i32
    %add3A_1418 = arith.addi %add3A_1416, %add3A_1417 : i32
    %add3A_1419 = vector.broadcast %add3A_1418 : i32 to vector<16xi32>
    %add3A_1420 = arith.addi %iota3A, %add3A_1419 : vector<16xi32>
    %swap3A_1421 = arith.constant 0 : index
    %swap3A_1422 = tpu.vector_load %arg9[%swap3A_1421] {strides = array<i32>} : memref<16xi32, #tpu.memory_space<vmem>>, vector<16xi32>,
    tpu.vector_store %arg9[%swap3A_1421], %get3A_1414 {strides = array<i32>} : memref<16xi32, #tpu.memory_space<vmem>>, vector<16xi32>,
    %lt3A_1423 = arith.constant 0 : i32
    %lt3A_1424 = vector.broadcast %lt3A_1423 : i32 to vector<16xi32>
    %lt3A_1425 = arith.cmpi slt, %iota3A, %lt3A_1424 : vector<16xi32>
    %gather3A_1426 = tpu.vector_load_idx %arg9[%min3A_166] : memref<16xi32, #tpu.memory_space<vmem>>[vector<16xi32>], vector<16xi32>,
    %eq3A_1427 = arith.cmpi eq, %get3A_1414, %gather3A_1426 : vector<16xi32>
    %and3A_1428 = arith.andi %eq3A_1427, %le3A_252 : vector<16xi1>
    %or3A_1429 = arith.ori %lt3A_1425, %and3A_1428 : vector<16xi1>
    %gather3A_1430 = tpu.vector_load_idx %arg9[%min3A_172] : memref<16xi32, #tpu.memory_space<vmem>>[vector<16xi32>], vector<16xi32>,
    %eq3A_1431 = arith.cmpi eq, %get3A_1414, %gather3A_1430 : vector<16xi32>
    %and3A_1432 = arith.andi %eq3A_1431, %le3A_255 : vector<16xi1>
    %or3A_1433 = arith.ori %or3A_1429, %and3A_1432 : vector<16xi1>
    %gather3A_1434 = tpu.vector_load_idx %arg9[%min3A_178] : memref<16xi32, #tpu.memory_space<vmem>>[vector<16xi32>], vector<16xi32>,
    %eq3A_1435 = arith.cmpi eq, %get3A_1414, %gather3A_1434 : vector<16xi32>
    %and3A_1436 = arith.andi %eq3A_1435, %le3A_258 : vector<16xi1>
    %or3A_1437 = arith.ori %or3A_1433, %and3A_1436 : vector<16xi1>
    %gather3A_1438 = tpu.vector_load_idx %arg9[%min3A_184] : memref<16xi32, #tpu.memory_space<vmem>>[vector<16xi32>], vector<16xi32>,
    %eq3A_1439 = arith.cmpi eq, %get3A_1414, %gather3A_1438 : vector<16xi32>
    %and3A_1440 = arith.andi %eq3A_1439, %le3A_261 : vector<16xi1>
    %or3A_1441 = arith.ori %or3A_1437, %and3A_1440 : vector<16xi1>
    %gather3A_1442 = tpu.vector_load_idx %arg9[%min3A_190] : memref<16xi32, #tpu.memory_space<vmem>>[vector<16xi32>], vector<16xi32>,
    %eq3A_1443 = arith.cmpi eq, %get3A_1414, %gather3A_1442 : vector<16xi32>
    %and3A_1444 = arith.andi %eq3A_1443, %le3A_264 : vector<16xi1>
    %or3A_1445 = arith.ori %or3A_1441, %and3A_1444 : vector<16xi1>
    %gather3A_1446 = tpu.vector_load_idx %arg9[%min3A_196] : memref<16xi32, #tpu.memory_space<vmem>>[vector<16xi32>], vector<16xi32>,
    %eq3A_1447 = arith.cmpi eq, %get3A_1414, %gather3A_1446 : vector<16xi32>
    %and3A_1448 = arith.andi %eq3A_1447, %le3A_267 : vector<16xi1>
    %or3A_1449 = arith.ori %or3A_1445, %and3A_1448 : vector<16xi1>
    %gather3A_1450 = tpu.vector_load_idx %arg9[%min3A_202] : memref<16xi32, #tpu.memory_space<vmem>>[vector<16xi32>], vector<16xi32>,
    %eq3A_1451 = arith.cmpi eq, %get3A_1414, %gather3A_1450 : vector<16xi32>
    %and3A_1452 = arith.andi %eq3A_1451, %le3A_270 : vector<16xi1>
    %or3A_1453 = arith.ori %or3A_1449, %and3A_1452 : vector<16xi1>
    %gather3A_1454 = tpu.vector_load_idx %arg9[%min3A_208] : memref<16xi32, #tpu.memory_space<vmem>>[vector<16xi32>], vector<16xi32>,
    %eq3A_1455 = arith.cmpi eq, %get3A_1414, %gather3A_1454 : vector<16xi32>
    %and3A_1456 = arith.andi %eq3A_1455, %le3A_273 : vector<16xi1>
    %or3A_1457 = arith.ori %or3A_1453, %and3A_1456 : vector<16xi1>
    %gather3A_1458 = tpu.vector_load_idx %arg9[%min3A_214] : memref<16xi32, #tpu.memory_space<vmem>>[vector<16xi32>], vector<16xi32>,
    %eq3A_1459 = arith.cmpi eq, %get3A_1414, %gather3A_1458 : vector<16xi32>
    %and3A_1460 = arith.andi %eq3A_1459, %le3A_276 : vector<16xi1>
    %or3A_1461 = arith.ori %or3A_1457, %and3A_1460 : vector<16xi1>
    %gather3A_1462 = tpu.vector_load_idx %arg9[%min3A_220] : memref<16xi32, #tpu.memory_space<vmem>>[vector<16xi32>], vector<16xi32>,
    %eq3A_1463 = arith.cmpi eq, %get3A_1414, %gather3A_1462 : vector<16xi32>
    %and3A_1464 = arith.andi %eq3A_1463, %le3A_279 : vector<16xi1>
    %or3A_1465 = arith.ori %or3A_1461, %and3A_1464 : vector<16xi1>
    %gather3A_1466 = tpu.vector_load_idx %arg9[%min3A_226] : memref<16xi32, #tpu.memory_space<vmem>>[vector<16xi32>], vector<16xi32>,
    %eq3A_1467 = arith.cmpi eq, %get3A_1414, %gather3A_1466 : vector<16xi32>
    %and3A_1468 = arith.andi %eq3A_1467, %le3A_282 : vector<16xi1>
    %or3A_1469 = arith.ori %or3A_1465, %and3A_1468 : vector<16xi1>
    %gather3A_1470 = tpu.vector_load_idx %arg9[%min3A_232] : memref<16xi32, #tpu.memory_space<vmem>>[vector<16xi32>], vector<16xi32>,
    %eq3A_1471 = arith.cmpi eq, %get3A_1414, %gather3A_1470 : vector<16xi32>
    %and3A_1472 = arith.andi %eq3A_1471, %le3A_285 : vector<16xi1>
    %or3A_1473 = arith.ori %or3A_1469, %and3A_1472 : vector<16xi1>
    %gather3A_1474 = tpu.vector_load_idx %arg9[%min3A_238] : memref<16xi32, #tpu.memory_space<vmem>>[vector<16xi32>], vector<16xi32>,
    %eq3A_1475 = arith.cmpi eq, %get3A_1414, %gather3A_1474 : vector<16xi32>
    %and3A_1476 = arith.andi %eq3A_1475, %le3A_288 : vector<16xi1>
    %or3A_1477 = arith.ori %or3A_1473, %and3A_1476 : vector<16xi1>
    %gather3A_1478 = tpu.vector_load_idx %arg9[%min3A_244] : memref<16xi32, #tpu.memory_space<vmem>>[vector<16xi32>], vector<16xi32>,
    %eq3A_1479 = arith.cmpi eq, %get3A_1414, %gather3A_1478 : vector<16xi32>
    %and3A_1480 = arith.andi %eq3A_1479, %le3A_291 : vector<16xi1>
    %or3A_1481 = arith.ori %or3A_1477, %and3A_1480 : vector<16xi1>
    %gather3A_1482 = tpu.vector_load_idx %arg9[%min3A_250] : memref<16xi32, #tpu.memory_space<vmem>>[vector<16xi32>], vector<16xi32>,
    %eq3A_1483 = arith.cmpi eq, %get3A_1414, %gather3A_1482 : vector<16xi32>
    %and3A_1484 = arith.andi %eq3A_1483, %le3A_294 : vector<16xi1>
    %or3A_1485 = arith.ori %or3A_1481, %and3A_1484 : vector<16xi1>
    %not3A_1486 = arith.constant dense<true> : vector<16xi1>
    %not3A_1487 = arith.xori %or3A_1485, %not3A_1486 : vector<16xi1>
    tpu.vector_store_idx %arg8[%get3A_1414], %add3A_1420 masked %not3A_1487 : memref<1024xi32, #tpu.memory_space<vmem>>[vector<16xi32>], vector<16xi32>, vector<16xi1>
    %get3A_1488 = arith.constant 256 : index
    %get3A_1489 = tpu.vector_load %arg6[%get3A_1488] {strides = array<i32>} : memref<512xi32, #tpu.memory_space<vmem>>, vector<16xi32>,
    %add3A_1490 = arith.constant 256 : i32
    %add3A_1491 = arith.addi %mul3A_2, %add3A_1490 : i32
    %add3A_1492 = arith.constant 0 : i32
    %add3A_1493 = arith.addi %add3A_1491, %add3A_1492 : i32
    %add3A_1494 = vector.broadcast %add3A_1493 : i32 to vector<16xi32>
    %add3A_1495 = arith.addi %iota3A, %add3A_1494 : vector<16xi32>
    %swap3A_1496 = arith.constant 0 : index
    %swap3A_1497 = tpu.vector_load %arg9[%swap3A_1496] {strides = array<i32>} : memref<16xi32, #tpu.memory_space<vmem>>, vector<16xi32>,
    tpu.vector_store %arg9[%swap3A_1496], %get3A_1489 {strides = array<i32>} : memref<16xi32, #tpu.memory_space<vmem>>, vector<16xi32>,
    %lt3A_1498 = arith.constant 0 : i32
    %lt3A_1499 = vector.broadcast %lt3A_1498 : i32 to vector<16xi32>
    %lt3A_1500 = arith.cmpi slt, %iota3A, %lt3A_1499 : vector<16xi32>
    %gather3A_1501 = tpu.vector_load_idx %arg9[%min3A_166] : memref<16xi32, #tpu.memory_space<vmem>>[vector<16xi32>], vector<16xi32>,
    %eq3A_1502 = arith.cmpi eq, %get3A_1489, %gather3A_1501 : vector<16xi32>
    %and3A_1503 = arith.andi %eq3A_1502, %le3A_252 : vector<16xi1>
    %or3A_1504 = arith.ori %lt3A_1500, %and3A_1503 : vector<16xi1>
    %gather3A_1505 = tpu.vector_load_idx %arg9[%min3A_172] : memref<16xi32, #tpu.memory_space<vmem>>[vector<16xi32>], vector<16xi32>,
    %eq3A_1506 = arith.cmpi eq, %get3A_1489, %gather3A_1505 : vector<16xi32>
    %and3A_1507 = arith.andi %eq3A_1506, %le3A_255 : vector<16xi1>
    %or3A_1508 = arith.ori %or3A_1504, %and3A_1507 : vector<16xi1>
    %gather3A_1509 = tpu.vector_load_idx %arg9[%min3A_178] : memref<16xi32, #tpu.memory_space<vmem>>[vector<16xi32>], vector<16xi32>,
    %eq3A_1510 = arith.cmpi eq, %get3A_1489, %gather3A_1509 : vector<16xi32>
    %and3A_1511 = arith.andi %eq3A_1510, %le3A_258 : vector<16xi1>
    %or3A_1512 = arith.ori %or3A_1508, %and3A_1511 : vector<16xi1>
    %gather3A_1513 = tpu.vector_load_idx %arg9[%min3A_184] : memref<16xi32, #tpu.memory_space<vmem>>[vector<16xi32>], vector<16xi32>,
    %eq3A_1514 = arith.cmpi eq, %get3A_1489, %gather3A_1513 : vector<16xi32>
    %and3A_1515 = arith.andi %eq3A_1514, %le3A_261 : vector<16xi1>
    %or3A_1516 = arith.ori %or3A_1512, %and3A_1515 : vector<16xi1>
    %gather3A_1517 = tpu.vector_load_idx %arg9[%min3A_190] : memref<16xi32, #tpu.memory_space<vmem>>[vector<16xi32>], vector<16xi32>,
    %eq3A_1518 = arith.cmpi eq, %get3A_1489, %gather3A_1517 : vector<16xi32>
    %and3A_1519 = arith.andi %eq3A_1518, %le3A_264 : vector<16xi1>
    %or3A_1520 = arith.ori %or3A_1516, %and3A_1519 : vector<16xi1>
    %gather3A_1521 = tpu.vector_load_idx %arg9[%min3A_196] : memref<16xi32, #tpu.memory_space<vmem>>[vector<16xi32>], vector<16xi32>,
    %eq3A_1522 = arith.cmpi eq, %get3A_1489, %gather3A_1521 : vector<16xi32>
    %and3A_1523 = arith.andi %eq3A_1522, %le3A_267 : vector<16xi1>
    %or3A_1524 = arith.ori %or3A_1520, %and3A_1523 : vector<16xi1>
    %gather3A_1525 = tpu.vector_load_idx %arg9[%min3A_202] : memref<16xi32, #tpu.memory_space<vmem>>[vector<16xi32>], vector<16xi32>,
    %eq3A_1526 = arith.cmpi eq, %get3A_1489, %gather3A_1525 : vector<16xi32>
    %and3A_1527 = arith.andi %eq3A_1526, %le3A_270 : vector<16xi1>
    %or3A_1528 = arith.ori %or3A_1524, %and3A_1527 : vector<16xi1>
    %gather3A_1529 = tpu.vector_load_idx %arg9[%min3A_208] : memref<16xi32, #tpu.memory_space<vmem>>[vector<16xi32>], vector<16xi32>,
    %eq3A_1530 = arith.cmpi eq, %get3A_1489, %gather3A_1529 : vector<16xi32>
    %and3A_1531 = arith.andi %eq3A_1530, %le3A_273 : vector<16xi1>
    %or3A_1532 = arith.ori %or3A_1528, %and3A_1531 : vector<16xi1>
    %gather3A_1533 = tpu.vector_load_idx %arg9[%min3A_214] : memref<16xi32, #tpu.memory_space<vmem>>[vector<16xi32>], vector<16xi32>,
    %eq3A_1534 = arith.cmpi eq, %get3A_1489, %gather3A_1533 : vector<16xi32>
    %and3A_1535 = arith.andi %eq3A_1534, %le3A_276 : vector<16xi1>
    %or3A_1536 = arith.ori %or3A_1532, %and3A_1535 : vector<16xi1>
    %gather3A_1537 = tpu.vector_load_idx %arg9[%min3A_220] : memref<16xi32, #tpu.memory_space<vmem>>[vector<16xi32>], vector<16xi32>,
    %eq3A_1538 = arith.cmpi eq, %get3A_1489, %gather3A_1537 : vector<16xi32>
    %and3A_1539 = arith.andi %eq3A_1538, %le3A_279 : vector<16xi1>
    %or3A_1540 = arith.ori %or3A_1536, %and3A_1539 : vector<16xi1>
    %gather3A_1541 = tpu.vector_load_idx %arg9[%min3A_226] : memref<16xi32, #tpu.memory_space<vmem>>[vector<16xi32>], vector<16xi32>,
    %eq3A_1542 = arith.cmpi eq, %get3A_1489, %gather3A_1541 : vector<16xi32>
    %and3A_1543 = arith.andi %eq3A_1542, %le3A_282 : vector<16xi1>
    %or3A_1544 = arith.ori %or3A_1540, %and3A_1543 : vector<16xi1>
    %gather3A_1545 = tpu.vector_load_idx %arg9[%min3A_232] : memref<16xi32, #tpu.memory_space<vmem>>[vector<16xi32>], vector<16xi32>,
    %eq3A_1546 = arith.cmpi eq, %get3A_1489, %gather3A_1545 : vector<16xi32>
    %and3A_1547 = arith.andi %eq3A_1546, %le3A_285 : vector<16xi1>
    %or3A_1548 = arith.ori %or3A_1544, %and3A_1547 : vector<16xi1>
    %gather3A_1549 = tpu.vector_load_idx %arg9[%min3A_238] : memref<16xi32, #tpu.memory_space<vmem>>[vector<16xi32>], vector<16xi32>,
    %eq3A_1550 = arith.cmpi eq, %get3A_1489, %gather3A_1549 : vector<16xi32>
    %and3A_1551 = arith.andi %eq3A_1550, %le3A_288 : vector<16xi1>
    %or3A_1552 = arith.ori %or3A_1548, %and3A_1551 : vector<16xi1>
    %gather3A_1553 = tpu.vector_load_idx %arg9[%min3A_244] : memref<16xi32, #tpu.memory_space<vmem>>[vector<16xi32>], vector<16xi32>,
    %eq3A_1554 = arith.cmpi eq, %get3A_1489, %gather3A_1553 : vector<16xi32>
    %and3A_1555 = arith.andi %eq3A_1554, %le3A_291 : vector<16xi1>
    %or3A_1556 = arith.ori %or3A_1552, %and3A_1555 : vector<16xi1>
    %gather3A_1557 = tpu.vector_load_idx %arg9[%min3A_250] : memref<16xi32, #tpu.memory_space<vmem>>[vector<16xi32>], vector<16xi32>,
    %eq3A_1558 = arith.cmpi eq, %get3A_1489, %gather3A_1557 : vector<16xi32>
    %and3A_1559 = arith.andi %eq3A_1558, %le3A_294 : vector<16xi1>
    %or3A_1560 = arith.ori %or3A_1556, %and3A_1559 : vector<16xi1>
    %not3A_1561 = arith.constant dense<true> : vector<16xi1>
    %not3A_1562 = arith.xori %or3A_1560, %not3A_1561 : vector<16xi1>
    tpu.vector_store_idx %arg8[%get3A_1489], %add3A_1495 masked %not3A_1562 : memref<1024xi32, #tpu.memory_space<vmem>>[vector<16xi32>], vector<16xi32>, vector<16xi1>
    %get3A_1563 = arith.constant 272 : index
    %get3A_1564 = tpu.vector_load %arg6[%get3A_1563] {strides = array<i32>} : memref<512xi32, #tpu.memory_space<vmem>>, vector<16xi32>,
    %add3A_1565 = arith.constant 256 : i32
    %add3A_1566 = arith.addi %mul3A_2, %add3A_1565 : i32
    %add3A_1567 = arith.constant 16 : i32
    %add3A_1568 = arith.addi %add3A_1566, %add3A_1567 : i32
    %add3A_1569 = vector.broadcast %add3A_1568 : i32 to vector<16xi32>
    %add3A_1570 = arith.addi %iota3A, %add3A_1569 : vector<16xi32>
    %swap3A_1571 = arith.constant 0 : index
    %swap3A_1572 = tpu.vector_load %arg9[%swap3A_1571] {strides = array<i32>} : memref<16xi32, #tpu.memory_space<vmem>>, vector<16xi32>,
    tpu.vector_store %arg9[%swap3A_1571], %get3A_1564 {strides = array<i32>} : memref<16xi32, #tpu.memory_space<vmem>>, vector<16xi32>,
    %lt3A_1573 = arith.constant 0 : i32
    %lt3A_1574 = vector.broadcast %lt3A_1573 : i32 to vector<16xi32>
    %lt3A_1575 = arith.cmpi slt, %iota3A, %lt3A_1574 : vector<16xi32>
    %gather3A_1576 = tpu.vector_load_idx %arg9[%min3A_166] : memref<16xi32, #tpu.memory_space<vmem>>[vector<16xi32>], vector<16xi32>,
    %eq3A_1577 = arith.cmpi eq, %get3A_1564, %gather3A_1576 : vector<16xi32>
    %and3A_1578 = arith.andi %eq3A_1577, %le3A_252 : vector<16xi1>
    %or3A_1579 = arith.ori %lt3A_1575, %and3A_1578 : vector<16xi1>
    %gather3A_1580 = tpu.vector_load_idx %arg9[%min3A_172] : memref<16xi32, #tpu.memory_space<vmem>>[vector<16xi32>], vector<16xi32>,
    %eq3A_1581 = arith.cmpi eq, %get3A_1564, %gather3A_1580 : vector<16xi32>
    %and3A_1582 = arith.andi %eq3A_1581, %le3A_255 : vector<16xi1>
    %or3A_1583 = arith.ori %or3A_1579, %and3A_1582 : vector<16xi1>
    %gather3A_1584 = tpu.vector_load_idx %arg9[%min3A_178] : memref<16xi32, #tpu.memory_space<vmem>>[vector<16xi32>], vector<16xi32>,
    %eq3A_1585 = arith.cmpi eq, %get3A_1564, %gather3A_1584 : vector<16xi32>
    %and3A_1586 = arith.andi %eq3A_1585, %le3A_258 : vector<16xi1>
    %or3A_1587 = arith.ori %or3A_1583, %and3A_1586 : vector<16xi1>
    %gather3A_1588 = tpu.vector_load_idx %arg9[%min3A_184] : memref<16xi32, #tpu.memory_space<vmem>>[vector<16xi32>], vector<16xi32>,
    %eq3A_1589 = arith.cmpi eq, %get3A_1564, %gather3A_1588 : vector<16xi32>
    %and3A_1590 = arith.andi %eq3A_1589, %le3A_261 : vector<16xi1>
    %or3A_1591 = arith.ori %or3A_1587, %and3A_1590 : vector<16xi1>
    %gather3A_1592 = tpu.vector_load_idx %arg9[%min3A_190] : memref<16xi32, #tpu.memory_space<vmem>>[vector<16xi32>], vector<16xi32>,
    %eq3A_1593 = arith.cmpi eq, %get3A_1564, %gather3A_1592 : vector<16xi32>
    %and3A_1594 = arith.andi %eq3A_1593, %le3A_264 : vector<16xi1>
    %or3A_1595 = arith.ori %or3A_1591, %and3A_1594 : vector<16xi1>
    %gather3A_1596 = tpu.vector_load_idx %arg9[%min3A_196] : memref<16xi32, #tpu.memory_space<vmem>>[vector<16xi32>], vector<16xi32>,
    %eq3A_1597 = arith.cmpi eq, %get3A_1564, %gather3A_1596 : vector<16xi32>
    %and3A_1598 = arith.andi %eq3A_1597, %le3A_267 : vector<16xi1>
    %or3A_1599 = arith.ori %or3A_1595, %and3A_1598 : vector<16xi1>
    %gather3A_1600 = tpu.vector_load_idx %arg9[%min3A_202] : memref<16xi32, #tpu.memory_space<vmem>>[vector<16xi32>], vector<16xi32>,
    %eq3A_1601 = arith.cmpi eq, %get3A_1564, %gather3A_1600 : vector<16xi32>
    %and3A_1602 = arith.andi %eq3A_1601, %le3A_270 : vector<16xi1>
    %or3A_1603 = arith.ori %or3A_1599, %and3A_1602 : vector<16xi1>
    %gather3A_1604 = tpu.vector_load_idx %arg9[%min3A_208] : memref<16xi32, #tpu.memory_space<vmem>>[vector<16xi32>], vector<16xi32>,
    %eq3A_1605 = arith.cmpi eq, %get3A_1564, %gather3A_1604 : vector<16xi32>
    %and3A_1606 = arith.andi %eq3A_1605, %le3A_273 : vector<16xi1>
    %or3A_1607 = arith.ori %or3A_1603, %and3A_1606 : vector<16xi1>
    %gather3A_1608 = tpu.vector_load_idx %arg9[%min3A_214] : memref<16xi32, #tpu.memory_space<vmem>>[vector<16xi32>], vector<16xi32>,
    %eq3A_1609 = arith.cmpi eq, %get3A_1564, %gather3A_1608 : vector<16xi32>
    %and3A_1610 = arith.andi %eq3A_1609, %le3A_276 : vector<16xi1>
    %or3A_1611 = arith.ori %or3A_1607, %and3A_1610 : vector<16xi1>
    %gather3A_1612 = tpu.vector_load_idx %arg9[%min3A_220] : memref<16xi32, #tpu.memory_space<vmem>>[vector<16xi32>], vector<16xi32>,
    %eq3A_1613 = arith.cmpi eq, %get3A_1564, %gather3A_1612 : vector<16xi32>
    %and3A_1614 = arith.andi %eq3A_1613, %le3A_279 : vector<16xi1>
    %or3A_1615 = arith.ori %or3A_1611, %and3A_1614 : vector<16xi1>
    %gather3A_1616 = tpu.vector_load_idx %arg9[%min3A_226] : memref<16xi32, #tpu.memory_space<vmem>>[vector<16xi32>], vector<16xi32>,
    %eq3A_1617 = arith.cmpi eq, %get3A_1564, %gather3A_1616 : vector<16xi32>
    %and3A_1618 = arith.andi %eq3A_1617, %le3A_282 : vector<16xi1>
    %or3A_1619 = arith.ori %or3A_1615, %and3A_1618 : vector<16xi1>
    %gather3A_1620 = tpu.vector_load_idx %arg9[%min3A_232] : memref<16xi32, #tpu.memory_space<vmem>>[vector<16xi32>], vector<16xi32>,
    %eq3A_1621 = arith.cmpi eq, %get3A_1564, %gather3A_1620 : vector<16xi32>
    %and3A_1622 = arith.andi %eq3A_1621, %le3A_285 : vector<16xi1>
    %or3A_1623 = arith.ori %or3A_1619, %and3A_1622 : vector<16xi1>
    %gather3A_1624 = tpu.vector_load_idx %arg9[%min3A_238] : memref<16xi32, #tpu.memory_space<vmem>>[vector<16xi32>], vector<16xi32>,
    %eq3A_1625 = arith.cmpi eq, %get3A_1564, %gather3A_1624 : vector<16xi32>
    %and3A_1626 = arith.andi %eq3A_1625, %le3A_288 : vector<16xi1>
    %or3A_1627 = arith.ori %or3A_1623, %and3A_1626 : vector<16xi1>
    %gather3A_1628 = tpu.vector_load_idx %arg9[%min3A_244] : memref<16xi32, #tpu.memory_space<vmem>>[vector<16xi32>], vector<16xi32>,
    %eq3A_1629 = arith.cmpi eq, %get3A_1564, %gather3A_1628 : vector<16xi32>
    %and3A_1630 = arith.andi %eq3A_1629, %le3A_291 : vector<16xi1>
    %or3A_1631 = arith.ori %or3A_1627, %and3A_1630 : vector<16xi1>
    %gather3A_1632 = tpu.vector_load_idx %arg9[%min3A_250] : memref<16xi32, #tpu.memory_space<vmem>>[vector<16xi32>], vector<16xi32>,
    %eq3A_1633 = arith.cmpi eq, %get3A_1564, %gather3A_1632 : vector<16xi32>
    %and3A_1634 = arith.andi %eq3A_1633, %le3A_294 : vector<16xi1>
    %or3A_1635 = arith.ori %or3A_1631, %and3A_1634 : vector<16xi1>
    %not3A_1636 = arith.constant dense<true> : vector<16xi1>
    %not3A_1637 = arith.xori %or3A_1635, %not3A_1636 : vector<16xi1>
    tpu.vector_store_idx %arg8[%get3A_1564], %add3A_1570 masked %not3A_1637 : memref<1024xi32, #tpu.memory_space<vmem>>[vector<16xi32>], vector<16xi32>, vector<16xi1>
    %get3A_1638 = arith.constant 288 : index
    %get3A_1639 = tpu.vector_load %arg6[%get3A_1638] {strides = array<i32>} : memref<512xi32, #tpu.memory_space<vmem>>, vector<16xi32>,
    %add3A_1640 = arith.constant 256 : i32
    %add3A_1641 = arith.addi %mul3A_2, %add3A_1640 : i32
    %add3A_1642 = arith.constant 32 : i32
    %add3A_1643 = arith.addi %add3A_1641, %add3A_1642 : i32
    %add3A_1644 = vector.broadcast %add3A_1643 : i32 to vector<16xi32>
    %add3A_1645 = arith.addi %iota3A, %add3A_1644 : vector<16xi32>
    %swap3A_1646 = arith.constant 0 : index
    %swap3A_1647 = tpu.vector_load %arg9[%swap3A_1646] {strides = array<i32>} : memref<16xi32, #tpu.memory_space<vmem>>, vector<16xi32>,
    tpu.vector_store %arg9[%swap3A_1646], %get3A_1639 {strides = array<i32>} : memref<16xi32, #tpu.memory_space<vmem>>, vector<16xi32>,
    %lt3A_1648 = arith.constant 0 : i32
    %lt3A_1649 = vector.broadcast %lt3A_1648 : i32 to vector<16xi32>
    %lt3A_1650 = arith.cmpi slt, %iota3A, %lt3A_1649 : vector<16xi32>
    %gather3A_1651 = tpu.vector_load_idx %arg9[%min3A_166] : memref<16xi32, #tpu.memory_space<vmem>>[vector<16xi32>], vector<16xi32>,
    %eq3A_1652 = arith.cmpi eq, %get3A_1639, %gather3A_1651 : vector<16xi32>
    %and3A_1653 = arith.andi %eq3A_1652, %le3A_252 : vector<16xi1>
    %or3A_1654 = arith.ori %lt3A_1650, %and3A_1653 : vector<16xi1>
    %gather3A_1655 = tpu.vector_load_idx %arg9[%min3A_172] : memref<16xi32, #tpu.memory_space<vmem>>[vector<16xi32>], vector<16xi32>,
    %eq3A_1656 = arith.cmpi eq, %get3A_1639, %gather3A_1655 : vector<16xi32>
    %and3A_1657 = arith.andi %eq3A_1656, %le3A_255 : vector<16xi1>
    %or3A_1658 = arith.ori %or3A_1654, %and3A_1657 : vector<16xi1>
    %gather3A_1659 = tpu.vector_load_idx %arg9[%min3A_178] : memref<16xi32, #tpu.memory_space<vmem>>[vector<16xi32>], vector<16xi32>,
    %eq3A_1660 = arith.cmpi eq, %get3A_1639, %gather3A_1659 : vector<16xi32>
    %and3A_1661 = arith.andi %eq3A_1660, %le3A_258 : vector<16xi1>
    %or3A_1662 = arith.ori %or3A_1658, %and3A_1661 : vector<16xi1>
    %gather3A_1663 = tpu.vector_load_idx %arg9[%min3A_184] : memref<16xi32, #tpu.memory_space<vmem>>[vector<16xi32>], vector<16xi32>,
    %eq3A_1664 = arith.cmpi eq, %get3A_1639, %gather3A_1663 : vector<16xi32>
    %and3A_1665 = arith.andi %eq3A_1664, %le3A_261 : vector<16xi1>
    %or3A_1666 = arith.ori %or3A_1662, %and3A_1665 : vector<16xi1>
    %gather3A_1667 = tpu.vector_load_idx %arg9[%min3A_190] : memref<16xi32, #tpu.memory_space<vmem>>[vector<16xi32>], vector<16xi32>,
    %eq3A_1668 = arith.cmpi eq, %get3A_1639, %gather3A_1667 : vector<16xi32>
    %and3A_1669 = arith.andi %eq3A_1668, %le3A_264 : vector<16xi1>
    %or3A_1670 = arith.ori %or3A_1666, %and3A_1669 : vector<16xi1>
    %gather3A_1671 = tpu.vector_load_idx %arg9[%min3A_196] : memref<16xi32, #tpu.memory_space<vmem>>[vector<16xi32>], vector<16xi32>,
    %eq3A_1672 = arith.cmpi eq, %get3A_1639, %gather3A_1671 : vector<16xi32>
    %and3A_1673 = arith.andi %eq3A_1672, %le3A_267 : vector<16xi1>
    %or3A_1674 = arith.ori %or3A_1670, %and3A_1673 : vector<16xi1>
    %gather3A_1675 = tpu.vector_load_idx %arg9[%min3A_202] : memref<16xi32, #tpu.memory_space<vmem>>[vector<16xi32>], vector<16xi32>,
    %eq3A_1676 = arith.cmpi eq, %get3A_1639, %gather3A_1675 : vector<16xi32>
    %and3A_1677 = arith.andi %eq3A_1676, %le3A_270 : vector<16xi1>
    %or3A_1678 = arith.ori %or3A_1674, %and3A_1677 : vector<16xi1>
    %gather3A_1679 = tpu.vector_load_idx %arg9[%min3A_208] : memref<16xi32, #tpu.memory_space<vmem>>[vector<16xi32>], vector<16xi32>,
    %eq3A_1680 = arith.cmpi eq, %get3A_1639, %gather3A_1679 : vector<16xi32>
    %and3A_1681 = arith.andi %eq3A_1680, %le3A_273 : vector<16xi1>
    %or3A_1682 = arith.ori %or3A_1678, %and3A_1681 : vector<16xi1>
    %gather3A_1683 = tpu.vector_load_idx %arg9[%min3A_214] : memref<16xi32, #tpu.memory_space<vmem>>[vector<16xi32>], vector<16xi32>,
    %eq3A_1684 = arith.cmpi eq, %get3A_1639, %gather3A_1683 : vector<16xi32>
    %and3A_1685 = arith.andi %eq3A_1684, %le3A_276 : vector<16xi1>
    %or3A_1686 = arith.ori %or3A_1682, %and3A_1685 : vector<16xi1>
    %gather3A_1687 = tpu.vector_load_idx %arg9[%min3A_220] : memref<16xi32, #tpu.memory_space<vmem>>[vector<16xi32>], vector<16xi32>,
    %eq3A_1688 = arith.cmpi eq, %get3A_1639, %gather3A_1687 : vector<16xi32>
    %and3A_1689 = arith.andi %eq3A_1688, %le3A_279 : vector<16xi1>
    %or3A_1690 = arith.ori %or3A_1686, %and3A_1689 : vector<16xi1>
    %gather3A_1691 = tpu.vector_load_idx %arg9[%min3A_226] : memref<16xi32, #tpu.memory_space<vmem>>[vector<16xi32>], vector<16xi32>,
    %eq3A_1692 = arith.cmpi eq, %get3A_1639, %gather3A_1691 : vector<16xi32>
    %and3A_1693 = arith.andi %eq3A_1692, %le3A_282 : vector<16xi1>
    %or3A_1694 = arith.ori %or3A_1690, %and3A_1693 : vector<16xi1>
    %gather3A_1695 = tpu.vector_load_idx %arg9[%min3A_232] : memref<16xi32, #tpu.memory_space<vmem>>[vector<16xi32>], vector<16xi32>,
    %eq3A_1696 = arith.cmpi eq, %get3A_1639, %gather3A_1695 : vector<16xi32>
    %and3A_1697 = arith.andi %eq3A_1696, %le3A_285 : vector<16xi1>
    %or3A_1698 = arith.ori %or3A_1694, %and3A_1697 : vector<16xi1>
    %gather3A_1699 = tpu.vector_load_idx %arg9[%min3A_238] : memref<16xi32, #tpu.memory_space<vmem>>[vector<16xi32>], vector<16xi32>,
    %eq3A_1700 = arith.cmpi eq, %get3A_1639, %gather3A_1699 : vector<16xi32>
    %and3A_1701 = arith.andi %eq3A_1700, %le3A_288 : vector<16xi1>
    %or3A_1702 = arith.ori %or3A_1698, %and3A_1701 : vector<16xi1>
    %gather3A_1703 = tpu.vector_load_idx %arg9[%min3A_244] : memref<16xi32, #tpu.memory_space<vmem>>[vector<16xi32>], vector<16xi32>,
    %eq3A_1704 = arith.cmpi eq, %get3A_1639, %gather3A_1703 : vector<16xi32>
    %and3A_1705 = arith.andi %eq3A_1704, %le3A_291 : vector<16xi1>
    %or3A_1706 = arith.ori %or3A_1702, %and3A_1705 : vector<16xi1>
    %gather3A_1707 = tpu.vector_load_idx %arg9[%min3A_250] : memref<16xi32, #tpu.memory_space<vmem>>[vector<16xi32>], vector<16xi32>,
    %eq3A_1708 = arith.cmpi eq, %get3A_1639, %gather3A_1707 : vector<16xi32>
    %and3A_1709 = arith.andi %eq3A_1708, %le3A_294 : vector<16xi1>
    %or3A_1710 = arith.ori %or3A_1706, %and3A_1709 : vector<16xi1>
    %not3A_1711 = arith.constant dense<true> : vector<16xi1>
    %not3A_1712 = arith.xori %or3A_1710, %not3A_1711 : vector<16xi1>
    tpu.vector_store_idx %arg8[%get3A_1639], %add3A_1645 masked %not3A_1712 : memref<1024xi32, #tpu.memory_space<vmem>>[vector<16xi32>], vector<16xi32>, vector<16xi1>
    %get3A_1713 = arith.constant 304 : index
    %get3A_1714 = tpu.vector_load %arg6[%get3A_1713] {strides = array<i32>} : memref<512xi32, #tpu.memory_space<vmem>>, vector<16xi32>,
    %add3A_1715 = arith.constant 256 : i32
    %add3A_1716 = arith.addi %mul3A_2, %add3A_1715 : i32
    %add3A_1717 = arith.constant 48 : i32
    %add3A_1718 = arith.addi %add3A_1716, %add3A_1717 : i32
    %add3A_1719 = vector.broadcast %add3A_1718 : i32 to vector<16xi32>
    %add3A_1720 = arith.addi %iota3A, %add3A_1719 : vector<16xi32>
    %swap3A_1721 = arith.constant 0 : index
    %swap3A_1722 = tpu.vector_load %arg9[%swap3A_1721] {strides = array<i32>} : memref<16xi32, #tpu.memory_space<vmem>>, vector<16xi32>,
    tpu.vector_store %arg9[%swap3A_1721], %get3A_1714 {strides = array<i32>} : memref<16xi32, #tpu.memory_space<vmem>>, vector<16xi32>,
    %lt3A_1723 = arith.constant 0 : i32
    %lt3A_1724 = vector.broadcast %lt3A_1723 : i32 to vector<16xi32>
    %lt3A_1725 = arith.cmpi slt, %iota3A, %lt3A_1724 : vector<16xi32>
    %gather3A_1726 = tpu.vector_load_idx %arg9[%min3A_166] : memref<16xi32, #tpu.memory_space<vmem>>[vector<16xi32>], vector<16xi32>,
    %eq3A_1727 = arith.cmpi eq, %get3A_1714, %gather3A_1726 : vector<16xi32>
    %and3A_1728 = arith.andi %eq3A_1727, %le3A_252 : vector<16xi1>
    %or3A_1729 = arith.ori %lt3A_1725, %and3A_1728 : vector<16xi1>
    %gather3A_1730 = tpu.vector_load_idx %arg9[%min3A_172] : memref<16xi32, #tpu.memory_space<vmem>>[vector<16xi32>], vector<16xi32>,
    %eq3A_1731 = arith.cmpi eq, %get3A_1714, %gather3A_1730 : vector<16xi32>
    %and3A_1732 = arith.andi %eq3A_1731, %le3A_255 : vector<16xi1>
    %or3A_1733 = arith.ori %or3A_1729, %and3A_1732 : vector<16xi1>
    %gather3A_1734 = tpu.vector_load_idx %arg9[%min3A_178] : memref<16xi32, #tpu.memory_space<vmem>>[vector<16xi32>], vector<16xi32>,
    %eq3A_1735 = arith.cmpi eq, %get3A_1714, %gather3A_1734 : vector<16xi32>
    %and3A_1736 = arith.andi %eq3A_1735, %le3A_258 : vector<16xi1>
    %or3A_1737 = arith.ori %or3A_1733, %and3A_1736 : vector<16xi1>
    %gather3A_1738 = tpu.vector_load_idx %arg9[%min3A_184] : memref<16xi32, #tpu.memory_space<vmem>>[vector<16xi32>], vector<16xi32>,
    %eq3A_1739 = arith.cmpi eq, %get3A_1714, %gather3A_1738 : vector<16xi32>
    %and3A_1740 = arith.andi %eq3A_1739, %le3A_261 : vector<16xi1>
    %or3A_1741 = arith.ori %or3A_1737, %and3A_1740 : vector<16xi1>
    %gather3A_1742 = tpu.vector_load_idx %arg9[%min3A_190] : memref<16xi32, #tpu.memory_space<vmem>>[vector<16xi32>], vector<16xi32>,
    %eq3A_1743 = arith.cmpi eq, %get3A_1714, %gather3A_1742 : vector<16xi32>
    %and3A_1744 = arith.andi %eq3A_1743, %le3A_264 : vector<16xi1>
    %or3A_1745 = arith.ori %or3A_1741, %and3A_1744 : vector<16xi1>
    %gather3A_1746 = tpu.vector_load_idx %arg9[%min3A_196] : memref<16xi32, #tpu.memory_space<vmem>>[vector<16xi32>], vector<16xi32>,
    %eq3A_1747 = arith.cmpi eq, %get3A_1714, %gather3A_1746 : vector<16xi32>
    %and3A_1748 = arith.andi %eq3A_1747, %le3A_267 : vector<16xi1>
    %or3A_1749 = arith.ori %or3A_1745, %and3A_1748 : vector<16xi1>
    %gather3A_1750 = tpu.vector_load_idx %arg9[%min3A_202] : memref<16xi32, #tpu.memory_space<vmem>>[vector<16xi32>], vector<16xi32>,
    %eq3A_1751 = arith.cmpi eq, %get3A_1714, %gather3A_1750 : vector<16xi32>
    %and3A_1752 = arith.andi %eq3A_1751, %le3A_270 : vector<16xi1>
    %or3A_1753 = arith.ori %or3A_1749, %and3A_1752 : vector<16xi1>
    %gather3A_1754 = tpu.vector_load_idx %arg9[%min3A_208] : memref<16xi32, #tpu.memory_space<vmem>>[vector<16xi32>], vector<16xi32>,
    %eq3A_1755 = arith.cmpi eq, %get3A_1714, %gather3A_1754 : vector<16xi32>
    %and3A_1756 = arith.andi %eq3A_1755, %le3A_273 : vector<16xi1>
    %or3A_1757 = arith.ori %or3A_1753, %and3A_1756 : vector<16xi1>
    %gather3A_1758 = tpu.vector_load_idx %arg9[%min3A_214] : memref<16xi32, #tpu.memory_space<vmem>>[vector<16xi32>], vector<16xi32>,
    %eq3A_1759 = arith.cmpi eq, %get3A_1714, %gather3A_1758 : vector<16xi32>
    %and3A_1760 = arith.andi %eq3A_1759, %le3A_276 : vector<16xi1>
    %or3A_1761 = arith.ori %or3A_1757, %and3A_1760 : vector<16xi1>
    %gather3A_1762 = tpu.vector_load_idx %arg9[%min3A_220] : memref<16xi32, #tpu.memory_space<vmem>>[vector<16xi32>], vector<16xi32>,
    %eq3A_1763 = arith.cmpi eq, %get3A_1714, %gather3A_1762 : vector<16xi32>
    %and3A_1764 = arith.andi %eq3A_1763, %le3A_279 : vector<16xi1>
    %or3A_1765 = arith.ori %or3A_1761, %and3A_1764 : vector<16xi1>
    %gather3A_1766 = tpu.vector_load_idx %arg9[%min3A_226] : memref<16xi32, #tpu.memory_space<vmem>>[vector<16xi32>], vector<16xi32>,
    %eq3A_1767 = arith.cmpi eq, %get3A_1714, %gather3A_1766 : vector<16xi32>
    %and3A_1768 = arith.andi %eq3A_1767, %le3A_282 : vector<16xi1>
    %or3A_1769 = arith.ori %or3A_1765, %and3A_1768 : vector<16xi1>
    %gather3A_1770 = tpu.vector_load_idx %arg9[%min3A_232] : memref<16xi32, #tpu.memory_space<vmem>>[vector<16xi32>], vector<16xi32>,
    %eq3A_1771 = arith.cmpi eq, %get3A_1714, %gather3A_1770 : vector<16xi32>
    %and3A_1772 = arith.andi %eq3A_1771, %le3A_285 : vector<16xi1>
    %or3A_1773 = arith.ori %or3A_1769, %and3A_1772 : vector<16xi1>
    %gather3A_1774 = tpu.vector_load_idx %arg9[%min3A_238] : memref<16xi32, #tpu.memory_space<vmem>>[vector<16xi32>], vector<16xi32>,
    %eq3A_1775 = arith.cmpi eq, %get3A_1714, %gather3A_1774 : vector<16xi32>
    %and3A_1776 = arith.andi %eq3A_1775, %le3A_288 : vector<16xi1>
    %or3A_1777 = arith.ori %or3A_1773, %and3A_1776 : vector<16xi1>
    %gather3A_1778 = tpu.vector_load_idx %arg9[%min3A_244] : memref<16xi32, #tpu.memory_space<vmem>>[vector<16xi32>], vector<16xi32>,
    %eq3A_1779 = arith.cmpi eq, %get3A_1714, %gather3A_1778 : vector<16xi32>
    %and3A_1780 = arith.andi %eq3A_1779, %le3A_291 : vector<16xi1>
    %or3A_1781 = arith.ori %or3A_1777, %and3A_1780 : vector<16xi1>
    %gather3A_1782 = tpu.vector_load_idx %arg9[%min3A_250] : memref<16xi32, #tpu.memory_space<vmem>>[vector<16xi32>], vector<16xi32>,
    %eq3A_1783 = arith.cmpi eq, %get3A_1714, %gather3A_1782 : vector<16xi32>
    %and3A_1784 = arith.andi %eq3A_1783, %le3A_294 : vector<16xi1>
    %or3A_1785 = arith.ori %or3A_1781, %and3A_1784 : vector<16xi1>
    %not3A_1786 = arith.constant dense<true> : vector<16xi1>
    %not3A_1787 = arith.xori %or3A_1785, %not3A_1786 : vector<16xi1>
    tpu.vector_store_idx %arg8[%get3A_1714], %add3A_1720 masked %not3A_1787 : memref<1024xi32, #tpu.memory_space<vmem>>[vector<16xi32>], vector<16xi32>, vector<16xi1>
    %get3A_1788 = arith.constant 320 : index
    %get3A_1789 = tpu.vector_load %arg6[%get3A_1788] {strides = array<i32>} : memref<512xi32, #tpu.memory_space<vmem>>, vector<16xi32>,
    %add3A_1790 = arith.constant 256 : i32
    %add3A_1791 = arith.addi %mul3A_2, %add3A_1790 : i32
    %add3A_1792 = arith.constant 64 : i32
    %add3A_1793 = arith.addi %add3A_1791, %add3A_1792 : i32
    %add3A_1794 = vector.broadcast %add3A_1793 : i32 to vector<16xi32>
    %add3A_1795 = arith.addi %iota3A, %add3A_1794 : vector<16xi32>
    %swap3A_1796 = arith.constant 0 : index
    %swap3A_1797 = tpu.vector_load %arg9[%swap3A_1796] {strides = array<i32>} : memref<16xi32, #tpu.memory_space<vmem>>, vector<16xi32>,
    tpu.vector_store %arg9[%swap3A_1796], %get3A_1789 {strides = array<i32>} : memref<16xi32, #tpu.memory_space<vmem>>, vector<16xi32>,
    %lt3A_1798 = arith.constant 0 : i32
    %lt3A_1799 = vector.broadcast %lt3A_1798 : i32 to vector<16xi32>
    %lt3A_1800 = arith.cmpi slt, %iota3A, %lt3A_1799 : vector<16xi32>
    %gather3A_1801 = tpu.vector_load_idx %arg9[%min3A_166] : memref<16xi32, #tpu.memory_space<vmem>>[vector<16xi32>], vector<16xi32>,
    %eq3A_1802 = arith.cmpi eq, %get3A_1789, %gather3A_1801 : vector<16xi32>
    %and3A_1803 = arith.andi %eq3A_1802, %le3A_252 : vector<16xi1>
    %or3A_1804 = arith.ori %lt3A_1800, %and3A_1803 : vector<16xi1>
    %gather3A_1805 = tpu.vector_load_idx %arg9[%min3A_172] : memref<16xi32, #tpu.memory_space<vmem>>[vector<16xi32>], vector<16xi32>,
    %eq3A_1806 = arith.cmpi eq, %get3A_1789, %gather3A_1805 : vector<16xi32>
    %and3A_1807 = arith.andi %eq3A_1806, %le3A_255 : vector<16xi1>
    %or3A_1808 = arith.ori %or3A_1804, %and3A_1807 : vector<16xi1>
    %gather3A_1809 = tpu.vector_load_idx %arg9[%min3A_178] : memref<16xi32, #tpu.memory_space<vmem>>[vector<16xi32>], vector<16xi32>,
    %eq3A_1810 = arith.cmpi eq, %get3A_1789, %gather3A_1809 : vector<16xi32>
    %and3A_1811 = arith.andi %eq3A_1810, %le3A_258 : vector<16xi1>
    %or3A_1812 = arith.ori %or3A_1808, %and3A_1811 : vector<16xi1>
    %gather3A_1813 = tpu.vector_load_idx %arg9[%min3A_184] : memref<16xi32, #tpu.memory_space<vmem>>[vector<16xi32>], vector<16xi32>,
    %eq3A_1814 = arith.cmpi eq, %get3A_1789, %gather3A_1813 : vector<16xi32>
    %and3A_1815 = arith.andi %eq3A_1814, %le3A_261 : vector<16xi1>
    %or3A_1816 = arith.ori %or3A_1812, %and3A_1815 : vector<16xi1>
    %gather3A_1817 = tpu.vector_load_idx %arg9[%min3A_190] : memref<16xi32, #tpu.memory_space<vmem>>[vector<16xi32>], vector<16xi32>,
    %eq3A_1818 = arith.cmpi eq, %get3A_1789, %gather3A_1817 : vector<16xi32>
    %and3A_1819 = arith.andi %eq3A_1818, %le3A_264 : vector<16xi1>
    %or3A_1820 = arith.ori %or3A_1816, %and3A_1819 : vector<16xi1>
    %gather3A_1821 = tpu.vector_load_idx %arg9[%min3A_196] : memref<16xi32, #tpu.memory_space<vmem>>[vector<16xi32>], vector<16xi32>,
    %eq3A_1822 = arith.cmpi eq, %get3A_1789, %gather3A_1821 : vector<16xi32>
    %and3A_1823 = arith.andi %eq3A_1822, %le3A_267 : vector<16xi1>
    %or3A_1824 = arith.ori %or3A_1820, %and3A_1823 : vector<16xi1>
    %gather3A_1825 = tpu.vector_load_idx %arg9[%min3A_202] : memref<16xi32, #tpu.memory_space<vmem>>[vector<16xi32>], vector<16xi32>,
    %eq3A_1826 = arith.cmpi eq, %get3A_1789, %gather3A_1825 : vector<16xi32>
    %and3A_1827 = arith.andi %eq3A_1826, %le3A_270 : vector<16xi1>
    %or3A_1828 = arith.ori %or3A_1824, %and3A_1827 : vector<16xi1>
    %gather3A_1829 = tpu.vector_load_idx %arg9[%min3A_208] : memref<16xi32, #tpu.memory_space<vmem>>[vector<16xi32>], vector<16xi32>,
    %eq3A_1830 = arith.cmpi eq, %get3A_1789, %gather3A_1829 : vector<16xi32>
    %and3A_1831 = arith.andi %eq3A_1830, %le3A_273 : vector<16xi1>
    %or3A_1832 = arith.ori %or3A_1828, %and3A_1831 : vector<16xi1>
    %gather3A_1833 = tpu.vector_load_idx %arg9[%min3A_214] : memref<16xi32, #tpu.memory_space<vmem>>[vector<16xi32>], vector<16xi32>,
    %eq3A_1834 = arith.cmpi eq, %get3A_1789, %gather3A_1833 : vector<16xi32>
    %and3A_1835 = arith.andi %eq3A_1834, %le3A_276 : vector<16xi1>
    %or3A_1836 = arith.ori %or3A_1832, %and3A_1835 : vector<16xi1>
    %gather3A_1837 = tpu.vector_load_idx %arg9[%min3A_220] : memref<16xi32, #tpu.memory_space<vmem>>[vector<16xi32>], vector<16xi32>,
    %eq3A_1838 = arith.cmpi eq, %get3A_1789, %gather3A_1837 : vector<16xi32>
    %and3A_1839 = arith.andi %eq3A_1838, %le3A_279 : vector<16xi1>
    %or3A_1840 = arith.ori %or3A_1836, %and3A_1839 : vector<16xi1>
    %gather3A_1841 = tpu.vector_load_idx %arg9[%min3A_226] : memref<16xi32, #tpu.memory_space<vmem>>[vector<16xi32>], vector<16xi32>,
    %eq3A_1842 = arith.cmpi eq, %get3A_1789, %gather3A_1841 : vector<16xi32>
    %and3A_1843 = arith.andi %eq3A_1842, %le3A_282 : vector<16xi1>
    %or3A_1844 = arith.ori %or3A_1840, %and3A_1843 : vector<16xi1>
    %gather3A_1845 = tpu.vector_load_idx %arg9[%min3A_232] : memref<16xi32, #tpu.memory_space<vmem>>[vector<16xi32>], vector<16xi32>,
    %eq3A_1846 = arith.cmpi eq, %get3A_1789, %gather3A_1845 : vector<16xi32>
    %and3A_1847 = arith.andi %eq3A_1846, %le3A_285 : vector<16xi1>
    %or3A_1848 = arith.ori %or3A_1844, %and3A_1847 : vector<16xi1>
    %gather3A_1849 = tpu.vector_load_idx %arg9[%min3A_238] : memref<16xi32, #tpu.memory_space<vmem>>[vector<16xi32>], vector<16xi32>,
    %eq3A_1850 = arith.cmpi eq, %get3A_1789, %gather3A_1849 : vector<16xi32>
    %and3A_1851 = arith.andi %eq3A_1850, %le3A_288 : vector<16xi1>
    %or3A_1852 = arith.ori %or3A_1848, %and3A_1851 : vector<16xi1>
    %gather3A_1853 = tpu.vector_load_idx %arg9[%min3A_244] : memref<16xi32, #tpu.memory_space<vmem>>[vector<16xi32>], vector<16xi32>,
    %eq3A_1854 = arith.cmpi eq, %get3A_1789, %gather3A_1853 : vector<16xi32>
    %and3A_1855 = arith.andi %eq3A_1854, %le3A_291 : vector<16xi1>
    %or3A_1856 = arith.ori %or3A_1852, %and3A_1855 : vector<16xi1>
    %gather3A_1857 = tpu.vector_load_idx %arg9[%min3A_250] : memref<16xi32, #tpu.memory_space<vmem>>[vector<16xi32>], vector<16xi32>,
    %eq3A_1858 = arith.cmpi eq, %get3A_1789, %gather3A_1857 : vector<16xi32>
    %and3A_1859 = arith.andi %eq3A_1858, %le3A_294 : vector<16xi1>
    %or3A_1860 = arith.ori %or3A_1856, %and3A_1859 : vector<16xi1>
    %not3A_1861 = arith.constant dense<true> : vector<16xi1>
    %not3A_1862 = arith.xori %or3A_1860, %not3A_1861 : vector<16xi1>
    tpu.vector_store_idx %arg8[%get3A_1789], %add3A_1795 masked %not3A_1862 : memref<1024xi32, #tpu.memory_space<vmem>>[vector<16xi32>], vector<16xi32>, vector<16xi1>
    %get3A_1863 = arith.constant 336 : index
    %get3A_1864 = tpu.vector_load %arg6[%get3A_1863] {strides = array<i32>} : memref<512xi32, #tpu.memory_space<vmem>>, vector<16xi32>,
    %add3A_1865 = arith.constant 256 : i32
    %add3A_1866 = arith.addi %mul3A_2, %add3A_1865 : i32
    %add3A_1867 = arith.constant 80 : i32
    %add3A_1868 = arith.addi %add3A_1866, %add3A_1867 : i32
    %add3A_1869 = vector.broadcast %add3A_1868 : i32 to vector<16xi32>
    %add3A_1870 = arith.addi %iota3A, %add3A_1869 : vector<16xi32>
    %swap3A_1871 = arith.constant 0 : index
    %swap3A_1872 = tpu.vector_load %arg9[%swap3A_1871] {strides = array<i32>} : memref<16xi32, #tpu.memory_space<vmem>>, vector<16xi32>,
    tpu.vector_store %arg9[%swap3A_1871], %get3A_1864 {strides = array<i32>} : memref<16xi32, #tpu.memory_space<vmem>>, vector<16xi32>,
    %lt3A_1873 = arith.constant 0 : i32
    %lt3A_1874 = vector.broadcast %lt3A_1873 : i32 to vector<16xi32>
    %lt3A_1875 = arith.cmpi slt, %iota3A, %lt3A_1874 : vector<16xi32>
    %gather3A_1876 = tpu.vector_load_idx %arg9[%min3A_166] : memref<16xi32, #tpu.memory_space<vmem>>[vector<16xi32>], vector<16xi32>,
    %eq3A_1877 = arith.cmpi eq, %get3A_1864, %gather3A_1876 : vector<16xi32>
    %and3A_1878 = arith.andi %eq3A_1877, %le3A_252 : vector<16xi1>
    %or3A_1879 = arith.ori %lt3A_1875, %and3A_1878 : vector<16xi1>
    %gather3A_1880 = tpu.vector_load_idx %arg9[%min3A_172] : memref<16xi32, #tpu.memory_space<vmem>>[vector<16xi32>], vector<16xi32>,
    %eq3A_1881 = arith.cmpi eq, %get3A_1864, %gather3A_1880 : vector<16xi32>
    %and3A_1882 = arith.andi %eq3A_1881, %le3A_255 : vector<16xi1>
    %or3A_1883 = arith.ori %or3A_1879, %and3A_1882 : vector<16xi1>
    %gather3A_1884 = tpu.vector_load_idx %arg9[%min3A_178] : memref<16xi32, #tpu.memory_space<vmem>>[vector<16xi32>], vector<16xi32>,
    %eq3A_1885 = arith.cmpi eq, %get3A_1864, %gather3A_1884 : vector<16xi32>
    %and3A_1886 = arith.andi %eq3A_1885, %le3A_258 : vector<16xi1>
    %or3A_1887 = arith.ori %or3A_1883, %and3A_1886 : vector<16xi1>
    %gather3A_1888 = tpu.vector_load_idx %arg9[%min3A_184] : memref<16xi32, #tpu.memory_space<vmem>>[vector<16xi32>], vector<16xi32>,
    %eq3A_1889 = arith.cmpi eq, %get3A_1864, %gather3A_1888 : vector<16xi32>
    %and3A_1890 = arith.andi %eq3A_1889, %le3A_261 : vector<16xi1>
    %or3A_1891 = arith.ori %or3A_1887, %and3A_1890 : vector<16xi1>
    %gather3A_1892 = tpu.vector_load_idx %arg9[%min3A_190] : memref<16xi32, #tpu.memory_space<vmem>>[vector<16xi32>], vector<16xi32>,
    %eq3A_1893 = arith.cmpi eq, %get3A_1864, %gather3A_1892 : vector<16xi32>
    %and3A_1894 = arith.andi %eq3A_1893, %le3A_264 : vector<16xi1>
    %or3A_1895 = arith.ori %or3A_1891, %and3A_1894 : vector<16xi1>
    %gather3A_1896 = tpu.vector_load_idx %arg9[%min3A_196] : memref<16xi32, #tpu.memory_space<vmem>>[vector<16xi32>], vector<16xi32>,
    %eq3A_1897 = arith.cmpi eq, %get3A_1864, %gather3A_1896 : vector<16xi32>
    %and3A_1898 = arith.andi %eq3A_1897, %le3A_267 : vector<16xi1>
    %or3A_1899 = arith.ori %or3A_1895, %and3A_1898 : vector<16xi1>
    %gather3A_1900 = tpu.vector_load_idx %arg9[%min3A_202] : memref<16xi32, #tpu.memory_space<vmem>>[vector<16xi32>], vector<16xi32>,
    %eq3A_1901 = arith.cmpi eq, %get3A_1864, %gather3A_1900 : vector<16xi32>
    %and3A_1902 = arith.andi %eq3A_1901, %le3A_270 : vector<16xi1>
    %or3A_1903 = arith.ori %or3A_1899, %and3A_1902 : vector<16xi1>
    %gather3A_1904 = tpu.vector_load_idx %arg9[%min3A_208] : memref<16xi32, #tpu.memory_space<vmem>>[vector<16xi32>], vector<16xi32>,
    %eq3A_1905 = arith.cmpi eq, %get3A_1864, %gather3A_1904 : vector<16xi32>
    %and3A_1906 = arith.andi %eq3A_1905, %le3A_273 : vector<16xi1>
    %or3A_1907 = arith.ori %or3A_1903, %and3A_1906 : vector<16xi1>
    %gather3A_1908 = tpu.vector_load_idx %arg9[%min3A_214] : memref<16xi32, #tpu.memory_space<vmem>>[vector<16xi32>], vector<16xi32>,
    %eq3A_1909 = arith.cmpi eq, %get3A_1864, %gather3A_1908 : vector<16xi32>
    %and3A_1910 = arith.andi %eq3A_1909, %le3A_276 : vector<16xi1>
    %or3A_1911 = arith.ori %or3A_1907, %and3A_1910 : vector<16xi1>
    %gather3A_1912 = tpu.vector_load_idx %arg9[%min3A_220] : memref<16xi32, #tpu.memory_space<vmem>>[vector<16xi32>], vector<16xi32>,
    %eq3A_1913 = arith.cmpi eq, %get3A_1864, %gather3A_1912 : vector<16xi32>
    %and3A_1914 = arith.andi %eq3A_1913, %le3A_279 : vector<16xi1>
    %or3A_1915 = arith.ori %or3A_1911, %and3A_1914 : vector<16xi1>
    %gather3A_1916 = tpu.vector_load_idx %arg9[%min3A_226] : memref<16xi32, #tpu.memory_space<vmem>>[vector<16xi32>], vector<16xi32>,
    %eq3A_1917 = arith.cmpi eq, %get3A_1864, %gather3A_1916 : vector<16xi32>
    %and3A_1918 = arith.andi %eq3A_1917, %le3A_282 : vector<16xi1>
    %or3A_1919 = arith.ori %or3A_1915, %and3A_1918 : vector<16xi1>
    %gather3A_1920 = tpu.vector_load_idx %arg9[%min3A_232] : memref<16xi32, #tpu.memory_space<vmem>>[vector<16xi32>], vector<16xi32>,
    %eq3A_1921 = arith.cmpi eq, %get3A_1864, %gather3A_1920 : vector<16xi32>
    %and3A_1922 = arith.andi %eq3A_1921, %le3A_285 : vector<16xi1>
    %or3A_1923 = arith.ori %or3A_1919, %and3A_1922 : vector<16xi1>
    %gather3A_1924 = tpu.vector_load_idx %arg9[%min3A_238] : memref<16xi32, #tpu.memory_space<vmem>>[vector<16xi32>], vector<16xi32>,
    %eq3A_1925 = arith.cmpi eq, %get3A_1864, %gather3A_1924 : vector<16xi32>
    %and3A_1926 = arith.andi %eq3A_1925, %le3A_288 : vector<16xi1>
    %or3A_1927 = arith.ori %or3A_1923, %and3A_1926 : vector<16xi1>
    %gather3A_1928 = tpu.vector_load_idx %arg9[%min3A_244] : memref<16xi32, #tpu.memory_space<vmem>>[vector<16xi32>], vector<16xi32>,
    %eq3A_1929 = arith.cmpi eq, %get3A_1864, %gather3A_1928 : vector<16xi32>
    %and3A_1930 = arith.andi %eq3A_1929, %le3A_291 : vector<16xi1>
    %or3A_1931 = arith.ori %or3A_1927, %and3A_1930 : vector<16xi1>
    %gather3A_1932 = tpu.vector_load_idx %arg9[%min3A_250] : memref<16xi32, #tpu.memory_space<vmem>>[vector<16xi32>], vector<16xi32>,
    %eq3A_1933 = arith.cmpi eq, %get3A_1864, %gather3A_1932 : vector<16xi32>
    %and3A_1934 = arith.andi %eq3A_1933, %le3A_294 : vector<16xi1>
    %or3A_1935 = arith.ori %or3A_1931, %and3A_1934 : vector<16xi1>
    %not3A_1936 = arith.constant dense<true> : vector<16xi1>
    %not3A_1937 = arith.xori %or3A_1935, %not3A_1936 : vector<16xi1>
    tpu.vector_store_idx %arg8[%get3A_1864], %add3A_1870 masked %not3A_1937 : memref<1024xi32, #tpu.memory_space<vmem>>[vector<16xi32>], vector<16xi32>, vector<16xi1>
    %get3A_1938 = arith.constant 352 : index
    %get3A_1939 = tpu.vector_load %arg6[%get3A_1938] {strides = array<i32>} : memref<512xi32, #tpu.memory_space<vmem>>, vector<16xi32>,
    %add3A_1940 = arith.constant 256 : i32
    %add3A_1941 = arith.addi %mul3A_2, %add3A_1940 : i32
    %add3A_1942 = arith.constant 96 : i32
    %add3A_1943 = arith.addi %add3A_1941, %add3A_1942 : i32
    %add3A_1944 = vector.broadcast %add3A_1943 : i32 to vector<16xi32>
    %add3A_1945 = arith.addi %iota3A, %add3A_1944 : vector<16xi32>
    %swap3A_1946 = arith.constant 0 : index
    %swap3A_1947 = tpu.vector_load %arg9[%swap3A_1946] {strides = array<i32>} : memref<16xi32, #tpu.memory_space<vmem>>, vector<16xi32>,
    tpu.vector_store %arg9[%swap3A_1946], %get3A_1939 {strides = array<i32>} : memref<16xi32, #tpu.memory_space<vmem>>, vector<16xi32>,
    %lt3A_1948 = arith.constant 0 : i32
    %lt3A_1949 = vector.broadcast %lt3A_1948 : i32 to vector<16xi32>
    %lt3A_1950 = arith.cmpi slt, %iota3A, %lt3A_1949 : vector<16xi32>
    %gather3A_1951 = tpu.vector_load_idx %arg9[%min3A_166] : memref<16xi32, #tpu.memory_space<vmem>>[vector<16xi32>], vector<16xi32>,
    %eq3A_1952 = arith.cmpi eq, %get3A_1939, %gather3A_1951 : vector<16xi32>
    %and3A_1953 = arith.andi %eq3A_1952, %le3A_252 : vector<16xi1>
    %or3A_1954 = arith.ori %lt3A_1950, %and3A_1953 : vector<16xi1>
    %gather3A_1955 = tpu.vector_load_idx %arg9[%min3A_172] : memref<16xi32, #tpu.memory_space<vmem>>[vector<16xi32>], vector<16xi32>,
    %eq3A_1956 = arith.cmpi eq, %get3A_1939, %gather3A_1955 : vector<16xi32>
    %and3A_1957 = arith.andi %eq3A_1956, %le3A_255 : vector<16xi1>
    %or3A_1958 = arith.ori %or3A_1954, %and3A_1957 : vector<16xi1>
    %gather3A_1959 = tpu.vector_load_idx %arg9[%min3A_178] : memref<16xi32, #tpu.memory_space<vmem>>[vector<16xi32>], vector<16xi32>,
    %eq3A_1960 = arith.cmpi eq, %get3A_1939, %gather3A_1959 : vector<16xi32>
    %and3A_1961 = arith.andi %eq3A_1960, %le3A_258 : vector<16xi1>
    %or3A_1962 = arith.ori %or3A_1958, %and3A_1961 : vector<16xi1>
    %gather3A_1963 = tpu.vector_load_idx %arg9[%min3A_184] : memref<16xi32, #tpu.memory_space<vmem>>[vector<16xi32>], vector<16xi32>,
    %eq3A_1964 = arith.cmpi eq, %get3A_1939, %gather3A_1963 : vector<16xi32>
    %and3A_1965 = arith.andi %eq3A_1964, %le3A_261 : vector<16xi1>
    %or3A_1966 = arith.ori %or3A_1962, %and3A_1965 : vector<16xi1>
    %gather3A_1967 = tpu.vector_load_idx %arg9[%min3A_190] : memref<16xi32, #tpu.memory_space<vmem>>[vector<16xi32>], vector<16xi32>,
    %eq3A_1968 = arith.cmpi eq, %get3A_1939, %gather3A_1967 : vector<16xi32>
    %and3A_1969 = arith.andi %eq3A_1968, %le3A_264 : vector<16xi1>
    %or3A_1970 = arith.ori %or3A_1966, %and3A_1969 : vector<16xi1>
    %gather3A_1971 = tpu.vector_load_idx %arg9[%min3A_196] : memref<16xi32, #tpu.memory_space<vmem>>[vector<16xi32>], vector<16xi32>,
    %eq3A_1972 = arith.cmpi eq, %get3A_1939, %gather3A_1971 : vector<16xi32>
    %and3A_1973 = arith.andi %eq3A_1972, %le3A_267 : vector<16xi1>
    %or3A_1974 = arith.ori %or3A_1970, %and3A_1973 : vector<16xi1>
    %gather3A_1975 = tpu.vector_load_idx %arg9[%min3A_202] : memref<16xi32, #tpu.memory_space<vmem>>[vector<16xi32>], vector<16xi32>,
    %eq3A_1976 = arith.cmpi eq, %get3A_1939, %gather3A_1975 : vector<16xi32>
    %and3A_1977 = arith.andi %eq3A_1976, %le3A_270 : vector<16xi1>
    %or3A_1978 = arith.ori %or3A_1974, %and3A_1977 : vector<16xi1>
    %gather3A_1979 = tpu.vector_load_idx %arg9[%min3A_208] : memref<16xi32, #tpu.memory_space<vmem>>[vector<16xi32>], vector<16xi32>,
    %eq3A_1980 = arith.cmpi eq, %get3A_1939, %gather3A_1979 : vector<16xi32>
    %and3A_1981 = arith.andi %eq3A_1980, %le3A_273 : vector<16xi1>
    %or3A_1982 = arith.ori %or3A_1978, %and3A_1981 : vector<16xi1>
    %gather3A_1983 = tpu.vector_load_idx %arg9[%min3A_214] : memref<16xi32, #tpu.memory_space<vmem>>[vector<16xi32>], vector<16xi32>,
    %eq3A_1984 = arith.cmpi eq, %get3A_1939, %gather3A_1983 : vector<16xi32>
    %and3A_1985 = arith.andi %eq3A_1984, %le3A_276 : vector<16xi1>
    %or3A_1986 = arith.ori %or3A_1982, %and3A_1985 : vector<16xi1>
    %gather3A_1987 = tpu.vector_load_idx %arg9[%min3A_220] : memref<16xi32, #tpu.memory_space<vmem>>[vector<16xi32>], vector<16xi32>,
    %eq3A_1988 = arith.cmpi eq, %get3A_1939, %gather3A_1987 : vector<16xi32>
    %and3A_1989 = arith.andi %eq3A_1988, %le3A_279 : vector<16xi1>
    %or3A_1990 = arith.ori %or3A_1986, %and3A_1989 : vector<16xi1>
    %gather3A_1991 = tpu.vector_load_idx %arg9[%min3A_226] : memref<16xi32, #tpu.memory_space<vmem>>[vector<16xi32>], vector<16xi32>,
    %eq3A_1992 = arith.cmpi eq, %get3A_1939, %gather3A_1991 : vector<16xi32>
    %and3A_1993 = arith.andi %eq3A_1992, %le3A_282 : vector<16xi1>
    %or3A_1994 = arith.ori %or3A_1990, %and3A_1993 : vector<16xi1>
    %gather3A_1995 = tpu.vector_load_idx %arg9[%min3A_232] : memref<16xi32, #tpu.memory_space<vmem>>[vector<16xi32>], vector<16xi32>,
    %eq3A_1996 = arith.cmpi eq, %get3A_1939, %gather3A_1995 : vector<16xi32>
    %and3A_1997 = arith.andi %eq3A_1996, %le3A_285 : vector<16xi1>
    %or3A_1998 = arith.ori %or3A_1994, %and3A_1997 : vector<16xi1>
    %gather3A_1999 = tpu.vector_load_idx %arg9[%min3A_238] : memref<16xi32, #tpu.memory_space<vmem>>[vector<16xi32>], vector<16xi32>,
    %eq3A_2000 = arith.cmpi eq, %get3A_1939, %gather3A_1999 : vector<16xi32>
    %and3A_2001 = arith.andi %eq3A_2000, %le3A_288 : vector<16xi1>
    %or3A_2002 = arith.ori %or3A_1998, %and3A_2001 : vector<16xi1>
    %gather3A_2003 = tpu.vector_load_idx %arg9[%min3A_244] : memref<16xi32, #tpu.memory_space<vmem>>[vector<16xi32>], vector<16xi32>,
    %eq3A_2004 = arith.cmpi eq, %get3A_1939, %gather3A_2003 : vector<16xi32>
    %and3A_2005 = arith.andi %eq3A_2004, %le3A_291 : vector<16xi1>
    %or3A_2006 = arith.ori %or3A_2002, %and3A_2005 : vector<16xi1>
    %gather3A_2007 = tpu.vector_load_idx %arg9[%min3A_250] : memref<16xi32, #tpu.memory_space<vmem>>[vector<16xi32>], vector<16xi32>,
    %eq3A_2008 = arith.cmpi eq, %get3A_1939, %gather3A_2007 : vector<16xi32>
    %and3A_2009 = arith.andi %eq3A_2008, %le3A_294 : vector<16xi1>
    %or3A_2010 = arith.ori %or3A_2006, %and3A_2009 : vector<16xi1>
    %not3A_2011 = arith.constant dense<true> : vector<16xi1>
    %not3A_2012 = arith.xori %or3A_2010, %not3A_2011 : vector<16xi1>
    tpu.vector_store_idx %arg8[%get3A_1939], %add3A_1945 masked %not3A_2012 : memref<1024xi32, #tpu.memory_space<vmem>>[vector<16xi32>], vector<16xi32>, vector<16xi1>
    %get3A_2013 = arith.constant 368 : index
    %get3A_2014 = tpu.vector_load %arg6[%get3A_2013] {strides = array<i32>} : memref<512xi32, #tpu.memory_space<vmem>>, vector<16xi32>,
    %add3A_2015 = arith.constant 256 : i32
    %add3A_2016 = arith.addi %mul3A_2, %add3A_2015 : i32
    %add3A_2017 = arith.constant 112 : i32
    %add3A_2018 = arith.addi %add3A_2016, %add3A_2017 : i32
    %add3A_2019 = vector.broadcast %add3A_2018 : i32 to vector<16xi32>
    %add3A_2020 = arith.addi %iota3A, %add3A_2019 : vector<16xi32>
    %swap3A_2021 = arith.constant 0 : index
    %swap3A_2022 = tpu.vector_load %arg9[%swap3A_2021] {strides = array<i32>} : memref<16xi32, #tpu.memory_space<vmem>>, vector<16xi32>,
    tpu.vector_store %arg9[%swap3A_2021], %get3A_2014 {strides = array<i32>} : memref<16xi32, #tpu.memory_space<vmem>>, vector<16xi32>,
    %lt3A_2023 = arith.constant 0 : i32
    %lt3A_2024 = vector.broadcast %lt3A_2023 : i32 to vector<16xi32>
    %lt3A_2025 = arith.cmpi slt, %iota3A, %lt3A_2024 : vector<16xi32>
    %gather3A_2026 = tpu.vector_load_idx %arg9[%min3A_166] : memref<16xi32, #tpu.memory_space<vmem>>[vector<16xi32>], vector<16xi32>,
    %eq3A_2027 = arith.cmpi eq, %get3A_2014, %gather3A_2026 : vector<16xi32>
    %and3A_2028 = arith.andi %eq3A_2027, %le3A_252 : vector<16xi1>
    %or3A_2029 = arith.ori %lt3A_2025, %and3A_2028 : vector<16xi1>
    %gather3A_2030 = tpu.vector_load_idx %arg9[%min3A_172] : memref<16xi32, #tpu.memory_space<vmem>>[vector<16xi32>], vector<16xi32>,
    %eq3A_2031 = arith.cmpi eq, %get3A_2014, %gather3A_2030 : vector<16xi32>
    %and3A_2032 = arith.andi %eq3A_2031, %le3A_255 : vector<16xi1>
    %or3A_2033 = arith.ori %or3A_2029, %and3A_2032 : vector<16xi1>
    %gather3A_2034 = tpu.vector_load_idx %arg9[%min3A_178] : memref<16xi32, #tpu.memory_space<vmem>>[vector<16xi32>], vector<16xi32>,
    %eq3A_2035 = arith.cmpi eq, %get3A_2014, %gather3A_2034 : vector<16xi32>
    %and3A_2036 = arith.andi %eq3A_2035, %le3A_258 : vector<16xi1>
    %or3A_2037 = arith.ori %or3A_2033, %and3A_2036 : vector<16xi1>
    %gather3A_2038 = tpu.vector_load_idx %arg9[%min3A_184] : memref<16xi32, #tpu.memory_space<vmem>>[vector<16xi32>], vector<16xi32>,
    %eq3A_2039 = arith.cmpi eq, %get3A_2014, %gather3A_2038 : vector<16xi32>
    %and3A_2040 = arith.andi %eq3A_2039, %le3A_261 : vector<16xi1>
    %or3A_2041 = arith.ori %or3A_2037, %and3A_2040 : vector<16xi1>
    %gather3A_2042 = tpu.vector_load_idx %arg9[%min3A_190] : memref<16xi32, #tpu.memory_space<vmem>>[vector<16xi32>], vector<16xi32>,
    %eq3A_2043 = arith.cmpi eq, %get3A_2014, %gather3A_2042 : vector<16xi32>
    %and3A_2044 = arith.andi %eq3A_2043, %le3A_264 : vector<16xi1>
    %or3A_2045 = arith.ori %or3A_2041, %and3A_2044 : vector<16xi1>
    %gather3A_2046 = tpu.vector_load_idx %arg9[%min3A_196] : memref<16xi32, #tpu.memory_space<vmem>>[vector<16xi32>], vector<16xi32>,
    %eq3A_2047 = arith.cmpi eq, %get3A_2014, %gather3A_2046 : vector<16xi32>
    %and3A_2048 = arith.andi %eq3A_2047, %le3A_267 : vector<16xi1>
    %or3A_2049 = arith.ori %or3A_2045, %and3A_2048 : vector<16xi1>
    %gather3A_2050 = tpu.vector_load_idx %arg9[%min3A_202] : memref<16xi32, #tpu.memory_space<vmem>>[vector<16xi32>], vector<16xi32>,
    %eq3A_2051 = arith.cmpi eq, %get3A_2014, %gather3A_2050 : vector<16xi32>
    %and3A_2052 = arith.andi %eq3A_2051, %le3A_270 : vector<16xi1>
    %or3A_2053 = arith.ori %or3A_2049, %and3A_2052 : vector<16xi1>
    %gather3A_2054 = tpu.vector_load_idx %arg9[%min3A_208] : memref<16xi32, #tpu.memory_space<vmem>>[vector<16xi32>], vector<16xi32>,
    %eq3A_2055 = arith.cmpi eq, %get3A_2014, %gather3A_2054 : vector<16xi32>
    %and3A_2056 = arith.andi %eq3A_2055, %le3A_273 : vector<16xi1>
    %or3A_2057 = arith.ori %or3A_2053, %and3A_2056 : vector<16xi1>
    %gather3A_2058 = tpu.vector_load_idx %arg9[%min3A_214] : memref<16xi32, #tpu.memory_space<vmem>>[vector<16xi32>], vector<16xi32>,
    %eq3A_2059 = arith.cmpi eq, %get3A_2014, %gather3A_2058 : vector<16xi32>
    %and3A_2060 = arith.andi %eq3A_2059, %le3A_276 : vector<16xi1>
    %or3A_2061 = arith.ori %or3A_2057, %and3A_2060 : vector<16xi1>
    %gather3A_2062 = tpu.vector_load_idx %arg9[%min3A_220] : memref<16xi32, #tpu.memory_space<vmem>>[vector<16xi32>], vector<16xi32>,
    %eq3A_2063 = arith.cmpi eq, %get3A_2014, %gather3A_2062 : vector<16xi32>
    %and3A_2064 = arith.andi %eq3A_2063, %le3A_279 : vector<16xi1>
    %or3A_2065 = arith.ori %or3A_2061, %and3A_2064 : vector<16xi1>
    %gather3A_2066 = tpu.vector_load_idx %arg9[%min3A_226] : memref<16xi32, #tpu.memory_space<vmem>>[vector<16xi32>], vector<16xi32>,
    %eq3A_2067 = arith.cmpi eq, %get3A_2014, %gather3A_2066 : vector<16xi32>
    %and3A_2068 = arith.andi %eq3A_2067, %le3A_282 : vector<16xi1>
    %or3A_2069 = arith.ori %or3A_2065, %and3A_2068 : vector<16xi1>
    %gather3A_2070 = tpu.vector_load_idx %arg9[%min3A_232] : memref<16xi32, #tpu.memory_space<vmem>>[vector<16xi32>], vector<16xi32>,
    %eq3A_2071 = arith.cmpi eq, %get3A_2014, %gather3A_2070 : vector<16xi32>
    %and3A_2072 = arith.andi %eq3A_2071, %le3A_285 : vector<16xi1>
    %or3A_2073 = arith.ori %or3A_2069, %and3A_2072 : vector<16xi1>
    %gather3A_2074 = tpu.vector_load_idx %arg9[%min3A_238] : memref<16xi32, #tpu.memory_space<vmem>>[vector<16xi32>], vector<16xi32>,
    %eq3A_2075 = arith.cmpi eq, %get3A_2014, %gather3A_2074 : vector<16xi32>
    %and3A_2076 = arith.andi %eq3A_2075, %le3A_288 : vector<16xi1>
    %or3A_2077 = arith.ori %or3A_2073, %and3A_2076 : vector<16xi1>
    %gather3A_2078 = tpu.vector_load_idx %arg9[%min3A_244] : memref<16xi32, #tpu.memory_space<vmem>>[vector<16xi32>], vector<16xi32>,
    %eq3A_2079 = arith.cmpi eq, %get3A_2014, %gather3A_2078 : vector<16xi32>
    %and3A_2080 = arith.andi %eq3A_2079, %le3A_291 : vector<16xi1>
    %or3A_2081 = arith.ori %or3A_2077, %and3A_2080 : vector<16xi1>
    %gather3A_2082 = tpu.vector_load_idx %arg9[%min3A_250] : memref<16xi32, #tpu.memory_space<vmem>>[vector<16xi32>], vector<16xi32>,
    %eq3A_2083 = arith.cmpi eq, %get3A_2014, %gather3A_2082 : vector<16xi32>
    %and3A_2084 = arith.andi %eq3A_2083, %le3A_294 : vector<16xi1>
    %or3A_2085 = arith.ori %or3A_2081, %and3A_2084 : vector<16xi1>
    %not3A_2086 = arith.constant dense<true> : vector<16xi1>
    %not3A_2087 = arith.xori %or3A_2085, %not3A_2086 : vector<16xi1>
    tpu.vector_store_idx %arg8[%get3A_2014], %add3A_2020 masked %not3A_2087 : memref<1024xi32, #tpu.memory_space<vmem>>[vector<16xi32>], vector<16xi32>, vector<16xi1>
    %get3A_2088 = arith.constant 384 : index
    %get3A_2089 = tpu.vector_load %arg6[%get3A_2088] {strides = array<i32>} : memref<512xi32, #tpu.memory_space<vmem>>, vector<16xi32>,
    %add3A_2090 = arith.constant 384 : i32
    %add3A_2091 = arith.addi %mul3A_2, %add3A_2090 : i32
    %add3A_2092 = arith.constant 0 : i32
    %add3A_2093 = arith.addi %add3A_2091, %add3A_2092 : i32
    %add3A_2094 = vector.broadcast %add3A_2093 : i32 to vector<16xi32>
    %add3A_2095 = arith.addi %iota3A, %add3A_2094 : vector<16xi32>
    %swap3A_2096 = arith.constant 0 : index
    %swap3A_2097 = tpu.vector_load %arg9[%swap3A_2096] {strides = array<i32>} : memref<16xi32, #tpu.memory_space<vmem>>, vector<16xi32>,
    tpu.vector_store %arg9[%swap3A_2096], %get3A_2089 {strides = array<i32>} : memref<16xi32, #tpu.memory_space<vmem>>, vector<16xi32>,
    %lt3A_2098 = arith.constant 0 : i32
    %lt3A_2099 = vector.broadcast %lt3A_2098 : i32 to vector<16xi32>
    %lt3A_2100 = arith.cmpi slt, %iota3A, %lt3A_2099 : vector<16xi32>
    %gather3A_2101 = tpu.vector_load_idx %arg9[%min3A_166] : memref<16xi32, #tpu.memory_space<vmem>>[vector<16xi32>], vector<16xi32>,
    %eq3A_2102 = arith.cmpi eq, %get3A_2089, %gather3A_2101 : vector<16xi32>
    %and3A_2103 = arith.andi %eq3A_2102, %le3A_252 : vector<16xi1>
    %or3A_2104 = arith.ori %lt3A_2100, %and3A_2103 : vector<16xi1>
    %gather3A_2105 = tpu.vector_load_idx %arg9[%min3A_172] : memref<16xi32, #tpu.memory_space<vmem>>[vector<16xi32>], vector<16xi32>,
    %eq3A_2106 = arith.cmpi eq, %get3A_2089, %gather3A_2105 : vector<16xi32>
    %and3A_2107 = arith.andi %eq3A_2106, %le3A_255 : vector<16xi1>
    %or3A_2108 = arith.ori %or3A_2104, %and3A_2107 : vector<16xi1>
    %gather3A_2109 = tpu.vector_load_idx %arg9[%min3A_178] : memref<16xi32, #tpu.memory_space<vmem>>[vector<16xi32>], vector<16xi32>,
    %eq3A_2110 = arith.cmpi eq, %get3A_2089, %gather3A_2109 : vector<16xi32>
    %and3A_2111 = arith.andi %eq3A_2110, %le3A_258 : vector<16xi1>
    %or3A_2112 = arith.ori %or3A_2108, %and3A_2111 : vector<16xi1>
    %gather3A_2113 = tpu.vector_load_idx %arg9[%min3A_184] : memref<16xi32, #tpu.memory_space<vmem>>[vector<16xi32>], vector<16xi32>,
    %eq3A_2114 = arith.cmpi eq, %get3A_2089, %gather3A_2113 : vector<16xi32>
    %and3A_2115 = arith.andi %eq3A_2114, %le3A_261 : vector<16xi1>
    %or3A_2116 = arith.ori %or3A_2112, %and3A_2115 : vector<16xi1>
    %gather3A_2117 = tpu.vector_load_idx %arg9[%min3A_190] : memref<16xi32, #tpu.memory_space<vmem>>[vector<16xi32>], vector<16xi32>,
    %eq3A_2118 = arith.cmpi eq, %get3A_2089, %gather3A_2117 : vector<16xi32>
    %and3A_2119 = arith.andi %eq3A_2118, %le3A_264 : vector<16xi1>
    %or3A_2120 = arith.ori %or3A_2116, %and3A_2119 : vector<16xi1>
    %gather3A_2121 = tpu.vector_load_idx %arg9[%min3A_196] : memref<16xi32, #tpu.memory_space<vmem>>[vector<16xi32>], vector<16xi32>,
    %eq3A_2122 = arith.cmpi eq, %get3A_2089, %gather3A_2121 : vector<16xi32>
    %and3A_2123 = arith.andi %eq3A_2122, %le3A_267 : vector<16xi1>
    %or3A_2124 = arith.ori %or3A_2120, %and3A_2123 : vector<16xi1>
    %gather3A_2125 = tpu.vector_load_idx %arg9[%min3A_202] : memref<16xi32, #tpu.memory_space<vmem>>[vector<16xi32>], vector<16xi32>,
    %eq3A_2126 = arith.cmpi eq, %get3A_2089, %gather3A_2125 : vector<16xi32>
    %and3A_2127 = arith.andi %eq3A_2126, %le3A_270 : vector<16xi1>
    %or3A_2128 = arith.ori %or3A_2124, %and3A_2127 : vector<16xi1>
    %gather3A_2129 = tpu.vector_load_idx %arg9[%min3A_208] : memref<16xi32, #tpu.memory_space<vmem>>[vector<16xi32>], vector<16xi32>,
    %eq3A_2130 = arith.cmpi eq, %get3A_2089, %gather3A_2129 : vector<16xi32>
    %and3A_2131 = arith.andi %eq3A_2130, %le3A_273 : vector<16xi1>
    %or3A_2132 = arith.ori %or3A_2128, %and3A_2131 : vector<16xi1>
    %gather3A_2133 = tpu.vector_load_idx %arg9[%min3A_214] : memref<16xi32, #tpu.memory_space<vmem>>[vector<16xi32>], vector<16xi32>,
    %eq3A_2134 = arith.cmpi eq, %get3A_2089, %gather3A_2133 : vector<16xi32>
    %and3A_2135 = arith.andi %eq3A_2134, %le3A_276 : vector<16xi1>
    %or3A_2136 = arith.ori %or3A_2132, %and3A_2135 : vector<16xi1>
    %gather3A_2137 = tpu.vector_load_idx %arg9[%min3A_220] : memref<16xi32, #tpu.memory_space<vmem>>[vector<16xi32>], vector<16xi32>,
    %eq3A_2138 = arith.cmpi eq, %get3A_2089, %gather3A_2137 : vector<16xi32>
    %and3A_2139 = arith.andi %eq3A_2138, %le3A_279 : vector<16xi1>
    %or3A_2140 = arith.ori %or3A_2136, %and3A_2139 : vector<16xi1>
    %gather3A_2141 = tpu.vector_load_idx %arg9[%min3A_226] : memref<16xi32, #tpu.memory_space<vmem>>[vector<16xi32>], vector<16xi32>,
    %eq3A_2142 = arith.cmpi eq, %get3A_2089, %gather3A_2141 : vector<16xi32>
    %and3A_2143 = arith.andi %eq3A_2142, %le3A_282 : vector<16xi1>
    %or3A_2144 = arith.ori %or3A_2140, %and3A_2143 : vector<16xi1>
    %gather3A_2145 = tpu.vector_load_idx %arg9[%min3A_232] : memref<16xi32, #tpu.memory_space<vmem>>[vector<16xi32>], vector<16xi32>,
    %eq3A_2146 = arith.cmpi eq, %get3A_2089, %gather3A_2145 : vector<16xi32>
    %and3A_2147 = arith.andi %eq3A_2146, %le3A_285 : vector<16xi1>
    %or3A_2148 = arith.ori %or3A_2144, %and3A_2147 : vector<16xi1>
    %gather3A_2149 = tpu.vector_load_idx %arg9[%min3A_238] : memref<16xi32, #tpu.memory_space<vmem>>[vector<16xi32>], vector<16xi32>,
    %eq3A_2150 = arith.cmpi eq, %get3A_2089, %gather3A_2149 : vector<16xi32>
    %and3A_2151 = arith.andi %eq3A_2150, %le3A_288 : vector<16xi1>
    %or3A_2152 = arith.ori %or3A_2148, %and3A_2151 : vector<16xi1>
    %gather3A_2153 = tpu.vector_load_idx %arg9[%min3A_244] : memref<16xi32, #tpu.memory_space<vmem>>[vector<16xi32>], vector<16xi32>,
    %eq3A_2154 = arith.cmpi eq, %get3A_2089, %gather3A_2153 : vector<16xi32>
    %and3A_2155 = arith.andi %eq3A_2154, %le3A_291 : vector<16xi1>
    %or3A_2156 = arith.ori %or3A_2152, %and3A_2155 : vector<16xi1>
    %gather3A_2157 = tpu.vector_load_idx %arg9[%min3A_250] : memref<16xi32, #tpu.memory_space<vmem>>[vector<16xi32>], vector<16xi32>,
    %eq3A_2158 = arith.cmpi eq, %get3A_2089, %gather3A_2157 : vector<16xi32>
    %and3A_2159 = arith.andi %eq3A_2158, %le3A_294 : vector<16xi1>
    %or3A_2160 = arith.ori %or3A_2156, %and3A_2159 : vector<16xi1>
    %not3A_2161 = arith.constant dense<true> : vector<16xi1>
    %not3A_2162 = arith.xori %or3A_2160, %not3A_2161 : vector<16xi1>
    tpu.vector_store_idx %arg8[%get3A_2089], %add3A_2095 masked %not3A_2162 : memref<1024xi32, #tpu.memory_space<vmem>>[vector<16xi32>], vector<16xi32>, vector<16xi1>
    %get3A_2163 = arith.constant 400 : index
    %get3A_2164 = tpu.vector_load %arg6[%get3A_2163] {strides = array<i32>} : memref<512xi32, #tpu.memory_space<vmem>>, vector<16xi32>,
    %add3A_2165 = arith.constant 384 : i32
    %add3A_2166 = arith.addi %mul3A_2, %add3A_2165 : i32
    %add3A_2167 = arith.constant 16 : i32
    %add3A_2168 = arith.addi %add3A_2166, %add3A_2167 : i32
    %add3A_2169 = vector.broadcast %add3A_2168 : i32 to vector<16xi32>
    %add3A_2170 = arith.addi %iota3A, %add3A_2169 : vector<16xi32>
    %swap3A_2171 = arith.constant 0 : index
    %swap3A_2172 = tpu.vector_load %arg9[%swap3A_2171] {strides = array<i32>} : memref<16xi32, #tpu.memory_space<vmem>>, vector<16xi32>,
    tpu.vector_store %arg9[%swap3A_2171], %get3A_2164 {strides = array<i32>} : memref<16xi32, #tpu.memory_space<vmem>>, vector<16xi32>,
    %lt3A_2173 = arith.constant 0 : i32
    %lt3A_2174 = vector.broadcast %lt3A_2173 : i32 to vector<16xi32>
    %lt3A_2175 = arith.cmpi slt, %iota3A, %lt3A_2174 : vector<16xi32>
    %gather3A_2176 = tpu.vector_load_idx %arg9[%min3A_166] : memref<16xi32, #tpu.memory_space<vmem>>[vector<16xi32>], vector<16xi32>,
    %eq3A_2177 = arith.cmpi eq, %get3A_2164, %gather3A_2176 : vector<16xi32>
    %and3A_2178 = arith.andi %eq3A_2177, %le3A_252 : vector<16xi1>
    %or3A_2179 = arith.ori %lt3A_2175, %and3A_2178 : vector<16xi1>
    %gather3A_2180 = tpu.vector_load_idx %arg9[%min3A_172] : memref<16xi32, #tpu.memory_space<vmem>>[vector<16xi32>], vector<16xi32>,
    %eq3A_2181 = arith.cmpi eq, %get3A_2164, %gather3A_2180 : vector<16xi32>
    %and3A_2182 = arith.andi %eq3A_2181, %le3A_255 : vector<16xi1>
    %or3A_2183 = arith.ori %or3A_2179, %and3A_2182 : vector<16xi1>
    %gather3A_2184 = tpu.vector_load_idx %arg9[%min3A_178] : memref<16xi32, #tpu.memory_space<vmem>>[vector<16xi32>], vector<16xi32>,
    %eq3A_2185 = arith.cmpi eq, %get3A_2164, %gather3A_2184 : vector<16xi32>
    %and3A_2186 = arith.andi %eq3A_2185, %le3A_258 : vector<16xi1>
    %or3A_2187 = arith.ori %or3A_2183, %and3A_2186 : vector<16xi1>
    %gather3A_2188 = tpu.vector_load_idx %arg9[%min3A_184] : memref<16xi32, #tpu.memory_space<vmem>>[vector<16xi32>], vector<16xi32>,
    %eq3A_2189 = arith.cmpi eq, %get3A_2164, %gather3A_2188 : vector<16xi32>
    %and3A_2190 = arith.andi %eq3A_2189, %le3A_261 : vector<16xi1>
    %or3A_2191 = arith.ori %or3A_2187, %and3A_2190 : vector<16xi1>
    %gather3A_2192 = tpu.vector_load_idx %arg9[%min3A_190] : memref<16xi32, #tpu.memory_space<vmem>>[vector<16xi32>], vector<16xi32>,
    %eq3A_2193 = arith.cmpi eq, %get3A_2164, %gather3A_2192 : vector<16xi32>
    %and3A_2194 = arith.andi %eq3A_2193, %le3A_264 : vector<16xi1>
    %or3A_2195 = arith.ori %or3A_2191, %and3A_2194 : vector<16xi1>
    %gather3A_2196 = tpu.vector_load_idx %arg9[%min3A_196] : memref<16xi32, #tpu.memory_space<vmem>>[vector<16xi32>], vector<16xi32>,
    %eq3A_2197 = arith.cmpi eq, %get3A_2164, %gather3A_2196 : vector<16xi32>
    %and3A_2198 = arith.andi %eq3A_2197, %le3A_267 : vector<16xi1>
    %or3A_2199 = arith.ori %or3A_2195, %and3A_2198 : vector<16xi1>
    %gather3A_2200 = tpu.vector_load_idx %arg9[%min3A_202] : memref<16xi32, #tpu.memory_space<vmem>>[vector<16xi32>], vector<16xi32>,
    %eq3A_2201 = arith.cmpi eq, %get3A_2164, %gather3A_2200 : vector<16xi32>
    %and3A_2202 = arith.andi %eq3A_2201, %le3A_270 : vector<16xi1>
    %or3A_2203 = arith.ori %or3A_2199, %and3A_2202 : vector<16xi1>
    %gather3A_2204 = tpu.vector_load_idx %arg9[%min3A_208] : memref<16xi32, #tpu.memory_space<vmem>>[vector<16xi32>], vector<16xi32>,
    %eq3A_2205 = arith.cmpi eq, %get3A_2164, %gather3A_2204 : vector<16xi32>
    %and3A_2206 = arith.andi %eq3A_2205, %le3A_273 : vector<16xi1>
    %or3A_2207 = arith.ori %or3A_2203, %and3A_2206 : vector<16xi1>
    %gather3A_2208 = tpu.vector_load_idx %arg9[%min3A_214] : memref<16xi32, #tpu.memory_space<vmem>>[vector<16xi32>], vector<16xi32>,
    %eq3A_2209 = arith.cmpi eq, %get3A_2164, %gather3A_2208 : vector<16xi32>
    %and3A_2210 = arith.andi %eq3A_2209, %le3A_276 : vector<16xi1>
    %or3A_2211 = arith.ori %or3A_2207, %and3A_2210 : vector<16xi1>
    %gather3A_2212 = tpu.vector_load_idx %arg9[%min3A_220] : memref<16xi32, #tpu.memory_space<vmem>>[vector<16xi32>], vector<16xi32>,
    %eq3A_2213 = arith.cmpi eq, %get3A_2164, %gather3A_2212 : vector<16xi32>
    %and3A_2214 = arith.andi %eq3A_2213, %le3A_279 : vector<16xi1>
    %or3A_2215 = arith.ori %or3A_2211, %and3A_2214 : vector<16xi1>
    %gather3A_2216 = tpu.vector_load_idx %arg9[%min3A_226] : memref<16xi32, #tpu.memory_space<vmem>>[vector<16xi32>], vector<16xi32>,
    %eq3A_2217 = arith.cmpi eq, %get3A_2164, %gather3A_2216 : vector<16xi32>
    %and3A_2218 = arith.andi %eq3A_2217, %le3A_282 : vector<16xi1>
    %or3A_2219 = arith.ori %or3A_2215, %and3A_2218 : vector<16xi1>
    %gather3A_2220 = tpu.vector_load_idx %arg9[%min3A_232] : memref<16xi32, #tpu.memory_space<vmem>>[vector<16xi32>], vector<16xi32>,
    %eq3A_2221 = arith.cmpi eq, %get3A_2164, %gather3A_2220 : vector<16xi32>
    %and3A_2222 = arith.andi %eq3A_2221, %le3A_285 : vector<16xi1>
    %or3A_2223 = arith.ori %or3A_2219, %and3A_2222 : vector<16xi1>
    %gather3A_2224 = tpu.vector_load_idx %arg9[%min3A_238] : memref<16xi32, #tpu.memory_space<vmem>>[vector<16xi32>], vector<16xi32>,
    %eq3A_2225 = arith.cmpi eq, %get3A_2164, %gather3A_2224 : vector<16xi32>
    %and3A_2226 = arith.andi %eq3A_2225, %le3A_288 : vector<16xi1>
    %or3A_2227 = arith.ori %or3A_2223, %and3A_2226 : vector<16xi1>
    %gather3A_2228 = tpu.vector_load_idx %arg9[%min3A_244] : memref<16xi32, #tpu.memory_space<vmem>>[vector<16xi32>], vector<16xi32>,
    %eq3A_2229 = arith.cmpi eq, %get3A_2164, %gather3A_2228 : vector<16xi32>
    %and3A_2230 = arith.andi %eq3A_2229, %le3A_291 : vector<16xi1>
    %or3A_2231 = arith.ori %or3A_2227, %and3A_2230 : vector<16xi1>
    %gather3A_2232 = tpu.vector_load_idx %arg9[%min3A_250] : memref<16xi32, #tpu.memory_space<vmem>>[vector<16xi32>], vector<16xi32>,
    %eq3A_2233 = arith.cmpi eq, %get3A_2164, %gather3A_2232 : vector<16xi32>
    %and3A_2234 = arith.andi %eq3A_2233, %le3A_294 : vector<16xi1>
    %or3A_2235 = arith.ori %or3A_2231, %and3A_2234 : vector<16xi1>
    %not3A_2236 = arith.constant dense<true> : vector<16xi1>
    %not3A_2237 = arith.xori %or3A_2235, %not3A_2236 : vector<16xi1>
    tpu.vector_store_idx %arg8[%get3A_2164], %add3A_2170 masked %not3A_2237 : memref<1024xi32, #tpu.memory_space<vmem>>[vector<16xi32>], vector<16xi32>, vector<16xi1>
    %get3A_2238 = arith.constant 416 : index
    %get3A_2239 = tpu.vector_load %arg6[%get3A_2238] {strides = array<i32>} : memref<512xi32, #tpu.memory_space<vmem>>, vector<16xi32>,
    %add3A_2240 = arith.constant 384 : i32
    %add3A_2241 = arith.addi %mul3A_2, %add3A_2240 : i32
    %add3A_2242 = arith.constant 32 : i32
    %add3A_2243 = arith.addi %add3A_2241, %add3A_2242 : i32
    %add3A_2244 = vector.broadcast %add3A_2243 : i32 to vector<16xi32>
    %add3A_2245 = arith.addi %iota3A, %add3A_2244 : vector<16xi32>
    %swap3A_2246 = arith.constant 0 : index
    %swap3A_2247 = tpu.vector_load %arg9[%swap3A_2246] {strides = array<i32>} : memref<16xi32, #tpu.memory_space<vmem>>, vector<16xi32>,
    tpu.vector_store %arg9[%swap3A_2246], %get3A_2239 {strides = array<i32>} : memref<16xi32, #tpu.memory_space<vmem>>, vector<16xi32>,
    %lt3A_2248 = arith.constant 0 : i32
    %lt3A_2249 = vector.broadcast %lt3A_2248 : i32 to vector<16xi32>
    %lt3A_2250 = arith.cmpi slt, %iota3A, %lt3A_2249 : vector<16xi32>
    %gather3A_2251 = tpu.vector_load_idx %arg9[%min3A_166] : memref<16xi32, #tpu.memory_space<vmem>>[vector<16xi32>], vector<16xi32>,
    %eq3A_2252 = arith.cmpi eq, %get3A_2239, %gather3A_2251 : vector<16xi32>
    %and3A_2253 = arith.andi %eq3A_2252, %le3A_252 : vector<16xi1>
    %or3A_2254 = arith.ori %lt3A_2250, %and3A_2253 : vector<16xi1>
    %gather3A_2255 = tpu.vector_load_idx %arg9[%min3A_172] : memref<16xi32, #tpu.memory_space<vmem>>[vector<16xi32>], vector<16xi32>,
    %eq3A_2256 = arith.cmpi eq, %get3A_2239, %gather3A_2255 : vector<16xi32>
    %and3A_2257 = arith.andi %eq3A_2256, %le3A_255 : vector<16xi1>
    %or3A_2258 = arith.ori %or3A_2254, %and3A_2257 : vector<16xi1>
    %gather3A_2259 = tpu.vector_load_idx %arg9[%min3A_178] : memref<16xi32, #tpu.memory_space<vmem>>[vector<16xi32>], vector<16xi32>,
    %eq3A_2260 = arith.cmpi eq, %get3A_2239, %gather3A_2259 : vector<16xi32>
    %and3A_2261 = arith.andi %eq3A_2260, %le3A_258 : vector<16xi1>
    %or3A_2262 = arith.ori %or3A_2258, %and3A_2261 : vector<16xi1>
    %gather3A_2263 = tpu.vector_load_idx %arg9[%min3A_184] : memref<16xi32, #tpu.memory_space<vmem>>[vector<16xi32>], vector<16xi32>,
    %eq3A_2264 = arith.cmpi eq, %get3A_2239, %gather3A_2263 : vector<16xi32>
    %and3A_2265 = arith.andi %eq3A_2264, %le3A_261 : vector<16xi1>
    %or3A_2266 = arith.ori %or3A_2262, %and3A_2265 : vector<16xi1>
    %gather3A_2267 = tpu.vector_load_idx %arg9[%min3A_190] : memref<16xi32, #tpu.memory_space<vmem>>[vector<16xi32>], vector<16xi32>,
    %eq3A_2268 = arith.cmpi eq, %get3A_2239, %gather3A_2267 : vector<16xi32>
    %and3A_2269 = arith.andi %eq3A_2268, %le3A_264 : vector<16xi1>
    %or3A_2270 = arith.ori %or3A_2266, %and3A_2269 : vector<16xi1>
    %gather3A_2271 = tpu.vector_load_idx %arg9[%min3A_196] : memref<16xi32, #tpu.memory_space<vmem>>[vector<16xi32>], vector<16xi32>,
    %eq3A_2272 = arith.cmpi eq, %get3A_2239, %gather3A_2271 : vector<16xi32>
    %and3A_2273 = arith.andi %eq3A_2272, %le3A_267 : vector<16xi1>
    %or3A_2274 = arith.ori %or3A_2270, %and3A_2273 : vector<16xi1>
    %gather3A_2275 = tpu.vector_load_idx %arg9[%min3A_202] : memref<16xi32, #tpu.memory_space<vmem>>[vector<16xi32>], vector<16xi32>,
    %eq3A_2276 = arith.cmpi eq, %get3A_2239, %gather3A_2275 : vector<16xi32>
    %and3A_2277 = arith.andi %eq3A_2276, %le3A_270 : vector<16xi1>
    %or3A_2278 = arith.ori %or3A_2274, %and3A_2277 : vector<16xi1>
    %gather3A_2279 = tpu.vector_load_idx %arg9[%min3A_208] : memref<16xi32, #tpu.memory_space<vmem>>[vector<16xi32>], vector<16xi32>,
    %eq3A_2280 = arith.cmpi eq, %get3A_2239, %gather3A_2279 : vector<16xi32>
    %and3A_2281 = arith.andi %eq3A_2280, %le3A_273 : vector<16xi1>
    %or3A_2282 = arith.ori %or3A_2278, %and3A_2281 : vector<16xi1>
    %gather3A_2283 = tpu.vector_load_idx %arg9[%min3A_214] : memref<16xi32, #tpu.memory_space<vmem>>[vector<16xi32>], vector<16xi32>,
    %eq3A_2284 = arith.cmpi eq, %get3A_2239, %gather3A_2283 : vector<16xi32>
    %and3A_2285 = arith.andi %eq3A_2284, %le3A_276 : vector<16xi1>
    %or3A_2286 = arith.ori %or3A_2282, %and3A_2285 : vector<16xi1>
    %gather3A_2287 = tpu.vector_load_idx %arg9[%min3A_220] : memref<16xi32, #tpu.memory_space<vmem>>[vector<16xi32>], vector<16xi32>,
    %eq3A_2288 = arith.cmpi eq, %get3A_2239, %gather3A_2287 : vector<16xi32>
    %and3A_2289 = arith.andi %eq3A_2288, %le3A_279 : vector<16xi1>
    %or3A_2290 = arith.ori %or3A_2286, %and3A_2289 : vector<16xi1>
    %gather3A_2291 = tpu.vector_load_idx %arg9[%min3A_226] : memref<16xi32, #tpu.memory_space<vmem>>[vector<16xi32>], vector<16xi32>,
    %eq3A_2292 = arith.cmpi eq, %get3A_2239, %gather3A_2291 : vector<16xi32>
    %and3A_2293 = arith.andi %eq3A_2292, %le3A_282 : vector<16xi1>
    %or3A_2294 = arith.ori %or3A_2290, %and3A_2293 : vector<16xi1>
    %gather3A_2295 = tpu.vector_load_idx %arg9[%min3A_232] : memref<16xi32, #tpu.memory_space<vmem>>[vector<16xi32>], vector<16xi32>,
    %eq3A_2296 = arith.cmpi eq, %get3A_2239, %gather3A_2295 : vector<16xi32>
    %and3A_2297 = arith.andi %eq3A_2296, %le3A_285 : vector<16xi1>
    %or3A_2298 = arith.ori %or3A_2294, %and3A_2297 : vector<16xi1>
    %gather3A_2299 = tpu.vector_load_idx %arg9[%min3A_238] : memref<16xi32, #tpu.memory_space<vmem>>[vector<16xi32>], vector<16xi32>,
    %eq3A_2300 = arith.cmpi eq, %get3A_2239, %gather3A_2299 : vector<16xi32>
    %and3A_2301 = arith.andi %eq3A_2300, %le3A_288 : vector<16xi1>
    %or3A_2302 = arith.ori %or3A_2298, %and3A_2301 : vector<16xi1>
    %gather3A_2303 = tpu.vector_load_idx %arg9[%min3A_244] : memref<16xi32, #tpu.memory_space<vmem>>[vector<16xi32>], vector<16xi32>,
    %eq3A_2304 = arith.cmpi eq, %get3A_2239, %gather3A_2303 : vector<16xi32>
    %and3A_2305 = arith.andi %eq3A_2304, %le3A_291 : vector<16xi1>
    %or3A_2306 = arith.ori %or3A_2302, %and3A_2305 : vector<16xi1>
    %gather3A_2307 = tpu.vector_load_idx %arg9[%min3A_250] : memref<16xi32, #tpu.memory_space<vmem>>[vector<16xi32>], vector<16xi32>,
    %eq3A_2308 = arith.cmpi eq, %get3A_2239, %gather3A_2307 : vector<16xi32>
    %and3A_2309 = arith.andi %eq3A_2308, %le3A_294 : vector<16xi1>
    %or3A_2310 = arith.ori %or3A_2306, %and3A_2309 : vector<16xi1>
    %not3A_2311 = arith.constant dense<true> : vector<16xi1>
    %not3A_2312 = arith.xori %or3A_2310, %not3A_2311 : vector<16xi1>
    tpu.vector_store_idx %arg8[%get3A_2239], %add3A_2245 masked %not3A_2312 : memref<1024xi32, #tpu.memory_space<vmem>>[vector<16xi32>], vector<16xi32>, vector<16xi1>
    %get3A_2313 = arith.constant 432 : index
    %get3A_2314 = tpu.vector_load %arg6[%get3A_2313] {strides = array<i32>} : memref<512xi32, #tpu.memory_space<vmem>>, vector<16xi32>,
    %add3A_2315 = arith.constant 384 : i32
    %add3A_2316 = arith.addi %mul3A_2, %add3A_2315 : i32
    %add3A_2317 = arith.constant 48 : i32
    %add3A_2318 = arith.addi %add3A_2316, %add3A_2317 : i32
    %add3A_2319 = vector.broadcast %add3A_2318 : i32 to vector<16xi32>
    %add3A_2320 = arith.addi %iota3A, %add3A_2319 : vector<16xi32>
    %swap3A_2321 = arith.constant 0 : index
    %swap3A_2322 = tpu.vector_load %arg9[%swap3A_2321] {strides = array<i32>} : memref<16xi32, #tpu.memory_space<vmem>>, vector<16xi32>,
    tpu.vector_store %arg9[%swap3A_2321], %get3A_2314 {strides = array<i32>} : memref<16xi32, #tpu.memory_space<vmem>>, vector<16xi32>,
    %lt3A_2323 = arith.constant 0 : i32
    %lt3A_2324 = vector.broadcast %lt3A_2323 : i32 to vector<16xi32>
    %lt3A_2325 = arith.cmpi slt, %iota3A, %lt3A_2324 : vector<16xi32>
    %gather3A_2326 = tpu.vector_load_idx %arg9[%min3A_166] : memref<16xi32, #tpu.memory_space<vmem>>[vector<16xi32>], vector<16xi32>,
    %eq3A_2327 = arith.cmpi eq, %get3A_2314, %gather3A_2326 : vector<16xi32>
    %and3A_2328 = arith.andi %eq3A_2327, %le3A_252 : vector<16xi1>
    %or3A_2329 = arith.ori %lt3A_2325, %and3A_2328 : vector<16xi1>
    %gather3A_2330 = tpu.vector_load_idx %arg9[%min3A_172] : memref<16xi32, #tpu.memory_space<vmem>>[vector<16xi32>], vector<16xi32>,
    %eq3A_2331 = arith.cmpi eq, %get3A_2314, %gather3A_2330 : vector<16xi32>
    %and3A_2332 = arith.andi %eq3A_2331, %le3A_255 : vector<16xi1>
    %or3A_2333 = arith.ori %or3A_2329, %and3A_2332 : vector<16xi1>
    %gather3A_2334 = tpu.vector_load_idx %arg9[%min3A_178] : memref<16xi32, #tpu.memory_space<vmem>>[vector<16xi32>], vector<16xi32>,
    %eq3A_2335 = arith.cmpi eq, %get3A_2314, %gather3A_2334 : vector<16xi32>
    %and3A_2336 = arith.andi %eq3A_2335, %le3A_258 : vector<16xi1>
    %or3A_2337 = arith.ori %or3A_2333, %and3A_2336 : vector<16xi1>
    %gather3A_2338 = tpu.vector_load_idx %arg9[%min3A_184] : memref<16xi32, #tpu.memory_space<vmem>>[vector<16xi32>], vector<16xi32>,
    %eq3A_2339 = arith.cmpi eq, %get3A_2314, %gather3A_2338 : vector<16xi32>
    %and3A_2340 = arith.andi %eq3A_2339, %le3A_261 : vector<16xi1>
    %or3A_2341 = arith.ori %or3A_2337, %and3A_2340 : vector<16xi1>
    %gather3A_2342 = tpu.vector_load_idx %arg9[%min3A_190] : memref<16xi32, #tpu.memory_space<vmem>>[vector<16xi32>], vector<16xi32>,
    %eq3A_2343 = arith.cmpi eq, %get3A_2314, %gather3A_2342 : vector<16xi32>
    %and3A_2344 = arith.andi %eq3A_2343, %le3A_264 : vector<16xi1>
    %or3A_2345 = arith.ori %or3A_2341, %and3A_2344 : vector<16xi1>
    %gather3A_2346 = tpu.vector_load_idx %arg9[%min3A_196] : memref<16xi32, #tpu.memory_space<vmem>>[vector<16xi32>], vector<16xi32>,
    %eq3A_2347 = arith.cmpi eq, %get3A_2314, %gather3A_2346 : vector<16xi32>
    %and3A_2348 = arith.andi %eq3A_2347, %le3A_267 : vector<16xi1>
    %or3A_2349 = arith.ori %or3A_2345, %and3A_2348 : vector<16xi1>
    %gather3A_2350 = tpu.vector_load_idx %arg9[%min3A_202] : memref<16xi32, #tpu.memory_space<vmem>>[vector<16xi32>], vector<16xi32>,
    %eq3A_2351 = arith.cmpi eq, %get3A_2314, %gather3A_2350 : vector<16xi32>
    %and3A_2352 = arith.andi %eq3A_2351, %le3A_270 : vector<16xi1>
    %or3A_2353 = arith.ori %or3A_2349, %and3A_2352 : vector<16xi1>
    %gather3A_2354 = tpu.vector_load_idx %arg9[%min3A_208] : memref<16xi32, #tpu.memory_space<vmem>>[vector<16xi32>], vector<16xi32>,
    %eq3A_2355 = arith.cmpi eq, %get3A_2314, %gather3A_2354 : vector<16xi32>
    %and3A_2356 = arith.andi %eq3A_2355, %le3A_273 : vector<16xi1>
    %or3A_2357 = arith.ori %or3A_2353, %and3A_2356 : vector<16xi1>
    %gather3A_2358 = tpu.vector_load_idx %arg9[%min3A_214] : memref<16xi32, #tpu.memory_space<vmem>>[vector<16xi32>], vector<16xi32>,
    %eq3A_2359 = arith.cmpi eq, %get3A_2314, %gather3A_2358 : vector<16xi32>
    %and3A_2360 = arith.andi %eq3A_2359, %le3A_276 : vector<16xi1>
    %or3A_2361 = arith.ori %or3A_2357, %and3A_2360 : vector<16xi1>
    %gather3A_2362 = tpu.vector_load_idx %arg9[%min3A_220] : memref<16xi32, #tpu.memory_space<vmem>>[vector<16xi32>], vector<16xi32>,
    %eq3A_2363 = arith.cmpi eq, %get3A_2314, %gather3A_2362 : vector<16xi32>
    %and3A_2364 = arith.andi %eq3A_2363, %le3A_279 : vector<16xi1>
    %or3A_2365 = arith.ori %or3A_2361, %and3A_2364 : vector<16xi1>
    %gather3A_2366 = tpu.vector_load_idx %arg9[%min3A_226] : memref<16xi32, #tpu.memory_space<vmem>>[vector<16xi32>], vector<16xi32>,
    %eq3A_2367 = arith.cmpi eq, %get3A_2314, %gather3A_2366 : vector<16xi32>
    %and3A_2368 = arith.andi %eq3A_2367, %le3A_282 : vector<16xi1>
    %or3A_2369 = arith.ori %or3A_2365, %and3A_2368 : vector<16xi1>
    %gather3A_2370 = tpu.vector_load_idx %arg9[%min3A_232] : memref<16xi32, #tpu.memory_space<vmem>>[vector<16xi32>], vector<16xi32>,
    %eq3A_2371 = arith.cmpi eq, %get3A_2314, %gather3A_2370 : vector<16xi32>
    %and3A_2372 = arith.andi %eq3A_2371, %le3A_285 : vector<16xi1>
    %or3A_2373 = arith.ori %or3A_2369, %and3A_2372 : vector<16xi1>
    %gather3A_2374 = tpu.vector_load_idx %arg9[%min3A_238] : memref<16xi32, #tpu.memory_space<vmem>>[vector<16xi32>], vector<16xi32>,
    %eq3A_2375 = arith.cmpi eq, %get3A_2314, %gather3A_2374 : vector<16xi32>
    %and3A_2376 = arith.andi %eq3A_2375, %le3A_288 : vector<16xi1>
    %or3A_2377 = arith.ori %or3A_2373, %and3A_2376 : vector<16xi1>
    %gather3A_2378 = tpu.vector_load_idx %arg9[%min3A_244] : memref<16xi32, #tpu.memory_space<vmem>>[vector<16xi32>], vector<16xi32>,
    %eq3A_2379 = arith.cmpi eq, %get3A_2314, %gather3A_2378 : vector<16xi32>
    %and3A_2380 = arith.andi %eq3A_2379, %le3A_291 : vector<16xi1>
    %or3A_2381 = arith.ori %or3A_2377, %and3A_2380 : vector<16xi1>
    %gather3A_2382 = tpu.vector_load_idx %arg9[%min3A_250] : memref<16xi32, #tpu.memory_space<vmem>>[vector<16xi32>], vector<16xi32>,
    %eq3A_2383 = arith.cmpi eq, %get3A_2314, %gather3A_2382 : vector<16xi32>
    %and3A_2384 = arith.andi %eq3A_2383, %le3A_294 : vector<16xi1>
    %or3A_2385 = arith.ori %or3A_2381, %and3A_2384 : vector<16xi1>
    %not3A_2386 = arith.constant dense<true> : vector<16xi1>
    %not3A_2387 = arith.xori %or3A_2385, %not3A_2386 : vector<16xi1>
    tpu.vector_store_idx %arg8[%get3A_2314], %add3A_2320 masked %not3A_2387 : memref<1024xi32, #tpu.memory_space<vmem>>[vector<16xi32>], vector<16xi32>, vector<16xi1>
    %get3A_2388 = arith.constant 448 : index
    %get3A_2389 = tpu.vector_load %arg6[%get3A_2388] {strides = array<i32>} : memref<512xi32, #tpu.memory_space<vmem>>, vector<16xi32>,
    %add3A_2390 = arith.constant 384 : i32
    %add3A_2391 = arith.addi %mul3A_2, %add3A_2390 : i32
    %add3A_2392 = arith.constant 64 : i32
    %add3A_2393 = arith.addi %add3A_2391, %add3A_2392 : i32
    %add3A_2394 = vector.broadcast %add3A_2393 : i32 to vector<16xi32>
    %add3A_2395 = arith.addi %iota3A, %add3A_2394 : vector<16xi32>
    %swap3A_2396 = arith.constant 0 : index
    %swap3A_2397 = tpu.vector_load %arg9[%swap3A_2396] {strides = array<i32>} : memref<16xi32, #tpu.memory_space<vmem>>, vector<16xi32>,
    tpu.vector_store %arg9[%swap3A_2396], %get3A_2389 {strides = array<i32>} : memref<16xi32, #tpu.memory_space<vmem>>, vector<16xi32>,
    %lt3A_2398 = arith.constant 0 : i32
    %lt3A_2399 = vector.broadcast %lt3A_2398 : i32 to vector<16xi32>
    %lt3A_2400 = arith.cmpi slt, %iota3A, %lt3A_2399 : vector<16xi32>
    %gather3A_2401 = tpu.vector_load_idx %arg9[%min3A_166] : memref<16xi32, #tpu.memory_space<vmem>>[vector<16xi32>], vector<16xi32>,
    %eq3A_2402 = arith.cmpi eq, %get3A_2389, %gather3A_2401 : vector<16xi32>
    %and3A_2403 = arith.andi %eq3A_2402, %le3A_252 : vector<16xi1>
    %or3A_2404 = arith.ori %lt3A_2400, %and3A_2403 : vector<16xi1>
    %gather3A_2405 = tpu.vector_load_idx %arg9[%min3A_172] : memref<16xi32, #tpu.memory_space<vmem>>[vector<16xi32>], vector<16xi32>,
    %eq3A_2406 = arith.cmpi eq, %get3A_2389, %gather3A_2405 : vector<16xi32>
    %and3A_2407 = arith.andi %eq3A_2406, %le3A_255 : vector<16xi1>
    %or3A_2408 = arith.ori %or3A_2404, %and3A_2407 : vector<16xi1>
    %gather3A_2409 = tpu.vector_load_idx %arg9[%min3A_178] : memref<16xi32, #tpu.memory_space<vmem>>[vector<16xi32>], vector<16xi32>,
    %eq3A_2410 = arith.cmpi eq, %get3A_2389, %gather3A_2409 : vector<16xi32>
    %and3A_2411 = arith.andi %eq3A_2410, %le3A_258 : vector<16xi1>
    %or3A_2412 = arith.ori %or3A_2408, %and3A_2411 : vector<16xi1>
    %gather3A_2413 = tpu.vector_load_idx %arg9[%min3A_184] : memref<16xi32, #tpu.memory_space<vmem>>[vector<16xi32>], vector<16xi32>,
    %eq3A_2414 = arith.cmpi eq, %get3A_2389, %gather3A_2413 : vector<16xi32>
    %and3A_2415 = arith.andi %eq3A_2414, %le3A_261 : vector<16xi1>
    %or3A_2416 = arith.ori %or3A_2412, %and3A_2415 : vector<16xi1>
    %gather3A_2417 = tpu.vector_load_idx %arg9[%min3A_190] : memref<16xi32, #tpu.memory_space<vmem>>[vector<16xi32>], vector<16xi32>,
    %eq3A_2418 = arith.cmpi eq, %get3A_2389, %gather3A_2417 : vector<16xi32>
    %and3A_2419 = arith.andi %eq3A_2418, %le3A_264 : vector<16xi1>
    %or3A_2420 = arith.ori %or3A_2416, %and3A_2419 : vector<16xi1>
    %gather3A_2421 = tpu.vector_load_idx %arg9[%min3A_196] : memref<16xi32, #tpu.memory_space<vmem>>[vector<16xi32>], vector<16xi32>,
    %eq3A_2422 = arith.cmpi eq, %get3A_2389, %gather3A_2421 : vector<16xi32>
    %and3A_2423 = arith.andi %eq3A_2422, %le3A_267 : vector<16xi1>
    %or3A_2424 = arith.ori %or3A_2420, %and3A_2423 : vector<16xi1>
    %gather3A_2425 = tpu.vector_load_idx %arg9[%min3A_202] : memref<16xi32, #tpu.memory_space<vmem>>[vector<16xi32>], vector<16xi32>,
    %eq3A_2426 = arith.cmpi eq, %get3A_2389, %gather3A_2425 : vector<16xi32>
    %and3A_2427 = arith.andi %eq3A_2426, %le3A_270 : vector<16xi1>
    %or3A_2428 = arith.ori %or3A_2424, %and3A_2427 : vector<16xi1>
    %gather3A_2429 = tpu.vector_load_idx %arg9[%min3A_208] : memref<16xi32, #tpu.memory_space<vmem>>[vector<16xi32>], vector<16xi32>,
    %eq3A_2430 = arith.cmpi eq, %get3A_2389, %gather3A_2429 : vector<16xi32>
    %and3A_2431 = arith.andi %eq3A_2430, %le3A_273 : vector<16xi1>
    %or3A_2432 = arith.ori %or3A_2428, %and3A_2431 : vector<16xi1>
    %gather3A_2433 = tpu.vector_load_idx %arg9[%min3A_214] : memref<16xi32, #tpu.memory_space<vmem>>[vector<16xi32>], vector<16xi32>,
    %eq3A_2434 = arith.cmpi eq, %get3A_2389, %gather3A_2433 : vector<16xi32>
    %and3A_2435 = arith.andi %eq3A_2434, %le3A_276 : vector<16xi1>
    %or3A_2436 = arith.ori %or3A_2432, %and3A_2435 : vector<16xi1>
    %gather3A_2437 = tpu.vector_load_idx %arg9[%min3A_220] : memref<16xi32, #tpu.memory_space<vmem>>[vector<16xi32>], vector<16xi32>,
    %eq3A_2438 = arith.cmpi eq, %get3A_2389, %gather3A_2437 : vector<16xi32>
    %and3A_2439 = arith.andi %eq3A_2438, %le3A_279 : vector<16xi1>
    %or3A_2440 = arith.ori %or3A_2436, %and3A_2439 : vector<16xi1>
    %gather3A_2441 = tpu.vector_load_idx %arg9[%min3A_226] : memref<16xi32, #tpu.memory_space<vmem>>[vector<16xi32>], vector<16xi32>,
    %eq3A_2442 = arith.cmpi eq, %get3A_2389, %gather3A_2441 : vector<16xi32>
    %and3A_2443 = arith.andi %eq3A_2442, %le3A_282 : vector<16xi1>
    %or3A_2444 = arith.ori %or3A_2440, %and3A_2443 : vector<16xi1>
    %gather3A_2445 = tpu.vector_load_idx %arg9[%min3A_232] : memref<16xi32, #tpu.memory_space<vmem>>[vector<16xi32>], vector<16xi32>,
    %eq3A_2446 = arith.cmpi eq, %get3A_2389, %gather3A_2445 : vector<16xi32>
    %and3A_2447 = arith.andi %eq3A_2446, %le3A_285 : vector<16xi1>
    %or3A_2448 = arith.ori %or3A_2444, %and3A_2447 : vector<16xi1>
    %gather3A_2449 = tpu.vector_load_idx %arg9[%min3A_238] : memref<16xi32, #tpu.memory_space<vmem>>[vector<16xi32>], vector<16xi32>,
    %eq3A_2450 = arith.cmpi eq, %get3A_2389, %gather3A_2449 : vector<16xi32>
    %and3A_2451 = arith.andi %eq3A_2450, %le3A_288 : vector<16xi1>
    %or3A_2452 = arith.ori %or3A_2448, %and3A_2451 : vector<16xi1>
    %gather3A_2453 = tpu.vector_load_idx %arg9[%min3A_244] : memref<16xi32, #tpu.memory_space<vmem>>[vector<16xi32>], vector<16xi32>,
    %eq3A_2454 = arith.cmpi eq, %get3A_2389, %gather3A_2453 : vector<16xi32>
    %and3A_2455 = arith.andi %eq3A_2454, %le3A_291 : vector<16xi1>
    %or3A_2456 = arith.ori %or3A_2452, %and3A_2455 : vector<16xi1>
    %gather3A_2457 = tpu.vector_load_idx %arg9[%min3A_250] : memref<16xi32, #tpu.memory_space<vmem>>[vector<16xi32>], vector<16xi32>,
    %eq3A_2458 = arith.cmpi eq, %get3A_2389, %gather3A_2457 : vector<16xi32>
    %and3A_2459 = arith.andi %eq3A_2458, %le3A_294 : vector<16xi1>
    %or3A_2460 = arith.ori %or3A_2456, %and3A_2459 : vector<16xi1>
    %not3A_2461 = arith.constant dense<true> : vector<16xi1>
    %not3A_2462 = arith.xori %or3A_2460, %not3A_2461 : vector<16xi1>
    tpu.vector_store_idx %arg8[%get3A_2389], %add3A_2395 masked %not3A_2462 : memref<1024xi32, #tpu.memory_space<vmem>>[vector<16xi32>], vector<16xi32>, vector<16xi1>
    %get3A_2463 = arith.constant 464 : index
    %get3A_2464 = tpu.vector_load %arg6[%get3A_2463] {strides = array<i32>} : memref<512xi32, #tpu.memory_space<vmem>>, vector<16xi32>,
    %add3A_2465 = arith.constant 384 : i32
    %add3A_2466 = arith.addi %mul3A_2, %add3A_2465 : i32
    %add3A_2467 = arith.constant 80 : i32
    %add3A_2468 = arith.addi %add3A_2466, %add3A_2467 : i32
    %add3A_2469 = vector.broadcast %add3A_2468 : i32 to vector<16xi32>
    %add3A_2470 = arith.addi %iota3A, %add3A_2469 : vector<16xi32>
    %swap3A_2471 = arith.constant 0 : index
    %swap3A_2472 = tpu.vector_load %arg9[%swap3A_2471] {strides = array<i32>} : memref<16xi32, #tpu.memory_space<vmem>>, vector<16xi32>,
    tpu.vector_store %arg9[%swap3A_2471], %get3A_2464 {strides = array<i32>} : memref<16xi32, #tpu.memory_space<vmem>>, vector<16xi32>,
    %lt3A_2473 = arith.constant 0 : i32
    %lt3A_2474 = vector.broadcast %lt3A_2473 : i32 to vector<16xi32>
    %lt3A_2475 = arith.cmpi slt, %iota3A, %lt3A_2474 : vector<16xi32>
    %gather3A_2476 = tpu.vector_load_idx %arg9[%min3A_166] : memref<16xi32, #tpu.memory_space<vmem>>[vector<16xi32>], vector<16xi32>,
    %eq3A_2477 = arith.cmpi eq, %get3A_2464, %gather3A_2476 : vector<16xi32>
    %and3A_2478 = arith.andi %eq3A_2477, %le3A_252 : vector<16xi1>
    %or3A_2479 = arith.ori %lt3A_2475, %and3A_2478 : vector<16xi1>
    %gather3A_2480 = tpu.vector_load_idx %arg9[%min3A_172] : memref<16xi32, #tpu.memory_space<vmem>>[vector<16xi32>], vector<16xi32>,
    %eq3A_2481 = arith.cmpi eq, %get3A_2464, %gather3A_2480 : vector<16xi32>
    %and3A_2482 = arith.andi %eq3A_2481, %le3A_255 : vector<16xi1>
    %or3A_2483 = arith.ori %or3A_2479, %and3A_2482 : vector<16xi1>
    %gather3A_2484 = tpu.vector_load_idx %arg9[%min3A_178] : memref<16xi32, #tpu.memory_space<vmem>>[vector<16xi32>], vector<16xi32>,
    %eq3A_2485 = arith.cmpi eq, %get3A_2464, %gather3A_2484 : vector<16xi32>
    %and3A_2486 = arith.andi %eq3A_2485, %le3A_258 : vector<16xi1>
    %or3A_2487 = arith.ori %or3A_2483, %and3A_2486 : vector<16xi1>
    %gather3A_2488 = tpu.vector_load_idx %arg9[%min3A_184] : memref<16xi32, #tpu.memory_space<vmem>>[vector<16xi32>], vector<16xi32>,
    %eq3A_2489 = arith.cmpi eq, %get3A_2464, %gather3A_2488 : vector<16xi32>
    %and3A_2490 = arith.andi %eq3A_2489, %le3A_261 : vector<16xi1>
    %or3A_2491 = arith.ori %or3A_2487, %and3A_2490 : vector<16xi1>
    %gather3A_2492 = tpu.vector_load_idx %arg9[%min3A_190] : memref<16xi32, #tpu.memory_space<vmem>>[vector<16xi32>], vector<16xi32>,
    %eq3A_2493 = arith.cmpi eq, %get3A_2464, %gather3A_2492 : vector<16xi32>
    %and3A_2494 = arith.andi %eq3A_2493, %le3A_264 : vector<16xi1>
    %or3A_2495 = arith.ori %or3A_2491, %and3A_2494 : vector<16xi1>
    %gather3A_2496 = tpu.vector_load_idx %arg9[%min3A_196] : memref<16xi32, #tpu.memory_space<vmem>>[vector<16xi32>], vector<16xi32>,
    %eq3A_2497 = arith.cmpi eq, %get3A_2464, %gather3A_2496 : vector<16xi32>
    %and3A_2498 = arith.andi %eq3A_2497, %le3A_267 : vector<16xi1>
    %or3A_2499 = arith.ori %or3A_2495, %and3A_2498 : vector<16xi1>
    %gather3A_2500 = tpu.vector_load_idx %arg9[%min3A_202] : memref<16xi32, #tpu.memory_space<vmem>>[vector<16xi32>], vector<16xi32>,
    %eq3A_2501 = arith.cmpi eq, %get3A_2464, %gather3A_2500 : vector<16xi32>
    %and3A_2502 = arith.andi %eq3A_2501, %le3A_270 : vector<16xi1>
    %or3A_2503 = arith.ori %or3A_2499, %and3A_2502 : vector<16xi1>
    %gather3A_2504 = tpu.vector_load_idx %arg9[%min3A_208] : memref<16xi32, #tpu.memory_space<vmem>>[vector<16xi32>], vector<16xi32>,
    %eq3A_2505 = arith.cmpi eq, %get3A_2464, %gather3A_2504 : vector<16xi32>
    %and3A_2506 = arith.andi %eq3A_2505, %le3A_273 : vector<16xi1>
    %or3A_2507 = arith.ori %or3A_2503, %and3A_2506 : vector<16xi1>
    %gather3A_2508 = tpu.vector_load_idx %arg9[%min3A_214] : memref<16xi32, #tpu.memory_space<vmem>>[vector<16xi32>], vector<16xi32>,
    %eq3A_2509 = arith.cmpi eq, %get3A_2464, %gather3A_2508 : vector<16xi32>
    %and3A_2510 = arith.andi %eq3A_2509, %le3A_276 : vector<16xi1>
    %or3A_2511 = arith.ori %or3A_2507, %and3A_2510 : vector<16xi1>
    %gather3A_2512 = tpu.vector_load_idx %arg9[%min3A_220] : memref<16xi32, #tpu.memory_space<vmem>>[vector<16xi32>], vector<16xi32>,
    %eq3A_2513 = arith.cmpi eq, %get3A_2464, %gather3A_2512 : vector<16xi32>
    %and3A_2514 = arith.andi %eq3A_2513, %le3A_279 : vector<16xi1>
    %or3A_2515 = arith.ori %or3A_2511, %and3A_2514 : vector<16xi1>
    %gather3A_2516 = tpu.vector_load_idx %arg9[%min3A_226] : memref<16xi32, #tpu.memory_space<vmem>>[vector<16xi32>], vector<16xi32>,
    %eq3A_2517 = arith.cmpi eq, %get3A_2464, %gather3A_2516 : vector<16xi32>
    %and3A_2518 = arith.andi %eq3A_2517, %le3A_282 : vector<16xi1>
    %or3A_2519 = arith.ori %or3A_2515, %and3A_2518 : vector<16xi1>
    %gather3A_2520 = tpu.vector_load_idx %arg9[%min3A_232] : memref<16xi32, #tpu.memory_space<vmem>>[vector<16xi32>], vector<16xi32>,
    %eq3A_2521 = arith.cmpi eq, %get3A_2464, %gather3A_2520 : vector<16xi32>
    %and3A_2522 = arith.andi %eq3A_2521, %le3A_285 : vector<16xi1>
    %or3A_2523 = arith.ori %or3A_2519, %and3A_2522 : vector<16xi1>
    %gather3A_2524 = tpu.vector_load_idx %arg9[%min3A_238] : memref<16xi32, #tpu.memory_space<vmem>>[vector<16xi32>], vector<16xi32>,
    %eq3A_2525 = arith.cmpi eq, %get3A_2464, %gather3A_2524 : vector<16xi32>
    %and3A_2526 = arith.andi %eq3A_2525, %le3A_288 : vector<16xi1>
    %or3A_2527 = arith.ori %or3A_2523, %and3A_2526 : vector<16xi1>
    %gather3A_2528 = tpu.vector_load_idx %arg9[%min3A_244] : memref<16xi32, #tpu.memory_space<vmem>>[vector<16xi32>], vector<16xi32>,
    %eq3A_2529 = arith.cmpi eq, %get3A_2464, %gather3A_2528 : vector<16xi32>
    %and3A_2530 = arith.andi %eq3A_2529, %le3A_291 : vector<16xi1>
    %or3A_2531 = arith.ori %or3A_2527, %and3A_2530 : vector<16xi1>
    %gather3A_2532 = tpu.vector_load_idx %arg9[%min3A_250] : memref<16xi32, #tpu.memory_space<vmem>>[vector<16xi32>], vector<16xi32>,
    %eq3A_2533 = arith.cmpi eq, %get3A_2464, %gather3A_2532 : vector<16xi32>
    %and3A_2534 = arith.andi %eq3A_2533, %le3A_294 : vector<16xi1>
    %or3A_2535 = arith.ori %or3A_2531, %and3A_2534 : vector<16xi1>
    %not3A_2536 = arith.constant dense<true> : vector<16xi1>
    %not3A_2537 = arith.xori %or3A_2535, %not3A_2536 : vector<16xi1>
    tpu.vector_store_idx %arg8[%get3A_2464], %add3A_2470 masked %not3A_2537 : memref<1024xi32, #tpu.memory_space<vmem>>[vector<16xi32>], vector<16xi32>, vector<16xi1>
    %get3A_2538 = arith.constant 480 : index
    %get3A_2539 = tpu.vector_load %arg6[%get3A_2538] {strides = array<i32>} : memref<512xi32, #tpu.memory_space<vmem>>, vector<16xi32>,
    %add3A_2540 = arith.constant 384 : i32
    %add3A_2541 = arith.addi %mul3A_2, %add3A_2540 : i32
    %add3A_2542 = arith.constant 96 : i32
    %add3A_2543 = arith.addi %add3A_2541, %add3A_2542 : i32
    %add3A_2544 = vector.broadcast %add3A_2543 : i32 to vector<16xi32>
    %add3A_2545 = arith.addi %iota3A, %add3A_2544 : vector<16xi32>
    %swap3A_2546 = arith.constant 0 : index
    %swap3A_2547 = tpu.vector_load %arg9[%swap3A_2546] {strides = array<i32>} : memref<16xi32, #tpu.memory_space<vmem>>, vector<16xi32>,
    tpu.vector_store %arg9[%swap3A_2546], %get3A_2539 {strides = array<i32>} : memref<16xi32, #tpu.memory_space<vmem>>, vector<16xi32>,
    %lt3A_2548 = arith.constant 0 : i32
    %lt3A_2549 = vector.broadcast %lt3A_2548 : i32 to vector<16xi32>
    %lt3A_2550 = arith.cmpi slt, %iota3A, %lt3A_2549 : vector<16xi32>
    %gather3A_2551 = tpu.vector_load_idx %arg9[%min3A_166] : memref<16xi32, #tpu.memory_space<vmem>>[vector<16xi32>], vector<16xi32>,
    %eq3A_2552 = arith.cmpi eq, %get3A_2539, %gather3A_2551 : vector<16xi32>
    %and3A_2553 = arith.andi %eq3A_2552, %le3A_252 : vector<16xi1>
    %or3A_2554 = arith.ori %lt3A_2550, %and3A_2553 : vector<16xi1>
    %gather3A_2555 = tpu.vector_load_idx %arg9[%min3A_172] : memref<16xi32, #tpu.memory_space<vmem>>[vector<16xi32>], vector<16xi32>,
    %eq3A_2556 = arith.cmpi eq, %get3A_2539, %gather3A_2555 : vector<16xi32>
    %and3A_2557 = arith.andi %eq3A_2556, %le3A_255 : vector<16xi1>
    %or3A_2558 = arith.ori %or3A_2554, %and3A_2557 : vector<16xi1>
    %gather3A_2559 = tpu.vector_load_idx %arg9[%min3A_178] : memref<16xi32, #tpu.memory_space<vmem>>[vector<16xi32>], vector<16xi32>,
    %eq3A_2560 = arith.cmpi eq, %get3A_2539, %gather3A_2559 : vector<16xi32>
    %and3A_2561 = arith.andi %eq3A_2560, %le3A_258 : vector<16xi1>
    %or3A_2562 = arith.ori %or3A_2558, %and3A_2561 : vector<16xi1>
    %gather3A_2563 = tpu.vector_load_idx %arg9[%min3A_184] : memref<16xi32, #tpu.memory_space<vmem>>[vector<16xi32>], vector<16xi32>,
    %eq3A_2564 = arith.cmpi eq, %get3A_2539, %gather3A_2563 : vector<16xi32>
    %and3A_2565 = arith.andi %eq3A_2564, %le3A_261 : vector<16xi1>
    %or3A_2566 = arith.ori %or3A_2562, %and3A_2565 : vector<16xi1>
    %gather3A_2567 = tpu.vector_load_idx %arg9[%min3A_190] : memref<16xi32, #tpu.memory_space<vmem>>[vector<16xi32>], vector<16xi32>,
    %eq3A_2568 = arith.cmpi eq, %get3A_2539, %gather3A_2567 : vector<16xi32>
    %and3A_2569 = arith.andi %eq3A_2568, %le3A_264 : vector<16xi1>
    %or3A_2570 = arith.ori %or3A_2566, %and3A_2569 : vector<16xi1>
    %gather3A_2571 = tpu.vector_load_idx %arg9[%min3A_196] : memref<16xi32, #tpu.memory_space<vmem>>[vector<16xi32>], vector<16xi32>,
    %eq3A_2572 = arith.cmpi eq, %get3A_2539, %gather3A_2571 : vector<16xi32>
    %and3A_2573 = arith.andi %eq3A_2572, %le3A_267 : vector<16xi1>
    %or3A_2574 = arith.ori %or3A_2570, %and3A_2573 : vector<16xi1>
    %gather3A_2575 = tpu.vector_load_idx %arg9[%min3A_202] : memref<16xi32, #tpu.memory_space<vmem>>[vector<16xi32>], vector<16xi32>,
    %eq3A_2576 = arith.cmpi eq, %get3A_2539, %gather3A_2575 : vector<16xi32>
    %and3A_2577 = arith.andi %eq3A_2576, %le3A_270 : vector<16xi1>
    %or3A_2578 = arith.ori %or3A_2574, %and3A_2577 : vector<16xi1>
    %gather3A_2579 = tpu.vector_load_idx %arg9[%min3A_208] : memref<16xi32, #tpu.memory_space<vmem>>[vector<16xi32>], vector<16xi32>,
    %eq3A_2580 = arith.cmpi eq, %get3A_2539, %gather3A_2579 : vector<16xi32>
    %and3A_2581 = arith.andi %eq3A_2580, %le3A_273 : vector<16xi1>
    %or3A_2582 = arith.ori %or3A_2578, %and3A_2581 : vector<16xi1>
    %gather3A_2583 = tpu.vector_load_idx %arg9[%min3A_214] : memref<16xi32, #tpu.memory_space<vmem>>[vector<16xi32>], vector<16xi32>,
    %eq3A_2584 = arith.cmpi eq, %get3A_2539, %gather3A_2583 : vector<16xi32>
    %and3A_2585 = arith.andi %eq3A_2584, %le3A_276 : vector<16xi1>
    %or3A_2586 = arith.ori %or3A_2582, %and3A_2585 : vector<16xi1>
    %gather3A_2587 = tpu.vector_load_idx %arg9[%min3A_220] : memref<16xi32, #tpu.memory_space<vmem>>[vector<16xi32>], vector<16xi32>,
    %eq3A_2588 = arith.cmpi eq, %get3A_2539, %gather3A_2587 : vector<16xi32>
    %and3A_2589 = arith.andi %eq3A_2588, %le3A_279 : vector<16xi1>
    %or3A_2590 = arith.ori %or3A_2586, %and3A_2589 : vector<16xi1>
    %gather3A_2591 = tpu.vector_load_idx %arg9[%min3A_226] : memref<16xi32, #tpu.memory_space<vmem>>[vector<16xi32>], vector<16xi32>,
    %eq3A_2592 = arith.cmpi eq, %get3A_2539, %gather3A_2591 : vector<16xi32>
    %and3A_2593 = arith.andi %eq3A_2592, %le3A_282 : vector<16xi1>
    %or3A_2594 = arith.ori %or3A_2590, %and3A_2593 : vector<16xi1>
    %gather3A_2595 = tpu.vector_load_idx %arg9[%min3A_232] : memref<16xi32, #tpu.memory_space<vmem>>[vector<16xi32>], vector<16xi32>,
    %eq3A_2596 = arith.cmpi eq, %get3A_2539, %gather3A_2595 : vector<16xi32>
    %and3A_2597 = arith.andi %eq3A_2596, %le3A_285 : vector<16xi1>
    %or3A_2598 = arith.ori %or3A_2594, %and3A_2597 : vector<16xi1>
    %gather3A_2599 = tpu.vector_load_idx %arg9[%min3A_238] : memref<16xi32, #tpu.memory_space<vmem>>[vector<16xi32>], vector<16xi32>,
    %eq3A_2600 = arith.cmpi eq, %get3A_2539, %gather3A_2599 : vector<16xi32>
    %and3A_2601 = arith.andi %eq3A_2600, %le3A_288 : vector<16xi1>
    %or3A_2602 = arith.ori %or3A_2598, %and3A_2601 : vector<16xi1>
    %gather3A_2603 = tpu.vector_load_idx %arg9[%min3A_244] : memref<16xi32, #tpu.memory_space<vmem>>[vector<16xi32>], vector<16xi32>,
    %eq3A_2604 = arith.cmpi eq, %get3A_2539, %gather3A_2603 : vector<16xi32>
    %and3A_2605 = arith.andi %eq3A_2604, %le3A_291 : vector<16xi1>
    %or3A_2606 = arith.ori %or3A_2602, %and3A_2605 : vector<16xi1>
    %gather3A_2607 = tpu.vector_load_idx %arg9[%min3A_250] : memref<16xi32, #tpu.memory_space<vmem>>[vector<16xi32>], vector<16xi32>,
    %eq3A_2608 = arith.cmpi eq, %get3A_2539, %gather3A_2607 : vector<16xi32>
    %and3A_2609 = arith.andi %eq3A_2608, %le3A_294 : vector<16xi1>
    %or3A_2610 = arith.ori %or3A_2606, %and3A_2609 : vector<16xi1>
    %not3A_2611 = arith.constant dense<true> : vector<16xi1>
    %not3A_2612 = arith.xori %or3A_2610, %not3A_2611 : vector<16xi1>
    tpu.vector_store_idx %arg8[%get3A_2539], %add3A_2545 masked %not3A_2612 : memref<1024xi32, #tpu.memory_space<vmem>>[vector<16xi32>], vector<16xi32>, vector<16xi1>
    %get3A_2613 = arith.constant 496 : index
    %get3A_2614 = tpu.vector_load %arg6[%get3A_2613] {strides = array<i32>} : memref<512xi32, #tpu.memory_space<vmem>>, vector<16xi32>,
    %add3A_2615 = arith.constant 384 : i32
    %add3A_2616 = arith.addi %mul3A_2, %add3A_2615 : i32
    %add3A_2617 = arith.constant 112 : i32
    %add3A_2618 = arith.addi %add3A_2616, %add3A_2617 : i32
    %add3A_2619 = vector.broadcast %add3A_2618 : i32 to vector<16xi32>
    %add3A_2620 = arith.addi %iota3A, %add3A_2619 : vector<16xi32>
    %swap3A_2621 = arith.constant 0 : index
    %swap3A_2622 = tpu.vector_load %arg9[%swap3A_2621] {strides = array<i32>} : memref<16xi32, #tpu.memory_space<vmem>>, vector<16xi32>,
    tpu.vector_store %arg9[%swap3A_2621], %get3A_2614 {strides = array<i32>} : memref<16xi32, #tpu.memory_space<vmem>>, vector<16xi32>,
    %lt3A_2623 = arith.constant 0 : i32
    %lt3A_2624 = vector.broadcast %lt3A_2623 : i32 to vector<16xi32>
    %lt3A_2625 = arith.cmpi slt, %iota3A, %lt3A_2624 : vector<16xi32>
    %gather3A_2626 = tpu.vector_load_idx %arg9[%min3A_166] : memref<16xi32, #tpu.memory_space<vmem>>[vector<16xi32>], vector<16xi32>,
    %eq3A_2627 = arith.cmpi eq, %get3A_2614, %gather3A_2626 : vector<16xi32>
    %and3A_2628 = arith.andi %eq3A_2627, %le3A_252 : vector<16xi1>
    %or3A_2629 = arith.ori %lt3A_2625, %and3A_2628 : vector<16xi1>
    %gather3A_2630 = tpu.vector_load_idx %arg9[%min3A_172] : memref<16xi32, #tpu.memory_space<vmem>>[vector<16xi32>], vector<16xi32>,
    %eq3A_2631 = arith.cmpi eq, %get3A_2614, %gather3A_2630 : vector<16xi32>
    %and3A_2632 = arith.andi %eq3A_2631, %le3A_255 : vector<16xi1>
    %or3A_2633 = arith.ori %or3A_2629, %and3A_2632 : vector<16xi1>
    %gather3A_2634 = tpu.vector_load_idx %arg9[%min3A_178] : memref<16xi32, #tpu.memory_space<vmem>>[vector<16xi32>], vector<16xi32>,
    %eq3A_2635 = arith.cmpi eq, %get3A_2614, %gather3A_2634 : vector<16xi32>
    %and3A_2636 = arith.andi %eq3A_2635, %le3A_258 : vector<16xi1>
    %or3A_2637 = arith.ori %or3A_2633, %and3A_2636 : vector<16xi1>
    %gather3A_2638 = tpu.vector_load_idx %arg9[%min3A_184] : memref<16xi32, #tpu.memory_space<vmem>>[vector<16xi32>], vector<16xi32>,
    %eq3A_2639 = arith.cmpi eq, %get3A_2614, %gather3A_2638 : vector<16xi32>
    %and3A_2640 = arith.andi %eq3A_2639, %le3A_261 : vector<16xi1>
    %or3A_2641 = arith.ori %or3A_2637, %and3A_2640 : vector<16xi1>
    %gather3A_2642 = tpu.vector_load_idx %arg9[%min3A_190] : memref<16xi32, #tpu.memory_space<vmem>>[vector<16xi32>], vector<16xi32>,
    %eq3A_2643 = arith.cmpi eq, %get3A_2614, %gather3A_2642 : vector<16xi32>
    %and3A_2644 = arith.andi %eq3A_2643, %le3A_264 : vector<16xi1>
    %or3A_2645 = arith.ori %or3A_2641, %and3A_2644 : vector<16xi1>
    %gather3A_2646 = tpu.vector_load_idx %arg9[%min3A_196] : memref<16xi32, #tpu.memory_space<vmem>>[vector<16xi32>], vector<16xi32>,
    %eq3A_2647 = arith.cmpi eq, %get3A_2614, %gather3A_2646 : vector<16xi32>
    %and3A_2648 = arith.andi %eq3A_2647, %le3A_267 : vector<16xi1>
    %or3A_2649 = arith.ori %or3A_2645, %and3A_2648 : vector<16xi1>
    %gather3A_2650 = tpu.vector_load_idx %arg9[%min3A_202] : memref<16xi32, #tpu.memory_space<vmem>>[vector<16xi32>], vector<16xi32>,
    %eq3A_2651 = arith.cmpi eq, %get3A_2614, %gather3A_2650 : vector<16xi32>
    %and3A_2652 = arith.andi %eq3A_2651, %le3A_270 : vector<16xi1>
    %or3A_2653 = arith.ori %or3A_2649, %and3A_2652 : vector<16xi1>
    %gather3A_2654 = tpu.vector_load_idx %arg9[%min3A_208] : memref<16xi32, #tpu.memory_space<vmem>>[vector<16xi32>], vector<16xi32>,
    %eq3A_2655 = arith.cmpi eq, %get3A_2614, %gather3A_2654 : vector<16xi32>
    %and3A_2656 = arith.andi %eq3A_2655, %le3A_273 : vector<16xi1>
    %or3A_2657 = arith.ori %or3A_2653, %and3A_2656 : vector<16xi1>
    %gather3A_2658 = tpu.vector_load_idx %arg9[%min3A_214] : memref<16xi32, #tpu.memory_space<vmem>>[vector<16xi32>], vector<16xi32>,
    %eq3A_2659 = arith.cmpi eq, %get3A_2614, %gather3A_2658 : vector<16xi32>
    %and3A_2660 = arith.andi %eq3A_2659, %le3A_276 : vector<16xi1>
    %or3A_2661 = arith.ori %or3A_2657, %and3A_2660 : vector<16xi1>
    %gather3A_2662 = tpu.vector_load_idx %arg9[%min3A_220] : memref<16xi32, #tpu.memory_space<vmem>>[vector<16xi32>], vector<16xi32>,
    %eq3A_2663 = arith.cmpi eq, %get3A_2614, %gather3A_2662 : vector<16xi32>
    %and3A_2664 = arith.andi %eq3A_2663, %le3A_279 : vector<16xi1>
    %or3A_2665 = arith.ori %or3A_2661, %and3A_2664 : vector<16xi1>
    %gather3A_2666 = tpu.vector_load_idx %arg9[%min3A_226] : memref<16xi32, #tpu.memory_space<vmem>>[vector<16xi32>], vector<16xi32>,
    %eq3A_2667 = arith.cmpi eq, %get3A_2614, %gather3A_2666 : vector<16xi32>
    %and3A_2668 = arith.andi %eq3A_2667, %le3A_282 : vector<16xi1>
    %or3A_2669 = arith.ori %or3A_2665, %and3A_2668 : vector<16xi1>
    %gather3A_2670 = tpu.vector_load_idx %arg9[%min3A_232] : memref<16xi32, #tpu.memory_space<vmem>>[vector<16xi32>], vector<16xi32>,
    %eq3A_2671 = arith.cmpi eq, %get3A_2614, %gather3A_2670 : vector<16xi32>
    %and3A_2672 = arith.andi %eq3A_2671, %le3A_285 : vector<16xi1>
    %or3A_2673 = arith.ori %or3A_2669, %and3A_2672 : vector<16xi1>
    %gather3A_2674 = tpu.vector_load_idx %arg9[%min3A_238] : memref<16xi32, #tpu.memory_space<vmem>>[vector<16xi32>], vector<16xi32>,
    %eq3A_2675 = arith.cmpi eq, %get3A_2614, %gather3A_2674 : vector<16xi32>
    %and3A_2676 = arith.andi %eq3A_2675, %le3A_288 : vector<16xi1>
    %or3A_2677 = arith.ori %or3A_2673, %and3A_2676 : vector<16xi1>
    %gather3A_2678 = tpu.vector_load_idx %arg9[%min3A_244] : memref<16xi32, #tpu.memory_space<vmem>>[vector<16xi32>], vector<16xi32>,
    %eq3A_2679 = arith.cmpi eq, %get3A_2614, %gather3A_2678 : vector<16xi32>
    %and3A_2680 = arith.andi %eq3A_2679, %le3A_291 : vector<16xi1>
    %or3A_2681 = arith.ori %or3A_2677, %and3A_2680 : vector<16xi1>
    %gather3A_2682 = tpu.vector_load_idx %arg9[%min3A_250] : memref<16xi32, #tpu.memory_space<vmem>>[vector<16xi32>], vector<16xi32>,
    %eq3A_2683 = arith.cmpi eq, %get3A_2614, %gather3A_2682 : vector<16xi32>
    %and3A_2684 = arith.andi %eq3A_2683, %le3A_294 : vector<16xi1>
    %or3A_2685 = arith.ori %or3A_2681, %and3A_2684 : vector<16xi1>
    %not3A_2686 = arith.constant dense<true> : vector<16xi1>
    %not3A_2687 = arith.xori %or3A_2685, %not3A_2686 : vector<16xi1>
    tpu.vector_store_idx %arg8[%get3A_2614], %add3A_2620 masked %not3A_2687 : memref<1024xi32, #tpu.memory_space<vmem>>[vector<16xi32>], vector<16xi32>, vector<16xi1>
    %mul3A_2688 = arith.constant 1024 : i32
    %mul3A_2689 = arith.muli %add3A, %mul3A_2688 : i32
    "tpu.region"() ({
      %run_scoped3A = tpu.sem_alloc : memref<!tpu.dma_semaphore, #tpu.memory_space<semaphore_mem>>
      %dma_start3A_2809 = tpu.memref_slice %arg5[%mul3A_2689] : memref<32768xi32, #tpu.memory_space<hbm>> -> memref<1024xi32, #tpu.memory_space<hbm>>
      %dma_start3A_2810 = tpu.memref_slice %arg5[%mul3A_2689] : memref<32768xi32, #tpu.memory_space<hbm>> -> memref<1024xi32, #tpu.memory_space<hbm>>
      tpu.enqueue_dma source(%arg8 : memref<1024xi32, #tpu.memory_space<vmem>>) target(%dma_start3A_2810 : memref<1024xi32, #tpu.memory_space<hbm>>) target_semaphore(%run_scoped3A : memref<!tpu.dma_semaphore, #tpu.memory_space<semaphore_mem>>)
      %dma_wait3A_2811 = tpu.memref_slice %arg5[%mul3A_2689] : memref<32768xi32, #tpu.memory_space<hbm>> -> memref<1024xi32, #tpu.memory_space<hbm>>
      %dma_wait3A_2812 = tpu.memref_slice %arg5[%mul3A_2689] : memref<32768xi32, #tpu.memory_space<hbm>> -> memref<1024xi32, #tpu.memory_space<hbm>>
      tpu.wait_dma2 semaphore(%run_scoped3A : memref<!tpu.dma_semaphore, #tpu.memory_space<semaphore_mem>>) src(%arg8 : memref<1024xi32, #tpu.memory_space<vmem>>) dst(%dma_wait3A_2812 : memref<1024xi32, #tpu.memory_space<hbm>>)
      tpu.yield
    }) : () -> ()
    %dma_wait3A = arith.constant 0 : i32
    %dma_wait3A_2690 = arith.constant 0 : i32
    %dma_wait3A_2691 = tpu.memref_slice %arg7[%dma_wait3A, %dma_wait3A_2690] : memref<512x128xf32, #tpu.memory_space<vmem>> -> memref<128x128xf32, #tpu.memory_space<vmem>>
    %dma_wait3A_2692 = arith.constant 0 : i32
    %dma_wait3A_2693 = tpu.memref_slice %arg6[%dma_wait3A_2692] : memref<512xi32, #tpu.memory_space<vmem>> -> memref<128xi32, #tpu.memory_space<vmem>>
    %dma_wait3A_2694 = arith.constant 0 : i32
    %dma_wait3A_2695 = arith.constant 0 : i32
    %dma_wait3A_2696 = tpu.memref_slice %arg2[%dma_wait3A_2694, %dma_wait3A_2695] : memref<1024x128xf32, #tpu.memory_space<hbm>> -> memref<1024x128xf32, #tpu.memory_space<hbm>>
    tpu.wait_indirect_dma semaphore(%arg10 : memref<!tpu.dma_semaphore, #tpu.memory_space<semaphore_mem>>) src(%dma_wait3A_2696 : memref<1024x128xf32, #tpu.memory_space<hbm>>) dst(%dma_wait3A_2691 : memref<128x128xf32, #tpu.memory_space<vmem>>)
    %add3A_2697 = arith.constant 0 : i32
    %add3A_2698 = arith.addi %mul3A_2, %add3A_2697 : i32
    %dma_start3A_2699 = arith.constant 0 : i32
    %dma_start3A_2700 = arith.constant 0 : i32
    %dma_start3A_2701 = tpu.memref_slice %arg7[%dma_start3A_2699, %dma_start3A_2700] : memref<512x128xf32, #tpu.memory_space<vmem>> -> memref<128x128xf32, #tpu.memory_space<vmem>>
    %dma_start3A_2702 = arith.constant 0 : i32
    %dma_start3A_2703 = tpu.memref_slice %arg4[%add3A_2698, %dma_start3A_2702] : memref<16384x128xf32, #tpu.memory_space<hbm>> -> memref<128x128xf32, #tpu.memory_space<hbm>>
    %dma_start3A_2704 = arith.constant 0 : i32
    %dma_start3A_2705 = tpu.memref_slice %arg4[%add3A_2698, %dma_start3A_2704] : memref<16384x128xf32, #tpu.memory_space<hbm>> -> memref<128x128xf32, #tpu.memory_space<hbm>>
    %dma_start3A_2706 = arith.constant 0 : i32
    %dma_start3A_2707 = arith.constant 0 : i32
    %dma_start3A_2708 = tpu.memref_slice %arg7[%dma_start3A_2706, %dma_start3A_2707] : memref<512x128xf32, #tpu.memory_space<vmem>> -> memref<128x128xf32, #tpu.memory_space<vmem>>
    tpu.enqueue_dma source(%dma_start3A_2708 : memref<128x128xf32, #tpu.memory_space<vmem>>) target(%dma_start3A_2705 : memref<128x128xf32, #tpu.memory_space<hbm>>) target_semaphore(%arg11 : memref<!tpu.dma_semaphore, #tpu.memory_space<semaphore_mem>>)
    %dma_wait3A_2709 = arith.constant 128 : i32
    %dma_wait3A_2710 = arith.constant 0 : i32
    %dma_wait3A_2711 = tpu.memref_slice %arg7[%dma_wait3A_2709, %dma_wait3A_2710] : memref<512x128xf32, #tpu.memory_space<vmem>> -> memref<128x128xf32, #tpu.memory_space<vmem>>
    %dma_wait3A_2712 = arith.constant 128 : i32
    %dma_wait3A_2713 = tpu.memref_slice %arg6[%dma_wait3A_2712] : memref<512xi32, #tpu.memory_space<vmem>> -> memref<128xi32, #tpu.memory_space<vmem>>
    %dma_wait3A_2714 = arith.constant 0 : i32
    %dma_wait3A_2715 = arith.constant 0 : i32
    %dma_wait3A_2716 = tpu.memref_slice %arg2[%dma_wait3A_2714, %dma_wait3A_2715] : memref<1024x128xf32, #tpu.memory_space<hbm>> -> memref<1024x128xf32, #tpu.memory_space<hbm>>
    tpu.wait_indirect_dma semaphore(%arg10 : memref<!tpu.dma_semaphore, #tpu.memory_space<semaphore_mem>>) src(%dma_wait3A_2716 : memref<1024x128xf32, #tpu.memory_space<hbm>>) dst(%dma_wait3A_2711 : memref<128x128xf32, #tpu.memory_space<vmem>>)
    %add3A_2717 = arith.constant 128 : i32
    %add3A_2718 = arith.addi %mul3A_2, %add3A_2717 : i32
    %dma_start3A_2719 = arith.constant 128 : i32
    %dma_start3A_2720 = arith.constant 0 : i32
    %dma_start3A_2721 = tpu.memref_slice %arg7[%dma_start3A_2719, %dma_start3A_2720] : memref<512x128xf32, #tpu.memory_space<vmem>> -> memref<128x128xf32, #tpu.memory_space<vmem>>
    %dma_start3A_2722 = arith.constant 0 : i32
    %dma_start3A_2723 = tpu.memref_slice %arg4[%add3A_2718, %dma_start3A_2722] : memref<16384x128xf32, #tpu.memory_space<hbm>> -> memref<128x128xf32, #tpu.memory_space<hbm>>
    %dma_start3A_2724 = arith.constant 0 : i32
    %dma_start3A_2725 = tpu.memref_slice %arg4[%add3A_2718, %dma_start3A_2724] : memref<16384x128xf32, #tpu.memory_space<hbm>> -> memref<128x128xf32, #tpu.memory_space<hbm>>
    %dma_start3A_2726 = arith.constant 128 : i32
    %dma_start3A_2727 = arith.constant 0 : i32
    %dma_start3A_2728 = tpu.memref_slice %arg7[%dma_start3A_2726, %dma_start3A_2727] : memref<512x128xf32, #tpu.memory_space<vmem>> -> memref<128x128xf32, #tpu.memory_space<vmem>>
    tpu.enqueue_dma source(%dma_start3A_2728 : memref<128x128xf32, #tpu.memory_space<vmem>>) target(%dma_start3A_2725 : memref<128x128xf32, #tpu.memory_space<hbm>>) target_semaphore(%arg11 : memref<!tpu.dma_semaphore, #tpu.memory_space<semaphore_mem>>)
    %dma_wait3A_2729 = arith.constant 256 : i32
    %dma_wait3A_2730 = arith.constant 0 : i32
    %dma_wait3A_2731 = tpu.memref_slice %arg7[%dma_wait3A_2729, %dma_wait3A_2730] : memref<512x128xf32, #tpu.memory_space<vmem>> -> memref<128x128xf32, #tpu.memory_space<vmem>>
    %dma_wait3A_2732 = arith.constant 256 : i32
    %dma_wait3A_2733 = tpu.memref_slice %arg6[%dma_wait3A_2732] : memref<512xi32, #tpu.memory_space<vmem>> -> memref<128xi32, #tpu.memory_space<vmem>>
    %dma_wait3A_2734 = arith.constant 0 : i32
    %dma_wait3A_2735 = arith.constant 0 : i32
    %dma_wait3A_2736 = tpu.memref_slice %arg2[%dma_wait3A_2734, %dma_wait3A_2735] : memref<1024x128xf32, #tpu.memory_space<hbm>> -> memref<1024x128xf32, #tpu.memory_space<hbm>>
    tpu.wait_indirect_dma semaphore(%arg10 : memref<!tpu.dma_semaphore, #tpu.memory_space<semaphore_mem>>) src(%dma_wait3A_2736 : memref<1024x128xf32, #tpu.memory_space<hbm>>) dst(%dma_wait3A_2731 : memref<128x128xf32, #tpu.memory_space<vmem>>)
    %add3A_2737 = arith.constant 256 : i32
    %add3A_2738 = arith.addi %mul3A_2, %add3A_2737 : i32
    %dma_start3A_2739 = arith.constant 256 : i32
    %dma_start3A_2740 = arith.constant 0 : i32
    %dma_start3A_2741 = tpu.memref_slice %arg7[%dma_start3A_2739, %dma_start3A_2740] : memref<512x128xf32, #tpu.memory_space<vmem>> -> memref<128x128xf32, #tpu.memory_space<vmem>>
    %dma_start3A_2742 = arith.constant 0 : i32
    %dma_start3A_2743 = tpu.memref_slice %arg4[%add3A_2738, %dma_start3A_2742] : memref<16384x128xf32, #tpu.memory_space<hbm>> -> memref<128x128xf32, #tpu.memory_space<hbm>>
    %dma_start3A_2744 = arith.constant 0 : i32
    %dma_start3A_2745 = tpu.memref_slice %arg4[%add3A_2738, %dma_start3A_2744] : memref<16384x128xf32, #tpu.memory_space<hbm>> -> memref<128x128xf32, #tpu.memory_space<hbm>>
    %dma_start3A_2746 = arith.constant 256 : i32
    %dma_start3A_2747 = arith.constant 0 : i32
    %dma_start3A_2748 = tpu.memref_slice %arg7[%dma_start3A_2746, %dma_start3A_2747] : memref<512x128xf32, #tpu.memory_space<vmem>> -> memref<128x128xf32, #tpu.memory_space<vmem>>
    tpu.enqueue_dma source(%dma_start3A_2748 : memref<128x128xf32, #tpu.memory_space<vmem>>) target(%dma_start3A_2745 : memref<128x128xf32, #tpu.memory_space<hbm>>) target_semaphore(%arg11 : memref<!tpu.dma_semaphore, #tpu.memory_space<semaphore_mem>>)
    %dma_wait3A_2749 = arith.constant 384 : i32
    %dma_wait3A_2750 = arith.constant 0 : i32
    %dma_wait3A_2751 = tpu.memref_slice %arg7[%dma_wait3A_2749, %dma_wait3A_2750] : memref<512x128xf32, #tpu.memory_space<vmem>> -> memref<128x128xf32, #tpu.memory_space<vmem>>
    %dma_wait3A_2752 = arith.constant 384 : i32
    %dma_wait3A_2753 = tpu.memref_slice %arg6[%dma_wait3A_2752] : memref<512xi32, #tpu.memory_space<vmem>> -> memref<128xi32, #tpu.memory_space<vmem>>
    %dma_wait3A_2754 = arith.constant 0 : i32
    %dma_wait3A_2755 = arith.constant 0 : i32
    %dma_wait3A_2756 = tpu.memref_slice %arg2[%dma_wait3A_2754, %dma_wait3A_2755] : memref<1024x128xf32, #tpu.memory_space<hbm>> -> memref<1024x128xf32, #tpu.memory_space<hbm>>
    tpu.wait_indirect_dma semaphore(%arg10 : memref<!tpu.dma_semaphore, #tpu.memory_space<semaphore_mem>>) src(%dma_wait3A_2756 : memref<1024x128xf32, #tpu.memory_space<hbm>>) dst(%dma_wait3A_2751 : memref<128x128xf32, #tpu.memory_space<vmem>>)
    %add3A_2757 = arith.constant 384 : i32
    %add3A_2758 = arith.addi %mul3A_2, %add3A_2757 : i32
    %dma_start3A_2759 = arith.constant 384 : i32
    %dma_start3A_2760 = arith.constant 0 : i32
    %dma_start3A_2761 = tpu.memref_slice %arg7[%dma_start3A_2759, %dma_start3A_2760] : memref<512x128xf32, #tpu.memory_space<vmem>> -> memref<128x128xf32, #tpu.memory_space<vmem>>
    %dma_start3A_2762 = arith.constant 0 : i32
    %dma_start3A_2763 = tpu.memref_slice %arg4[%add3A_2758, %dma_start3A_2762] : memref<16384x128xf32, #tpu.memory_space<hbm>> -> memref<128x128xf32, #tpu.memory_space<hbm>>
    %dma_start3A_2764 = arith.constant 0 : i32
    %dma_start3A_2765 = tpu.memref_slice %arg4[%add3A_2758, %dma_start3A_2764] : memref<16384x128xf32, #tpu.memory_space<hbm>> -> memref<128x128xf32, #tpu.memory_space<hbm>>
    %dma_start3A_2766 = arith.constant 384 : i32
    %dma_start3A_2767 = arith.constant 0 : i32
    %dma_start3A_2768 = tpu.memref_slice %arg7[%dma_start3A_2766, %dma_start3A_2767] : memref<512x128xf32, #tpu.memory_space<vmem>> -> memref<128x128xf32, #tpu.memory_space<vmem>>
    tpu.enqueue_dma source(%dma_start3A_2768 : memref<128x128xf32, #tpu.memory_space<vmem>>) target(%dma_start3A_2765 : memref<128x128xf32, #tpu.memory_space<hbm>>) target_semaphore(%arg11 : memref<!tpu.dma_semaphore, #tpu.memory_space<semaphore_mem>>)
    %dma_wait3A_2769 = arith.constant 0 : i32
    %dma_wait3A_2770 = arith.constant 0 : i32
    %dma_wait3A_2771 = tpu.memref_slice %arg7[%dma_wait3A_2769, %dma_wait3A_2770] : memref<512x128xf32, #tpu.memory_space<vmem>> -> memref<128x128xf32, #tpu.memory_space<vmem>>
    %dma_wait3A_2772 = arith.constant 0 : i32
    %dma_wait3A_2773 = tpu.memref_slice %arg4[%add3A_2698, %dma_wait3A_2772] : memref<16384x128xf32, #tpu.memory_space<hbm>> -> memref<128x128xf32, #tpu.memory_space<hbm>>
    %dma_wait3A_2774 = arith.constant 0 : i32
    %dma_wait3A_2775 = tpu.memref_slice %arg4[%add3A_2698, %dma_wait3A_2774] : memref<16384x128xf32, #tpu.memory_space<hbm>> -> memref<128x128xf32, #tpu.memory_space<hbm>>
    %dma_wait3A_2776 = arith.constant 0 : i32
    %dma_wait3A_2777 = arith.constant 0 : i32
    %dma_wait3A_2778 = tpu.memref_slice %arg7[%dma_wait3A_2776, %dma_wait3A_2777] : memref<512x128xf32, #tpu.memory_space<vmem>> -> memref<128x128xf32, #tpu.memory_space<vmem>>
    tpu.wait_dma2 semaphore(%arg11 : memref<!tpu.dma_semaphore, #tpu.memory_space<semaphore_mem>>) src(%dma_wait3A_2778 : memref<128x128xf32, #tpu.memory_space<vmem>>) dst(%dma_wait3A_2775 : memref<128x128xf32, #tpu.memory_space<hbm>>)
    %dma_wait3A_2779 = arith.constant 128 : i32
    %dma_wait3A_2780 = arith.constant 0 : i32
    %dma_wait3A_2781 = tpu.memref_slice %arg7[%dma_wait3A_2779, %dma_wait3A_2780] : memref<512x128xf32, #tpu.memory_space<vmem>> -> memref<128x128xf32, #tpu.memory_space<vmem>>
    %dma_wait3A_2782 = arith.constant 0 : i32
    %dma_wait3A_2783 = tpu.memref_slice %arg4[%add3A_2718, %dma_wait3A_2782] : memref<16384x128xf32, #tpu.memory_space<hbm>> -> memref<128x128xf32, #tpu.memory_space<hbm>>
    %dma_wait3A_2784 = arith.constant 0 : i32
    %dma_wait3A_2785 = tpu.memref_slice %arg4[%add3A_2718, %dma_wait3A_2784] : memref<16384x128xf32, #tpu.memory_space<hbm>> -> memref<128x128xf32, #tpu.memory_space<hbm>>
    %dma_wait3A_2786 = arith.constant 128 : i32
    %dma_wait3A_2787 = arith.constant 0 : i32
    %dma_wait3A_2788 = tpu.memref_slice %arg7[%dma_wait3A_2786, %dma_wait3A_2787] : memref<512x128xf32, #tpu.memory_space<vmem>> -> memref<128x128xf32, #tpu.memory_space<vmem>>
    tpu.wait_dma2 semaphore(%arg11 : memref<!tpu.dma_semaphore, #tpu.memory_space<semaphore_mem>>) src(%dma_wait3A_2788 : memref<128x128xf32, #tpu.memory_space<vmem>>) dst(%dma_wait3A_2785 : memref<128x128xf32, #tpu.memory_space<hbm>>)
    %dma_wait3A_2789 = arith.constant 256 : i32
    %dma_wait3A_2790 = arith.constant 0 : i32
    %dma_wait3A_2791 = tpu.memref_slice %arg7[%dma_wait3A_2789, %dma_wait3A_2790] : memref<512x128xf32, #tpu.memory_space<vmem>> -> memref<128x128xf32, #tpu.memory_space<vmem>>
    %dma_wait3A_2792 = arith.constant 0 : i32
    %dma_wait3A_2793 = tpu.memref_slice %arg4[%add3A_2738, %dma_wait3A_2792] : memref<16384x128xf32, #tpu.memory_space<hbm>> -> memref<128x128xf32, #tpu.memory_space<hbm>>
    %dma_wait3A_2794 = arith.constant 0 : i32
    %dma_wait3A_2795 = tpu.memref_slice %arg4[%add3A_2738, %dma_wait3A_2794] : memref<16384x128xf32, #tpu.memory_space<hbm>> -> memref<128x128xf32, #tpu.memory_space<hbm>>
    %dma_wait3A_2796 = arith.constant 256 : i32
    %dma_wait3A_2797 = arith.constant 0 : i32
    %dma_wait3A_2798 = tpu.memref_slice %arg7[%dma_wait3A_2796, %dma_wait3A_2797] : memref<512x128xf32, #tpu.memory_space<vmem>> -> memref<128x128xf32, #tpu.memory_space<vmem>>
    tpu.wait_dma2 semaphore(%arg11 : memref<!tpu.dma_semaphore, #tpu.memory_space<semaphore_mem>>) src(%dma_wait3A_2798 : memref<128x128xf32, #tpu.memory_space<vmem>>) dst(%dma_wait3A_2795 : memref<128x128xf32, #tpu.memory_space<hbm>>)
    %dma_wait3A_2799 = arith.constant 384 : i32
    %dma_wait3A_2800 = arith.constant 0 : i32
    %dma_wait3A_2801 = tpu.memref_slice %arg7[%dma_wait3A_2799, %dma_wait3A_2800] : memref<512x128xf32, #tpu.memory_space<vmem>> -> memref<128x128xf32, #tpu.memory_space<vmem>>
    %dma_wait3A_2802 = arith.constant 0 : i32
    %dma_wait3A_2803 = tpu.memref_slice %arg4[%add3A_2758, %dma_wait3A_2802] : memref<16384x128xf32, #tpu.memory_space<hbm>> -> memref<128x128xf32, #tpu.memory_space<hbm>>
    %dma_wait3A_2804 = arith.constant 0 : i32
    %dma_wait3A_2805 = tpu.memref_slice %arg4[%add3A_2758, %dma_wait3A_2804] : memref<16384x128xf32, #tpu.memory_space<hbm>> -> memref<128x128xf32, #tpu.memory_space<hbm>>
    %dma_wait3A_2806 = arith.constant 384 : i32
    %dma_wait3A_2807 = arith.constant 0 : i32
    %dma_wait3A_2808 = tpu.memref_slice %arg7[%dma_wait3A_2806, %dma_wait3A_2807] : memref<512x128xf32, #tpu.memory_space<vmem>> -> memref<128x128xf32, #tpu.memory_space<vmem>>
    tpu.wait_dma2 semaphore(%arg11 : memref<!tpu.dma_semaphore, #tpu.memory_space<semaphore_mem>>) src(%dma_wait3A_2808 : memref<128x128xf32, #tpu.memory_space<vmem>>) dst(%dma_wait3A_2805 : memref<128x128xf32, #tpu.memory_space<hbm>>)
    return
  }
}

#map = affine_map<(d0, d1) -> (0)>
#map1 = affine_map<(d0, d1) -> (0, 0)>
module attributes {stable_mosaic.version = 14 : i64} {
  func.func @k(%arg0: i32, %arg1: i32, %arg2: memref<1024xi32, #tpu.memory_space<hbm>>, %arg3: memref<20480x128xf32, #tpu.memory_space<hbm>>, %arg4: memref<1024x128xf32, #tpu.memory_space<hbm>>, %arg5: memref<128xi32, #tpu.memory_space<vmem>>, %arg6: memref<128x128xf32, #tpu.memory_space<vmem>>, %arg7: memref<!tpu.dma_semaphore, #tpu.memory_space<semaphore_mem>>) attributes {dimension_semantics = [#tpu.dimension_semantics<core_parallel>, #tpu.dimension_semantics<subcore_parallel>], iteration_bounds = array<i64: 2, 16>, scalar_prefetch = 0 : i64, scratch_operands = 3 : i64, tpu.core_type = #tpu.core_type<sc_vector_subcore>, window_params = [{transform_indices = #map}, {transform_indices = #map1}, {transform_indices = #map1}]} {
    %mul3A = arith.constant 2 : i32
    %mul3A_0 = arith.muli %arg1, %mul3A : i32
    %add3A = arith.addi %mul3A_0, %arg0 : i32
    %lt3A = arith.constant 8 : i32
    %lt3A_1 = arith.cmpi slt, %add3A, %lt3A : i32
    %convert_element_type3A = arith.extui %lt3A_1 : i1 to i32
    %cond3A = arith.constant 0 : i32
    %cond3A_2 = arith.cmpi ne, %convert_element_type3A, %cond3A : i32
    scf.if %cond3A_2 {
      %mul3A_3 = arith.constant 128 : i32
      %mul3A_4 = arith.muli %add3A, %mul3A_3 : i32
      "tpu.region"() ({
        %run_scoped3A = tpu.sem_alloc : memref<!tpu.dma_semaphore, #tpu.memory_space<semaphore_mem>>
        %dma_start3A_9 = tpu.memref_slice %arg2[%mul3A_4] : memref<1024xi32, #tpu.memory_space<hbm>> -> memref<128xi32, #tpu.memory_space<hbm>>
        %dma_start3A_10 = tpu.memref_slice %arg2[%mul3A_4] : memref<1024xi32, #tpu.memory_space<hbm>> -> memref<128xi32, #tpu.memory_space<hbm>>
        tpu.enqueue_dma source(%dma_start3A_10 : memref<128xi32, #tpu.memory_space<hbm>>) target(%arg5 : memref<128xi32, #tpu.memory_space<vmem>>) target_semaphore(%run_scoped3A : memref<!tpu.dma_semaphore, #tpu.memory_space<semaphore_mem>>)
        %dma_wait3A_11 = tpu.memref_slice %arg2[%mul3A_4] : memref<1024xi32, #tpu.memory_space<hbm>> -> memref<128xi32, #tpu.memory_space<hbm>>
        %dma_wait3A_12 = tpu.memref_slice %arg2[%mul3A_4] : memref<1024xi32, #tpu.memory_space<hbm>> -> memref<128xi32, #tpu.memory_space<hbm>>
        tpu.wait_dma2 semaphore(%run_scoped3A : memref<!tpu.dma_semaphore, #tpu.memory_space<semaphore_mem>>) src(%dma_wait3A_12 : memref<128xi32, #tpu.memory_space<hbm>>) dst(%arg5 : memref<128xi32, #tpu.memory_space<vmem>>)
        tpu.yield
      }) : () -> ()
      %dma_start3A = arith.constant 0 : i32
      %dma_start3A_5 = arith.constant 0 : i32
      %dma_start3A_6 = tpu.memref_slice %arg3[%dma_start3A, %dma_start3A_5] : memref<20480x128xf32, #tpu.memory_space<hbm>> -> memref<20480x128xf32, #tpu.memory_space<hbm>>
      tpu.enqueue_indirect_dma source(%dma_start3A_6 : memref<20480x128xf32, #tpu.memory_space<hbm>>) target(%arg6 : memref<128x128xf32, #tpu.memory_space<vmem>>) offsets(%arg5 : memref<128xi32, #tpu.memory_space<vmem>>) semaphore(%arg7 : memref<!tpu.dma_semaphore, #tpu.memory_space<semaphore_mem>>)
      %dma_wait3A = arith.constant 0 : i32
      %dma_wait3A_7 = arith.constant 0 : i32
      %dma_wait3A_8 = tpu.memref_slice %arg3[%dma_wait3A, %dma_wait3A_7] : memref<20480x128xf32, #tpu.memory_space<hbm>> -> memref<20480x128xf32, #tpu.memory_space<hbm>>
      tpu.wait_indirect_dma semaphore(%arg7 : memref<!tpu.dma_semaphore, #tpu.memory_space<semaphore_mem>>) src(%dma_wait3A_8 : memref<20480x128xf32, #tpu.memory_space<hbm>>) dst(%arg6 : memref<128x128xf32, #tpu.memory_space<vmem>>)
      "tpu.region"() ({
        %run_scoped3A = tpu.sem_alloc : memref<!tpu.dma_semaphore, #tpu.memory_space<semaphore_mem>>
        %dma_start3A_9 = arith.constant 0 : i32
        %dma_start3A_10 = tpu.memref_slice %arg4[%mul3A_4, %dma_start3A_9] : memref<1024x128xf32, #tpu.memory_space<hbm>> -> memref<128x128xf32, #tpu.memory_space<hbm>>
        %dma_start3A_11 = arith.constant 0 : i32
        %dma_start3A_12 = tpu.memref_slice %arg4[%mul3A_4, %dma_start3A_11] : memref<1024x128xf32, #tpu.memory_space<hbm>> -> memref<128x128xf32, #tpu.memory_space<hbm>>
        tpu.enqueue_dma source(%arg6 : memref<128x128xf32, #tpu.memory_space<vmem>>) target(%dma_start3A_12 : memref<128x128xf32, #tpu.memory_space<hbm>>) target_semaphore(%run_scoped3A : memref<!tpu.dma_semaphore, #tpu.memory_space<semaphore_mem>>)
        %dma_wait3A_13 = arith.constant 0 : i32
        %dma_wait3A_14 = tpu.memref_slice %arg4[%mul3A_4, %dma_wait3A_13] : memref<1024x128xf32, #tpu.memory_space<hbm>> -> memref<128x128xf32, #tpu.memory_space<hbm>>
        %dma_wait3A_15 = arith.constant 0 : i32
        %dma_wait3A_16 = tpu.memref_slice %arg4[%mul3A_4, %dma_wait3A_15] : memref<1024x128xf32, #tpu.memory_space<hbm>> -> memref<128x128xf32, #tpu.memory_space<hbm>>
        tpu.wait_dma2 semaphore(%run_scoped3A : memref<!tpu.dma_semaphore, #tpu.memory_space<semaphore_mem>>) src(%arg6 : memref<128x128xf32, #tpu.memory_space<vmem>>) dst(%dma_wait3A_16 : memref<128x128xf32, #tpu.memory_space<hbm>>)
        tpu.yield
      }) : () -> ()
    } else {
    }
    return
  }
}

module attributes {stable_mosaic.version = 14 : i64} {
  func.func @_gru_body(%arg0: i32, %arg1: memref<4096x65xf32, #tpu.memory_space<vmem>>, %arg2: memref<4096x128xf32, #tpu.memory_space<vmem>>, %arg3: memref<1024x128xf32, #tpu.memory_space<vmem>>, %arg4: memref<32768xi32, #tpu.memory_space<vmem>>, %arg5: memref<65x48xf32, #tpu.memory_space<vmem>>, %arg6: memref<65x48xf32, #tpu.memory_space<vmem>>, %arg7: memref<65x48xf32, #tpu.memory_space<vmem>>, %arg8: memref<48x48xf32, #tpu.memory_space<vmem>>, %arg9: memref<48x48xf32, #tpu.memory_space<vmem>>, %arg10: memref<48x48xf32, #tpu.memory_space<vmem>>, %arg11: memref<1x48xf32, #tpu.memory_space<vmem>>, %arg12: memref<1x48xf32, #tpu.memory_space<vmem>>, %arg13: memref<1x48xf32, #tpu.memory_space<vmem>>, %arg14: memref<1x48xf32, #tpu.memory_space<vmem>>, %arg15: memref<1x1xf32, #tpu.memory_space<vmem>>, %arg16: memref<1x4096xf32, #tpu.memory_space<vmem>>, %arg17: memref<4096x128xf32, #tpu.memory_space<vmem>>, %arg18: memref<1024xi32, #tpu.memory_space<vmem>>) attributes {dimension_semantics = [#tpu.dimension_semantics<arbitrary>], iteration_bounds = array<i64: 5>, scalar_prefetch = 0 : i64, scratch_operands = 0 : i64, tpu.core_type = #tpu.core_type<tc>, window_params = [{transform_indices = @transform_0, window_bounds = array<i64: 4096, 65>}, {transform_indices = @transform_1, window_bounds = array<i64: 4096, 128>}, {pipeline_mode = #tpu.pipeline_mode<synchronous>, transform_indices = @transform_2, window_bounds = array<i64: 1024, 128>}, {pipeline_mode = #tpu.pipeline_mode<synchronous>, transform_indices = @transform_3, window_bounds = array<i64: 32768>}, {pipeline_mode = #tpu.pipeline_mode<synchronous>, transform_indices = @transform_4, window_bounds = array<i64: 65, 48>}, {pipeline_mode = #tpu.pipeline_mode<synchronous>, transform_indices = @transform_5, window_bounds = array<i64: 65, 48>}, {pipeline_mode = #tpu.pipeline_mode<synchronous>, transform_indices = @transform_6, window_bounds = array<i64: 65, 48>}, {pipeline_mode = #tpu.pipeline_mode<synchronous>, transform_indices = @transform_7, window_bounds = array<i64: 48, 48>}, {pipeline_mode = #tpu.pipeline_mode<synchronous>, transform_indices = @transform_8, window_bounds = array<i64: 48, 48>}, {pipeline_mode = #tpu.pipeline_mode<synchronous>, transform_indices = @transform_9, window_bounds = array<i64: 48, 48>}, {pipeline_mode = #tpu.pipeline_mode<synchronous>, transform_indices = @transform_10, window_bounds = array<i64: 1, 48>}, {pipeline_mode = #tpu.pipeline_mode<synchronous>, transform_indices = @transform_11, window_bounds = array<i64: 1, 48>}, {pipeline_mode = #tpu.pipeline_mode<synchronous>, transform_indices = @transform_12, window_bounds = array<i64: 1, 48>}, {pipeline_mode = #tpu.pipeline_mode<synchronous>, transform_indices = @transform_13, window_bounds = array<i64: 1, 48>}, {pipeline_mode = #tpu.pipeline_mode<synchronous>, transform_indices = @transform_14, window_bounds = array<i64: 1, 1>}, {transform_indices = @transform_15, window_bounds = array<i64: 1, 4096>}, {transform_indices = @transform_16, window_bounds = array<i64: 4096, 128>}, {pipeline_mode = #tpu.pipeline_mode<synchronous>, transform_indices = @transform_17, window_bounds = array<i64: 1024>}]} {
    %lt3A = arith.constant 4 : i32
    %lt3A_0 = arith.cmpi slt, %arg0, %lt3A : i32
    %convert_element_type3A = arith.extui %lt3A_0 : i1 to i32
    %cond3A = arith.constant 0 : i32
    %cond3A_1 = arith.cmpi ne, %convert_element_type3A, %cond3A : i32
    scf.if %cond3A_1 {
      %get3A = arith.constant 0 : index
      %get3A_6 = arith.constant 0 : index
      %get3A_7 = vector.load %arg1[%get3A, %get3A_6] : memref<4096x65xf32, #tpu.memory_space<vmem>>, vector<4096x65xf32>
      %get3A_8 = arith.constant 0 : index
      %get3A_9 = arith.constant 0 : index
      %get3A_10 = vector.load %arg2[%get3A_8, %get3A_9] : memref<4096x128xf32, #tpu.memory_space<vmem>>, vector<4096x48xf32>
      %get3A_11 = arith.constant 0 : index
      %get3A_12 = arith.constant 0 : index
      %get3A_13 = vector.load %arg5[%get3A_11, %get3A_12] : memref<65x48xf32, #tpu.memory_space<vmem>>, vector<65x48xf32>
      %dot_general3A = arith.constant dense<0.000000e+00> : vector<4096x48xf32>
      %dot_general3A_14 = tpu.matmul %get3A_7, %get3A_13, %dot_general3A {dimension_numbers = #tpu.dot_dimension_numbers<[1], [0], [0], [1], [0, 0, 1, 1], [], []>, transpose_lhs_hint = false} : vector<4096x65xf32>, vector<65x48xf32>, vector<4096x48xf32> -> vector<4096x48xf32>
      %get3A_15 = arith.constant 0 : index
      %get3A_16 = arith.constant 0 : index
      %get3A_17 = vector.load %arg8[%get3A_15, %get3A_16] : memref<48x48xf32, #tpu.memory_space<vmem>>, vector<48x48xf32>
      %dot_general3A_18 = arith.constant dense<0.000000e+00> : vector<4096x48xf32>
      %dot_general3A_19 = tpu.matmul %get3A_10, %get3A_17, %dot_general3A_18 {dimension_numbers = #tpu.dot_dimension_numbers<[1], [0], [0], [1], [0, 0, 1, 1], [], []>, transpose_lhs_hint = false} : vector<4096x48xf32>, vector<48x48xf32>, vector<4096x48xf32> -> vector<4096x48xf32>
      %add3A = arith.addf %dot_general3A_14, %dot_general3A_19 : vector<4096x48xf32>
      %get3A_20 = arith.constant 0 : index
      %get3A_21 = arith.constant 0 : index
      %get3A_22 = vector.load %arg11[%get3A_20, %get3A_21] : memref<1x48xf32, #tpu.memory_space<vmem>>, vector<1x48xf32>
      %add3A_23 = vector.broadcast %get3A_22 : vector<1x48xf32> to vector<4096x48xf32>
      %add3A_24 = arith.addf %add3A, %add3A_23 : vector<4096x48xf32>
      %logistic3A = arith.negf %add3A_24 : vector<4096x48xf32>
      %logistic3A_25 = math.exp %logistic3A : vector<4096x48xf32>
      %logistic3A_26 = arith.constant 1.000000e+00 : f32
      %logistic3A_27 = vector.broadcast %logistic3A_26 : f32 to vector<4096x48xf32>
      %logistic3A_28 = arith.addf %logistic3A_27, %logistic3A_25 : vector<4096x48xf32>
      %logistic3A_29 = arith.divf %logistic3A_27, %logistic3A_28 : vector<4096x48xf32>
      %get3A_30 = arith.constant 0 : index
      %get3A_31 = arith.constant 0 : index
      %get3A_32 = vector.load %arg6[%get3A_30, %get3A_31] : memref<65x48xf32, #tpu.memory_space<vmem>>, vector<65x48xf32>
      %dot_general3A_33 = arith.constant dense<0.000000e+00> : vector<4096x48xf32>
      %dot_general3A_34 = tpu.matmul %get3A_7, %get3A_32, %dot_general3A_33 {dimension_numbers = #tpu.dot_dimension_numbers<[1], [0], [0], [1], [0, 0, 1, 1], [], []>, transpose_lhs_hint = false} : vector<4096x65xf32>, vector<65x48xf32>, vector<4096x48xf32> -> vector<4096x48xf32>
      %get3A_35 = arith.constant 0 : index
      %get3A_36 = arith.constant 0 : index
      %get3A_37 = vector.load %arg9[%get3A_35, %get3A_36] : memref<48x48xf32, #tpu.memory_space<vmem>>, vector<48x48xf32>
      %dot_general3A_38 = arith.constant dense<0.000000e+00> : vector<4096x48xf32>
      %dot_general3A_39 = tpu.matmul %get3A_10, %get3A_37, %dot_general3A_38 {dimension_numbers = #tpu.dot_dimension_numbers<[1], [0], [0], [1], [0, 0, 1, 1], [], []>, transpose_lhs_hint = false} : vector<4096x48xf32>, vector<48x48xf32>, vector<4096x48xf32> -> vector<4096x48xf32>
      %add3A_40 = arith.addf %dot_general3A_34, %dot_general3A_39 : vector<4096x48xf32>
      %get3A_41 = arith.constant 0 : index
      %get3A_42 = arith.constant 0 : index
      %get3A_43 = vector.load %arg12[%get3A_41, %get3A_42] : memref<1x48xf32, #tpu.memory_space<vmem>>, vector<1x48xf32>
      %add3A_44 = vector.broadcast %get3A_43 : vector<1x48xf32> to vector<4096x48xf32>
      %add3A_45 = arith.addf %add3A_40, %add3A_44 : vector<4096x48xf32>
      %logistic3A_46 = arith.negf %add3A_45 : vector<4096x48xf32>
      %logistic3A_47 = math.exp %logistic3A_46 : vector<4096x48xf32>
      %logistic3A_48 = arith.constant 1.000000e+00 : f32
      %logistic3A_49 = vector.broadcast %logistic3A_48 : f32 to vector<4096x48xf32>
      %logistic3A_50 = arith.addf %logistic3A_49, %logistic3A_47 : vector<4096x48xf32>
      %logistic3A_51 = arith.divf %logistic3A_49, %logistic3A_50 : vector<4096x48xf32>
      %get3A_52 = arith.constant 0 : index
      %get3A_53 = arith.constant 0 : index
      %get3A_54 = vector.load %arg7[%get3A_52, %get3A_53] : memref<65x48xf32, #tpu.memory_space<vmem>>, vector<65x48xf32>
      %dot_general3A_55 = arith.constant dense<0.000000e+00> : vector<4096x48xf32>
      %dot_general3A_56 = tpu.matmul %get3A_7, %get3A_54, %dot_general3A_55 {dimension_numbers = #tpu.dot_dimension_numbers<[1], [0], [0], [1], [0, 0, 1, 1], [], []>, transpose_lhs_hint = false} : vector<4096x65xf32>, vector<65x48xf32>, vector<4096x48xf32> -> vector<4096x48xf32>
      %get3A_57 = arith.constant 0 : index
      %get3A_58 = arith.constant 0 : index
      %get3A_59 = vector.load %arg10[%get3A_57, %get3A_58] : memref<48x48xf32, #tpu.memory_space<vmem>>, vector<48x48xf32>
      %dot_general3A_60 = arith.constant dense<0.000000e+00> : vector<4096x48xf32>
      %dot_general3A_61 = tpu.matmul %get3A_10, %get3A_59, %dot_general3A_60 {dimension_numbers = #tpu.dot_dimension_numbers<[1], [0], [0], [1], [0, 0, 1, 1], [], []>, transpose_lhs_hint = false} : vector<4096x48xf32>, vector<48x48xf32>, vector<4096x48xf32> -> vector<4096x48xf32>
      %mul3A = arith.mulf %logistic3A_51, %dot_general3A_61 : vector<4096x48xf32>
      %add3A_62 = arith.addf %dot_general3A_56, %mul3A : vector<4096x48xf32>
      %get3A_63 = arith.constant 0 : index
      %get3A_64 = arith.constant 0 : index
      %get3A_65 = vector.load %arg13[%get3A_63, %get3A_64] : memref<1x48xf32, #tpu.memory_space<vmem>>, vector<1x48xf32>
      %add3A_66 = vector.broadcast %get3A_65 : vector<1x48xf32> to vector<4096x48xf32>
      %add3A_67 = arith.addf %add3A_62, %add3A_66 : vector<4096x48xf32>
      %tanh3A = math.tanh %add3A_67 : vector<4096x48xf32>
      %mul3A_68 = arith.mulf %logistic3A_29, %get3A_10 : vector<4096x48xf32>
      %sub3A = arith.constant 1.000000e+00 : f32
      %sub3A_69 = vector.broadcast %sub3A : f32 to vector<4096x48xf32>
      %sub3A_70 = arith.subf %sub3A_69, %logistic3A_29 : vector<4096x48xf32>
      %mul3A_71 = arith.mulf %sub3A_70, %tanh3A : vector<4096x48xf32>
      %add3A_72 = arith.addf %mul3A_68, %mul3A_71 : vector<4096x48xf32>
      %get3A_73 = arith.constant 0 : index
      %get3A_74 = arith.constant 0 : index
      %get3A_75 = vector.load %arg14[%get3A_73, %get3A_74] : memref<1x48xf32, #tpu.memory_space<vmem>>, vector<1x48xf32>
      %dot_general3A_76 = arith.constant dense<0.000000e+00> : vector<1x4096xf32>
      %dot_general3A_77 = tpu.matmul %get3A_75, %add3A_72, %dot_general3A_76 {dimension_numbers = #tpu.dot_dimension_numbers<[1], [1], [0], [0], [0, 0, 1, 0], [], []>, transpose_lhs_hint = false} : vector<1x48xf32>, vector<4096x48xf32>, vector<1x4096xf32> -> vector<1x4096xf32>
      %get3A_78 = arith.constant 0 : index
      %get3A_79 = arith.constant 0 : index
      %get3A_80 = vector.load %arg15[%get3A_78, %get3A_79] : memref<1x1xf32, #tpu.memory_space<vmem>>, vector<1x1xf32>
      %add3A_81 = vector.broadcast %get3A_80 : vector<1x1xf32> to vector<1x4096xf32>
      %add3A_82 = arith.addf %dot_general3A_77, %add3A_81 : vector<1x4096xf32>
      %logistic3A_83 = arith.negf %add3A_82 : vector<1x4096xf32>
      %logistic3A_84 = math.exp %logistic3A_83 : vector<1x4096xf32>
      %logistic3A_85 = arith.constant 1.000000e+00 : f32
      %logistic3A_86 = vector.broadcast %logistic3A_85 : f32 to vector<1x4096xf32>
      %logistic3A_87 = arith.addf %logistic3A_86, %logistic3A_84 : vector<1x4096xf32>
      %logistic3A_88 = arith.divf %logistic3A_86, %logistic3A_87 : vector<1x4096xf32>
      %swap3A = arith.constant 0 : index
      %swap3A_89 = arith.constant 0 : index
      %swap3A_90 = vector.load %arg16[%swap3A, %swap3A_89] : memref<1x4096xf32, #tpu.memory_space<vmem>>, vector<1x4096xf32>
      tpu.vector_store %arg16[%swap3A, %swap3A_89], %logistic3A_88 {strides = array<i32>} : memref<1x4096xf32, #tpu.memory_space<vmem>>, vector<1x4096xf32>,
      %swap3A_91 = arith.constant 0 : index
      %swap3A_92 = arith.constant 0 : index
      %swap3A_93 = vector.load %arg17[%swap3A_91, %swap3A_92] : memref<4096x128xf32, #tpu.memory_space<vmem>>, vector<4096x48xf32>
      tpu.vector_store %arg17[%swap3A_91, %swap3A_92], %add3A_72 {strides = array<i32>} : memref<4096x128xf32, #tpu.memory_space<vmem>>, vector<4096x48xf32>,
    } else {
    }
    %eq3A = arith.constant 4 : i32
    %eq3A_2 = arith.cmpi eq, %arg0, %eq3A : i32
    %convert_element_type3A_3 = arith.extui %eq3A_2 : i1 to i32
    %cond3A_4 = arith.constant 0 : i32
    %cond3A_5 = arith.cmpi ne, %convert_element_type3A_3, %cond3A_4 : i32
    scf.if %cond3A_5 {
      %get3A = arith.constant 0 : index
      %get3A_6 = arith.constant 0 : index
      %get3A_7 = vector.load %arg3[%get3A, %get3A_6] : memref<1024x128xf32, #tpu.memory_space<vmem>>, vector<1024x128xf32>
      %swap3A = arith.constant 0 : index
      %swap3A_8 = arith.constant 0 : index
      %swap3A_9 = vector.load %arg17[%swap3A, %swap3A_8] : memref<4096x128xf32, #tpu.memory_space<vmem>>, vector<1024x128xf32>
      tpu.vector_store %arg17[%swap3A, %swap3A_8], %get3A_7 {strides = array<i32>} : memref<4096x128xf32, #tpu.memory_space<vmem>>, vector<1024x128xf32>,
      %get3A_10 = arith.constant 0 : index
      %get3A_11 = vector.load %arg4[%get3A_10] : memref<32768xi32, #tpu.memory_space<vmem>>, vector<32768xi32>
      %slice3A = vector.extract_strided_slice %get3A_11 {offsets = [0], sizes = [1024], strides = [1]} : vector<32768xi32> to vector<1024xi32>
      %slice3A_12 = vector.extract_strided_slice %get3A_11 {offsets = [1024], sizes = [1024], strides = [1]} : vector<32768xi32> to vector<1024xi32>
      %max3A = arith.maxsi %slice3A, %slice3A_12 : vector<1024xi32>
      %slice3A_13 = vector.extract_strided_slice %get3A_11 {offsets = [2048], sizes = [1024], strides = [1]} : vector<32768xi32> to vector<1024xi32>
      %max3A_14 = arith.maxsi %max3A, %slice3A_13 : vector<1024xi32>
      %slice3A_15 = vector.extract_strided_slice %get3A_11 {offsets = [3072], sizes = [1024], strides = [1]} : vector<32768xi32> to vector<1024xi32>
      %max3A_16 = arith.maxsi %max3A_14, %slice3A_15 : vector<1024xi32>
      %slice3A_17 = vector.extract_strided_slice %get3A_11 {offsets = [4096], sizes = [1024], strides = [1]} : vector<32768xi32> to vector<1024xi32>
      %max3A_18 = arith.maxsi %max3A_16, %slice3A_17 : vector<1024xi32>
      %slice3A_19 = vector.extract_strided_slice %get3A_11 {offsets = [5120], sizes = [1024], strides = [1]} : vector<32768xi32> to vector<1024xi32>
      %max3A_20 = arith.maxsi %max3A_18, %slice3A_19 : vector<1024xi32>
      %slice3A_21 = vector.extract_strided_slice %get3A_11 {offsets = [6144], sizes = [1024], strides = [1]} : vector<32768xi32> to vector<1024xi32>
      %max3A_22 = arith.maxsi %max3A_20, %slice3A_21 : vector<1024xi32>
      %slice3A_23 = vector.extract_strided_slice %get3A_11 {offsets = [7168], sizes = [1024], strides = [1]} : vector<32768xi32> to vector<1024xi32>
      %max3A_24 = arith.maxsi %max3A_22, %slice3A_23 : vector<1024xi32>
      %slice3A_25 = vector.extract_strided_slice %get3A_11 {offsets = [8192], sizes = [1024], strides = [1]} : vector<32768xi32> to vector<1024xi32>
      %max3A_26 = arith.maxsi %max3A_24, %slice3A_25 : vector<1024xi32>
      %slice3A_27 = vector.extract_strided_slice %get3A_11 {offsets = [9216], sizes = [1024], strides = [1]} : vector<32768xi32> to vector<1024xi32>
      %max3A_28 = arith.maxsi %max3A_26, %slice3A_27 : vector<1024xi32>
      %slice3A_29 = vector.extract_strided_slice %get3A_11 {offsets = [10240], sizes = [1024], strides = [1]} : vector<32768xi32> to vector<1024xi32>
      %max3A_30 = arith.maxsi %max3A_28, %slice3A_29 : vector<1024xi32>
      %slice3A_31 = vector.extract_strided_slice %get3A_11 {offsets = [11264], sizes = [1024], strides = [1]} : vector<32768xi32> to vector<1024xi32>
      %max3A_32 = arith.maxsi %max3A_30, %slice3A_31 : vector<1024xi32>
      %slice3A_33 = vector.extract_strided_slice %get3A_11 {offsets = [12288], sizes = [1024], strides = [1]} : vector<32768xi32> to vector<1024xi32>
      %max3A_34 = arith.maxsi %max3A_32, %slice3A_33 : vector<1024xi32>
      %slice3A_35 = vector.extract_strided_slice %get3A_11 {offsets = [13312], sizes = [1024], strides = [1]} : vector<32768xi32> to vector<1024xi32>
      %max3A_36 = arith.maxsi %max3A_34, %slice3A_35 : vector<1024xi32>
      %slice3A_37 = vector.extract_strided_slice %get3A_11 {offsets = [14336], sizes = [1024], strides = [1]} : vector<32768xi32> to vector<1024xi32>
      %max3A_38 = arith.maxsi %max3A_36, %slice3A_37 : vector<1024xi32>
      %slice3A_39 = vector.extract_strided_slice %get3A_11 {offsets = [15360], sizes = [1024], strides = [1]} : vector<32768xi32> to vector<1024xi32>
      %max3A_40 = arith.maxsi %max3A_38, %slice3A_39 : vector<1024xi32>
      %slice3A_41 = vector.extract_strided_slice %get3A_11 {offsets = [16384], sizes = [1024], strides = [1]} : vector<32768xi32> to vector<1024xi32>
      %max3A_42 = arith.maxsi %max3A_40, %slice3A_41 : vector<1024xi32>
      %slice3A_43 = vector.extract_strided_slice %get3A_11 {offsets = [17408], sizes = [1024], strides = [1]} : vector<32768xi32> to vector<1024xi32>
      %max3A_44 = arith.maxsi %max3A_42, %slice3A_43 : vector<1024xi32>
      %slice3A_45 = vector.extract_strided_slice %get3A_11 {offsets = [18432], sizes = [1024], strides = [1]} : vector<32768xi32> to vector<1024xi32>
      %max3A_46 = arith.maxsi %max3A_44, %slice3A_45 : vector<1024xi32>
      %slice3A_47 = vector.extract_strided_slice %get3A_11 {offsets = [19456], sizes = [1024], strides = [1]} : vector<32768xi32> to vector<1024xi32>
      %max3A_48 = arith.maxsi %max3A_46, %slice3A_47 : vector<1024xi32>
      %slice3A_49 = vector.extract_strided_slice %get3A_11 {offsets = [20480], sizes = [1024], strides = [1]} : vector<32768xi32> to vector<1024xi32>
      %max3A_50 = arith.maxsi %max3A_48, %slice3A_49 : vector<1024xi32>
      %slice3A_51 = vector.extract_strided_slice %get3A_11 {offsets = [21504], sizes = [1024], strides = [1]} : vector<32768xi32> to vector<1024xi32>
      %max3A_52 = arith.maxsi %max3A_50, %slice3A_51 : vector<1024xi32>
      %slice3A_53 = vector.extract_strided_slice %get3A_11 {offsets = [22528], sizes = [1024], strides = [1]} : vector<32768xi32> to vector<1024xi32>
      %max3A_54 = arith.maxsi %max3A_52, %slice3A_53 : vector<1024xi32>
      %slice3A_55 = vector.extract_strided_slice %get3A_11 {offsets = [23552], sizes = [1024], strides = [1]} : vector<32768xi32> to vector<1024xi32>
      %max3A_56 = arith.maxsi %max3A_54, %slice3A_55 : vector<1024xi32>
      %slice3A_57 = vector.extract_strided_slice %get3A_11 {offsets = [24576], sizes = [1024], strides = [1]} : vector<32768xi32> to vector<1024xi32>
      %max3A_58 = arith.maxsi %max3A_56, %slice3A_57 : vector<1024xi32>
      %slice3A_59 = vector.extract_strided_slice %get3A_11 {offsets = [25600], sizes = [1024], strides = [1]} : vector<32768xi32> to vector<1024xi32>
      %max3A_60 = arith.maxsi %max3A_58, %slice3A_59 : vector<1024xi32>
      %slice3A_61 = vector.extract_strided_slice %get3A_11 {offsets = [26624], sizes = [1024], strides = [1]} : vector<32768xi32> to vector<1024xi32>
      %max3A_62 = arith.maxsi %max3A_60, %slice3A_61 : vector<1024xi32>
      %slice3A_63 = vector.extract_strided_slice %get3A_11 {offsets = [27648], sizes = [1024], strides = [1]} : vector<32768xi32> to vector<1024xi32>
      %max3A_64 = arith.maxsi %max3A_62, %slice3A_63 : vector<1024xi32>
      %slice3A_65 = vector.extract_strided_slice %get3A_11 {offsets = [28672], sizes = [1024], strides = [1]} : vector<32768xi32> to vector<1024xi32>
      %max3A_66 = arith.maxsi %max3A_64, %slice3A_65 : vector<1024xi32>
      %slice3A_67 = vector.extract_strided_slice %get3A_11 {offsets = [29696], sizes = [1024], strides = [1]} : vector<32768xi32> to vector<1024xi32>
      %max3A_68 = arith.maxsi %max3A_66, %slice3A_67 : vector<1024xi32>
      %slice3A_69 = vector.extract_strided_slice %get3A_11 {offsets = [30720], sizes = [1024], strides = [1]} : vector<32768xi32> to vector<1024xi32>
      %max3A_70 = arith.maxsi %max3A_68, %slice3A_69 : vector<1024xi32>
      %slice3A_71 = vector.extract_strided_slice %get3A_11 {offsets = [31744], sizes = [1024], strides = [1]} : vector<32768xi32> to vector<1024xi32>
      %max3A_72 = arith.maxsi %max3A_70, %slice3A_71 : vector<1024xi32>
      %iota3A = tpu.iota {dimensions = array<i32: 1>} : vector<1x1024xi32>
      %iota3A_73 = vector.shape_cast %iota3A : vector<1x1024xi32> to vector<1024xi32>
      %add3A = arith.constant 16384 : i32
      %add3A_74 = vector.broadcast %add3A : i32 to vector<1024xi32>
      %add3A_75 = arith.addi %iota3A_73, %add3A_74 : vector<1024xi32>
      %ge3A = arith.constant 0 : i32
      %ge3A_76 = vector.broadcast %ge3A : i32 to vector<1024xi32>
      %ge3A_77 = arith.cmpi sge, %max3A_72, %ge3A_76 : vector<1024xi32>
      %select_n3A = arith.select %ge3A_77, %max3A_72, %add3A_75 : vector<1024xi1>, vector<1024xi32>
      %swap3A_78 = arith.constant 0 : index
      %swap3A_79 = vector.load %arg18[%swap3A_78] : memref<1024xi32, #tpu.memory_space<vmem>>, vector<1024xi32>
      tpu.vector_store %arg18[%swap3A_78], %select_n3A {strides = array<i32>} : memref<1024xi32, #tpu.memory_space<vmem>>, vector<1024xi32>,
    } else {
    }
    return
  }
  func.func @transform_0(%arg0: i32) -> (i32, i32) {
    %min3A = arith.constant 3 : i32
    %min3A_0 = arith.minsi %arg0, %min3A : i32
    %c0_i32 = arith.constant 0 : i32
    %c0_i32_1 = arith.constant 0 : i32
    return %min3A_0, %c0_i32 : i32, i32
  }
  func.func @transform_1(%arg0: i32) -> (i32, i32) {
    %min3A = arith.constant 3 : i32
    %min3A_0 = arith.minsi %arg0, %min3A : i32
    %c0_i32 = arith.constant 0 : i32
    %c0_i32_1 = arith.constant 0 : i32
    return %min3A_0, %c0_i32 : i32, i32
  }
  func.func @transform_2(%arg0: i32) -> (i32, i32) {
    %c0_i32 = arith.constant 0 : i32
    %c0_i32_0 = arith.constant 0 : i32
    %c0_i32_1 = arith.constant 0 : i32
    return %c0_i32, %c0_i32_0 : i32, i32
  }
  func.func @transform_3(%arg0: i32) -> i32 {
    %c0_i32 = arith.constant 0 : i32
    %c0_i32_0 = arith.constant 0 : i32
    return %c0_i32 : i32
  }
  func.func @transform_4(%arg0: i32) -> (i32, i32) {
    %c0_i32 = arith.constant 0 : i32
    %c0_i32_0 = arith.constant 0 : i32
    %c0_i32_1 = arith.constant 0 : i32
    return %c0_i32, %c0_i32_0 : i32, i32
  }
  func.func @transform_5(%arg0: i32) -> (i32, i32) {
    %c0_i32 = arith.constant 0 : i32
    %c0_i32_0 = arith.constant 0 : i32
    %c0_i32_1 = arith.constant 0 : i32
    return %c0_i32, %c0_i32_0 : i32, i32
  }
  func.func @transform_6(%arg0: i32) -> (i32, i32) {
    %c0_i32 = arith.constant 0 : i32
    %c0_i32_0 = arith.constant 0 : i32
    %c0_i32_1 = arith.constant 0 : i32
    return %c0_i32, %c0_i32_0 : i32, i32
  }
  func.func @transform_7(%arg0: i32) -> (i32, i32) {
    %c0_i32 = arith.constant 0 : i32
    %c0_i32_0 = arith.constant 0 : i32
    %c0_i32_1 = arith.constant 0 : i32
    return %c0_i32, %c0_i32_0 : i32, i32
  }
  func.func @transform_8(%arg0: i32) -> (i32, i32) {
    %c0_i32 = arith.constant 0 : i32
    %c0_i32_0 = arith.constant 0 : i32
    %c0_i32_1 = arith.constant 0 : i32
    return %c0_i32, %c0_i32_0 : i32, i32
  }
  func.func @transform_9(%arg0: i32) -> (i32, i32) {
    %c0_i32 = arith.constant 0 : i32
    %c0_i32_0 = arith.constant 0 : i32
    %c0_i32_1 = arith.constant 0 : i32
    return %c0_i32, %c0_i32_0 : i32, i32
  }
  func.func @transform_10(%arg0: i32) -> (i32, i32) {
    %c0_i32 = arith.constant 0 : i32
    %c0_i32_0 = arith.constant 0 : i32
    %c0_i32_1 = arith.constant 0 : i32
    return %c0_i32, %c0_i32_0 : i32, i32
  }
  func.func @transform_11(%arg0: i32) -> (i32, i32) {
    %c0_i32 = arith.constant 0 : i32
    %c0_i32_0 = arith.constant 0 : i32
    %c0_i32_1 = arith.constant 0 : i32
    return %c0_i32, %c0_i32_0 : i32, i32
  }
  func.func @transform_12(%arg0: i32) -> (i32, i32) {
    %c0_i32 = arith.constant 0 : i32
    %c0_i32_0 = arith.constant 0 : i32
    %c0_i32_1 = arith.constant 0 : i32
    return %c0_i32, %c0_i32_0 : i32, i32
  }
  func.func @transform_13(%arg0: i32) -> (i32, i32) {
    %c0_i32 = arith.constant 0 : i32
    %c0_i32_0 = arith.constant 0 : i32
    %c0_i32_1 = arith.constant 0 : i32
    return %c0_i32, %c0_i32_0 : i32, i32
  }
  func.func @transform_14(%arg0: i32) -> (i32, i32) {
    %c0_i32 = arith.constant 0 : i32
    %c0_i32_0 = arith.constant 0 : i32
    %c0_i32_1 = arith.constant 0 : i32
    return %c0_i32, %c0_i32_0 : i32, i32
  }
  func.func @transform_15(%arg0: i32) -> (i32, i32) {
    %min3A = arith.constant 3 : i32
    %min3A_0 = arith.minsi %arg0, %min3A : i32
    %c0_i32 = arith.constant 0 : i32
    %c0_i32_1 = arith.constant 0 : i32
    return %c0_i32, %min3A_0 : i32, i32
  }
  func.func @transform_16(%arg0: i32) -> (i32, i32) {
    %c0_i32 = arith.constant 0 : i32
    %c0_i32_0 = arith.constant 0 : i32
    return %arg0, %c0_i32 : i32, i32
  }
  func.func @transform_17(%arg0: i32) -> i32 {
    %c0_i32 = arith.constant 0 : i32
    %c0_i32_0 = arith.constant 0 : i32
    return %c0_i32 : i32
  }
}

</mosaic_0001>

<sc_bundles>
// kernel: kernel.5.cloned.1.call-start
scs
__scs_entry_jumppad:
0x0: {  	(pc) =	sbr.rel $0x88, $3  }
0x1: {  	(tag) =	ssettag $0x0;
	lr =	simm.s32 $0x1  }
0x2: {  	[smem:$0x3F9A] =	sst lr;
	_ =	strace $0xD0000000  }
0x3: {  	_ = 	snop  }
0x4: {  	_ = 	snop  }
0x5: {  	_ = 	snop  }
0x6: {  	_ = 	snop  }
0x7: {  	_ = 	snop  }
__scs_overlays_trampoline_lowered:
0x8: {  	[smem:$0x3FA9] =	sst s0  }
0x9: {  	[smem:$0x3FAA] =	sst s1  }
0xa: {  	[smem:$0x3FAB] =	sst s2  }
0xb: {  	[smem:$0x3FAC] =	sst s3  }
0xc: {  	[smem:$0x3FAD] =	sst s4  }
0xd: {  	[smem:$0x3FAE] =	sst s5  }
0xe: {  	[smem:$0x3FAF] =	sst s6  }
0xf: {  	[smem:$0x3FB0] =	sst s7  }
0x10: {  	[smem:$0x3FB1] =	sst s8  }
0x11: {  	[smem:$0x3FB2] =	sst s9;
	s0 =	simm.s32 @!p0 $0x0  }
0x12: {  	s1 =	sld [smem:$0x3F98];
	s0 =	simm.s32 @p0 $0x1  }
0x13: {  	[smem:$0x3FB3] =	sst s0;
	s0 =	simm.s32 @!p1 $0x0  }
0x14: {  	s2 =	sld [smem:$0x3F97];
	s0 =	simm.s32 @p1 $0x1  }
0x15: {  	[smem:$0x3FB4] =	sst s0;
	s0 =	simm.s32 @!p2 $0x0  }
0x16: {  	s3 =	sld [smem:$0x3FDB];
	s0 =	simm.s32 @p2 $0x1  }
0x17: {  	s4 =	simm.s32 $0x1BF5;
	[smem:$0x3FB6] =	sst s0  }
0x18: {  	s0 =	sld [smem:$0x3F99];
	_ =	swait.ge [sflag:s4], $0x0  }
0x19: {  	s7 =	sld [smem:$0x3F9A]  }
0x1a: {  	s8 =	sadd.s32 $0xFFFFE003, lr  }
0x1b: {  	s9 =	sadd.s32 $0xFFFFFEF7, lr;
	s5 =	simm.s32 $0xFFFFFFFF;
	p2 =	slt.u32 s8, $0xFFFFF086  }
0x1c: {  	p1 =	slt.u32 s9, $0xF7A;
	s5 =	simm.s32 @!p2 $0x0  }
0x1d: {  	s5 =	simm.s32 @p1 $0x1;
	p0 =	seq.s32 s7, s2  }
0x1e: {  	s7 =	smul.u32 @!p0 $0xF7A, s2;
	p2 =	seq.s32 @!p0 s5, $0x0  }
0x1f: {  	s9 =	smul.u32 $0xF7A, s1;
	s8 =	simm.s32 @!p0 $0x1BF5;
	p2 =	por !p2, p0  }
0x20: {  	[sflag:s8] =	ssyncset.s32 @!p0 $0xFFFFF086;
	s6 =	sadd.s32 @!p0 s3, s7;
	s7 =	simm.s32 @!p0 $0x108  }
0x21: {  	s3 =	sadd.s32 s3, s9;
	s6 =	sadd.s32 @!p0 $0x88, s6;
	s7 =	simm.s32 @p2 $0x1082  }
0x22: {  	[simem:s7], [sflag:s8] =	dma.local @!p0 [hbm:s6], $0xF7A  }
0x23: {  	s9 =	sor.u32 $0xD0000000, s2;
	s6 =	simm.s32 $0x108;
	_ =	swait.ge @!p0 [sflag:s8], $0x0  }
0x24: {  	s3 =	sadd.s32 $0x88, s3;
	s6 =	simm.s32 @!p1 $0x1082;
	[sflag:s4] =	ssyncset.s32 $0xFFFFF086  }
0x25: {  	[simem:s6], [sflag:s4] =	dma.local [hbm:s3], $0xF7A  }
0x26: {  	[smem:$0x3F9A] =	sst s1;
	(tag) =	ssettag s2;
	_ =	strace s9  }
0x27: {  	s1 =	sld [smem:$0x3FAA]  }
0x28: {  	s2 =	sld [smem:$0x3FAB]  }
0x29: {  	s4 =	sld [smem:$0x3FAD]  }
0x2a: {  	p0 =	seq.s32 s5, $0x0;
	s5 =	sld [smem:$0x3FAE]  }
0x2b: {  	s6 =	sld [smem:$0x3FAF]  }
0x2c: {  	s7 =	sld [smem:$0x3FB0]  }
0x2d: {  	s3 =	simm.s32 $0x108;
	s8 =	sld [smem:$0x3FB1]  }
0x2e: {  	s3 =	simm.s32 @!p0 $0x1082;
	s9 =	sld [smem:$0x3FB2]  }
0x2f: {  	lr =	sadd.s32 s0, s3;
	s0 =	sld [smem:$0x3FA9]  }
0x30: {  	s3 =	sld [smem:$0x3FAC]  }
0x31: {  	[smem:$0x3FB5] =	sst s10  }
0x32: {  	s10 =	sld [smem:$0x3FB3];
	_ =	sdelay $0x3  }
0x33: {  	p0 =	seq.s32 s10, $0x1;
	s10 =	sld [smem:$0x3FB5];
	_ =	sdelay $0x3  }
0x34: {  	[smem:$0x3FB5] =	sst s10  }
0x35: {  	s10 =	sld [smem:$0x3FB4];
	_ =	sdelay $0x3  }
0x36: {  	p1 =	seq.s32 s10, $0x1;
	s10 =	sld [smem:$0x3FB5];
	_ =	sdelay $0x3  }
0x37: {  	[smem:$0x3FB5] =	sst s10  }
0x38: {  	s10 =	sld [smem:$0x3FB6]  }
0x39: {  	_ = 	snop;
	(pc) =	sbr.ind lr, $3  }
0x3a: {  	_ = 	snop  }
0x3b: {  	_ = 	snop  }
0x3c: {  	p2 =	seq.s32 s10, $0x1;
	s10 =	sld [smem:$0x3FB5]  }
0x3d: {  	_ =	shalt  }
0x3e: {  	_ =	shalt  }
0x3f: {  	_ =	shalt  }
0x40: {  	_ =	shalt  }
0x41: {  	_ =	shalt  }
0x42: {  	_ =	shalt  }
0x43: {  	_ =	shalt  }
0x44: {  	_ =	shalt  }
0x45: {  	_ =	shalt  }
0x46: {  	_ =	shalt  }
0x47: {  	_ =	shalt  }
0x48: {  	_ =	shalt  }
0x49: {  	_ =	shalt  }
0x4a: {  	_ =	shalt  }
0x4b: {  	_ =	shalt  }
0x4c: {  	_ =	shalt  }
0x4d: {  	_ =	shalt  }
0x4e: {  	_ =	shalt  }
0x4f: {  	_ =	shalt  }
0x50: {  	_ =	shalt  }
0x51: {  	_ =	shalt  }
0x52: {  	_ =	shalt  }
0x53: {  	_ =	shalt  }
0x54: {  	_ =	shalt  }
0x55: {  	_ =	shalt  }
0x56: {  	_ =	shalt  }
0x57: {  	_ =	shalt  }
0x58: {  	_ =	shalt  }
0x59: {  	_ =	shalt  }
0x5a: {  	_ =	shalt  }
0x5b: {  	_ =	shalt  }
0x5c: {  	_ =	shalt  }
0x5d: {  	_ =	shalt  }
0x5e: {  	_ =	shalt  }
0x5f: {  	_ =	shalt  }
0x60: {  	_ =	shalt  }
0x61: {  	_ =	shalt  }
0x62: {  	_ =	shalt  }
0x63: {  	_ =	shalt  }
0x64: {  	_ =	shalt  }
0x65: {  	_ =	shalt  }
0x66: {  	_ =	shalt  }
0x67: {  	_ =	shalt  }
0x68: {  	_ =	shalt  }
0x69: {  	_ =	shalt  }
0x6a: {  	_ =	shalt  }
0x6b: {  	_ =	shalt  }
0x6c: {  	_ =	shalt  }
0x6d: {  	_ =	shalt  }
0x6e: {  	_ =	shalt  }
0x6f: {  	_ =	shalt  }
0x70: {  	_ =	shalt  }
0x71: {  	_ =	shalt  }
0x72: {  	_ =	shalt  }
0x73: {  	_ =	shalt  }
0x74: {  	_ =	shalt  }
0x75: {  	_ =	shalt  }
0x76: {  	_ =	shalt  }
0x77: {  	_ =	shalt  }
0x78: {  	_ =	shalt  }
0x79: {  	_ =	shalt  }
0x7a: {  	_ =	shalt  }
0x7b: {  	_ =	shalt  }
0x7c: {  	_ =	shalt  }
0x7d: {  	_ =	shalt  }
0x7e: {  	_ =	shalt  }
0x7f: {  	_ =	shalt  }
0x80: {  	_ =	shalt  }
0x81: {  	_ =	shalt  }
0x82: {  	_ =	shalt  }
0x83: {  	_ =	shalt  }
0x84: {  	_ =	shalt  }
0x85: {  	_ =	shalt  }
0x86: {  	_ =	shalt  }
0x87: {  	_ =	shalt  }
.Lfunc_end0:
.L_simem_size_0:
called_computation_lowered:
.L_overlay_start_0:
0x88: {  	s2 =	sld [smem:$0x3FD9]  }
0x89: {  	s3 =	sld [smem:$0x3FFE];
	_ =	sdelay $0x1  }
0x8a: {  	s1 =	srdreg.scid  }
0x8b: {  	s0 =	sand.u32 $0x1, s1  }
0x8c: {  	s14 =	sshll.u32 s0, $0xA;
	s2 =	sadd.s32 s3, s2  }
0x8d: {  	s2 =	sadd.s32 s2, s14  }
0x8e: {  	[smem:$0x3FC1] =	sst s2  }
0x8f: {  	_ = 	snop  }
0x90: {  	s2 =	sld [smem:$0x3FD0];
	_ =	sdelay $0x2  }
0x91: {  	s15 =	simm.s32 $0xA;
	s4 =	simm.s32 $0x10  }
0x92: {  	[smem:s4], [sflag:s15] =	dma.local [hbm:s2], $0x1  }
0x93: {  	_ =	swait.eq [sflag:s15], $0x1  }
0x94: {  	[sflag:s15] =	ssyncset.done $0x0  }
0x95: {  	s16 =	sld [smem:$0x10];
	[sflag:s15] =	ssyncadd.s32 $0xFFFFFFFF  }
0x96: {  	s17 =	sld [smem:$0x11];
	(tm) =	ssettm $0x1  }
0x97: {  	s18 =	sld [smem:$0x3FFB];
	_ =	sdelay $0x3  }
0x98: {  	_ =	strace s18  }
0x99: {  	s4 =	sld [smem:$0x3FFC];
	_ =	sdelay $0x3  }
0x9a: {  	_ =	strace s4  }
0x9b: {  	s4 =	sld [smem:$0x3FFD];
	_ =	sdelay $0x3  }
0x9c: {  	_ =	strace s4  }
0x9d: {  	_ =	strace $0x8FFFFFFF  }
0x9e: {  	s19 =	sld [smem:$0x3FDB];
	_ =	sdelay $0x1  }
0x9f: {  	s5 =	simm.s32 $_scs_section_size  }
0xa0: {  	s6 =	simm.s32 $_size__tile_overlayer_lowered;
	s7 =	simm.s32 $_tile_overlayer_lowered  }
0xa1: {  	s22 =	simm.s32 $0x1BFF;
	s21 =	sshll.u32 s7, $0x1;
	s4 =	sadd.s32 s5, s19  }
0xa2: {  	s8 =	simm.s32 $0x0;
	s20 =	sshll.u32 s6, $0x1;
	s6 =	sadd.s32 s21, s4  }
0xa3: {  	[timem:s8], [sflag:s22] =	dma.local [hbm:s6], s20  }
0xa4: {  	_ =	swait.ge [sflag:s22], s20  }
0xa5: {  	s5 =	ssub.s32 $0x0, s20;
	[sflag:s22] =	ssyncset.done $0x0  }
0xa6: {  	[sflag:s22] =	ssyncadd.s32 s5;
	_ =	sdelay $0x1  }
0xa7: {  	s23 =	simm.s32 $0x1B8B  }
0xa8: {  	_ =	swait.ge [sflag:s23], $0x1  }
0xa9: {  	[sflag:s23] =	ssyncset.done $0x0  }
0xaa: {  	s25 =	simm.s32 $0x1B8E;
	s24 =	sld [smem:$0x3FFE];
	[sflag:s23] =	ssyncadd.s32 $0xFFFFFFFF  }
0xab: {  	s26 =	simm.s32 $execute0_lowered;
	[smem:$0x3FD2] =	sst s25  }
0xac: {  	s6 =	sshll.u32 s26, $0x1;
	_ =	strace $0x80000046;
	[dreg:$0x1] =	wrdreg $0xFFFFFFFF  }
0xad: {  	s28 =	simm.s32 $_size_execute0_lowered;
	s4 =	sadd.s32 s4, s6;
	[dreg:$0x0] =	wrdreg $0x0  }
0xae: {  	s6 =	sshll.u32 s28, $0x1;
	[dreg:$0x2] =	wrdreg s4  }
0xaf: {  	[dreg:$0x3] =	wrdreg s6  }
0xb0: {  	[dreg:$0x4] =	wrdreg $0xC0  }
0xb1: {  	_ =	task [dreg:s8], $0x5FFFF  }
0xb2: {  	[dreg:$0x1] =	wrdreg $0xFFFFFFFF  }
0xb3: {  	[dreg:$0x0] =	wrdreg $0x60  }
0xb4: {  	[dreg:$0x2] =	wrdreg s24  }
0xb5: {  	[dreg:$0x3] =	wrdreg s16  }
0xb6: {  	[dreg:$0x4] =	wrdreg s17  }
0xb7: {  	[dreg:$0x5] =	wrdreg $0x9  }
0xb8: {  	_ =	task.clear_ibuf [dreg:s8], $0x6FFFF;
	_ =	strace $0x90000046  }
0xb9: {  	s29 =	simm.s32 $0x9;
	_ =	strace $0x80000048  }
0xba: {  	_ =	swait.ge [sflag:s29], $0x1  }
0xbb: {  	[sflag:s29] =	ssyncadd.s32 $0xFFFFFFFF  }
0xbc: {  	_ =	strace $0x90000048  }
0xbd: {  	_ =	sfence  }
0xbe: {  	s30 =	sld [smem:$0x0];
	_ =	sdelay $0x2  }
0xbf: {  	s31 =	sshll.u32 s1, $0xD;
	s1 =	sshrl.u32 s1, $0x2  }
0xc0: {  	s3 =	sand.u32 $0x4000, s31;
	s1 =	sadd.s32 s1, s30  }
0xc1: {  	s0 =	sor.u32 s3, s0;
	s1 =	sshll.u32 s1, $0x11  }
0xc2: {  	s0 =	sor.u32 s1, s0  }
0xc3: {  	s0 =	sadd.s32 $0x8F2B, s0  }
0xc4: {  	[sflag:s0] =	ssyncadd.remote.s32 $0x1  }
0xc5: {  	_ =	sfence.sel $0xFFFF  }
0xc6: {  	[dreg:$0x0] =	wrdreg $0xFFFFFFFF;
	(pc) =	sbr.abs _section_cstart, $3  }
0xc7: {  	[dreg:$0x1] =	wrdreg $0xFFFFFFFF  }
0xc8: {  	_ =	task.clear_ibuf [dreg:s8], $0x2FFFF;
	_ =	strace $0x9FFFFFFF  }
0xc9: {  	(tm) =	ssettm $0x7FFFFFFF  }
tec
execute0_lowered:
.L_overlay_start_1:
0x0: {  	(tag) =	ssettag $0x1  }
0x1: {  	v31 =	vlaneseq.u32;
	v28 =	vimm.s32 $0x87654321  }
0x2: {  	v32 =	vimm.s32 $0x98765432;
	v33 =	vimm.s32 $0xFFFEDCBA;
	vm0 =	vmmov $0x7fff  }
0x3: {  	v46 =	vimm.s32 $0x0;
	v48 =	vimm.s32 $0xBA987654;
	vm9 =	vcmask $0x1F00  }
0x4: {  	v37 =	vimm.s32 $0xE0D0C0B;
	vm13 =	vmmov $0x3fff;
	v38 =	vimm.s32 $0x0  }
0x5: {  	vm4 =	vcmask $0x2F20;
	v49 =	vimm.s32 $0xCBA98765;
	v50 =	vimm.s32 $0xF0E0D0C  }
0x6: {  	vm14 =	vmmov $0x1fff;
	v39 =	vimm.s32 $0x0;
	v51 =	vimm.s32 $0xDCBA9876  }
0x7: {  	v52 =	vimm.s32 $0xF0F0E0D;
	v53 =	vimm.s32 $0xEDCBA987;
	v40 =	vimm.s32 $0xFEDCBA98  }
0x8: {  	vm15 =	vmmov $0xfff;
	vm5 =	vcmask $0x2320;
	v54 =	vimm.s32 $0x0  }
0x9: {  	v55 =	vimm.s32 $0x0;
	vm6 =	vmmov $0x1ff;
	v56 =	vimm.s32 $0x0  }
0xa: {  	vm7 =	vmmov $0xff;
	v57 =	vimm.s32 $0x0;
	vm8 =	vmmov $0x7f  }
0xb: {  	v58 =	vimm.s32 $0x0;
	vm12 =	vcmask $0xF00;
	v59 =	vimm.s32 $0x0  }
0xc: {  	vm10 =	vmmov $0x1f;
	v60 =	vimm.s32 $0x0;
	v29 =	vunpack.c.l.s4.s8 v28  }
0xd: {  	v28 =	vimm.s32 $0xFFEDCBA9;
	v32 =	vunpack.c.l.s4.s8 v32;
	v33 =	vunpack.c.l.s4.s8 v33  }
0xe: {  	v38 =	vsel vm13, $0xFFFFFFFF, v38;
	v43 =	vunpack.c.0.s8.s32 v37;
	v37 =	vunpack.c.l.s4.s8 v49  }
0xf: {  	s1 =	srdreg.scid;
	s0 =	stileid.u32;
	v39 =	vsel vm14, $0xFFFFFFFF, v39;
	v44 =	vunpack.c.0.s8.s32 v50;
	v40 =	vunpack.c.l.s4.s8 v40  }
0x10: {  	s3 =	sand.u32 $0x1, s1;
	s25 =	sshll.u32 s0, $0x1;
	vm14 =	vmmov $0x3;
	v30 =	vunpack.c.l.s4.s8 v28;
	[tilespmem:$0x1FF20] =	vst v38;
	v38 =	vunpack.c.l.s4.s8 v51  }
0x11: {  	s5 =	sor.u32 s3, s25;
	[tilespmem:$0x1FF30] =	vst v39;
	v39 =	vunpack.c.l.s4.s8 v53;
	v34 =	vunpack.c.0.s8.s32 v29;
	v29 =	vimm.s32 $0xA9876543  }
0x12: {  	s1 =	sshll.u32 s5, $0x9;
	v32 =	vunpack.c.0.s8.s32 v32;
	v42 =	vunpack.c.0.s8.s32 v33;
	v37 =	vunpack.c.0.s8.s32 v37  }
0x13: {  	v40 =	vunpack.c.0.s8.s32 v40;
	v0 =	vor.u32 s1, v31;
	v41 =	vunpack.c.0.s8.s32 v30  }
0x14: {  	s2 =	sor.u32 $0x10, s1;
	s4 =	sor.u32 $0x20, s1;
	s6 =	sor.u32 $0x30, s1;
	v45 =	vunpack.c.l.s4.s8 v29;
	v38 =	vunpack.c.0.s8.s32 v38;
	v39 =	vunpack.c.0.s8.s32 v39  }
0x15: {  	s26 =	sor.u32 $0x40, s1;
	s28 =	sor.u32 $0x50, s1;
	s29 =	sor.u32 $0x60, s1;
	v1 =	vor.u32 s2, v31;
	v2 =	vor.u32 s4, v31;
	v3 =	vor.u32 s6, v31  }
0x16: {  	s30 =	sor.u32 $0x70, s1;
	s7 =	sor.u32 $0x80, s1;
	s31 =	sor.u32 $0x90, s1;
	v4 =	vor.u32 s26, v31;
	v5 =	vor.u32 s28, v31;
	v6 =	vor.u32 s29, v31  }
0x17: {  	s8 =	sor.u32 $0xB0, s1;
	s9 =	sor.u32 $0xC0, s1;
	s10 =	sor.u32 $0xD0, s1;
	v7 =	vor.u32 s30, v31;
	v8 =	vor.u32 s7, v31;
	v9 =	vor.u32 s31, v31  }
0x18: {  	s11 =	sor.u32 $0xE0, s1;
	s12 =	sor.u32 $0xF0, s1;
	s13 =	sor.u32 $0x110, s1;
	v11 =	vor.u32 s8, v31;
	v12 =	vor.u32 s9, v31;
	v13 =	vor.u32 s10, v31  }
0x19: {  	s14 =	sor.u32 $0x120, s1;
	s15 =	sor.u32 $0x130, s1;
	s16 =	sor.u32 $0x140, s1;
	v14 =	vor.u32 s11, v31;
	v15 =	vor.u32 s12, v31;
	v17 =	vor.u32 s13, v31  }
0x1a: {  	s17 =	sor.u32 $0x150, s1;
	s18 =	sor.u32 $0x160, s1;
	s19 =	sor.u32 $0x170, s1;
	v18 =	vor.u32 s14, v31;
	v19 =	vor.u32 s15, v31;
	v20 =	vor.u32 s16, v31  }
0x1b: {  	s20 =	sor.u32 $0x190, s1;
	s21 =	sor.u32 $0x1A0, s1;
	s22 =	sor.u32 $0x1B0, s1;
	v21 =	vor.u32 s17, v31;
	v22 =	vor.u32 s18, v31;
	v23 =	vor.u32 s19, v31  }
0x1c: {  	s23 =	sor.u32 $0x1C0, s1;
	s24 =	sor.u32 $0x1D0, s1;
	s25 =	sor.u32 $0x1E0, s1;
	v25 =	vor.u32 s20, v31;
	v26 =	vor.u32 s21, v31;
	v27 =	vor.u32 s22, v31  }
0x1d: {  	v28 =	vor.u32 s23, v31;
	v29 =	vor.u32 s24, v31;
	v30 =	vor.u32 s25, v31  }
0x1e: {  	s6 =	sor.u32 $0xA0, s1;
	s8 =	sor.u32 $0x100, s1;
	v35 =	vcombine.low v32, v42;
	v37 =	vand.u32 $0xF, v37;
	v40 =	vand.u32 $0xF, v40  }
0x1f: {  	s9 =	sor.u32 $0x180, s1;
	s1 =	sor.u32 $0x1F0, s1;
	v10 =	vor.u32 s6, v31;
	v16 =	vor.u32 s8, v31;
	v36 =	vunpack.c.0.s8.s32 v45  }
0x20: {  	v24 =	vor.u32 s9, v31;
	v34 =	vcombine.low v34, v41;
	v31 =	vor.u32 s1, v31  }
0x21: {  	v38 =	vand.u32 $0xF, v38;
	v47 =	vand.u32 $0xF, v36;
	v36 =	vunpack.c.l.s4.s8 v48  }
0x22: {  	v45 =	vunpack.c.0.s8.s32 v52;
	v37 =	vnsel vm9, $0xF, v37;
	v38 =	vnsel vm9, $0xF, v38  }
0x23: {  	v33 =	vand.u32 $0xF, v34;
	v34 =	vsel vm0, $0xFFFFFFFF, v46;
	v36 =	vunpack.c.0.s8.s32 v36  }
0x24: {  	s26 =	rddreg [dreg:$0x0];
	v46 =	vimm.s32 $0x0;
	v37 =	vsel vm4, v45, v37;
	v48 =	vimm.s32 $0x0  }
0x25: {  	s28 =	rddreg [dreg:$0x1];
	[tilespmem:$0x1FF10] =	vst v34;
	v34 =	vand.u32 $0xF, v35;
	v35 =	vnsel vm9, $0xF, v47;
	v36 =	vand.u32 $0xF, v36  }
0x26: {  	s10 =	rddreg [dreg:$0x2];
	s2 =	simm.s32 $0x0;
	v46 =	vsel vm15, $0xFFFFFFFF, v46;
	v48 =	vsel vm14, $0xFFFFFFFF, v48;
	v36 =	vnsel vm9, $0xF, v36  }
0x27: {  	[smem:$0x7FF] =	sst s2;
	v35 =	vsel vm4, v43, v35;
	[tilespmem:$0x1FF40] =	vst v46;
	v36 =	vsel vm4, v44, v36;
	vm4 =	vmmov $0x7ff  }
0x28: {  	s1 =	rddreg [dreg:$0x3];
	v38 =	vsel vm5, $0xE, v38;
	vm5 =	vmmov $0x3ff;
	_ =	strace $0x80000047;
	[tilespmem:$0x1FFE0] =	vst v48;
	v46 =	vsel vm4, $0xFFFFFFFF, v54  }
0x29: {  	s11 =	ssub.s32 $0x2, s3;
	s29 =	sshll.u32 s5, $0x6;
	s30 =	sshll.u32 s5, $0x7;
	v42 =	vand.u32 $0xF, v42;
	v39 =	vand.u32 $0xF, v39;
	[tilespmem:$0x1FF50] =	vst v46;
	v46 =	vsel vm5, $0xFFFFFFFF, v55  }
0x2a: {  	s31 =	sshll.u32 s5, $0xD;
	s7 =	sshll.u32 s7, $0x4;
	s14 =	simm.s32 $0x4200;
	v40 =	vnsel vm9, $0xF, v40;
	v41 =	vand.u32 $0xF, v41;
	[tilespmem:$0x1FF60] =	vst v46;
	v46 =	vsel vm6, $0xFFFFFFFF, v56  }
0x2b: {  	s15 =	simm.s32 $0x100;
	s16 =	simm.s32 $0x8200;
	s17 =	simm.s32 $0x180;
	v42 =	vnsel vm9, $0xF, v42;
	v39 =	vnsel vm9, $0xF, v39;
	[tilespmem:$0x1FF70] =	vst v46;
	v46 =	vsel vm7, $0xFFFFFFFF, v57  }
0x2c: {  	s18 =	simm.s32 $0xC200;
	s19 =	simm.s32 $0x10600;
	s20 =	simm.s32 $0x10200;
	v41 =	vnsel vm9, $0xF, v41;
	vm9 =	vmmov $0x3f;
	[tilespmem:$0x1FF80] =	vst v46;
	v46 =	vsel vm8, $0xFFFFFFFF, v58  }
0x2d: {  	vm11 =	vmmov $0xf;
	v61 =	vimm.s32 $0x0;
	s21 =	simm.s32 $0x1;
	s22 =	simm.s32 $0x2;
	s3 =	sadd.s32 $0x2400, s26;
	[tilespmem:$0x1FF90] =	vst v46;
	v46 =	vsel vm9, $0xFFFFFFFF, v59  }
0x2e: {  	v62 =	vimm.s32 $0x0;
	v63 =	vimm.s32 $0x0;
	s12 =	sshrl.u32 s11, $0x1;
	s13 =	sadd.s32 $0x6400, s26;
	s4 =	sadd.s32 s28, s29;
	[tilespmem:$0x1FFA0] =	vst v46;
	v46 =	vsel vm10, $0xFFFFFFFF, v60  }
0x2f: {  	vm13 =	vmmov $0x7;
	v32 =	vimm.s32 $0xFFFFFFFF;
	s5 =	sadd.s32 s10, s30;
	s8 =	sshll.u32 s8, $0x4;
	s9 =	sshll.u32 s9, $0x4;
	[tilespmem:$0x1FFB0] =	vst v46;
	v46 =	vsel vm11, $0xFFFFFFFF, v61  }
0x30: {  	s11 =	ssub.s32 s11, s12;
	s6 =	sadd.s32 s13, s31;
	s7 =	sadd.s32 s13, s7;
	v45 =	vnsel vm12, $0xF, v45;
	vm15 =	vmmov $0x1;
	[tilespmem:$0x1FFC0] =	vst v46;
	v46 =	vsel vm13, $0xFFFFFFFF, v62  }
0x31: {  	s8 =	sadd.s32 s13, s8;
	s9 =	sadd.s32 s13, s9;
	s12 =	simm.s32 $0x80;
	v48 =	vsel vm15, $0xFFFFFFFF, v63;
	vm13 =	vcmask $0x300;
	[tilespmem:$0x1FFD0] =	vst v46;
	v46 =	vimm.s32 $0xF  }
0x32: {  	s13 =	simm.s32 $0x200;
	s10 =	smax.u32 s11, $0x1;
	s11 =	simm.s32 $0x3;
	v43 =	vnsel vm12, $0xF, v43;
	[tilespmem:$0x1FFF0] =	vst v48;
	v44 =	vnsel vm12, $0xF, v44;
	v47 =	vsel vm13, $0xE, v46  }
.LBB2_1:
0x33: {  	[tilespmem:s2], [sflag:$0x3] =	stream.linear.gather [hbm4b:s4+s2], $0x200, $0x38;
	[tilespmem:$0x10680] =	vst v63  }
0x34: {  	_ =	swait.ge [sflag:s11], $0x200  }
0x35: {  	[sflag:s11] =	ssyncset.done $0x0  }
0x36: {  	[sflag:s11] =	ssyncadd.s32 $0xFFFFFE00  }
0x37: {  	[tilespmem:s13], [sflag:$0x1] =	stream.indirect.gather [hbm4b:s3+s12], $0x80, s2, s12, $0xb8;
	[tilespmem:$0x10680] =	vst v63  }
0x38: {  	_ = 	snop  }
0x39: {  	[tilespmem:s14], [sflag:$0x1] =	stream.indirect.gather [hbm4b:s3+s12], $0x80, s12, s12, $0xb8;
	[tilespmem:$0x10680] =	vst v63  }
0x3a: {  	_ = 	snop  }
0x3b: {  	[tilespmem:s16], [sflag:$0x1] =	stream.indirect.gather [hbm4b:s3+s12], $0x80, s15, s12, $0xb8;
	[tilespmem:$0x10680] =	vst v63  }
0x3c: {  	_ = 	snop  }
0x3d: {  	[tilespmem:s18], [sflag:$0x1] =	stream.indirect.gather [hbm4b:s3+s12], $0x80, s17, s12, $0xb8;
	[tilespmem:$0x10680] =	vst v63  }
0x3e: {  	[tilespmem:$0x10200] =	vst v32  }
0x3f: {  	[tilespmem:$0x10210] =	vst v32  }
0x40: {  	[tilespmem:$0x10220] =	vst v32  }
0x41: {  	[tilespmem:$0x10230] =	vst v32  }
0x42: {  	[tilespmem:$0x10240] =	vst v32  }
0x43: {  	[tilespmem:$0x10250] =	vst v32  }
0x44: {  	[tilespmem:$0x10260] =	vst v32  }
0x45: {  	[tilespmem:$0x10270] =	vst v32  }
0x46: {  	[tilespmem:$0x10280] =	vst v32  }
0x47: {  	[tilespmem:$0x10290] =	vst v32  }
0x48: {  	[tilespmem:$0x102A0] =	vst v32  }
0x49: {  	[tilespmem:$0x102B0] =	vst v32  }
0x4a: {  	[tilespmem:$0x102C0] =	vst v32  }
0x4b: {  	[tilespmem:$0x102D0] =	vst v32  }
0x4c: {  	[tilespmem:$0x102E0] =	vst v32  }
0x4d: {  	[tilespmem:$0x102F0] =	vst v32  }
0x4e: {  	[tilespmem:$0x10300] =	vst v32  }
0x4f: {  	[tilespmem:$0x10310] =	vst v32  }
0x50: {  	[tilespmem:$0x10320] =	vst v32  }
0x51: {  	[tilespmem:$0x10330] =	vst v32  }
0x52: {  	[tilespmem:$0x10340] =	vst v32  }
0x53: {  	[tilespmem:$0x10350] =	vst v32  }
0x54: {  	[tilespmem:$0x10360] =	vst v32  }
0x55: {  	[tilespmem:$0x10370] =	vst v32  }
0x56: {  	[tilespmem:$0x10380] =	vst v32  }
0x57: {  	[tilespmem:$0x10390] =	vst v32  }
0x58: {  	[tilespmem:$0x103A0] =	vst v32  }
0x59: {  	[tilespmem:$0x103B0] =	vst v32  }
0x5a: {  	[tilespmem:$0x103C0] =	vst v32  }
0x5b: {  	[tilespmem:$0x103D0] =	vst v32  }
0x5c: {  	[tilespmem:$0x103E0] =	vst v32  }
0x5d: {  	[tilespmem:$0x103F0] =	vst v32  }
0x5e: {  	[tilespmem:$0x10400] =	vst v32  }
0x5f: {  	[tilespmem:$0x10410] =	vst v32  }
0x60: {  	[tilespmem:$0x10420] =	vst v32  }
0x61: {  	[tilespmem:$0x10430] =	vst v32  }
0x62: {  	[tilespmem:$0x10440] =	vst v32  }
0x63: {  	[tilespmem:$0x10450] =	vst v32  }
0x64: {  	[tilespmem:$0x10460] =	vst v32  }
0x65: {  	[tilespmem:$0x10470] =	vst v32  }
0x66: {  	[tilespmem:$0x10480] =	vst v32  }
0x67: {  	[tilespmem:$0x10490] =	vst v32  }
0x68: {  	[tilespmem:$0x104A0] =	vst v32  }
0x69: {  	[tilespmem:$0x104B0] =	vst v32  }
0x6a: {  	[tilespmem:$0x104C0] =	vst v32  }
0x6b: {  	[tilespmem:$0x104D0] =	vst v32  }
0x6c: {  	[tilespmem:$0x104E0] =	vst v32  }
0x6d: {  	[tilespmem:$0x104F0] =	vst v32  }
0x6e: {  	[tilespmem:$0x10500] =	vst v32  }
0x6f: {  	[tilespmem:$0x10510] =	vst v32  }
0x70: {  	[tilespmem:$0x10520] =	vst v32  }
0x71: {  	[tilespmem:$0x10530] =	vst v32  }
0x72: {  	[tilespmem:$0x10540] =	vst v32  }
0x73: {  	[tilespmem:$0x10550] =	vst v32  }
0x74: {  	[tilespmem:$0x10560] =	vst v32  }
0x75: {  	[tilespmem:$0x10570] =	vst v32  }
0x76: {  	[tilespmem:$0x10580] =	vst v32  }
0x77: {  	[tilespmem:$0x10590] =	vst v32  }
0x78: {  	[tilespmem:$0x105A0] =	vst v32  }
0x79: {  	[tilespmem:$0x105B0] =	vst v32;
	v48 =	vld [tilespmem:$0x0]  }
0x7a: {  	v57 =	vld [tilespmem:$0x1FF10];
	[tilespmem:$0x105C0] =	vst v32  }
0x7b: {  	v58 =	vld [tilespmem:$0x1FF20];
	[tilespmem:$0x105D0] =	vst v32  }
0x7c: {  	v60 =	vld [tilespmem:$0x1FF30];
	[tilespmem:$0x105E0] =	vst v32  }
0x7d: {  	v62 =	vld [tilespmem:$0x1FF40];
	[tilespmem:$0x105F0] =	vst v32  }
0x7e: {  	v56 =	vld [tilespmem:$0x1FF50];
	[tilespmem:$0x10600] =	vst v48  }
0x7f: {  	v49 =	vld.idx.msk [tilespmem:v33+s19+$0x0], $0xffff  }
0x80: {  	v50 =	vld.idx.msk [tilespmem:v34+s19+$0x0], $0xffff  }
0x81: {  	v51 =	vld.idx.msk [tilespmem:v35+s19+$0x0], $0xffff  }
0x82: {  	v52 =	vld.idx.msk [tilespmem:v36+s19+$0x0], $0xffff  }
0x83: {  	v53 =	vld.idx.msk [tilespmem:v37+s19+$0x0], $0xffff  }
0x84: {  	v54 =	vld.idx.msk [tilespmem:v38+s19+$0x0], $0xffff  }
0x85: {  	vm9 =	vnez.u8 v57;
	vm10 =	vnez.u8 v58;
	vm3 =	vnez.u8 v60;
	v57 =	vld [tilespmem:$0x1FF60]  }
0x86: {  	vm13 =	vnez.u8 v62;
	vm14 =	vnez.u8 v56;
	v58 =	vld [tilespmem:$0x1FF70];
	vm15 =	veq.s32 v48, v49  }
0x87: {  	vm0 =	veq.s32 v48, v50;
	v49 =	vld.idx.msk [tilespmem:v39+s19+$0x0], $0xffff;
	vm1 =	veq.s32 v48, v51;
	vm5 =	veq.s32 v48, v52  }
0x88: {  	v59 =	vld.idx.msk [tilespmem:v40+s19+$0x0], $0xffff;
	vm7 =	veq.s32 v48, v53;
	vm15 =	vmand vm15, vm9;
	vm0 =	vmand vm0, vm10  }
0x89: {  	vm11 =	veq.s32 v48, v54;
	vm1 =	vmand vm1, vm3;
	vm0 =	vmor vm15, vm0  }
0x8a: {  	vm6 =	vmand vm5, vm13;
	vm8 =	vmand vm7, vm14;
	vm0 =	vmor vm0, vm1  }
0x8b: {  	vm7 =	vnez.u8 v58;
	vm0 =	vmor vm0, vm6;
	vm6 =	vnez.u8 v57  }
0x8c: {  	vm0 =	vmor vm0, vm8;
	vm8 =	vmand vm11, vm6;
	vm11 =	veq.s32 v48, v49  }
0x8d: {  	vm0 =	vmor vm0, vm8;
	vm8 =	vmand vm11, vm7;
	vm11 =	veq.s32 v48, v59;
	v59 =	vld [tilespmem:$0x1FF80]  }
0x8e: {  	v61 =	vld.idx.msk [tilespmem:v41+s19+$0x0], $0xffff;
	_ =	sdelay $0x3  }
0x8f: {  	vm5 =	vnez.u8 v59  }
0x90: {  	vm0 =	vmor vm0, vm8;
	vm8 =	vmand vm11, vm5;
	vm11 =	veq.s32 v48, v61;
	v61 =	vld [tilespmem:$0x1FF90]  }
0x91: {  	v63 =	vld.idx.msk [tilespmem:v42+s19+$0x0], $0xffff;
	_ =	sdelay $0x1  }
0x92: {  	v53 =	vld.idx.msk [tilespmem:v43+s19+$0x0], $0xffff  }
0x93: {  	v49 =	vld.idx.msk [tilespmem:v44+s19+$0x0], $0xffff  }
0x94: {  	v59 =	vld [tilespmem:$0x1FFD0];
	vm4 =	vnez.u8 v61  }
0x95: {  	vm0 =	vmor vm0, vm8;
	vm8 =	vmand vm11, vm4;
	vm11 =	veq.s32 v48, v63;
	v63 =	vld [tilespmem:$0x1FFA0]  }
0x96: {  	v57 =	vld [tilespmem:$0x1FFB0]  }
0x97: {  	v58 =	vld [tilespmem:$0x1FFC0]  }
0x98: {  	v50 =	vld.idx.msk [tilespmem:v45+s19+$0x0], $0xffff  }
0x99: {  	v60 =	vld.idx.msk [tilespmem:v47+s19+$0x0], $0xffff;
	vm15 =	veq.s32 v48, v49  }
0x9a: {  	vm12 =	vnez.u8 v59;
	vm0 =	vmor vm0, vm8;
	vm8 =	vnez.u8 v63  }
0x9b: {  	vm1 =	vmand vm11, vm8;
	vm11 =	veq.s32 v48, v53;
	vm8 =	vnez.u8 v57  }
0x9c: {  	vm0 =	vmor vm0, vm1;
	vm1 =	vmand vm11, vm8;
	vm8 =	vnez.u8 v58  }
0x9d: {  	vm11 =	veq.s32 v48, v50;
	vm0 =	vmor vm0, vm1;
	vm1 =	vmand vm15, vm8  }
0x9e: {  	vm0 =	vmor vm0, vm1;
	vm1 =	vmand vm11, vm12;
	vm11 =	veq.s32 v48, v60;
	v60 =	vld [tilespmem:$0x1FFE0]  }
0x9f: {  	v62 =	vld.idx.msk [tilespmem:v46+s19+$0x0], $0xffff  }
0xa0: {  	v61 =	vld [tilespmem:$0x1FFF0];
	_ =	sdelay $0x2  }
0xa1: {  	vm12 =	vnez.u8 v60  }
0xa2: {  	vm0 =	vmor vm0, vm1;
	vm11 =	vmand vm11, vm12  }
0xa3: {  	vm15 =	veq.s32 v48, v62;
	vm2 =	vmor vm0, vm11;
	vm11 =	vnez.u8 v61  }
0xa4: {  	vm15 =	vmand vm15, vm11  }
0xa5: {  	vm0 =	vmor vm2, vm15  }
0xa6: {  	vm0 =	vmneg vm0;
	_ =	sdelay $0x5  }
0xa7: {  	[tilespmem:v48+s20+$0x0] =	vst.idx.msk vm0, v0  }
0xa8: {  	v48 =	vld [tilespmem:$0x10];
	_ =	sdelay $0x4  }
0xa9: {  	[tilespmem:$0x10600] =	vst v48  }
0xaa: {  	v62 =	vld.idx.msk [tilespmem:v33+s19+$0x0], $0xffff  }
0xab: {  	v63 =	vld.idx.msk [tilespmem:v34+s19+$0x0], $0xffff  }
0xac: {  	v57 =	vld.idx.msk [tilespmem:v35+s19+$0x0], $0xffff  }
0xad: {  	v58 =	vld.idx.msk [tilespmem:v36+s19+$0x0], $0xffff  }
0xae: {  	v59 =	vld.idx.msk [tilespmem:v37+s19+$0x0], $0xffff  }
0xaf: {  	v60 =	vld.idx.msk [tilespmem:v38+s19+$0x0], $0xffff  }
0xb0: {  	v61 =	vld.idx.msk [tilespmem:v39+s19+$0x0], $0xffff;
	vm11 =	veq.s32 v48, v62;
	vm15 =	veq.s32 v48, v63  }
0xb1: {  	v62 =	vld.idx.msk [tilespmem:v40+s19+$0x0], $0xffff;
	vm0 =	vmand vm11, vm9;
	vm1 =	vmand vm15, vm10;
	vm11 =	veq.s32 v48, v57  }
0xb2: {  	vm0 =	vmor vm0, vm1;
	vm1 =	vmand vm11, vm3;
	vm11 =	veq.s32 v48, v58  }
0xb3: {  	v63 =	vld.idx.msk [tilespmem:v41+s19+$0x0], $0xffff;
	vm0 =	vmor vm0, vm1;
	vm1 =	vmand vm11, vm13;
	vm11 =	veq.s32 v48, v59  }
0xb4: {  	vm0 =	vmor vm0, vm1;
	vm1 =	vmand vm11, vm14;
	vm11 =	veq.s32 v48, v60  }
0xb5: {  	v56 =	vld.idx.msk [tilespmem:v42+s19+$0x0], $0xffff;
	vm0 =	vmor vm0, vm1;
	vm1 =	vmand vm11, vm6;
	vm11 =	veq.s32 v48, v61  }
0xb6: {  	vm0 =	vmor vm0, vm1;
	vm1 =	vmand vm11, vm7;
	vm11 =	veq.s32 v48, v62;
	v62 =	vld [tilespmem:$0x1FFA0]  }
0xb7: {  	v57 =	vld.idx.msk [tilespmem:v43+s19+$0x0], $0xffff  }
0xb8: {  	vm0 =	vmor vm0, vm1;
	vm1 =	vmand vm11, vm5;
	vm11 =	veq.s32 v48, v63;
	v63 =	vld [tilespmem:$0x1FFB0]  }
0xb9: {  	v58 =	vld.idx.msk [tilespmem:v44+s19+$0x0], $0xffff  }
0xba: {  	v55 =	vld [tilespmem:$0x1FFD0];
	vm0 =	vmor vm0, vm1  }
0xbb: {  	v59 =	vld.idx.msk [tilespmem:v45+s19+$0x0], $0xffff;
	vm11 =	vmand vm11, vm4;
	vm4 =	veq.s32 v48, v56;
	vm2 =	vnez.u8 v62  }
0xbc: {  	v60 =	vld.idx.msk [tilespmem:v47+s19+$0x0], $0xffff;
	vm0 =	vmor vm0, vm11;
	vm11 =	vmand vm4, vm2  }
0xbd: {  	v61 =	vld.idx.msk [tilespmem:v46+s19+$0x0], $0xffff;
	vm4 =	veq.s32 v48, v57;
	vm0 =	vmor vm0, vm11;
	vm11 =	vnez.u8 v63  }
0xbe: {  	v56 =	vld [tilespmem:$0x1FFF0];
	vm1 =	vmand vm4, vm11;
	vm4 =	veq.s32 v48, v58  }
0xbf: {  	vm0 =	vmor vm0, vm1;
	vm4 =	vmand vm4, vm8  }
0xc0: {  	vm15 =	veq.s32 v48, v59;
	vm0 =	vmor vm0, vm4;
	vm4 =	vnez.u8 v55  }
0xc1: {  	vm1 =	vmand vm15, vm4  }
0xc2: {  	vm4 =	veq.s32 v48, v60;
	vm0 =	vmor vm0, vm1  }
0xc3: {  	vm1 =	vmand vm4, vm12;
	vm4 =	veq.s32 v48, v61;
	vm12 =	vnez.u8 v56  }
0xc4: {  	vm0 =	vmor vm0, vm1;
	vm15 =	vmand vm4, vm12  }
0xc5: {  	vm0 =	vmor vm0, vm15  }
0xc6: {  	vm0 =	vmneg vm0;
	_ =	sdelay $0x5  }
0xc7: {  	[tilespmem:v48+s20+$0x0] =	vst.idx.msk vm0, v1  }
0xc8: {  	v48 =	vld [tilespmem:$0x20];
	_ =	sdelay $0x4  }
0xc9: {  	[tilespmem:$0x10600] =	vst v48  }
0xca: {  	v57 =	vld.idx.msk [tilespmem:v33+s19+$0x0], $0xffff  }
0xcb: {  	v58 =	vld.idx.msk [tilespmem:v34+s19+$0x0], $0xffff  }
0xcc: {  	v59 =	vld.idx.msk [tilespmem:v35+s19+$0x0], $0xffff  }
0xcd: {  	v60 =	vld.idx.msk [tilespmem:v36+s19+$0x0], $0xffff  }
0xce: {  	v61 =	vld.idx.msk [tilespmem:v37+s19+$0x0], $0xffff;
	_ =	sdelay $0x1  }
0xcf: {  	v62 =	vld.idx.msk [tilespmem:v38+s19+$0x0], $0xffff;
	vm4 =	veq.s32 v48, v57;
	vm15 =	veq.s32 v48, v58  }
0xd0: {  	v63 =	vld.idx.msk [tilespmem:v39+s19+$0x0], $0xffff;
	vm0 =	vmand vm4, vm9;
	vm1 =	vmand vm15, vm10;
	vm4 =	veq.s32 v48, v59  }
0xd1: {  	vm9 =	veq.s32 v48, v60;
	vm0 =	vmor vm0, vm1;
	vm1 =	vmand vm4, vm3  }
0xd2: {  	vm0 =	vmor vm0, vm1;
	vm1 =	vmand vm9, vm13;
	vm9 =	veq.s32 v48, v61  }
0xd3: {  	v56 =	vld.idx.msk [tilespmem:v40+s19+$0x0], $0xffff;
	vm0 =	vmor vm0, vm1;
	vm1 =	vmand vm9, vm14  }
0xd4: {  	v57 =	vld.idx.msk [tilespmem:v41+s19+$0x0], $0xffff;
	vm9 =	veq.s32 v48, v62;
	vm0 =	vmor vm0, vm1  }
0xd5: {  	vm1 =	vmand vm9, vm6;
	vm9 =	vmmov vm6;
	vm6 =	veq.s32 v48, v63;
	v63 =	vld [tilespmem:$0x1FF90]  }
0xd6: {  	v58 =	vld.idx.msk [tilespmem:v42+s19+$0x0], $0xffff  }
0xd7: {  	v59 =	vld.idx.msk [tilespmem:v43+s19+$0x0], $0xffff  }
0xd8: {  	v60 =	vld.idx.msk [tilespmem:v44+s19+$0x0], $0xffff;
	vm0 =	vmor vm0, vm1;
	vm7 =	vmand vm6, vm7;
	vm6 =	veq.s32 v48, v56  }
0xd9: {  	v61 =	vld.idx.msk [tilespmem:v45+s19+$0x0], $0xffff;
	vm0 =	vmor vm0, vm7;
	vm7 =	vmand vm6, vm5  }
0xda: {  	v62 =	vld.idx.msk [tilespmem:v47+s19+$0x0], $0xffff;
	vm15 =	veq.s32 v48, v57;
	vm0 =	vmor vm0, vm7;
	vm7 =	vnez.u8 v63  }
0xdb: {  	vm6 =	veq.s32 v48, v58;
	v58 =	vld [tilespmem:$0x1FFD0];
	vm1 =	vmand vm15, vm7  }
0xdc: {  	vm0 =	vmor vm0, vm1;
	vm1 =	vmand vm6, vm2;
	vm6 =	veq.s32 v48, v59;
	v59 =	vld [tilespmem:$0x1FFE0]  }
0xdd: {  	vm4 =	vmmov vm3;
	vm3 =	vmmov vm11;
	v57 =	vld.idx.msk [tilespmem:v46+s19+$0x0], $0xffff  }
0xde: {  	vm0 =	vmor vm0, vm1;
	vm11 =	vmand vm6, vm11;
	vm6 =	veq.s32 v48, v60  }
0xdf: {  	vm0 =	vmor vm0, vm11;
	vm11 =	vmand vm6, vm8  }
0xe0: {  	vm6 =	veq.s32 v48, v61;
	vm0 =	vmor vm0, vm11;
	vm11 =	vnez.u8 v58  }
0xe1: {  	vm8 =	veq.s32 v48, v62;
	vm6 =	vmand vm6, vm11;
	vm14 =	vnez.u8 v59  }
0xe2: {  	vm15 =	veq.s32 v48, v57;
	vm0 =	vmor vm0, vm6;
	vm1 =	vmand vm8, vm14  }
0xe3: {  	vm15 =	vmand vm15, vm12;
	vm0 =	vmor vm0, vm1  }
0xe4: {  	vm0 =	vmor vm0, vm15  }
0xe5: {  	vm0 =	vmneg vm0;
	_ =	sdelay $0x5  }
0xe6: {  	[tilespmem:v48+s20+$0x0] =	vst.idx.msk vm0, v2  }
0xe7: {  	v48 =	vld [tilespmem:$0x30];
	_ =	sdelay $0x4  }
0xe8: {  	[tilespmem:$0x10600] =	vst v48  }
0xe9: {  	v60 =	vld.idx.msk [tilespmem:v33+s19+$0x0], $0xffff;
	_ =	sdelay $0x3  }
0xea: {  	v61 =	vld.idx.msk [tilespmem:v34+s19+$0x0], $0xffff  }
0xeb: {  	vm0 =	veq.s32 v48, v60;
	v60 =	vld [tilespmem:$0x1FF10]  }
0xec: {  	v56 =	vld [tilespmem:$0x1FF50]  }
0xed: {  	v62 =	vld.idx.msk [tilespmem:v35+s19+$0x0], $0xffff  }
0xee: {  	v63 =	vld.idx.msk [tilespmem:v36+s19+$0x0], $0xffff  }
0xef: {  	v57 =	vld.idx.msk [tilespmem:v37+s19+$0x0], $0xffff  }
0xf0: {  	v58 =	vld.idx.msk [tilespmem:v38+s19+$0x0], $0xffff;
	vm6 =	veq.s32 v48, v61;
	vm14 =	vnez.u8 v60  }
0xf1: {  	v59 =	vld.idx.msk [tilespmem:v39+s19+$0x0], $0xffff;
	vm1 =	vmand vm6, vm10;
	vm0 =	vmand vm0, vm14  }
0xf2: {  	vm2 =	vnez.u8 v56;
	vm6 =	veq.s32 v48, v62;
	vm0 =	vmor vm0, vm1  }
0xf3: {  	vm1 =	vmand vm6, vm4;
	vm6 =	vmmov vm4;
	vm4 =	veq.s32 v48, v63  }
0xf4: {  	vm0 =	vmor vm0, vm1;
	vm1 =	vmand vm4, vm13;
	vm4 =	veq.s32 v48, v57  }
0xf5: {  	vm0 =	vmor vm0, vm1;
	vm1 =	vmand vm4, vm2;
	vm4 =	veq.s32 v48, v58  }
0xf6: {  	vm4 =	vmand vm4, vm9;
	vm9 =	veq.s32 v48, v59;
	v59 =	vld [tilespmem:$0x1FF70]  }
0xf7: {  	v61 =	vld.idx.msk [tilespmem:v40+s19+$0x0], $0xffff  }
0xf8: {  	v63 =	vld.idx.msk [tilespmem:v42+s19+$0x0], $0xffff;
	_ =	sdelay $0x1  }
0xf9: {  	vm0 =	vmor vm0, vm1  }
0xfa: {  	v62 =	vld.idx.msk [tilespmem:v41+s19+$0x0], $0xffff;
	vm0 =	vmor vm0, vm4;
	vm4 =	vnez.u8 v59  }
0xfb: {  	v57 =	vld.idx.msk [tilespmem:v43+s19+$0x0], $0xffff;
	vm1 =	vmand vm9, vm4;
	vm9 =	veq.s32 v48, v61  }
0xfc: {  	vm4 =	vmand vm9, vm5;
	vm9 =	veq.s32 v48, v63;
	v63 =	vld [tilespmem:$0x1FFA0];
	_ =	sdelay $0x1  }
0xfd: {  	v58 =	vld.idx.msk [tilespmem:v44+s19+$0x0], $0xffff  }
0xfe: {  	vm0 =	vmor vm0, vm1  }
0xff: {  	vm5 =	veq.s32 v48, v62;
	vm0 =	vmor vm0, vm4;
	vm4 =	veq.s32 v48, v57;
	v57 =	vld [tilespmem:$0x1FFC0]  }
0x100: {  	v60 =	vld.idx.msk [tilespmem:v45+s19+$0x0], $0xffff;
	vm7 =	vmand vm5, vm7;
	vm5 =	vnez.u8 v63  }
0x101: {  	v61 =	vld.idx.msk [tilespmem:v47+s19+$0x0], $0xffff;
	vm0 =	vmor vm0, vm7;
	vm9 =	vmand vm9, vm5  }
0x102: {  	vm0 =	vmor vm0, vm9;
	vm9 =	veq.s32 v48, v58;
	v58 =	vld [tilespmem:$0x1FFE0]  }
0x103: {  	v62 =	vld.idx.msk [tilespmem:v46+s19+$0x0], $0xffff  }
0x104: {  	vm7 =	vmand vm4, vm3;
	vm4 =	vnez.u8 v57  }
0x105: {  	vm0 =	vmor vm0, vm7;
	vm9 =	vmand vm9, vm4  }
0x106: {  	vm8 =	vmmov vm12;
	vm7 =	veq.s32 v48, v60;
	vm0 =	vmor vm0, vm9  }
0x107: {  	vm9 =	vmand vm7, vm11;
	vm7 =	veq.s32 v48, v61;
	vm12 =	vnez.u8 v58  }
0x108: {  	vm0 =	vmor vm0, vm9;
	vm9 =	vmand vm7, vm12;
	vm7 =	veq.s32 v48, v62  }
0x109: {  	vm0 =	vmor vm0, vm9;
	vm9 =	vmand vm7, vm8  }
0x10a: {  	vm0 =	vmor vm0, vm9  }
0x10b: {  	vm0 =	vmneg vm0;
	_ =	sdelay $0x5  }
0x10c: {  	[tilespmem:v48+s20+$0x0] =	vst.idx.msk vm0, v3  }
0x10d: {  	v48 =	vld [tilespmem:$0x40];
	_ =	sdelay $0x4  }
0x10e: {  	[tilespmem:$0x10600] =	vst v48  }
0x10f: {  	v59 =	vld.idx.msk [tilespmem:v33+s19+$0x0], $0xffff  }
0x110: {  	v60 =	vld.idx.msk [tilespmem:v34+s19+$0x0], $0xffff  }
0x111: {  	v61 =	vld.idx.msk [tilespmem:v35+s19+$0x0], $0xffff;
	_ =	sdelay $0x1  }
0x112: {  	v62 =	vld.idx.msk [tilespmem:v36+s19+$0x0], $0xffff  }
0x113: {  	v63 =	vld.idx.msk [tilespmem:v37+s19+$0x0], $0xffff  }
0x114: {  	v57 =	vld.idx.msk [tilespmem:v38+s19+$0x0], $0xffff  }
0x115: {  	vm15 =	veq.s32 v48, v59;
	vm7 =	veq.s32 v48, v60;
	vm8 =	veq.s32 v48, v61;
	v61 =	vld [tilespmem:$0x1FF60]  }
0x116: {  	v58 =	vld.idx.msk [tilespmem:v39+s19+$0x0], $0xffff;
	vm0 =	vmand vm15, vm14;
	vm1 =	vmand vm7, vm10  }
0x117: {  	vm7 =	vmand vm8, vm6;
	vm8 =	veq.s32 v48, v62;
	vm0 =	vmor vm0, vm1  }
0x118: {  	vm6 =	vmand vm8, vm13;
	vm0 =	vmor vm0, vm7;
	vm7 =	veq.s32 v48, v63  }
0x119: {  	v63 =	vld [tilespmem:$0x1FF70];
	vm0 =	vmor vm0, vm6;
	vm8 =	vmand vm7, vm2  }
0x11a: {  	v59 =	vld.idx.msk [tilespmem:v40+s19+$0x0], $0xffff;
	vm15 =	veq.s32 v48, v57;
	vm0 =	vmor vm0, vm8;
	vm8 =	vnez.u8 v61  }
0x11b: {  	vm6 =	vmand vm15, vm8;
	vm15 =	veq.s32 v48, v58;
	v58 =	vld [tilespmem:$0x1FF80]  }
0x11c: {  	v60 =	vld.idx.msk [tilespmem:v41+s19+$0x0], $0xffff;
	_ =	sdelay $0x1  }
0x11d: {  	vm0 =	vmor vm0, vm6;
	vm6 =	vnez.u8 v63  }
0x11e: {  	vm7 =	vmand vm15, vm6  }
0x11f: {  	vm15 =	veq.s32 v48, v59;
	vm0 =	vmor vm0, vm7;
	vm7 =	vnez.u8 v58  }
0x120: {  	vm1 =	vmand vm15, vm7;
	vm15 =	veq.s32 v48, v60;
	v60 =	vld [tilespmem:$0x1FF90]  }
0x121: {  	v52 =	vld.idx.msk [tilespmem:v42+s19+$0x0], $0xffff  }
0x122: {  	v53 =	vld.idx.msk [tilespmem:v43+s19+$0x0], $0xffff  }
0x123: {  	v62 =	vld.idx.msk [tilespmem:v44+s19+$0x0], $0xffff;
	_ =	sdelay $0x1  }
0x124: {  	vm9 =	vmmov vm14;
	v57 =	vld.idx.msk [tilespmem:v45+s19+$0x0], $0xffff;
	vm14 =	vnez.u8 v60  }
0x125: {  	v61 =	vld.idx.msk [tilespmem:v46+s19+$0x0], $0xffff;
	vm0 =	vmor vm0, vm1;
	vm1 =	vmand vm15, vm14;
	vm15 =	veq.s32 v48, v52  }
0x126: {  	v59 =	vld.idx.msk [tilespmem:v47+s19+$0x0], $0xffff;
	vm0 =	vmor vm0, vm1;
	vm1 =	vmand vm15, vm5;
	vm5 =	veq.s32 v48, v53  }
0x127: {  	vm0 =	vmor vm0, vm1;
	vm1 =	vmand vm5, vm3;
	vm5 =	veq.s32 v48, v62;
	v62 =	vld [tilespmem:$0x1FFF0];
	_ =	sdelay $0x1  }
0x128: {  	vm0 =	vmor vm0, vm1;
	vm1 =	vmand vm5, vm4;
	vm5 =	veq.s32 v48, v57  }
0x129: {  	vm0 =	vmor vm0, vm1;
	vm1 =	vmand vm5, vm11  }
0x12a: {  	vm5 =	veq.s32 v48, v59;
	vm0 =	vmor vm0, vm1  }
0x12b: {  	vm1 =	vmand vm5, vm12;
	vm5 =	veq.s32 v48, v61;
	vm14 =	vnez.u8 v62  }
0x12c: {  	vm0 =	vmor vm0, vm1;
	vm15 =	vmand vm5, vm14  }
0x12d: {  	vm0 =	vmor vm0, vm15  }
0x12e: {  	vm0 =	vmneg vm0;
	_ =	sdelay $0x5  }
0x12f: {  	[tilespmem:v48+s20+$0x0] =	vst.idx.msk vm0, v4  }
0x130: {  	v48 =	vld [tilespmem:$0x50];
	_ =	sdelay $0x4  }
0x131: {  	v55 =	vld [tilespmem:$0x1FF30];
	[tilespmem:$0x10600] =	vst v48  }
0x132: {  	v63 =	vld.idx.msk [tilespmem:v33+s19+$0x0], $0xffff  }
0x133: {  	v57 =	vld.idx.msk [tilespmem:v34+s19+$0x0], $0xffff  }
0x134: {  	v58 =	vld.idx.msk [tilespmem:v35+s19+$0x0], $0xffff  }
0x135: {  	v59 =	vld.idx.msk [tilespmem:v36+s19+$0x0], $0xffff  }
0x136: {  	v60 =	vld.idx.msk [tilespmem:v37+s19+$0x0], $0xffff  }
0x137: {  	v61 =	vld.idx.msk [tilespmem:v38+s19+$0x0], $0xffff;
	vm5 =	veq.s32 v48, v63  }
0x138: {  	v62 =	vld.idx.msk [tilespmem:v39+s19+$0x0], $0xffff;
	vm15 =	veq.s32 v48, v57;
	vm0 =	vmand vm5, vm9  }
0x139: {  	v63 =	vld.idx.msk [tilespmem:v40+s19+$0x0], $0xffff;
	vm1 =	vmand vm15, vm10;
	vm5 =	veq.s32 v48, v58;
	vm9 =	vnez.u8 v55  }
0x13a: {  	vm0 =	vmor vm0, vm1;
	vm1 =	vmand vm5, vm9;
	vm5 =	veq.s32 v48, v59  }
0x13b: {  	v57 =	vld.idx.msk [tilespmem:v42+s19+$0x0], $0xffff;
	vm0 =	vmor vm0, vm1;
	vm9 =	vmand vm5, vm13;
	vm5 =	veq.s32 v48, v60  }
0x13c: {  	vm0 =	vmor vm0, vm9;
	vm9 =	vmand vm5, vm2;
	vm5 =	veq.s32 v48, v61  }
0x13d: {  	v56 =	vld.idx.msk [tilespmem:v41+s19+$0x0], $0xffff;
	vm0 =	vmor vm0, vm9;
	vm8 =	vmand vm5, vm8;
	vm9 =	veq.s32 v48, v62  }
0x13e: {  	v62 =	vld [tilespmem:$0x1FF90];
	vm0 =	vmor vm0, vm8;
	vm5 =	vmand vm9, vm6;
	vm9 =	veq.s32 v48, v63  }
0x13f: {  	vm0 =	vmor vm0, vm5;
	vm5 =	vmmov vm7;
	vm7 =	vmand vm9, vm7  }
0x140: {  	vm0 =	vmor vm0, vm7;
	vm7 =	veq.s32 v48, v57;
	v57 =	vld [tilespmem:$0x1FFA0]  }
0x141: {  	v58 =	vld.idx.msk [tilespmem:v43+s19+$0x0], $0xffff  }
0x142: {  	v59 =	vld.idx.msk [tilespmem:v44+s19+$0x0], $0xffff  }
0x143: {  	v60 =	vld.idx.msk [tilespmem:v45+s19+$0x0], $0xffff;
	vm8 =	vmmov vm6;
	vm9 =	veq.s32 v48, v56;
	vm6 =	vnez.u8 v62  }
0x144: {  	v61 =	vld.idx.msk [tilespmem:v47+s19+$0x0], $0xffff;
	vm9 =	vmand vm9, vm6  }
0x145: {  	v63 =	vld.idx.msk [tilespmem:v46+s19+$0x0], $0xffff;
	vm0 =	vmor vm0, vm9;
	vm9 =	vnez.u8 v57  }
0x146: {  	vm1 =	vmand vm7, vm9;
	vm7 =	veq.s32 v48, v58  }
0x147: {  	vm15 =	veq.s32 v48, v59;
	vm0 =	vmor vm0, vm1;
	vm1 =	vmand vm7, vm3  }
0x148: {  	vm0 =	vmor vm0, vm1;
	vm1 =	vmand vm15, vm4;
	vm15 =	veq.s32 v48, v60  }
0x149: {  	vm0 =	vmor vm0, vm1;
	vm1 =	vmand vm15, vm11;
	vm15 =	veq.s32 v48, v61  }
0x14a: {  	vm0 =	vmor vm0, vm1;
	vm1 =	vmand vm15, vm12;
	vm15 =	veq.s32 v48, v63  }
0x14b: {  	vm0 =	vmor vm0, vm1;
	vm15 =	vmand vm15, vm14  }
0x14c: {  	vm0 =	vmor vm0, vm15  }
0x14d: {  	vm0 =	vmneg vm0;
	_ =	sdelay $0x5  }
0x14e: {  	[tilespmem:v48+s20+$0x0] =	vst.idx.msk vm0, v5  }
0x14f: {  	v48 =	vld [tilespmem:$0x60];
	_ =	sdelay $0x4  }
0x150: {  	[tilespmem:$0x10600] =	vst v48  }
0x151: {  	v59 =	vld.idx.msk [tilespmem:v34+s19+$0x0], $0xffff;
	_ =	sdelay $0x1  }
0x152: {  	v57 =	vld [tilespmem:$0x1FF10]  }
0x153: {  	v58 =	vld.idx.msk [tilespmem:v33+s19+$0x0], $0xffff  }
0x154: {  	v60 =	vld.idx.msk [tilespmem:v35+s19+$0x0], $0xffff  }
0x155: {  	vm1 =	veq.s32 v48, v59;
	v59 =	vld [tilespmem:$0x1FF30]  }
0x156: {  	v61 =	vld.idx.msk [tilespmem:v36+s19+$0x0], $0xffff  }
0x157: {  	v62 =	vld.idx.msk [tilespmem:v37+s19+$0x0], $0xffff  }
0x158: {  	v63 =	vld.idx.msk [tilespmem:v38+s19+$0x0], $0xffff  }
0x159: {  	vm14 =	vnez.u8 v57;
	vm0 =	veq.s32 v48, v58;
	vm15 =	veq.s32 v48, v60  }
0x15a: {  	vm0 =	vmand vm0, vm14;
	vm1 =	vmand vm1, vm10;
	vm10 =	vnez.u8 v59  }
0x15b: {  	vm0 =	vmor vm0, vm1;
	vm1 =	vmand vm15, vm10;
	vm15 =	veq.s32 v48, v61  }
0x15c: {  	vm0 =	vmor vm0, vm1;
	vm1 =	vmand vm15, vm13;
	vm15 =	veq.s32 v48, v62  }
0x15d: {  	vm0 =	vmor vm0, vm1;
	vm1 =	vmand vm15, vm2;
	vm15 =	veq.s32 v48, v63;
	v63 =	vld [tilespmem:$0x1FF60]  }
0x15e: {  	v49 =	vld.idx.msk [tilespmem:v39+s19+$0x0], $0xffff  }
0x15f: {  	v58 =	vld.idx.msk [tilespmem:v40+s19+$0x0], $0xffff  }
0x160: {  	v60 =	vld.idx.msk [tilespmem:v41+s19+$0x0], $0xffff  }
0x161: {  	vm7 =	vmmov vm3;
	v61 =	vld.idx.msk [tilespmem:v42+s19+$0x0], $0xffff  }
0x162: {  	vm3 =	vmmov vm5;
	v56 =	vld.idx.msk [tilespmem:v44+s19+$0x0], $0xffff;
	vm13 =	vmmov vm2;
	vm2 =	vnez.u8 v63  }
0x163: {  	v62 =	vld.idx.msk [tilespmem:v43+s19+$0x0], $0xffff;
	vm0 =	vmor vm0, vm1;
	vm1 =	vmand vm15, vm2;
	vm15 =	veq.s32 v48, v49  }
0x164: {  	v57 =	vld.idx.msk [tilespmem:v45+s19+$0x0], $0xffff;
	vm0 =	vmor vm0, vm1;
	vm1 =	vmand vm15, vm8;
	vm8 =	veq.s32 v48, v58  }
0x165: {  	v59 =	vld.idx.msk [tilespmem:v46+s19+$0x0], $0xffff;
	vm0 =	vmor vm0, vm1;
	vm8 =	vmand vm8, vm5;
	vm5 =	veq.s32 v48, v60  }
0x166: {  	v58 =	vld.idx.msk [tilespmem:v47+s19+$0x0], $0xffff;
	vm0 =	vmor vm0, vm8;
	vm6 =	vmand vm5, vm6;
	vm8 =	veq.s32 v48, v61  }
0x167: {  	v60 =	vld [tilespmem:$0x1FFF0];
	vm0 =	vmor vm0, vm6;
	vm8 =	vmand vm8, vm9  }
0x168: {  	vm5 =	vmmov vm9;
	vm9 =	veq.s32 v48, v62;
	vm0 =	vmor vm0, vm8  }
0x169: {  	vm6 =	vmand vm9, vm7;
	vm7 =	veq.s32 v48, v56;
	vm9 =	veq.s32 v48, v57  }
0x16a: {  	vm0 =	vmor vm0, vm6;
	vm8 =	vmand vm7, vm4;
	vm6 =	vmand vm9, vm11  }
0x16b: {  	vm7 =	veq.s32 v48, v58;
	vm9 =	veq.s32 v48, v59;
	vm0 =	vmor vm0, vm8  }
0x16c: {  	vm8 =	vmand vm7, vm12;
	vm0 =	vmor vm0, vm6;
	vm6 =	vnez.u8 v60  }
0x16d: {  	vm0 =	vmor vm0, vm8;
	vm8 =	vmand vm9, vm6  }
0x16e: {  	vm0 =	vmor vm0, vm8  }
0x16f: {  	vm0 =	vmneg vm0;
	_ =	sdelay $0x5  }
0x170: {  	[tilespmem:v48+s20+$0x0] =	vst.idx.msk vm0, v6  }
0x171: {  	v48 =	vld [tilespmem:$0x70];
	_ =	sdelay $0x4  }
0x172: {  	[tilespmem:$0x10600] =	vst v48  }
0x173: {  	v61 =	vld.idx.msk [tilespmem:v33+s19+$0x0], $0xffff;
	_ =	sdelay $0x2  }
0x174: {  	v56 =	vld [tilespmem:$0x1FF40]  }
0x175: {  	v62 =	vld.idx.msk [tilespmem:v34+s19+$0x0], $0xffff  }
0x176: {  	vm9 =	veq.s32 v48, v61;
	v61 =	vld [tilespmem:$0x1FF20]  }
0x177: {  	v63 =	vld.idx.msk [tilespmem:v35+s19+$0x0], $0xffff  }
0x178: {  	v57 =	vld.idx.msk [tilespmem:v36+s19+$0x0], $0xffff  }
0x179: {  	v58 =	vld.idx.msk [tilespmem:v37+s19+$0x0], $0xffff  }
0x17a: {  	v59 =	vld.idx.msk [tilespmem:v38+s19+$0x0], $0xffff  }
0x17b: {  	v60 =	vld.idx.msk [tilespmem:v39+s19+$0x0], $0xffff;
	vm15 =	veq.s32 v48, v62;
	vm8 =	vnez.u8 v61  }
0x17c: {  	vm7 =	veq.s32 v48, v63;
	vm0 =	vmand vm9, vm14;
	vm1 =	vmand vm15, vm8  }
0x17d: {  	vm9 =	vmand vm7, vm10;
	vm10 =	veq.s32 v48, v57;
	vm0 =	vmor vm0, vm1  }
0x17e: {  	vm7 =	vnez.u8 v56;
	vm15 =	veq.s32 v48, v58;
	vm0 =	vmor vm0, vm9  }
0x17f: {  	vm9 =	vmand vm10, vm7;
	vm10 =	vmand vm15, vm13;
	vm15 =	veq.s32 v48, v59  }
0x180: {  	vm1 =	vmand vm15, vm2;
	vm15 =	veq.s32 v48, v60;
	v60 =	vld [tilespmem:$0x1FF70]  }
0x181: {  	v62 =	vld.idx.msk [tilespmem:v40+s19+$0x0], $0xffff  }
0x182: {  	v63 =	vld.idx.msk [tilespmem:v41+s19+$0x0], $0xffff;
	_ =	sdelay $0x1  }
0x183: {  	vm0 =	vmor vm0, vm9  }
0x184: {  	vm9 =	vmmov vm13;
	vm0 =	vmor vm0, vm10;
	vm13 =	vnez.u8 v60  }
0x185: {  	vm0 =	vmor vm0, vm1;
	vm1 =	vmand vm15, vm13;
	vm15 =	veq.s32 v48, v62  }
0x186: {  	vm0 =	vmor vm0, vm1;
	vm1 =	vmand vm15, vm3;
	vm15 =	veq.s32 v48, v63;
	v63 =	vld [tilespmem:$0x1FF90]  }
0x187: {  	v57 =	vld.idx.msk [tilespmem:v42+s19+$0x0], $0xffff;
	_ =	sdelay $0x3  }
0x188: {  	v58 =	vld.idx.msk [tilespmem:v43+s19+$0x0], $0xffff;
	vm10 =	vmmov vm2;
	vm2 =	vnez.u8 v63  }
0x189: {  	vm0 =	vmor vm0, vm1;
	vm1 =	vmand vm15, vm2;
	vm15 =	veq.s32 v48, v57;
	v57 =	vld [tilespmem:$0x1FFB0]  }
0x18a: {  	v59 =	vld.idx.msk [tilespmem:v44+s19+$0x0], $0xffff  }
0x18b: {  	v61 =	vld.idx.msk [tilespmem:v45+s19+$0x0], $0xffff  }
0x18c: {  	v62 =	vld.idx.msk [tilespmem:v47+s19+$0x0], $0xffff  }
0x18d: {  	v56 =	vld.idx.msk [tilespmem:v46+s19+$0x0], $0xffff;
	vm3 =	vmmov vm5;
	vm0 =	vmor vm0, vm1  }
0x18e: {  	vm1 =	vmand vm15, vm5;
	vm15 =	veq.s32 v48, v58;
	vm5 =	vnez.u8 v57  }
0x18f: {  	vm0 =	vmor vm0, vm1;
	vm1 =	vmand vm15, vm5;
	vm15 =	veq.s32 v48, v59  }
0x190: {  	vm0 =	vmor vm0, vm1;
	vm1 =	vmand vm15, vm4;
	vm15 =	veq.s32 v48, v61  }
0x191: {  	vm0 =	vmor vm0, vm1;
	vm1 =	vmand vm15, vm11;
	vm15 =	veq.s32 v48, v62  }
0x192: {  	vm0 =	vmor vm0, vm1;
	vm1 =	vmand vm15, vm12;
	vm15 =	veq.s32 v48, v56  }
0x193: {  	vm0 =	vmor vm0, vm1;
	vm1 =	vmand vm15, vm6  }
0x194: {  	vm0 =	vmor vm0, vm1  }
0x195: {  	vm0 =	vmneg vm0;
	_ =	sdelay $0x5  }
0x196: {  	[tilespmem:v48+s20+$0x0] =	vst.idx.msk vm0, v7  }
0x197: {  	v48 =	vld [tilespmem:$0x80];
	_ =	sdelay $0x4  }
0x198: {  	[tilespmem:$0x10600] =	vst v48  }
0x199: {  	v58 =	vld.idx.msk [tilespmem:v33+s19+$0x0], $0xffff  }
0x19a: {  	v59 =	vld.idx.msk [tilespmem:v34+s19+$0x0], $0xffff;
	_ =	sdelay $0x1  }
0x19b: {  	v57 =	vld [tilespmem:$0x1FF10]  }
0x19c: {  	v60 =	vld.idx.msk [tilespmem:v35+s19+$0x0], $0xffff  }
0x19d: {  	vm0 =	veq.s32 v48, v58;
	v58 =	vld.idx.msk [tilespmem:v40+s19+$0x0], $0xffff  }
0x19e: {  	vm1 =	veq.s32 v48, v59;
	v59 =	vld [tilespmem:$0x1FF30]  }
0x19f: {  	v61 =	vld.idx.msk [tilespmem:v36+s19+$0x0], $0xffff  }
0x1a0: {  	v62 =	vld.idx.msk [tilespmem:v37+s19+$0x0], $0xffff  }
0x1a1: {  	vm14 =	vmmov vm12;
	vm12 =	vmmov vm6;
	vm15 =	vnez.u8 v57  }
0x1a2: {  	v63 =	vld.idx.msk [tilespmem:v38+s19+$0x0], $0xffff;
	vm6 =	veq.s32 v48, v60;
	vm0 =	vmand vm0, vm15;
	vm1 =	vmand vm1, vm8  }
0x1a3: {  	v56 =	vld.idx.msk [tilespmem:v39+s19+$0x0], $0xffff;
	vm0 =	vmor vm0, vm1;
	vm8 =	vnez.u8 v59;
	vm15 =	veq.s32 v48, v58  }
0x1a4: {  	vm1 =	vmand vm6, vm8;
	vm6 =	veq.s32 v48, v61;
	vm8 =	vmmov vm7  }
0x1a5: {  	v58 =	vld [tilespmem:$0x1FF80];
	vm0 =	vmor vm0, vm1;
	vm1 =	vmand vm6, vm7;
	vm7 =	veq.s32 v48, v62  }
0x1a6: {  	v60 =	vld.idx.msk [tilespmem:v41+s19+$0x0], $0xffff;
	vm0 =	vmor vm0, vm1;
	vm1 =	vmand vm7, vm9  }
0x1a7: {  	v61 =	vld.idx.msk [tilespmem:v42+s19+$0x0], $0xffff;
	vm7 =	vmmov vm9;
	vm9 =	veq.s32 v48, v63;
	vm0 =	vmor vm0, vm1  }
0x1a8: {  	v62 =	vld.idx.msk [tilespmem:v43+s19+$0x0], $0xffff;
	vm6 =	vmand vm9, vm10;
	vm9 =	vmmov vm10;
	vm10 =	veq.s32 v48, v56  }
0x1a9: {  	vm0 =	vmor vm0, vm6;
	vm6 =	vmand vm10, vm13  }
0x1aa: {  	v63 =	vld.idx.msk [tilespmem:v44+s19+$0x0], $0xffff;
	vm0 =	vmor vm0, vm6;
	vm6 =	vnez.u8 v58  }
0x1ab: {  	v57 =	vld.idx.msk [tilespmem:v45+s19+$0x0], $0xffff;
	vm1 =	vmand vm15, vm6;
	vm15 =	veq.s32 v48, v60  }
0x1ac: {  	v59 =	vld.idx.msk [tilespmem:v47+s19+$0x0], $0xffff;
	vm0 =	vmor vm0, vm1;
	vm1 =	vmand vm15, vm2;
	vm15 =	veq.s32 v48, v61  }
0x1ad: {  	v60 =	vld.idx.msk [tilespmem:v46+s19+$0x0], $0xffff;
	vm0 =	vmor vm0, vm1;
	vm1 =	vmand vm15, vm3;
	vm15 =	veq.s32 v48, v62  }
0x1ae: {  	vm0 =	vmor vm0, vm1;
	vm1 =	vmand vm15, vm5  }
0x1af: {  	vm5 =	veq.s32 v48, v63;
	vm0 =	vmor vm0, vm1  }
0x1b0: {  	vm1 =	vmand vm5, vm4;
	vm5 =	vmmov vm4;
	vm4 =	veq.s32 v48, v57  }
0x1b1: {  	vm0 =	vmor vm0, vm1;
	vm1 =	vmand vm4, vm11;
	vm4 =	veq.s32 v48, v59  }
0x1b2: {  	vm0 =	vmor vm0, vm1;
	vm1 =	vmand vm4, vm14;
	vm4 =	veq.s32 v48, v60  }
0x1b3: {  	vm0 =	vmor vm0, vm1;
	vm15 =	vmand vm4, vm12  }
0x1b4: {  	vm0 =	vmor vm0, vm15  }
0x1b5: {  	vm0 =	vmneg vm0;
	_ =	sdelay $0x5  }
0x1b6: {  	[tilespmem:v48+s20+$0x0] =	vst.idx.msk vm0, v8  }
0x1b7: {  	v48 =	vld [tilespmem:$0x90];
	_ =	sdelay $0x4  }
0x1b8: {  	[tilespmem:$0x10600] =	vst v48  }
0x1b9: {  	v61 =	vld.idx.msk [tilespmem:v33+s19+$0x0], $0xffff  }
0x1ba: {  	v62 =	vld.idx.msk [tilespmem:v34+s19+$0x0], $0xffff;
	_ =	sdelay $0x1  }
0x1bb: {  	v56 =	vld [tilespmem:$0x1FF30]  }
0x1bc: {  	v63 =	vld.idx.msk [tilespmem:v35+s19+$0x0], $0xffff  }
0x1bd: {  	vm0 =	veq.s32 v48, v61;
	v61 =	vld [tilespmem:$0x1FF10]  }
0x1be: {  	vm1 =	veq.s32 v48, v62;
	v62 =	vld [tilespmem:$0x1FF20]  }
0x1bf: {  	v57 =	vld.idx.msk [tilespmem:v36+s19+$0x0], $0xffff  }
0x1c0: {  	v58 =	vld.idx.msk [tilespmem:v37+s19+$0x0], $0xffff  }
0x1c1: {  	v59 =	vld.idx.msk [tilespmem:v38+s19+$0x0], $0xffff  }
0x1c2: {  	vm10 =	vmmov vm13;
	v60 =	vld.idx.msk [tilespmem:v39+s19+$0x0], $0xffff  }
0x1c3: {  	vm15 =	veq.s32 v48, v63;
	v63 =	vld.idx.msk [tilespmem:v40+s19+$0x0], $0xffff;
	vm14 =	vnez.u8 v61;
	vm2 =	vnez.u8 v62  }
0x1c4: {  	vm13 =	vnez.u8 v56;
	v61 =	vld.idx.msk [tilespmem:v45+s19+$0x0], $0xffff;
	vm0 =	vmand vm0, vm14;
	vm1 =	vmand vm1, vm2  }
0x1c5: {  	v62 =	vld.idx.msk [tilespmem:v47+s19+$0x0], $0xffff;
	vm0 =	vmor vm0, vm1;
	vm1 =	vmand vm15, vm13;
	vm15 =	veq.s32 v48, v57  }
0x1c6: {  	v57 =	vld.idx.msk [tilespmem:v41+s19+$0x0], $0xffff;
	vm0 =	vmor vm0, vm1;
	vm1 =	vmand vm15, vm8;
	vm8 =	veq.s32 v48, v58  }
0x1c7: {  	v58 =	vld.idx.msk [tilespmem:v42+s19+$0x0], $0xffff;
	vm0 =	vmor vm0, vm1;
	vm1 =	vmand vm8, vm7;
	vm8 =	veq.s32 v48, v59  }
0x1c8: {  	v59 =	vld.idx.msk [tilespmem:v43+s19+$0x0], $0xffff;
	vm0 =	vmor vm0, vm1;
	vm1 =	vmand vm8, vm9;
	vm8 =	veq.s32 v48, v60  }
0x1c9: {  	vm0 =	vmor vm0, vm1;
	vm1 =	vmand vm8, vm10;
	vm8 =	veq.s32 v48, v63;
	v63 =	vld [tilespmem:$0x1FF90]  }
0x1ca: {  	v60 =	vld.idx.msk [tilespmem:v44+s19+$0x0], $0xffff  }
0x1cb: {  	vm0 =	vmor vm0, vm1;
	vm6 =	vmand vm8, vm6;
	vm8 =	veq.s32 v48, v57;
	v57 =	vld.idx.msk [tilespmem:v46+s19+$0x0], $0xffff  }
0x1cc: {  	vm0 =	vmor vm0, vm6;
	vm6 =	veq.s32 v48, v58;
	v58 =	vld [tilespmem:$0x1FFB0]  }
0x1cd: {  	vm15 =	veq.s32 v48, v59;
	v59 =	vld [tilespmem:$0x1FFE0]  }
0x1ce: {  	vm4 =	vmmov vm12;
	vm12 =	vnez.u8 v63  }
0x1cf: {  	vm1 =	vmand vm8, vm12  }
0x1d0: {  	vm8 =	vmand vm6, vm3;
	vm0 =	vmor vm0, vm1  }
0x1d1: {  	vm0 =	vmor vm0, vm8;
	vm8 =	vnez.u8 v58  }
0x1d2: {  	vm6 =	veq.s32 v48, v60;
	vm12 =	vnez.u8 v59;
	vm1 =	vmand vm15, vm8  }
0x1d3: {  	vm0 =	vmor vm0, vm1;
	vm1 =	vmand vm6, vm5;
	vm6 =	veq.s32 v48, v61  }
0x1d4: {  	vm0 =	vmor vm0, vm1;
	vm1 =	vmand vm6, vm11;
	vm6 =	veq.s32 v48, v62  }
0x1d5: {  	vm0 =	vmor vm0, vm1;
	vm1 =	vmand vm6, vm12;
	vm6 =	veq.s32 v48, v57  }
0x1d6: {  	vm0 =	vmor vm0, vm1;
	vm15 =	vmand vm6, vm4  }
0x1d7: {  	vm0 =	vmor vm0, vm15  }
0x1d8: {  	vm0 =	vmneg vm0;
	_ =	sdelay $0x5  }
0x1d9: {  	[tilespmem:v48+s20+$0x0] =	vst.idx.msk vm0, v9  }
0x1da: {  	v48 =	vld [tilespmem:$0xA0];
	_ =	sdelay $0x4  }
0x1db: {  	[tilespmem:$0x10600] =	vst v48  }
0x1dc: {  	v60 =	vld.idx.msk [tilespmem:v33+s19+$0x0], $0xffff  }
0x1dd: {  	v62 =	vld.idx.msk [tilespmem:v35+s19+$0x0], $0xffff;
	_ =	sdelay $0x1  }
0x1de: {  	v61 =	vld.idx.msk [tilespmem:v34+s19+$0x0], $0xffff;
	_ =	sdelay $0x1  }
0x1df: {  	v63 =	vld.idx.msk [tilespmem:v36+s19+$0x0], $0xffff;
	vm6 =	veq.s32 v48, v60  }
0x1e0: {  	vm0 =	vmand vm6, vm14;
	vm6 =	veq.s32 v48, v62;
	v62 =	vld [tilespmem:$0x1FF40]  }
0x1e1: {  	v57 =	vld.idx.msk [tilespmem:v37+s19+$0x0], $0xffff  }
0x1e2: {  	v58 =	vld.idx.msk [tilespmem:v38+s19+$0x0], $0xffff;
	vm15 =	veq.s32 v48, v61  }
0x1e3: {  	v59 =	vld.idx.msk [tilespmem:v39+s19+$0x0], $0xffff;
	vm1 =	vmand vm15, vm2  }
0x1e4: {  	vm0 =	vmor vm0, vm1;
	vm6 =	vmand vm6, vm13  }
0x1e5: {  	vm15 =	veq.s32 v48, v63;
	vm0 =	vmor vm0, vm6;
	vm6 =	vnez.u8 v62  }
0x1e6: {  	vm1 =	vmand vm15, vm6;
	vm15 =	veq.s32 v48, v57  }
0x1e7: {  	v60 =	vld.idx.msk [tilespmem:v40+s19+$0x0], $0xffff;
	vm0 =	vmor vm0, vm1;
	vm1 =	vmand vm15, vm7;
	vm15 =	veq.s32 v48, v58  }
0x1e8: {  	vm0 =	vmor vm0, vm1;
	vm1 =	vmand vm15, vm9;
	vm15 =	veq.s32 v48, v59;
	v59 =	vld [tilespmem:$0x1FF80]  }
0x1e9: {  	v61 =	vld.idx.msk [tilespmem:v41+s19+$0x0], $0xffff;
	_ =	sdelay $0x2  }
0x1ea: {  	vm0 =	vmor vm0, vm1  }
0x1eb: {  	vm1 =	vmand vm15, vm10;
	vm15 =	veq.s32 v48, v60;
	vm13 =	vnez.u8 v59  }
0x1ec: {  	vm0 =	vmor vm0, vm1;
	vm1 =	vmand vm15, vm13;
	vm15 =	veq.s32 v48, v61;
	v61 =	vld [tilespmem:$0x1FF90]  }
0x1ed: {  	v63 =	vld.idx.msk [tilespmem:v42+s19+$0x0], $0xffff;
	_ =	sdelay $0x3  }
0x1ee: {  	vm3 =	vmmov vm14;
	vm14 =	vnez.u8 v61  }
0x1ef: {  	vm0 =	vmor vm0, vm1;
	vm1 =	vmand vm15, vm14;
	vm15 =	veq.s32 v48, v63;
	v63 =	vld [tilespmem:$0x1FFA0]  }
0x1f0: {  	v53 =	vld.idx.msk [tilespmem:v43+s19+$0x0], $0xffff  }
0x1f1: {  	v57 =	vld.idx.msk [tilespmem:v44+s19+$0x0], $0xffff  }
0x1f2: {  	v58 =	vld.idx.msk [tilespmem:v45+s19+$0x0], $0xffff  }
0x1f3: {  	v60 =	vld.idx.msk [tilespmem:v47+s19+$0x0], $0xffff  }
0x1f4: {  	v62 =	vld.idx.msk [tilespmem:v46+s19+$0x0], $0xffff;
	vm0 =	vmor vm0, vm1;
	vm1 =	vnez.u8 v63  }
0x1f5: {  	vm1 =	vmand vm15, vm1;
	vm15 =	veq.s32 v48, v53  }
0x1f6: {  	vm0 =	vmor vm0, vm1;
	vm1 =	vmand vm15, vm8;
	vm15 =	veq.s32 v48, v57  }
0x1f7: {  	vm0 =	vmor vm0, vm1;
	vm1 =	vmand vm15, vm5;
	vm5 =	veq.s32 v48, v58  }
0x1f8: {  	vm0 =	vmor vm0, vm1;
	vm1 =	vmand vm5, vm11;
	vm5 =	veq.s32 v48, v60  }
0x1f9: {  	vm0 =	vmor vm0, vm1;
	vm1 =	vmand vm5, vm12;
	vm5 =	veq.s32 v48, v62  }
0x1fa: {  	vm0 =	vmor vm0, vm1;
	vm5 =	vmand vm5, vm4  }
0x1fb: {  	vm0 =	vmor vm0, vm5  }
0x1fc: {  	vm0 =	vmneg vm0;
	_ =	sdelay $0x5  }
0x1fd: {  	[tilespmem:v48+s20+$0x0] =	vst.idx.msk vm0, v10  }
0x1fe: {  	v48 =	vld [tilespmem:$0xB0];
	_ =	sdelay $0x4  }
0x1ff: {  	[tilespmem:$0x10600] =	vst v48  }
0x200: {  	v57 =	vld.idx.msk [tilespmem:v33+s19+$0x0], $0xffff;
	_ =	sdelay $0x2  }
0x201: {  	v58 =	vld.idx.msk [tilespmem:v34+s19+$0x0], $0xffff  }
0x202: {  	v59 =	vld.idx.msk [tilespmem:v35+s19+$0x0], $0xffff  }
0x203: {  	vm15 =	veq.s32 v48, v57;
	v57 =	vld [tilespmem:$0x1FF30]  }
0x204: {  	v60 =	vld.idx.msk [tilespmem:v36+s19+$0x0], $0xffff  }
0x205: {  	v61 =	vld.idx.msk [tilespmem:v37+s19+$0x0], $0xffff  }
0x206: {  	v62 =	vld.idx.msk [tilespmem:v38+s19+$0x0], $0xffff  }
0x207: {  	v63 =	vld.idx.msk [tilespmem:v39+s19+$0x0], $0xffff;
	vm4 =	veq.s32 v48, v58;
	vm5 =	veq.s32 v48, v59  }
0x208: {  	v56 =	vld.idx.msk [tilespmem:v40+s19+$0x0], $0xffff;
	vm0 =	vmand vm15, vm3;
	vm1 =	vmand vm4, vm2;
	vm4 =	vnez.u8 v57  }
0x209: {  	v58 =	vld.idx.msk [tilespmem:v41+s19+$0x0], $0xffff;
	vm0 =	vmor vm0, vm1;
	vm1 =	vmand vm5, vm4;
	vm5 =	veq.s32 v48, v60  }
0x20a: {  	vm0 =	vmor vm0, vm1;
	vm4 =	vmand vm5, vm6;
	vm5 =	veq.s32 v48, v61  }
0x20b: {  	v59 =	vld.idx.msk [tilespmem:v42+s19+$0x0], $0xffff;
	vm0 =	vmor vm0, vm4;
	vm4 =	vmand vm5, vm7;
	vm5 =	veq.s32 v48, v62  }
0x20c: {  	vm0 =	vmor vm0, vm4;
	vm4 =	vmand vm5, vm9;
	vm5 =	veq.s32 v48, v63  }
0x20d: {  	vm0 =	vmor vm0, vm4;
	vm4 =	vmand vm5, vm10;
	vm5 =	veq.s32 v48, v56  }
0x20e: {  	vm0 =	vmor vm0, vm4;
	vm4 =	vmand vm5, vm13;
	vm5 =	veq.s32 v48, v58;
	v58 =	vld [tilespmem:$0x1FFA0]  }
0x20f: {  	v60 =	vld.idx.msk [tilespmem:v43+s19+$0x0], $0xffff  }
0x210: {  	vm15 =	veq.s32 v48, v59;
	v59 =	vld [tilespmem:$0x1FFC0]  }
0x211: {  	v61 =	vld.idx.msk [tilespmem:v44+s19+$0x0], $0xffff  }
0x212: {  	v62 =	vld.idx.msk [tilespmem:v45+s19+$0x0], $0xffff  }
0x213: {  	v63 =	vld.idx.msk [tilespmem:v47+s19+$0x0], $0xffff;
	vm0 =	vmor vm0, vm4;
	vm4 =	vmand vm5, vm14;
	vm3 =	vnez.u8 v58  }
0x214: {  	v57 =	vld.idx.msk [tilespmem:v46+s19+$0x0], $0xffff;
	vm0 =	vmor vm0, vm4;
	vm5 =	vmand vm15, vm3;
	vm15 =	veq.s32 v48, v60  }
0x215: {  	v60 =	vld [tilespmem:$0x1FFF0];
	vm0 =	vmor vm0, vm5;
	vm5 =	vmmov vm8;
	vm4 =	vmand vm15, vm8  }
0x216: {  	vm8 =	veq.s32 v48, v61;
	vm0 =	vmor vm0, vm4;
	vm4 =	vnez.u8 v59  }
0x217: {  	vm1 =	vmand vm8, vm4  }
0x218: {  	vm15 =	veq.s32 v48, v63;
	vm8 =	veq.s32 v48, v62;
	vm0 =	vmor vm0, vm1  }
0x219: {  	vm8 =	vmand vm8, vm11;
	vm1 =	vmand vm15, vm12;
	vm15 =	veq.s32 v48, v57  }
0x21a: {  	vm0 =	vmor vm0, vm8;
	vm8 =	vmmov vm12;
	vm12 =	vnez.u8 v60  }
0x21b: {  	vm0 =	vmor vm0, vm1;
	vm15 =	vmand vm15, vm12  }
0x21c: {  	vm0 =	vmor vm0, vm15  }
0x21d: {  	vm0 =	vmneg vm0;
	_ =	sdelay $0x5  }
0x21e: {  	[tilespmem:v48+s20+$0x0] =	vst.idx.msk vm0, v11  }
0x21f: {  	v48 =	vld [tilespmem:$0xC0];
	_ =	sdelay $0x4  }
0x220: {  	[tilespmem:$0x10600] =	vst v48  }
0x221: {  	v61 =	vld.idx.msk [tilespmem:v33+s19+$0x0], $0xffff  }
0x222: {  	v62 =	vld.idx.msk [tilespmem:v34+s19+$0x0], $0xffff;
	_ =	sdelay $0x2  }
0x223: {  	v56 =	vld [tilespmem:$0x1FF30]  }
0x224: {  	vm13 =	veq.s32 v48, v61;
	v61 =	vld [tilespmem:$0x1FF10]  }
0x225: {  	vm1 =	veq.s32 v48, v62;
	v62 =	vld [tilespmem:$0x1FF20]  }
0x226: {  	v63 =	vld.idx.msk [tilespmem:v35+s19+$0x0], $0xffff  }
0x227: {  	v57 =	vld.idx.msk [tilespmem:v36+s19+$0x0], $0xffff  }
0x228: {  	v58 =	vld.idx.msk [tilespmem:v37+s19+$0x0], $0xffff  }
0x229: {  	v59 =	vld.idx.msk [tilespmem:v38+s19+$0x0], $0xffff;
	vm2 =	vnez.u8 v61  }
0x22a: {  	v60 =	vld.idx.msk [tilespmem:v39+s19+$0x0], $0xffff;
	vm0 =	vmand vm13, vm2;
	vm13 =	vnez.u8 v62  }
0x22b: {  	vm15 =	veq.s32 v48, v63;
	v63 =	vld.idx.msk [tilespmem:v40+s19+$0x0], $0xffff;
	vm1 =	vmand vm1, vm13;
	vm13 =	vnez.u8 v56  }
0x22c: {  	v62 =	vld [tilespmem:$0x1FF80];
	vm0 =	vmor vm0, vm1;
	vm1 =	vmand vm15, vm13;
	vm15 =	veq.s32 v48, v57  }
0x22d: {  	v57 =	vld.idx.msk [tilespmem:v41+s19+$0x0], $0xffff;
	vm0 =	vmor vm0, vm1;
	vm1 =	vmand vm15, vm6;
	vm15 =	veq.s32 v48, v58  }
0x22e: {  	v58 =	vld.idx.msk [tilespmem:v42+s19+$0x0], $0xffff;
	vm0 =	vmor vm0, vm1;
	vm1 =	vmand vm15, vm7;
	vm15 =	veq.s32 v48, v59  }
0x22f: {  	v59 =	vld.idx.msk [tilespmem:v43+s19+$0x0], $0xffff;
	vm0 =	vmor vm0, vm1;
	vm1 =	vmand vm15, vm9;
	vm15 =	veq.s32 v48, v60  }
0x230: {  	v60 =	vld.idx.msk [tilespmem:v44+s19+$0x0], $0xffff;
	vm0 =	vmor vm0, vm1;
	vm1 =	vmand vm15, vm10  }
0x231: {  	v61 =	vld.idx.msk [tilespmem:v45+s19+$0x0], $0xffff;
	vm15 =	veq.s32 v48, v63;
	vm0 =	vmor vm0, vm1;
	vm1 =	vnez.u8 v62  }
0x232: {  	v63 =	vld.idx.msk [tilespmem:v47+s19+$0x0], $0xffff;
	vm1 =	vmand vm15, vm1;
	vm15 =	veq.s32 v48, v57  }
0x233: {  	v56 =	vld.idx.msk [tilespmem:v46+s19+$0x0], $0xffff;
	vm0 =	vmor vm0, vm1;
	vm1 =	vmand vm15, vm14;
	vm15 =	veq.s32 v48, v58  }
0x234: {  	vm0 =	vmor vm0, vm1;
	vm1 =	vmand vm15, vm3;
	vm15 =	veq.s32 v48, v59  }
0x235: {  	vm0 =	vmor vm0, vm1;
	vm1 =	vmand vm15, vm5;
	vm15 =	veq.s32 v48, v60  }
0x236: {  	vm0 =	vmor vm0, vm1;
	vm1 =	vmand vm15, vm4;
	vm15 =	veq.s32 v48, v61  }
0x237: {  	vm0 =	vmor vm0, vm1;
	vm1 =	vmand vm15, vm11;
	vm15 =	veq.s32 v48, v63  }
0x238: {  	vm0 =	vmor vm0, vm1;
	vm1 =	vmand vm15, vm8;
	vm15 =	veq.s32 v48, v56  }
0x239: {  	vm0 =	vmor vm0, vm1;
	vm15 =	vmand vm15, vm12  }
0x23a: {  	vm0 =	vmor vm0, vm15  }
0x23b: {  	vm0 =	vmneg vm0;
	_ =	sdelay $0x5  }
0x23c: {  	[tilespmem:v48+s20+$0x0] =	vst.idx.msk vm0, v12  }
0x23d: {  	v48 =	vld [tilespmem:$0xD0];
	_ =	sdelay $0x4  }
0x23e: {  	v56 =	vld [tilespmem:$0x1FF20];
	[tilespmem:$0x10600] =	vst v48  }
0x23f: {  	v57 =	vld.idx.msk [tilespmem:v33+s19+$0x0], $0xffff  }
0x240: {  	v58 =	vld.idx.msk [tilespmem:v34+s19+$0x0], $0xffff  }
0x241: {  	v59 =	vld.idx.msk [tilespmem:v35+s19+$0x0], $0xffff  }
0x242: {  	v60 =	vld.idx.msk [tilespmem:v36+s19+$0x0], $0xffff  }
0x243: {  	v61 =	vld.idx.msk [tilespmem:v37+s19+$0x0], $0xffff  }
0x244: {  	vm14 =	vmmov vm3;
	vm3 =	vmmov vm2;
	v62 =	vld.idx.msk [tilespmem:v38+s19+$0x0], $0xffff;
	vm0 =	veq.s32 v48, v57  }
0x245: {  	v63 =	vld.idx.msk [tilespmem:v39+s19+$0x0], $0xffff;
	vm15 =	veq.s32 v48, v58;
	vm0 =	vmand vm0, vm2;
	vm2 =	vnez.u8 v56  }
0x246: {  	vm1 =	vmand vm15, vm2;
	vm15 =	veq.s32 v48, v59  }
0x247: {  	vm0 =	vmor vm0, vm1;
	vm1 =	vmand vm15, vm13;
	vm15 =	veq.s32 v48, v60  }
0x248: {  	vm0 =	vmor vm0, vm1;
	vm1 =	vmand vm15, vm6;
	vm15 =	veq.s32 v48, v61  }
0x249: {  	v57 =	vld.idx.msk [tilespmem:v40+s19+$0x0], $0xffff;
	vm0 =	vmor vm0, vm1;
	vm1 =	vmand vm15, vm7;
	vm15 =	veq.s32 v48, v62  }
0x24a: {  	vm0 =	vmor vm0, vm1;
	vm1 =	vmand vm15, vm9;
	vm15 =	veq.s32 v48, v63;
	v63 =	vld [tilespmem:$0x1FF80]  }
0x24b: {  	v58 =	vld.idx.msk [tilespmem:v41+s19+$0x0], $0xffff;
	_ =	sdelay $0x2  }
0x24c: {  	vm0 =	vmor vm0, vm1  }
0x24d: {  	vm1 =	vmand vm15, vm10;
	vm15 =	veq.s32 v48, v57;
	vm13 =	vnez.u8 v63  }
0x24e: {  	vm0 =	vmor vm0, vm1;
	vm1 =	vmand vm15, vm13;
	vm15 =	veq.s32 v48, v58;
	v58 =	vld [tilespmem:$0x1FF90]  }
0x24f: {  	v59 =	vld.idx.msk [tilespmem:v42+s19+$0x0], $0xffff  }
0x250: {  	v60 =	vld.idx.msk [tilespmem:v43+s19+$0x0], $0xffff  }
0x251: {  	v61 =	vld.idx.msk [tilespmem:v44+s19+$0x0], $0xffff  }
0x252: {  	v62 =	vld.idx.msk [tilespmem:v45+s19+$0x0], $0xffff  }
0x253: {  	v57 =	vld.idx.msk [tilespmem:v47+s19+$0x0], $0xffff;
	vm0 =	vmor vm0, vm1;
	vm1 =	vnez.u8 v58  }
0x254: {  	vm1 =	vmand vm15, vm1;
	vm15 =	veq.s32 v48, v59;
	v59 =	vld.idx.msk [tilespmem:v46+s19+$0x0], $0xffff  }
0x255: {  	vm0 =	vmor vm0, vm1;
	vm1 =	vmand vm15, vm14;
	vm15 =	veq.s32 v48, v60  }
0x256: {  	vm0 =	vmor vm0, vm1;
	vm1 =	vmand vm15, vm5;
	vm15 =	veq.s32 v48, v61  }
0x257: {  	vm0 =	vmor vm0, vm1;
	vm1 =	vmand vm15, vm4;
	vm15 =	veq.s32 v48, v62  }
0x258: {  	vm0 =	vmor vm0, vm1;
	vm1 =	vmand vm15, vm11;
	vm15 =	veq.s32 v48, v57  }
0x259: {  	vm0 =	vmor vm0, vm1;
	vm1 =	vmand vm15, vm8;
	vm15 =	veq.s32 v48, v59  }
0x25a: {  	vm0 =	vmor vm0, vm1;
	vm14 =	vmand vm15, vm12  }
0x25b: {  	vm0 =	vmor vm0, vm14  }
0x25c: {  	vm0 =	vmneg vm0;
	_ =	sdelay $0x5  }
0x25d: {  	[tilespmem:v48+s20+$0x0] =	vst.idx.msk vm0, v13  }
0x25e: {  	v48 =	vld [tilespmem:$0xE0];
	_ =	sdelay $0x4  }
0x25f: {  	[tilespmem:$0x10600] =	vst v48  }
0x260: {  	v61 =	vld.idx.msk [tilespmem:v34+s19+$0x0], $0xffff;
	_ =	sdelay $0x2  }
0x261: {  	v60 =	vld.idx.msk [tilespmem:v33+s19+$0x0], $0xffff  }
0x262: {  	v62 =	vld.idx.msk [tilespmem:v35+s19+$0x0], $0xffff  }
0x263: {  	vm14 =	veq.s32 v48, v61;
	v61 =	vld [tilespmem:$0x1FF30]  }
0x264: {  	v63 =	vld.idx.msk [tilespmem:v36+s19+$0x0], $0xffff  }
0x265: {  	v57 =	vld.idx.msk [tilespmem:v37+s19+$0x0], $0xffff  }
0x266: {  	v58 =	vld.idx.msk [tilespmem:v38+s19+$0x0], $0xffff;
	vm15 =	veq.s32 v48, v60  }
0x267: {  	v59 =	vld.idx.msk [tilespmem:v39+s19+$0x0], $0xffff;
	vm0 =	vmand vm15, vm3  }
0x268: {  	v60 =	vld.idx.msk [tilespmem:v40+s19+$0x0], $0xffff;
	vm1 =	vmand vm14, vm2;
	vm15 =	veq.s32 v48, v62;
	vm2 =	vnez.u8 v61  }
0x269: {  	vm0 =	vmor vm0, vm1;
	v61 =	vld [tilespmem:$0x1FF90];
	vm1 =	vmand vm15, vm2;
	vm15 =	veq.s32 v48, v63  }
0x26a: {  	v62 =	vld.idx.msk [tilespmem:v41+s19+$0x0], $0xffff;
	vm0 =	vmor vm0, vm1;
	vm1 =	vmand vm15, vm6;
	vm15 =	veq.s32 v48, v57  }
0x26b: {  	v63 =	vld.idx.msk [tilespmem:v42+s19+$0x0], $0xffff;
	vm0 =	vmor vm0, vm1;
	vm1 =	vmand vm15, vm7;
	vm15 =	veq.s32 v48, v58  }
0x26c: {  	vm0 =	vmor vm0, vm1;
	vm1 =	vmand vm15, vm9  }
0x26d: {  	vm15 =	veq.s32 v48, v59;
	vm0 =	vmor vm0, vm1  }
0x26e: {  	vm1 =	vmand vm15, vm10;
	vm15 =	veq.s32 v48, v60;
	vm14 =	vnez.u8 v61  }
0x26f: {  	vm0 =	vmor vm0, vm1;
	vm1 =	vmand vm15, vm13;
	vm15 =	veq.s32 v48, v62  }
0x270: {  	vm0 =	vmor vm0, vm1;
	vm1 =	vmand vm15, vm14;
	vm15 =	veq.s32 v48, v63;
	v63 =	vld [tilespmem:$0x1FFA0]  }
0x271: {  	v57 =	vld.idx.msk [tilespmem:v43+s19+$0x0], $0xffff  }
0x272: {  	v58 =	vld.idx.msk [tilespmem:v44+s19+$0x0], $0xffff  }
0x273: {  	v59 =	vld.idx.msk [tilespmem:v45+s19+$0x0], $0xffff  }
0x274: {  	v60 =	vld.idx.msk [tilespmem:v47+s19+$0x0], $0xffff  }
0x275: {  	v62 =	vld.idx.msk [tilespmem:v46+s19+$0x0], $0xffff;
	vm3 =	vnez.u8 v63  }
0x276: {  	vm0 =	vmor vm0, vm1;
	vm1 =	vmand vm15, vm3;
	vm15 =	veq.s32 v48, v57  }
0x277: {  	vm0 =	vmor vm0, vm1;
	vm1 =	vmand vm15, vm5;
	vm15 =	veq.s32 v48, v58  }
0x278: {  	vm0 =	vmor vm0, vm1;
	vm1 =	vmand vm15, vm4;
	vm15 =	veq.s32 v48, v59  }
0x279: {  	vm0 =	vmor vm0, vm1;
	vm1 =	vmand vm15, vm11;
	vm15 =	veq.s32 v48, v60  }
0x27a: {  	vm0 =	vmor vm0, vm1;
	vm1 =	vmand vm15, vm8;
	vm15 =	veq.s32 v48, v62  }
0x27b: {  	vm0 =	vmor vm0, vm1;
	vm15 =	vmand vm15, vm12  }
0x27c: {  	vm0 =	vmor vm0, vm15  }
0x27d: {  	vm0 =	vmneg vm0;
	_ =	sdelay $0x5  }
0x27e: {  	[tilespmem:v48+s20+$0x0] =	vst.idx.msk vm0, v14  }
0x27f: {  	v48 =	vld [tilespmem:$0xF0];
	_ =	sdelay $0x3  }
0x280: {  	v55 =	vld [tilespmem:$0x1FF10]  }
0x281: {  	v56 =	vld [tilespmem:$0x1FF20];
	[tilespmem:$0x10600] =	vst v48  }
0x282: {  	v57 =	vld.idx.msk [tilespmem:v33+s19+$0x0], $0xffff  }
0x283: {  	v58 =	vld.idx.msk [tilespmem:v34+s19+$0x0], $0xffff  }
0x284: {  	v59 =	vld.idx.msk [tilespmem:v35+s19+$0x0], $0xffff  }
0x285: {  	v60 =	vld.idx.msk [tilespmem:v36+s19+$0x0], $0xffff  }
0x286: {  	v61 =	vld.idx.msk [tilespmem:v37+s19+$0x0], $0xffff  }
0x287: {  	vm13 =	vnez.u8 v55;
	v62 =	vld.idx.msk [tilespmem:v38+s19+$0x0], $0xffff;
	vm0 =	veq.s32 v48, v57  }
0x288: {  	v63 =	vld.idx.msk [tilespmem:v39+s19+$0x0], $0xffff;
	vm1 =	veq.s32 v48, v58;
	vm0 =	vmand vm0, vm13;
	vm13 =	vnez.u8 v56  }
0x289: {  	vm15 =	veq.s32 v48, v59;
	vm1 =	vmand vm1, vm13  }
0x28a: {  	vm0 =	vmor vm0, vm1;
	vm1 =	vmand vm15, vm2;
	vm15 =	veq.s32 v48, v60  }
0x28b: {  	vm0 =	vmor vm0, vm1;
	vm1 =	vmand vm15, vm6;
	vm15 =	veq.s32 v48, v61  }
0x28c: {  	v57 =	vld.idx.msk [tilespmem:v40+s19+$0x0], $0xffff;
	vm0 =	vmor vm0, vm1;
	vm1 =	vmand vm15, vm7;
	vm15 =	veq.s32 v48, v62  }
0x28d: {  	vm0 =	vmor vm0, vm1;
	vm1 =	vmand vm15, vm9;
	vm15 =	veq.s32 v48, v63;
	v63 =	vld [tilespmem:$0x1FF80]  }
0x28e: {  	v58 =	vld.idx.msk [tilespmem:v41+s19+$0x0], $0xffff  }
0x28f: {  	v59 =	vld.idx.msk [tilespmem:v42+s19+$0x0], $0xffff  }
0x290: {  	v60 =	vld.idx.msk [tilespmem:v43+s19+$0x0], $0xffff  }
0x291: {  	v61 =	vld.idx.msk [tilespmem:v44+s19+$0x0], $0xffff;
	vm0 =	vmor vm0, vm1;
	vm1 =	vmand vm15, vm10  }
0x292: {  	v62 =	vld.idx.msk [tilespmem:v45+s19+$0x0], $0xffff;
	vm15 =	veq.s32 v48, v57;
	vm0 =	vmor vm0, vm1;
	vm1 =	vnez.u8 v63  }
0x293: {  	v57 =	vld.idx.msk [tilespmem:v47+s19+$0x0], $0xffff;
	vm1 =	vmand vm15, vm1;
	vm15 =	veq.s32 v48, v58  }
0x294: {  	v58 =	vld.idx.msk [tilespmem:v46+s19+$0x0], $0xffff;
	vm0 =	vmor vm0, vm1;
	vm1 =	vmand vm15, vm14;
	vm15 =	veq.s32 v48, v59  }
0x295: {  	vm0 =	vmor vm0, vm1;
	vm1 =	vmand vm15, vm3;
	vm15 =	veq.s32 v48, v60  }
0x296: {  	vm0 =	vmor vm0, vm1;
	vm1 =	vmand vm15, vm5;
	vm15 =	veq.s32 v48, v61  }
0x297: {  	vm0 =	vmor vm0, vm1;
	vm1 =	vmand vm15, vm4;
	vm15 =	veq.s32 v48, v62  }
0x298: {  	vm0 =	vmor vm0, vm1;
	vm1 =	vmand vm15, vm11;
	vm11 =	veq.s32 v48, v57  }
0x299: {  	vm0 =	vmor vm0, vm1;
	vm11 =	vmand vm11, vm8;
	vm8 =	veq.s32 v48, v58  }
0x29a: {  	vm0 =	vmor vm0, vm11;
	vm11 =	vmand vm8, vm12  }
0x29b: {  	vm0 =	vmor vm0, vm11  }
0x29c: {  	vm0 =	vmneg vm0;
	_ =	sdelay $0x5  }
0x29d: {  	[tilespmem:v48+s20+$0x0] =	vst.idx.msk vm0, v15  }
0x29e: {  	v48 =	vld [tilespmem:$0x100];
	_ =	sdelay $0x4  }
0x29f: {  	[tilespmem:$0x10600] =	vst v48  }
0x2a0: {  	v59 =	vld.idx.msk [tilespmem:v33+s19+$0x0], $0xffff  }
0x2a1: {  	v60 =	vld.idx.msk [tilespmem:v34+s19+$0x0], $0xffff  }
0x2a2: {  	v61 =	vld.idx.msk [tilespmem:v35+s19+$0x0], $0xffff;
	_ =	sdelay $0x3  }
0x2a3: {  	vm12 =	veq.s32 v48, v59;
	vm15 =	veq.s32 v48, v60;
	v59 =	vld [tilespmem:$0x1FF10]  }
0x2a4: {  	vm1 =	vmand vm15, vm13;
	vm15 =	veq.s32 v48, v61;
	v61 =	vld [tilespmem:$0x1FF30]  }
0x2a5: {  	v62 =	vld.idx.msk [tilespmem:v36+s19+$0x0], $0xffff  }
0x2a6: {  	v63 =	vld.idx.msk [tilespmem:v37+s19+$0x0], $0xffff  }
0x2a7: {  	v57 =	vld.idx.msk [tilespmem:v38+s19+$0x0], $0xffff  }
0x2a8: {  	v58 =	vld.idx.msk [tilespmem:v39+s19+$0x0], $0xffff;
	vm2 =	vnez.u8 v59  }
0x2a9: {  	v60 =	vld.idx.msk [tilespmem:v40+s19+$0x0], $0xffff;
	vm0 =	vmand vm12, vm2;
	vm11 =	vnez.u8 v61  }
0x2aa: {  	vm8 =	veq.s32 v48, v62;
	vm0 =	vmor vm0, vm1;
	vm1 =	vmand vm15, vm11  }
0x2ab: {  	vm0 =	vmor vm0, vm1;
	vm1 =	vmand vm8, vm6;
	vm8 =	veq.s32 v48, v63  }
0x2ac: {  	v63 =	vld.idx.msk [tilespmem:v42+s19+$0x0], $0xffff;
	vm0 =	vmor vm0, vm1;
	vm1 =	vmand vm8, vm7;
	vm8 =	veq.s32 v48, v57  }
0x2ad: {  	vm0 =	vmor vm0, vm1;
	vm1 =	vmand vm8, vm9;
	vm8 =	veq.s32 v48, v58  }
0x2ae: {  	vm0 =	vmor vm0, vm1;
	vm1 =	vmand vm8, vm10;
	vm8 =	veq.s32 v48, v60;
	v60 =	vld [tilespmem:$0x1FF80]  }
0x2af: {  	v62 =	vld.idx.msk [tilespmem:v41+s19+$0x0], $0xffff;
	_ =	sdelay $0x1  }
0x2b0: {  	vm15 =	veq.s32 v48, v63;
	v63 =	vld [tilespmem:$0x1FFA0]  }
0x2b1: {  	v57 =	vld.idx.msk [tilespmem:v43+s19+$0x0], $0xffff  }
0x2b2: {  	vm3 =	vmmov vm13;
	vm13 =	vnez.u8 v60  }
0x2b3: {  	v58 =	vld.idx.msk [tilespmem:v44+s19+$0x0], $0xffff;
	vm0 =	vmor vm0, vm1;
	vm1 =	vmand vm8, vm13;
	vm8 =	veq.s32 v48, v62  }
0x2b4: {  	vm0 =	vmor vm0, vm1;
	vm8 =	vmand vm8, vm14  }
0x2b5: {  	v59 =	vld.idx.msk [tilespmem:v45+s19+$0x0], $0xffff;
	vm0 =	vmor vm0, vm8;
	vm8 =	vnez.u8 v63  }
0x2b6: {  	vm1 =	vmand vm15, vm8;
	vm15 =	veq.s32 v48, v57;
	v57 =	vld [tilespmem:$0x1FFD0]  }
0x2b7: {  	v61 =	vld.idx.msk [tilespmem:v47+s19+$0x0], $0xffff  }
0x2b8: {  	vm0 =	vmor vm0, vm1;
	vm1 =	vmand vm15, vm5;
	vm15 =	veq.s32 v48, v58;
	v58 =	vld [tilespmem:$0x1FFE0]  }
0x2b9: {  	v62 =	vld.idx.msk [tilespmem:v46+s19+$0x0], $0xffff  }
0x2ba: {  	vm0 =	vmor vm0, vm1;
	vm1 =	vmand vm15, vm4;
	vm15 =	veq.s32 v48, v59;
	v59 =	vld [tilespmem:$0x1FFF0]  }
0x2bb: {  	vm12 =	vnez.u8 v57  }
0x2bc: {  	vm0 =	vmor vm0, vm1;
	vm1 =	vmand vm15, vm12  }
0x2bd: {  	vm15 =	veq.s32 v48, v61;
	vm0 =	vmor vm0, vm1;
	vm1 =	vnez.u8 v58  }
0x2be: {  	vm1 =	vmand vm15, vm1  }
0x2bf: {  	vm15 =	veq.s32 v48, v62;
	vm0 =	vmor vm0, vm1;
	vm1 =	vnez.u8 v59  }
0x2c0: {  	vm1 =	vmand vm15, vm1  }
0x2c1: {  	vm0 =	vmor vm0, vm1  }
0x2c2: {  	vm0 =	vmneg vm0;
	_ =	sdelay $0x5  }
0x2c3: {  	[tilespmem:v48+s20+$0x0] =	vst.idx.msk vm0, v16  }
0x2c4: {  	v48 =	vld [tilespmem:$0x110];
	_ =	sdelay $0x4  }
0x2c5: {  	[tilespmem:$0x10600] =	vst v48  }
0x2c6: {  	v60 =	vld.idx.msk [tilespmem:v33+s19+$0x0], $0xffff  }
0x2c7: {  	v61 =	vld.idx.msk [tilespmem:v34+s19+$0x0], $0xffff  }
0x2c8: {  	v62 =	vld.idx.msk [tilespmem:v35+s19+$0x0], $0xffff  }
0x2c9: {  	v63 =	vld.idx.msk [tilespmem:v36+s19+$0x0], $0xffff  }
0x2ca: {  	v57 =	vld.idx.msk [tilespmem:v37+s19+$0x0], $0xffff  }
0x2cb: {  	v58 =	vld.idx.msk [tilespmem:v38+s19+$0x0], $0xffff;
	vm0 =	veq.s32 v48, v60  }
0x2cc: {  	v59 =	vld.idx.msk [tilespmem:v39+s19+$0x0], $0xffff;
	vm15 =	veq.s32 v48, v61;
	vm0 =	vmand vm0, vm2  }
0x2cd: {  	v60 =	vld.idx.msk [tilespmem:v40+s19+$0x0], $0xffff;
	vm1 =	vmand vm15, vm3;
	vm15 =	veq.s32 v48, v62;
	vm2 =	vmmov vm11  }
0x2ce: {  	v56 =	vld.idx.msk [tilespmem:v44+s19+$0x0], $0xffff;
	vm0 =	vmor vm0, vm1;
	vm1 =	vmand vm15, vm11;
	vm11 =	veq.s32 v48, v63  }
0x2cf: {  	v61 =	vld.idx.msk [tilespmem:v41+s19+$0x0], $0xffff;
	vm0 =	vmor vm0, vm1;
	vm11 =	vmand vm11, vm6;
	vm6 =	veq.s32 v48, v57  }
0x2d0: {  	v62 =	vld.idx.msk [tilespmem:v42+s19+$0x0], $0xffff;
	vm0 =	vmor vm0, vm11;
	vm11 =	vmand vm6, vm7;
	vm6 =	veq.s32 v48, v58  }
0x2d1: {  	v63 =	vld.idx.msk [tilespmem:v43+s19+$0x0], $0xffff;
	vm0 =	vmor vm0, vm11;
	vm7 =	vmand vm6, vm9;
	vm11 =	veq.s32 v48, v59  }
0x2d2: {  	v57 =	vld.idx.msk [tilespmem:v45+s19+$0x0], $0xffff;
	vm0 =	vmor vm0, vm7;
	vm6 =	vmand vm11, vm10;
	vm7 =	veq.s32 v48, v60  }
0x2d3: {  	v58 =	vld.idx.msk [tilespmem:v47+s19+$0x0], $0xffff;
	vm0 =	vmor vm0, vm6;
	vm11 =	vmand vm7, vm13  }
0x2d4: {  	v59 =	vld.idx.msk [tilespmem:v46+s19+$0x0], $0xffff;
	vm6 =	veq.s32 v48, v61;
	vm0 =	vmor vm0, vm11  }
0x2d5: {  	v60 =	vld [tilespmem:$0x1FFE0];
	vm7 =	vmand vm6, vm14;
	vm11 =	veq.s32 v48, v62;
	vm6 =	vmmov vm8  }
0x2d6: {  	v61 =	vld [tilespmem:$0x1FFF0];
	vm0 =	vmor vm0, vm7;
	vm8 =	vmand vm11, vm8;
	vm11 =	veq.s32 v48, v63  }
0x2d7: {  	vm0 =	vmor vm0, vm8;
	vm7 =	vmand vm11, vm5;
	vm8 =	veq.s32 v48, v56  }
0x2d8: {  	vm0 =	vmor vm0, vm7;
	vm11 =	vmand vm8, vm4;
	vm7 =	veq.s32 v48, v57  }
0x2d9: {  	vm15 =	veq.s32 v48, v58;
	vm0 =	vmor vm0, vm11;
	vm8 =	vmand vm7, vm12  }
0x2da: {  	vm11 =	vmmov vm12;
	vm0 =	vmor vm0, vm8;
	vm8 =	vnez.u8 v60  }
0x2db: {  	vm7 =	veq.s32 v48, v59;
	vm12 =	vnez.u8 v61;
	vm1 =	vmand vm15, vm8  }
0x2dc: {  	vm7 =	vmand vm7, vm12;
	vm0 =	vmor vm0, vm1  }
0x2dd: {  	vm0 =	vmor vm0, vm7  }
0x2de: {  	vm0 =	vmneg vm0;
	_ =	sdelay $0x5  }
0x2df: {  	[tilespmem:v48+s20+$0x0] =	vst.idx.msk vm0, v17  }
0x2e0: {  	v48 =	vld [tilespmem:$0x120];
	_ =	sdelay $0x4  }
0x2e1: {  	[tilespmem:$0x10600] =	vst v48  }
0x2e2: {  	v62 =	vld.idx.msk [tilespmem:v33+s19+$0x0], $0xffff;
	_ =	sdelay $0x1  }
0x2e3: {  	v63 =	vld.idx.msk [tilespmem:v34+s19+$0x0], $0xffff  }
0x2e4: {  	v57 =	vld.idx.msk [tilespmem:v35+s19+$0x0], $0xffff;
	_ =	sdelay $0x1  }
0x2e5: {  	vm0 =	veq.s32 v48, v62;
	v62 =	vld [tilespmem:$0x1FF10];
	_ =	sdelay $0x1  }
0x2e6: {  	v58 =	vld.idx.msk [tilespmem:v36+s19+$0x0], $0xffff;
	vm15 =	veq.s32 v48, v63  }
0x2e7: {  	vm1 =	vmand vm15, vm3;
	vm15 =	veq.s32 v48, v57;
	v57 =	vld [tilespmem:$0x1FF40]  }
0x2e8: {  	v59 =	vld.idx.msk [tilespmem:v37+s19+$0x0], $0xffff  }
0x2e9: {  	vm7 =	vnez.u8 v62  }
0x2ea: {  	vm0 =	vmand vm0, vm7  }
0x2eb: {  	vm0 =	vmor vm0, vm1;
	vm1 =	vmand vm15, vm2  }
0x2ec: {  	vm15 =	veq.s32 v48, v58;
	vm0 =	vmor vm0, vm1;
	vm1 =	vnez.u8 v57  }
0x2ed: {  	vm1 =	vmand vm15, vm1;
	vm15 =	veq.s32 v48, v59;
	v59 =	vld [tilespmem:$0x1FF50]  }
0x2ee: {  	v60 =	vld.idx.msk [tilespmem:v38+s19+$0x0], $0xffff  }
0x2ef: {  	v61 =	vld.idx.msk [tilespmem:v39+s19+$0x0], $0xffff  }
0x2f0: {  	v63 =	vld.idx.msk [tilespmem:v40+s19+$0x0], $0xffff  }
0x2f1: {  	v56 =	vld.idx.msk [tilespmem:v41+s19+$0x0], $0xffff  }
0x2f2: {  	v58 =	vld.idx.msk [tilespmem:v42+s19+$0x0], $0xffff;
	vm0 =	vmor vm0, vm1;
	vm1 =	vnez.u8 v59  }
0x2f3: {  	vm1 =	vmand vm15, vm1;
	vm15 =	veq.s32 v48, v60  }
0x2f4: {  	v60 =	vld.idx.msk [tilespmem:v43+s19+$0x0], $0xffff;
	vm0 =	vmor vm0, vm1;
	vm1 =	vmand vm15, vm9;
	vm15 =	veq.s32 v48, v61  }
0x2f5: {  	v61 =	vld.idx.msk [tilespmem:v44+s19+$0x0], $0xffff;
	vm0 =	vmor vm0, vm1;
	vm1 =	vmand vm15, vm10;
	vm15 =	veq.s32 v48, v63  }
0x2f6: {  	vm0 =	vmor vm0, vm1;
	vm1 =	vmand vm15, vm13;
	vm15 =	veq.s32 v48, v56  }
0x2f7: {  	v62 =	vld.idx.msk [tilespmem:v45+s19+$0x0], $0xffff;
	vm0 =	vmor vm0, vm1;
	vm1 =	vmand vm15, vm14;
	vm15 =	veq.s32 v48, v58  }
0x2f8: {  	v63 =	vld.idx.msk [tilespmem:v47+s19+$0x0], $0xffff;
	vm0 =	vmor vm0, vm1;
	vm1 =	vmand vm15, vm6  }
0x2f9: {  	v56 =	vld.idx.msk [tilespmem:v46+s19+$0x0], $0xffff;
	vm6 =	veq.s32 v48, v60;
	vm0 =	vmor vm0, vm1  }
0x2fa: {  	vm1 =	vmand vm6, vm5;
	vm6 =	vmmov vm5;
	vm5 =	veq.s32 v48, v61  }
0x2fb: {  	vm0 =	vmor vm0, vm1;
	vm1 =	vmand vm5, vm4  }
0x2fc: {  	vm5 =	vmmov vm4;
	vm4 =	veq.s32 v48, v62;
	vm0 =	vmor vm0, vm1  }
0x2fd: {  	vm1 =	vmand vm4, vm11;
	vm4 =	vmmov vm11;
	vm11 =	veq.s32 v48, v63  }
0x2fe: {  	vm0 =	vmor vm0, vm1;
	vm1 =	vmand vm11, vm8;
	vm11 =	veq.s32 v48, v56  }
0x2ff: {  	vm0 =	vmor vm0, vm1;
	vm13 =	vmand vm11, vm12  }
0x300: {  	vm0 =	vmor vm0, vm13  }
0x301: {  	vm0 =	vmneg vm0;
	_ =	sdelay $0x5  }
0x302: {  	[tilespmem:v48+s20+$0x0] =	vst.idx.msk vm0, v18  }
0x303: {  	v48 =	vld [tilespmem:$0x130];
	_ =	sdelay $0x4  }
0x304: {  	v55 =	vld [tilespmem:$0x1FF20];
	[tilespmem:$0x10600] =	vst v48  }
0x305: {  	v57 =	vld.idx.msk [tilespmem:v33+s19+$0x0], $0xffff  }
0x306: {  	v58 =	vld.idx.msk [tilespmem:v34+s19+$0x0], $0xffff  }
0x307: {  	v59 =	vld.idx.msk [tilespmem:v35+s19+$0x0], $0xffff;
	_ =	sdelay $0x1  }
0x308: {  	v60 =	vld.idx.msk [tilespmem:v36+s19+$0x0], $0xffff  }
0x309: {  	vm15 =	veq.s32 v48, v57;
	v57 =	vld [tilespmem:$0x1FF40]  }
0x30a: {  	vm3 =	vmmov vm2;
	vm2 =	vmmov vm7;
	vm12 =	vnez.u8 v55;
	v61 =	vld.idx.msk [tilespmem:v37+s19+$0x0], $0xffff  }
0x30b: {  	vm11 =	veq.s32 v48, v58;
	vm0 =	vmand vm15, vm7;
	vm7 =	veq.s32 v48, v59;
	v59 =	vld [tilespmem:$0x1FF50]  }
0x30c: {  	v62 =	vld.idx.msk [tilespmem:v38+s19+$0x0], $0xffff;
	vm1 =	vmand vm11, vm12  }
0x30d: {  	vm13 =	vmmov vm3;
	v63 =	vld.idx.msk [tilespmem:v39+s19+$0x0], $0xffff;
	vm0 =	vmor vm0, vm1  }
0x30e: {  	vm11 =	vmand vm7, vm3;
	vm7 =	veq.s32 v48, v60;
	vm3 =	vnez.u8 v57  }
0x30f: {  	vm0 =	vmor vm0, vm11;
	vm11 =	vmand vm7, vm3  }
0x310: {  	vm7 =	veq.s32 v48, v61;
	vm0 =	vmor vm0, vm11;
	vm11 =	vnez.u8 v59  }
0x311: {  	v56 =	vld.idx.msk [tilespmem:v40+s19+$0x0], $0xffff;
	vm1 =	vmand vm7, vm11;
	vm7 =	veq.s32 v48, v62  }
0x312: {  	vm0 =	vmor vm0, vm1;
	vm1 =	vmand vm7, vm9;
	vm7 =	veq.s32 v48, v63;
	v63 =	vld [tilespmem:$0x1FF80]  }
0x313: {  	v51 =	vld.idx.msk [tilespmem:v41+s19+$0x0], $0xffff  }
0x314: {  	v58 =	vld.idx.msk [tilespmem:v42+s19+$0x0], $0xffff  }
0x315: {  	v59 =	vld [tilespmem:$0x1FFA0]  }
0x316: {  	v60 =	vld.idx.msk [tilespmem:v43+s19+$0x0], $0xffff;
	vm0 =	vmor vm0, vm1;
	vm7 =	vmand vm7, vm10  }
0x317: {  	vm15 =	veq.s32 v48, v56;
	v61 =	vld.idx.msk [tilespmem:v44+s19+$0x0], $0xffff;
	vm0 =	vmor vm0, vm7;
	vm7 =	vnez.u8 v63  }
0x318: {  	v62 =	vld.idx.msk [tilespmem:v45+s19+$0x0], $0xffff;
	vm1 =	vmand vm15, vm7;
	vm7 =	veq.s32 v48, v51  }
0x319: {  	v57 =	vld.idx.msk [tilespmem:v47+s19+$0x0], $0xffff;
	vm0 =	vmor vm0, vm1;
	vm7 =	vmand vm7, vm14  }
0x31a: {  	vm15 =	veq.s32 v48, v58;
	v58 =	vld.idx.msk [tilespmem:v46+s19+$0x0], $0xffff;
	vm0 =	vmor vm0, vm7;
	vm7 =	vnez.u8 v59  }
0x31b: {  	vm1 =	vmand vm15, vm7;
	vm15 =	veq.s32 v48, v60;
	v60 =	vld [tilespmem:$0x1FFF0]  }
0x31c: {  	vm0 =	vmor vm0, vm1;
	vm1 =	vmand vm15, vm6;
	vm15 =	veq.s32 v48, v61  }
0x31d: {  	vm0 =	vmor vm0, vm1;
	vm1 =	vmand vm15, vm5;
	vm15 =	veq.s32 v48, v62  }
0x31e: {  	vm0 =	vmor vm0, vm1;
	vm1 =	vmand vm15, vm4  }
0x31f: {  	vm15 =	veq.s32 v48, v57;
	vm0 =	vmor vm0, vm1  }
0x320: {  	vm1 =	vmand vm15, vm8;
	vm8 =	veq.s32 v48, v58;
	vm14 =	vnez.u8 v60  }
0x321: {  	vm0 =	vmor vm0, vm1;
	vm15 =	vmand vm8, vm14  }
0x322: {  	vm0 =	vmor vm0, vm15  }
0x323: {  	vm0 =	vmneg vm0;
	_ =	sdelay $0x5  }
0x324: {  	[tilespmem:v48+s20+$0x0] =	vst.idx.msk vm0, v19  }
0x325: {  	v48 =	vld [tilespmem:$0x140];
	_ =	sdelay $0x4  }
0x326: {  	[tilespmem:$0x10600] =	vst v48  }
0x327: {  	v61 =	vld.idx.msk [tilespmem:v33+s19+$0x0], $0xffff  }
0x328: {  	v62 =	vld.idx.msk [tilespmem:v34+s19+$0x0], $0xffff  }
0x329: {  	v63 =	vld.idx.msk [tilespmem:v35+s19+$0x0], $0xffff  }
0x32a: {  	v57 =	vld.idx.msk [tilespmem:v36+s19+$0x0], $0xffff  }
0x32b: {  	v58 =	vld.idx.msk [tilespmem:v37+s19+$0x0], $0xffff  }
0x32c: {  	v59 =	vld.idx.msk [tilespmem:v38+s19+$0x0], $0xffff  }
0x32d: {  	v60 =	vld.idx.msk [tilespmem:v39+s19+$0x0], $0xffff;
	vm8 =	veq.s32 v48, v61;
	vm15 =	veq.s32 v48, v62  }
0x32e: {  	vm0 =	vmand vm8, vm2;
	vm1 =	vmand vm15, vm12;
	vm8 =	veq.s32 v48, v63  }
0x32f: {  	vm15 =	veq.s32 v48, v57;
	vm0 =	vmor vm0, vm1;
	vm1 =	vmand vm8, vm13  }
0x330: {  	vm0 =	vmor vm0, vm1;
	vm1 =	vmand vm15, vm3;
	vm15 =	veq.s32 v48, v58  }
0x331: {  	v61 =	vld.idx.msk [tilespmem:v40+s19+$0x0], $0xffff;
	vm0 =	vmor vm0, vm1;
	vm1 =	vmand vm15, vm11;
	vm15 =	veq.s32 v48, v59  }
0x332: {  	vm0 =	vmor vm0, vm1;
	vm1 =	vmand vm15, vm9;
	vm15 =	veq.s32 v48, v60;
	v60 =	vld [tilespmem:$0x1FF80]  }
0x333: {  	v62 =	vld.idx.msk [tilespmem:v41+s19+$0x0], $0xffff;
	_ =	sdelay $0x2  }
0x334: {  	vm8 =	vmmov vm13;
	vm0 =	vmor vm0, vm1  }
0x335: {  	v56 =	vld [tilespmem:$0x1FFE0];
	vm1 =	vmand vm15, vm10;
	vm15 =	veq.s32 v48, v61;
	vm13 =	vnez.u8 v60  }
0x336: {  	vm0 =	vmor vm0, vm1;
	vm1 =	vmand vm15, vm13;
	vm15 =	veq.s32 v48, v62;
	v62 =	vld [tilespmem:$0x1FF90]  }
0x337: {  	v63 =	vld.idx.msk [tilespmem:v42+s19+$0x0], $0xffff  }
0x338: {  	v57 =	vld.idx.msk [tilespmem:v43+s19+$0x0], $0xffff  }
0x339: {  	v58 =	vld.idx.msk [tilespmem:v44+s19+$0x0], $0xffff  }
0x33a: {  	v59 =	vld.idx.msk [tilespmem:v45+s19+$0x0], $0xffff  }
0x33b: {  	v61 =	vld.idx.msk [tilespmem:v47+s19+$0x0], $0xffff;
	vm0 =	vmor vm0, vm1;
	vm12 =	vnez.u8 v62  }
0x33c: {  	vm1 =	vmand vm15, vm12;
	vm15 =	veq.s32 v48, v63;
	v63 =	vld.idx.msk [tilespmem:v46+s19+$0x0], $0xffff;
	vm12 =	vnez.u8 v56  }
0x33d: {  	vm0 =	vmor vm0, vm1;
	vm1 =	vmand vm15, vm7;
	vm15 =	veq.s32 v48, v57  }
0x33e: {  	vm0 =	vmor vm0, vm1;
	vm1 =	vmand vm15, vm6;
	vm15 =	veq.s32 v48, v58  }
0x33f: {  	vm0 =	vmor vm0, vm1;
	vm1 =	vmand vm15, vm5;
	vm15 =	veq.s32 v48, v59  }
0x340: {  	vm0 =	vmor vm0, vm1;
	vm1 =	vmand vm15, vm4;
	vm15 =	veq.s32 v48, v61  }
0x341: {  	vm0 =	vmor vm0, vm1;
	vm1 =	vmand vm15, vm12;
	vm15 =	veq.s32 v48, v63  }
0x342: {  	vm0 =	vmor vm0, vm1;
	vm15 =	vmand vm15, vm14  }
0x343: {  	vm0 =	vmor vm0, vm15  }
0x344: {  	vm0 =	vmneg vm0;
	_ =	sdelay $0x5  }
0x345: {  	[tilespmem:v48+s20+$0x0] =	vst.idx.msk vm0, v20  }
0x346: {  	v48 =	vld [tilespmem:$0x150];
	_ =	sdelay $0x4  }
0x347: {  	v56 =	vld [tilespmem:$0x1FF20];
	[tilespmem:$0x10600] =	vst v48  }
0x348: {  	v57 =	vld.idx.msk [tilespmem:v33+s19+$0x0], $0xffff  }
0x349: {  	v58 =	vld.idx.msk [tilespmem:v34+s19+$0x0], $0xffff  }
0x34a: {  	v59 =	vld.idx.msk [tilespmem:v35+s19+$0x0], $0xffff  }
0x34b: {  	v60 =	vld.idx.msk [tilespmem:v36+s19+$0x0], $0xffff  }
0x34c: {  	v61 =	vld.idx.msk [tilespmem:v37+s19+$0x0], $0xffff  }
0x34d: {  	vm12 =	vmmov vm14;
	v62 =	vld.idx.msk [tilespmem:v38+s19+$0x0], $0xffff;
	vm14 =	veq.s32 v48, v57  }
0x34e: {  	v63 =	vld.idx.msk [tilespmem:v39+s19+$0x0], $0xffff;
	vm15 =	veq.s32 v48, v58;
	vm0 =	vmand vm14, vm2;
	vm2 =	vnez.u8 v56  }
0x34f: {  	v57 =	vld.idx.msk [tilespmem:v40+s19+$0x0], $0xffff;
	vm1 =	vmand vm15, vm2;
	vm15 =	veq.s32 v48, v59  }
0x350: {  	vm0 =	vmor vm0, vm1;
	vm1 =	vmand vm15, vm8;
	vm8 =	veq.s32 v48, v60  }
0x351: {  	vm0 =	vmor vm0, vm1;
	vm1 =	vmand vm8, vm3;
	vm8 =	veq.s32 v48, v61  }
0x352: {  	vm0 =	vmor vm0, vm1;
	vm1 =	vmand vm8, vm11;
	vm8 =	veq.s32 v48, v62  }
0x353: {  	v58 =	vld.idx.msk [tilespmem:v41+s19+$0x0], $0xffff;
	vm0 =	vmor vm0, vm1;
	vm1 =	vmand vm8, vm9;
	vm8 =	veq.s32 v48, v63  }
0x354: {  	vm0 =	vmor vm0, vm1;
	vm1 =	vmand vm8, vm10;
	vm8 =	veq.s32 v48, v57;
	v57 =	vld [tilespmem:$0x1FF90]  }
0x355: {  	v59 =	vld.idx.msk [tilespmem:v42+s19+$0x0], $0xffff  }
0x356: {  	v60 =	vld.idx.msk [tilespmem:v43+s19+$0x0], $0xffff  }
0x357: {  	v61 =	vld.idx.msk [tilespmem:v44+s19+$0x0], $0xffff  }
0x358: {  	v62 =	vld.idx.msk [tilespmem:v45+s19+$0x0], $0xffff;
	vm0 =	vmor vm0, vm1  }
0x359: {  	v63 =	vld.idx.msk [tilespmem:v47+s19+$0x0], $0xffff;
	vm1 =	vmand vm8, vm13;
	vm8 =	veq.s32 v48, v58;
	vm14 =	vnez.u8 v57  }
0x35a: {  	vm0 =	vmor vm0, vm1;
	vm1 =	vmand vm8, vm14;
	vm8 =	veq.s32 v48, v59;
	v59 =	vld [tilespmem:$0x1FFE0]  }
0x35b: {  	v58 =	vld.idx.msk [tilespmem:v46+s19+$0x0], $0xffff;
	vm0 =	vmor vm0, vm1;
	vm1 =	vmand vm8, vm7;
	vm8 =	veq.s32 v48, v60  }
0x35c: {  	vm0 =	vmor vm0, vm1;
	vm1 =	vmand vm8, vm6;
	vm8 =	veq.s32 v48, v61  }
0x35d: {  	vm0 =	vmor vm0, vm1;
	vm1 =	vmand vm8, vm5;
	vm8 =	veq.s32 v48, v62  }
0x35e: {  	vm0 =	vmor vm0, vm1;
	vm8 =	vmand vm8, vm4  }
0x35f: {  	vm15 =	veq.s32 v48, v63;
	vm0 =	vmor vm0, vm8;
	vm8 =	vnez.u8 v59  }
0x360: {  	vm1 =	vmand vm15, vm8;
	vm15 =	veq.s32 v48, v58  }
0x361: {  	vm0 =	vmor vm0, vm1;
	vm15 =	vmand vm15, vm12  }
0x362: {  	vm0 =	vmor vm0, vm15  }
0x363: {  	vm0 =	vmneg vm0;
	_ =	sdelay $0x5  }
0x364: {  	[tilespmem:v48+s20+$0x0] =	vst.idx.msk vm0, v21  }
0x365: {  	v48 =	vld [tilespmem:$0x160];
	_ =	sdelay $0x4  }
0x366: {  	[tilespmem:$0x10600] =	vst v48  }
0x367: {  	v61 =	vld.idx.msk [tilespmem:v34+s19+$0x0], $0xffff;
	_ =	sdelay $0x1  }
0x368: {  	v59 =	vld [tilespmem:$0x1FF10]  }
0x369: {  	v60 =	vld.idx.msk [tilespmem:v33+s19+$0x0], $0xffff  }
0x36a: {  	v62 =	vld.idx.msk [tilespmem:v35+s19+$0x0], $0xffff  }
0x36b: {  	vm1 =	veq.s32 v48, v61;
	v61 =	vld [tilespmem:$0x1FF30]  }
0x36c: {  	v63 =	vld.idx.msk [tilespmem:v36+s19+$0x0], $0xffff;
	_ =	sdelay $0x1  }
0x36d: {  	vm3 =	vmmov vm12  }
0x36e: {  	vm12 =	vnez.u8 v59;
	vm0 =	veq.s32 v48, v60;
	vm15 =	veq.s32 v48, v62  }
0x36f: {  	vm0 =	vmand vm0, vm12;
	vm1 =	vmand vm1, vm2;
	vm12 =	vnez.u8 v61  }
0x370: {  	vm0 =	vmor vm0, vm1;
	vm1 =	vmand vm15, vm12;
	vm15 =	veq.s32 v48, v63;
	v63 =	vld [tilespmem:$0x1FF40]  }
0x371: {  	v53 =	vld.idx.msk [tilespmem:v37+s19+$0x0], $0xffff;
	_ =	sdelay $0x1  }
0x372: {  	v57 =	vld.idx.msk [tilespmem:v38+s19+$0x0], $0xffff  }
0x373: {  	v58 =	vld.idx.msk [tilespmem:v39+s19+$0x0], $0xffff  }
0x374: {  	v60 =	vld.idx.msk [tilespmem:v40+s19+$0x0], $0xffff;
	vm12 =	vnez.u8 v63  }
0x375: {  	v62 =	vld.idx.msk [tilespmem:v41+s19+$0x0], $0xffff;
	vm0 =	vmor vm0, vm1;
	vm1 =	vmand vm15, vm12;
	vm15 =	veq.s32 v48, v53  }
0x376: {  	v56 =	vld.idx.msk [tilespmem:v42+s19+$0x0], $0xffff;
	vm0 =	vmor vm0, vm1;
	vm1 =	vmand vm15, vm11  }
0x377: {  	vm11 =	veq.s32 v48, v57;
	v57 =	vld.idx.msk [tilespmem:v43+s19+$0x0], $0xffff;
	vm0 =	vmor vm0, vm1  }
0x378: {  	vm1 =	vmand vm11, vm9;
	vm11 =	vmmov vm9;
	vm9 =	veq.s32 v48, v58;
	v58 =	vld.idx.msk [tilespmem:v44+s19+$0x0], $0xffff  }
0x379: {  	vm0 =	vmor vm0, vm1;
	vm1 =	vmand vm9, vm10;
	vm9 =	veq.s32 v48, v60  }
0x37a: {  	v59 =	vld.idx.msk [tilespmem:v45+s19+$0x0], $0xffff;
	vm0 =	vmor vm0, vm1;
	vm1 =	vmand vm9, vm13;
	vm9 =	veq.s32 v48, v62  }
0x37b: {  	v60 =	vld.idx.msk [tilespmem:v47+s19+$0x0], $0xffff;
	vm0 =	vmor vm0, vm1;
	vm1 =	vmand vm9, vm14;
	vm9 =	veq.s32 v48, v56  }
0x37c: {  	v61 =	vld.idx.msk [tilespmem:v46+s19+$0x0], $0xffff;
	vm0 =	vmor vm0, vm1;
	vm1 =	vmand vm9, vm7;
	vm9 =	veq.s32 v48, v57  }
0x37d: {  	vm0 =	vmor vm0, vm1;
	vm9 =	vmand vm9, vm6;
	vm6 =	veq.s32 v48, v58  }
0x37e: {  	vm0 =	vmor vm0, vm9;
	vm1 =	vmand vm6, vm5  }
0x37f: {  	vm6 =	vmmov vm5;
	vm9 =	veq.s32 v48, v59;
	vm0 =	vmor vm0, vm1  }
0x380: {  	vm5 =	vmand vm9, vm4;
	vm9 =	vmmov vm4;
	vm4 =	veq.s32 v48, v60  }
0x381: {  	vm0 =	vmor vm0, vm5;
	vm5 =	vmand vm4, vm8;
	vm4 =	veq.s32 v48, v61  }
0x382: {  	vm0 =	vmor vm0, vm5;
	vm5 =	vmand vm4, vm3  }
0x383: {  	vm0 =	vmor vm0, vm5  }
0x384: {  	vm0 =	vmneg vm0;
	_ =	sdelay $0x5  }
0x385: {  	[tilespmem:v48+s20+$0x0] =	vst.idx.msk vm0, v22  }
0x386: {  	v48 =	vld [tilespmem:$0x170];
	_ =	sdelay $0x4  }
0x387: {  	v55 =	vld [tilespmem:$0x1FF30];
	[tilespmem:$0x10600] =	vst v48  }
0x388: {  	v62 =	vld.idx.msk [tilespmem:v33+s19+$0x0], $0xffff  }
0x389: {  	v63 =	vld.idx.msk [tilespmem:v34+s19+$0x0], $0xffff  }
0x38a: {  	v57 =	vld.idx.msk [tilespmem:v35+s19+$0x0], $0xffff  }
0x38b: {  	v58 =	vld.idx.msk [tilespmem:v36+s19+$0x0], $0xffff;
	_ =	sdelay $0x1  }
0x38c: {  	vm0 =	veq.s32 v48, v62;
	v62 =	vld [tilespmem:$0x1FF10]  }
0x38d: {  	vm15 =	veq.s32 v48, v63  }
0x38e: {  	vm4 =	vnez.u8 v55;
	v59 =	vld.idx.msk [tilespmem:v37+s19+$0x0], $0xffff;
	vm1 =	vmand vm15, vm2;
	vm15 =	veq.s32 v48, v57  }
0x38f: {  	vm5 =	vmand vm15, vm4;
	vm15 =	veq.s32 v48, v58;
	v58 =	vld [tilespmem:$0x1FF50]  }
0x390: {  	v60 =	vld.idx.msk [tilespmem:v38+s19+$0x0], $0xffff  }
0x391: {  	v61 =	vld.idx.msk [tilespmem:v39+s19+$0x0], $0xffff;
	vm3 =	vnez.u8 v62  }
0x392: {  	v63 =	vld.idx.msk [tilespmem:v40+s19+$0x0], $0xffff;
	vm0 =	vmand vm0, vm3  }
0x393: {  	v56 =	vld.idx.msk [tilespmem:v41+s19+$0x0], $0xffff;
	vm0 =	vmor vm0, vm1;
	vm1 =	vmand vm15, vm12;
	vm15 =	veq.s32 v48, v59  }
0x394: {  	vm0 =	vmor vm0, vm5;
	vm5 =	vmmov vm12;
	vm12 =	vnez.u8 v58  }
0x395: {  	vm0 =	vmor vm0, vm1;
	vm1 =	vmand vm15, vm12;
	vm15 =	veq.s32 v48, v60  }
0x396: {  	v57 =	vld.idx.msk [tilespmem:v42+s19+$0x0], $0xffff;
	vm0 =	vmor vm0, vm1;
	vm1 =	vmand vm15, vm11;
	vm15 =	veq.s32 v48, v61  }
0x397: {  	v59 =	vld.idx.msk [tilespmem:v43+s19+$0x0], $0xffff;
	vm0 =	vmor vm0, vm1;
	vm1 =	vmand vm15, vm10;
	vm15 =	veq.s32 v48, v63  }
0x398: {  	vm0 =	vmor vm0, vm1;
	vm1 =	vmand vm15, vm13;
	vm15 =	veq.s32 v48, v56;
	v56 =	vld [tilespmem:$0x1FFB0]  }
0x399: {  	v60 =	vld.idx.msk [tilespmem:v44+s19+$0x0], $0xffff  }
0x39a: {  	v61 =	vld.idx.msk [tilespmem:v45+s19+$0x0], $0xffff  }
0x39b: {  	v62 =	vld.idx.msk [tilespmem:v47+s19+$0x0], $0xffff;
	vm0 =	vmor vm0, vm1;
	vm1 =	vmand vm15, vm14;
	vm15 =	veq.s32 v48, v57  }
0x39c: {  	v63 =	vld.idx.msk [tilespmem:v46+s19+$0x0], $0xffff;
	vm0 =	vmor vm0, vm1;
	vm7 =	vmand vm15, vm7  }
0x39d: {  	v57 =	vld [tilespmem:$0x1FFF0];
	vm15 =	veq.s32 v48, v59;
	vm0 =	vmor vm0, vm7;
	vm7 =	vnez.u8 v56  }
0x39e: {  	vm1 =	vmand vm15, vm7;
	vm15 =	veq.s32 v48, v60  }
0x39f: {  	vm0 =	vmor vm0, vm1;
	vm1 =	vmand vm15, vm6;
	vm15 =	veq.s32 v48, v61  }
0x3a0: {  	vm0 =	vmor vm0, vm1;
	vm1 =	vmand vm15, vm9;
	vm15 =	veq.s32 v48, v62  }
0x3a1: {  	vm0 =	vmor vm0, vm1;
	vm8 =	vmand vm15, vm8  }
0x3a2: {  	vm15 =	veq.s32 v48, v63;
	vm0 =	vmor vm0, vm8;
	vm8 =	vnez.u8 v57  }
0x3a3: {  	vm15 =	vmand vm15, vm8  }
0x3a4: {  	vm0 =	vmor vm0, vm15  }
0x3a5: {  	vm0 =	vmneg vm0;
	_ =	sdelay $0x5  }
0x3a6: {  	[tilespmem:v48+s20+$0x0] =	vst.idx.msk vm0, v23  }
0x3a7: {  	v48 =	vld [tilespmem:$0x180];
	_ =	sdelay $0x4  }
0x3a8: {  	[tilespmem:$0x10600] =	vst v48  }
0x3a9: {  	v58 =	vld.idx.msk [tilespmem:v33+s19+$0x0], $0xffff  }
0x3aa: {  	v59 =	vld.idx.msk [tilespmem:v34+s19+$0x0], $0xffff  }
0x3ab: {  	v60 =	vld.idx.msk [tilespmem:v35+s19+$0x0], $0xffff  }
0x3ac: {  	v61 =	vld.idx.msk [tilespmem:v36+s19+$0x0], $0xffff  }
0x3ad: {  	v62 =	vld.idx.msk [tilespmem:v37+s19+$0x0], $0xffff  }
0x3ae: {  	v63 =	vld.idx.msk [tilespmem:v38+s19+$0x0], $0xffff  }
0x3af: {  	v57 =	vld.idx.msk [tilespmem:v39+s19+$0x0], $0xffff;
	vm0 =	veq.s32 v48, v58;
	vm15 =	veq.s32 v48, v59  }
0x3b0: {  	vm0 =	vmand vm0, vm3;
	vm1 =	vmand vm15, vm2;
	vm15 =	veq.s32 v48, v60  }
0x3b1: {  	v59 =	vld.idx.msk [tilespmem:v41+s19+$0x0], $0xffff;
	vm0 =	vmor vm0, vm1;
	vm1 =	vmand vm15, vm4;
	vm4 =	veq.s32 v48, v61  }
0x3b2: {  	vm0 =	vmor vm0, vm1;
	vm5 =	vmand vm4, vm5;
	vm4 =	veq.s32 v48, v62  }
0x3b3: {  	v58 =	vld.idx.msk [tilespmem:v40+s19+$0x0], $0xffff;
	vm0 =	vmor vm0, vm5;
	vm5 =	vmand vm4, vm12;
	vm4 =	veq.s32 v48, v63  }
0x3b4: {  	vm0 =	vmor vm0, vm5;
	vm5 =	vmand vm4, vm11;
	vm4 =	veq.s32 v48, v57  }
0x3b5: {  	v60 =	vld.idx.msk [tilespmem:v42+s19+$0x0], $0xffff;
	vm0 =	vmor vm0, vm5;
	vm5 =	vmand vm4, vm10  }
0x3b6: {  	vm0 =	vmor vm0, vm5;
	vm5 =	veq.s32 v48, v59;
	v59 =	vld [tilespmem:$0x1FFA0]  }
0x3b7: {  	v61 =	vld.idx.msk [tilespmem:v43+s19+$0x0], $0xffff  }
0x3b8: {  	v62 =	vld.idx.msk [tilespmem:v44+s19+$0x0], $0xffff;
	vm12 =	vmmov vm11;
	vm11 =	veq.s32 v48, v58  }
0x3b9: {  	v63 =	vld.idx.msk [tilespmem:v45+s19+$0x0], $0xffff;
	vm4 =	vmand vm11, vm13  }
0x3ba: {  	v57 =	vld.idx.msk [tilespmem:v47+s19+$0x0], $0xffff;
	vm0 =	vmor vm0, vm4  }
0x3bb: {  	vm11 =	vmand vm5, vm14;
	vm4 =	veq.s32 v48, v60;
	v60 =	vld [tilespmem:$0x1FFE0];
	vm5 =	vnez.u8 v59  }
0x3bc: {  	v58 =	vld.idx.msk [tilespmem:v46+s19+$0x0], $0xffff;
	vm0 =	vmor vm0, vm11;
	vm11 =	veq.s32 v48, v61;
	vm1 =	vmand vm4, vm5  }
0x3bd: {  	vm4 =	vmand vm11, vm7;
	vm5 =	veq.s32 v48, v62;
	vm0 =	vmor vm0, vm1  }
0x3be: {  	vm11 =	vmand vm5, vm6;
	vm0 =	vmor vm0, vm4  }
0x3bf: {  	vm4 =	veq.s32 v48, v63;
	vm0 =	vmor vm0, vm11  }
0x3c0: {  	vm5 =	vmand vm4, vm9;
	vm11 =	veq.s32 v48, v57;
	vm4 =	vnez.u8 v60  }
0x3c1: {  	vm0 =	vmor vm0, vm5;
	vm11 =	vmand vm11, vm4;
	vm5 =	veq.s32 v48, v58  }
0x3c2: {  	vm0 =	vmor vm0, vm11;
	vm11 =	vmand vm5, vm8  }
0x3c3: {  	vm0 =	vmor vm0, vm11  }
0x3c4: {  	vm0 =	vmneg vm0;
	_ =	sdelay $0x5  }
0x3c5: {  	[tilespmem:v48+s20+$0x0] =	vst.idx.msk vm0, v24  }
0x3c6: {  	v48 =	vld [tilespmem:$0x190];
	_ =	sdelay $0x4  }
0x3c7: {  	[tilespmem:$0x10600] =	vst v48  }
0x3c8: {  	v62 =	vld.idx.msk [tilespmem:v34+s19+$0x0], $0xffff;
	_ =	sdelay $0x2  }
0x3c9: {  	v61 =	vld.idx.msk [tilespmem:v33+s19+$0x0], $0xffff  }
0x3ca: {  	v63 =	vld.idx.msk [tilespmem:v35+s19+$0x0], $0xffff  }
0x3cb: {  	vm5 =	veq.s32 v48, v62;
	v62 =	vld [tilespmem:$0x1FF30]  }
0x3cc: {  	v56 =	vld [tilespmem:$0x1FF40]  }
0x3cd: {  	v57 =	vld.idx.msk [tilespmem:v36+s19+$0x0], $0xffff  }
0x3ce: {  	v58 =	vld.idx.msk [tilespmem:v37+s19+$0x0], $0xffff  }
0x3cf: {  	vm15 =	veq.s32 v48, v61;
	vm8 =	veq.s32 v48, v63  }
0x3d0: {  	vm0 =	vmand vm15, vm3;
	vm1 =	vmand vm5, vm2;
	vm5 =	vnez.u8 v62  }
0x3d1: {  	v59 =	vld.idx.msk [tilespmem:v38+s19+$0x0], $0xffff;
	vm0 =	vmor vm0, vm1;
	vm11 =	vmand vm8, vm5  }
0x3d2: {  	v60 =	vld.idx.msk [tilespmem:v39+s19+$0x0], $0xffff;
	vm15 =	veq.s32 v48, v57;
	vm0 =	vmor vm0, vm11;
	vm11 =	vnez.u8 v56  }
0x3d3: {  	vm8 =	vmand vm15, vm11;
	vm15 =	veq.s32 v48, v58;
	v58 =	vld [tilespmem:$0x1FF50]  }
0x3d4: {  	v57 =	vld.idx.msk [tilespmem:v42+s19+$0x0], $0xffff  }
0x3d5: {  	v61 =	vld.idx.msk [tilespmem:v40+s19+$0x0], $0xffff  }
0x3d6: {  	v63 =	vld.idx.msk [tilespmem:v41+s19+$0x0], $0xffff  }
0x3d7: {  	v62 =	vld.idx.msk [tilespmem:v47+s19+$0x0], $0xffff  }
0x3d8: {  	vm0 =	vmor vm0, vm8;
	vm8 =	vnez.u8 v58;
	v58 =	vld [tilespmem:$0x1FFF0]  }
0x3d9: {  	vm1 =	vmand vm15, vm8;
	vm8 =	veq.s32 v48, v59;
	vm15 =	veq.s32 v48, v57;
	v57 =	vld [tilespmem:$0x1FFA0]  }
0x3da: {  	v59 =	vld.idx.msk [tilespmem:v43+s19+$0x0], $0xffff;
	vm0 =	vmor vm0, vm1;
	vm1 =	vmand vm8, vm12;
	vm8 =	veq.s32 v48, v60  }
0x3db: {  	v60 =	vld.idx.msk [tilespmem:v44+s19+$0x0], $0xffff;
	vm0 =	vmor vm0, vm1;
	vm10 =	vmand vm8, vm10;
	vm8 =	veq.s32 v48, v61  }
0x3dc: {  	v61 =	vld.idx.msk [tilespmem:v45+s19+$0x0], $0xffff;
	vm0 =	vmor vm0, vm10;
	vm10 =	vmand vm8, vm13;
	vm8 =	veq.s32 v48, v63  }
0x3dd: {  	vm0 =	vmor vm0, vm10;
	vm10 =	vmand vm8, vm14  }
0x3de: {  	v63 =	vld.idx.msk [tilespmem:v46+s19+$0x0], $0xffff;
	vm13 =	vnez.u8 v58;
	vm0 =	vmor vm0, vm10;
	vm10 =	vnez.u8 v57  }
0x3df: {  	vm8 =	veq.s32 v48, v59;
	vm1 =	vmand vm15, vm10;
	vm15 =	veq.s32 v48, v62  }
0x3e0: {  	vm0 =	vmor vm0, vm1;
	vm1 =	vmand vm8, vm7;
	vm8 =	veq.s32 v48, v60  }
0x3e1: {  	vm0 =	vmor vm0, vm1;
	vm1 =	vmand vm8, vm6;
	vm8 =	veq.s32 v48, v61  }
0x3e2: {  	vm0 =	vmor vm0, vm1;
	vm8 =	vmand vm8, vm9;
	vm1 =	vmand vm15, vm4  }
0x3e3: {  	vm0 =	vmor vm0, vm8;
	vm8 =	vmmov vm4;
	vm4 =	veq.s32 v48, v63  }
0x3e4: {  	vm0 =	vmor vm0, vm1;
	vm14 =	vmand vm4, vm13  }
0x3e5: {  	vm0 =	vmor vm0, vm14  }
0x3e6: {  	vm0 =	vmneg vm0;
	_ =	sdelay $0x5  }
0x3e7: {  	[tilespmem:v48+s20+$0x0] =	vst.idx.msk vm0, v25  }
0x3e8: {  	v48 =	vld [tilespmem:$0x1A0];
	_ =	sdelay $0x4  }
0x3e9: {  	[tilespmem:$0x10600] =	vst v48  }
0x3ea: {  	v59 =	vld.idx.msk [tilespmem:v33+s19+$0x0], $0xffff  }
0x3eb: {  	v60 =	vld.idx.msk [tilespmem:v34+s19+$0x0], $0xffff  }
0x3ec: {  	v61 =	vld.idx.msk [tilespmem:v35+s19+$0x0], $0xffff;
	_ =	sdelay $0x1  }
0x3ed: {  	v62 =	vld.idx.msk [tilespmem:v36+s19+$0x0], $0xffff  }
0x3ee: {  	v57 =	vld.idx.msk [tilespmem:v38+s19+$0x0], $0xffff  }
0x3ef: {  	v63 =	vld.idx.msk [tilespmem:v37+s19+$0x0], $0xffff;
	vm15 =	veq.s32 v48, v59  }
0x3f0: {  	vm4 =	veq.s32 v48, v60;
	vm0 =	vmand vm15, vm3;
	vm15 =	veq.s32 v48, v61;
	v61 =	vld [tilespmem:$0x1FF50]  }
0x3f1: {  	v58 =	vld.idx.msk [tilespmem:v39+s19+$0x0], $0xffff;
	vm1 =	vmand vm4, vm2  }
0x3f2: {  	vm4 =	vmmov vm5;
	vm5 =	vmand vm15, vm5;
	vm15 =	veq.s32 v48, v62;
	v62 =	vld [tilespmem:$0x1FF60]  }
0x3f3: {  	vm0 =	vmor vm0, vm1;
	vm1 =	vmand vm15, vm11;
	vm15 =	veq.s32 v48, v57;
	v57 =	vld [tilespmem:$0x1FF70]  }
0x3f4: {  	v59 =	vld.idx.msk [tilespmem:v40+s19+$0x0], $0xffff;
	vm0 =	vmor vm0, vm5  }
0x3f5: {  	vm5 =	vmmov vm11;
	vm11 =	veq.s32 v48, v63;
	vm12 =	vnez.u8 v61  }
0x3f6: {  	vm0 =	vmor vm0, vm1;
	vm11 =	vmand vm11, vm12  }
0x3f7: {  	vm0 =	vmor vm0, vm11;
	vm11 =	vnez.u8 v62  }
0x3f8: {  	vm14 =	vnez.u8 v57;
	vm1 =	vmand vm15, vm11;
	vm15 =	veq.s32 v48, v58  }
0x3f9: {  	vm0 =	vmor vm0, vm1;
	vm1 =	vmand vm15, vm14;
	vm15 =	veq.s32 v48, v59;
	v59 =	vld [tilespmem:$0x1FF80]  }
0x3fa: {  	v60 =	vld.idx.msk [tilespmem:v41+s19+$0x0], $0xffff  }
0x3fb: {  	v61 =	vld [tilespmem:$0x1FF90]  }
0x3fc: {  	v52 =	vld.idx.msk [tilespmem:v42+s19+$0x0], $0xffff  }
0x3fd: {  	v53 =	vld.idx.msk [tilespmem:v43+s19+$0x0], $0xffff  }
0x3fe: {  	v63 =	vld.idx.msk [tilespmem:v44+s19+$0x0], $0xffff;
	vm14 =	vnez.u8 v59  }
0x3ff: {  	v58 =	vld.idx.msk [tilespmem:v45+s19+$0x0], $0xffff;
	vm0 =	vmor vm0, vm1;
	vm1 =	vmand vm15, vm14  }
0x400: {  	vm15 =	veq.s32 v48, v60;
	v60 =	vld.idx.msk [tilespmem:v47+s19+$0x0], $0xffff;
	vm0 =	vmor vm0, vm1;
	vm1 =	vnez.u8 v61  }
0x401: {  	v62 =	vld.idx.msk [tilespmem:v46+s19+$0x0], $0xffff;
	vm1 =	vmand vm15, vm1;
	vm15 =	veq.s32 v48, v52  }
0x402: {  	vm0 =	vmor vm0, vm1;
	vm1 =	vmand vm15, vm10;
	vm15 =	veq.s32 v48, v53  }
0x403: {  	vm0 =	vmor vm0, vm1;
	vm1 =	vmand vm15, vm7;
	vm15 =	veq.s32 v48, v63  }
0x404: {  	vm0 =	vmor vm0, vm1;
	vm1 =	vmand vm15, vm6;
	vm15 =	veq.s32 v48, v58  }
0x405: {  	vm0 =	vmor vm0, vm1;
	vm1 =	vmand vm15, vm9;
	vm15 =	veq.s32 v48, v60  }
0x406: {  	vm0 =	vmor vm0, vm1;
	vm1 =	vmand vm15, vm8;
	vm15 =	veq.s32 v48, v62  }
0x407: {  	vm0 =	vmor vm0, vm1;
	vm15 =	vmand vm15, vm13  }
0x408: {  	vm0 =	vmor vm0, vm15  }
0x409: {  	vm0 =	vmneg vm0;
	_ =	sdelay $0x5  }
0x40a: {  	[tilespmem:v48+s20+$0x0] =	vst.idx.msk vm0, v26  }
0x40b: {  	v48 =	vld [tilespmem:$0x1B0];
	_ =	sdelay $0x4  }
0x40c: {  	[tilespmem:$0x10600] =	vst v48  }
0x40d: {  	v63 =	vld.idx.msk [tilespmem:v33+s19+$0x0], $0xffff  }
0x40e: {  	v57 =	vld.idx.msk [tilespmem:v34+s19+$0x0], $0xffff  }
0x40f: {  	v58 =	vld.idx.msk [tilespmem:v35+s19+$0x0], $0xffff  }
0x410: {  	v59 =	vld.idx.msk [tilespmem:v36+s19+$0x0], $0xffff  }
0x411: {  	v60 =	vld.idx.msk [tilespmem:v37+s19+$0x0], $0xffff  }
0x412: {  	v61 =	vld.idx.msk [tilespmem:v38+s19+$0x0], $0xffff  }
0x413: {  	vm0 =	veq.s32 v48, v63;
	vm15 =	veq.s32 v48, v57  }
0x414: {  	vm0 =	vmand vm0, vm3;
	vm1 =	vmand vm15, vm2;
	vm15 =	veq.s32 v48, v58  }
0x415: {  	vm0 =	vmor vm0, vm1;
	vm1 =	vmand vm15, vm4;
	vm4 =	veq.s32 v48, v59  }
0x416: {  	v62 =	vld.idx.msk [tilespmem:v39+s19+$0x0], $0xffff;
	vm0 =	vmor vm0, vm1;
	vm1 =	vmand vm4, vm5;
	vm4 =	veq.s32 v48, v60  }
0x417: {  	vm0 =	vmor vm0, vm1;
	vm1 =	vmand vm4, vm12;
	vm4 =	veq.s32 v48, v61;
	v61 =	vld [tilespmem:$0x1FF70]  }
0x418: {  	v63 =	vld.idx.msk [tilespmem:v40+s19+$0x0], $0xffff  }
0x419: {  	v57 =	vld.idx.msk [tilespmem:v41+s19+$0x0], $0xffff;
	_ =	sdelay $0x1  }
0x41a: {  	vm3 =	vmmov vm2;
	vm12 =	vmmov vm11;
	vm0 =	vmor vm0, vm1  }
0x41b: {  	vm1 =	vmand vm4, vm11;
	vm4 =	veq.s32 v48, v62;
	vm2 =	vnez.u8 v61  }
0x41c: {  	vm0 =	vmor vm0, vm1;
	vm11 =	vmand vm4, vm2;
	vm4 =	veq.s32 v48, v63  }
0x41d: {  	vm0 =	vmor vm0, vm11;
	vm11 =	vmand vm4, vm14;
	vm4 =	veq.s32 v48, v57;
	v57 =	vld [tilespmem:$0x1FF90]  }
0x41e: {  	v58 =	vld.idx.msk [tilespmem:v42+s19+$0x0], $0xffff  }
0x41f: {  	v59 =	vld.idx.msk [tilespmem:v43+s19+$0x0], $0xffff  }
0x420: {  	v60 =	vld.idx.msk [tilespmem:v44+s19+$0x0], $0xffff  }
0x421: {  	v62 =	vld.idx.msk [tilespmem:v45+s19+$0x0], $0xffff  }
0x422: {  	v63 =	vld.idx.msk [tilespmem:v47+s19+$0x0], $0xffff;
	vm14 =	vnez.u8 v57  }
0x423: {  	vm0 =	vmor vm0, vm11;
	vm11 =	vmand vm4, vm14;
	vm4 =	veq.s32 v48, v58;
	v58 =	vld.idx.msk [tilespmem:v46+s19+$0x0], $0xffff  }
0x424: {  	vm0 =	vmor vm0, vm11;
	vm11 =	vmand vm4, vm10;
	vm4 =	veq.s32 v48, v59  }
0x425: {  	vm0 =	vmor vm0, vm11;
	vm11 =	vmand vm4, vm7;
	vm4 =	veq.s32 v48, v60  }
0x426: {  	vm0 =	vmor vm0, vm11;
	vm11 =	vmand vm4, vm6;
	vm4 =	veq.s32 v48, v62  }
0x427: {  	vm0 =	vmor vm0, vm11;
	vm11 =	vmand vm4, vm9;
	vm4 =	veq.s32 v48, v63  }
0x428: {  	vm0 =	vmor vm0, vm11;
	vm11 =	vmand vm4, vm8;
	vm4 =	veq.s32 v48, v58  }
0x429: {  	vm0 =	vmor vm0, vm11;
	vm11 =	vmand vm4, vm13  }
0x42a: {  	vm0 =	vmor vm0, vm11  }
0x42b: {  	vm0 =	vmneg vm0;
	_ =	sdelay $0x5  }
0x42c: {  	[tilespmem:v48+s20+$0x0] =	vst.idx.msk vm0, v27  }
0x42d: {  	v48 =	vld [tilespmem:$0x1C0];
	_ =	sdelay $0x4  }
0x42e: {  	[tilespmem:$0x10600] =	vst v48  }
0x42f: {  	v59 =	vld.idx.msk [tilespmem:v33+s19+$0x0], $0xffff;
	_ =	sdelay $0x4  }
0x430: {  	vm15 =	veq.s32 v48, v59;
	v59 =	vld [tilespmem:$0x1FF10]  }
0x431: {  	v61 =	vld.idx.msk [tilespmem:v35+s19+$0x0], $0xffff;
	_ =	sdelay $0x3  }
0x432: {  	v60 =	vld.idx.msk [tilespmem:v34+s19+$0x0], $0xffff;
	vm4 =	vnez.u8 v59  }
0x433: {  	vm0 =	vmand vm15, vm4;
	vm15 =	veq.s32 v48, v61;
	v61 =	vld [tilespmem:$0x1FF30]  }
0x434: {  	v62 =	vld.idx.msk [tilespmem:v36+s19+$0x0], $0xffff  }
0x435: {  	v56 =	vld [tilespmem:$0x1FF50]  }
0x436: {  	v63 =	vld.idx.msk [tilespmem:v37+s19+$0x0], $0xffff  }
0x437: {  	v57 =	vld.idx.msk [tilespmem:v38+s19+$0x0], $0xffff;
	vm11 =	veq.s32 v48, v60  }
0x438: {  	v58 =	vld.idx.msk [tilespmem:v39+s19+$0x0], $0xffff;
	vm1 =	vmand vm11, vm3;
	vm11 =	vnez.u8 v61  }
0x439: {  	v60 =	vld.idx.msk [tilespmem:v40+s19+$0x0], $0xffff;
	vm0 =	vmor vm0, vm1;
	vm1 =	vmand vm15, vm11;
	vm15 =	veq.s32 v48, v62  }
0x43a: {  	vm0 =	vmor vm0, vm1;
	vm1 =	vmand vm15, vm5  }
0x43b: {  	vm15 =	veq.s32 v48, v63;
	vm0 =	vmor vm0, vm1;
	vm1 =	vnez.u8 v56  }
0x43c: {  	vm1 =	vmand vm15, vm1;
	vm15 =	veq.s32 v48, v57  }
0x43d: {  	vm0 =	vmor vm0, vm1;
	vm1 =	vmand vm15, vm12;
	vm15 =	veq.s32 v48, v58  }
0x43e: {  	vm0 =	vmor vm0, vm1;
	vm1 =	vmand vm15, vm2;
	vm15 =	veq.s32 v48, v60;
	v60 =	vld [tilespmem:$0x1FF80]  }
0x43f: {  	v62 =	vld.idx.msk [tilespmem:v41+s19+$0x0], $0xffff  }
0x440: {  	v63 =	vld.idx.msk [tilespmem:v42+s19+$0x0], $0xffff  }
0x441: {  	v57 =	vld.idx.msk [tilespmem:v43+s19+$0x0], $0xffff  }
0x442: {  	v58 =	vld.idx.msk [tilespmem:v44+s19+$0x0], $0xffff  }
0x443: {  	v59 =	vld.idx.msk [tilespmem:v45+s19+$0x0], $0xffff;
	vm12 =	vnez.u8 v60  }
0x444: {  	v61 =	vld.idx.msk [tilespmem:v47+s19+$0x0], $0xffff;
	vm0 =	vmor vm0, vm1;
	vm1 =	vmand vm15, vm12;
	vm15 =	veq.s32 v48, v62  }
0x445: {  	v62 =	vld.idx.msk [tilespmem:v46+s19+$0x0], $0xffff;
	vm0 =	vmor vm0, vm1;
	vm1 =	vmand vm15, vm14;
	vm15 =	veq.s32 v48, v63  }
0x446: {  	vm0 =	vmor vm0, vm1;
	vm1 =	vmand vm15, vm10;
	vm15 =	veq.s32 v48, v57  }
0x447: {  	vm0 =	vmor vm0, vm1;
	vm1 =	vmand vm15, vm7;
	vm15 =	veq.s32 v48, v58  }
0x448: {  	vm0 =	vmor vm0, vm1;
	vm1 =	vmand vm15, vm6;
	vm15 =	veq.s32 v48, v59  }
0x449: {  	vm0 =	vmor vm0, vm1;
	vm1 =	vmand vm15, vm9;
	vm15 =	veq.s32 v48, v61  }
0x44a: {  	vm0 =	vmor vm0, vm1;
	vm1 =	vmand vm15, vm8;
	vm15 =	veq.s32 v48, v62  }
0x44b: {  	vm0 =	vmor vm0, vm1;
	vm15 =	vmand vm15, vm13  }
0x44c: {  	vm0 =	vmor vm0, vm15  }
0x44d: {  	vm0 =	vmneg vm0;
	_ =	sdelay $0x5  }
0x44e: {  	[tilespmem:v48+s20+$0x0] =	vst.idx.msk vm0, v28  }
0x44f: {  	v48 =	vld [tilespmem:$0x1D0];
	_ =	sdelay $0x4  }
0x450: {  	[tilespmem:$0x10600] =	vst v48  }
0x451: {  	v63 =	vld.idx.msk [tilespmem:v33+s19+$0x0], $0xffff  }
0x452: {  	v57 =	vld.idx.msk [tilespmem:v34+s19+$0x0], $0xffff  }
0x453: {  	v58 =	vld.idx.msk [tilespmem:v35+s19+$0x0], $0xffff  }
0x454: {  	v59 =	vld.idx.msk [tilespmem:v36+s19+$0x0], $0xffff  }
0x455: {  	v60 =	vld.idx.msk [tilespmem:v37+s19+$0x0], $0xffff  }
0x456: {  	vm12 =	veq.s32 v48, v63  }
0x457: {  	vm15 =	veq.s32 v48, v57;
	vm0 =	vmand vm12, vm4  }
0x458: {  	vm1 =	vmand vm15, vm3;
	vm15 =	veq.s32 v48, v58;
	vm4 =	vmmov vm11;
	v58 =	vld [tilespmem:$0x1FF50]  }
0x459: {  	v61 =	vld.idx.msk [tilespmem:v38+s19+$0x0], $0xffff;
	vm0 =	vmor vm0, vm1;
	vm1 =	vmand vm15, vm11;
	vm11 =	veq.s32 v48, v59  }
0x45a: {  	vm0 =	vmor vm0, vm1;
	vm1 =	vmand vm11, vm5;
	vm11 =	veq.s32 v48, v60;
	v60 =	vld [tilespmem:$0x1FF60]  }
0x45b: {  	v62 =	vld.idx.msk [tilespmem:v39+s19+$0x0], $0xffff  }
0x45c: {  	v63 =	vld.idx.msk [tilespmem:v40+s19+$0x0], $0xffff  }
0x45d: {  	vm12 =	vnez.u8 v58  }
0x45e: {  	vm0 =	vmor vm0, vm1;
	vm11 =	vmand vm11, vm12  }
0x45f: {  	vm15 =	veq.s32 v48, v61;
	vm0 =	vmor vm0, vm11;
	vm11 =	vnez.u8 v60  }
0x460: {  	vm1 =	vmand vm15, vm11;
	vm15 =	veq.s32 v48, v62  }
0x461: {  	vm0 =	vmor vm0, vm1;
	vm1 =	vmand vm15, vm2;
	vm15 =	veq.s32 v48, v63;
	v63 =	vld [tilespmem:$0x1FF80]  }
0x462: {  	v51 =	vld.idx.msk [tilespmem:v41+s19+$0x0], $0xffff  }
0x463: {  	v57 =	vld.idx.msk [tilespmem:v42+s19+$0x0], $0xffff  }
0x464: {  	v59 =	vld.idx.msk [tilespmem:v43+s19+$0x0], $0xffff  }
0x465: {  	v61 =	vld.idx.msk [tilespmem:v44+s19+$0x0], $0xffff  }
0x466: {  	v62 =	vld.idx.msk [tilespmem:v45+s19+$0x0], $0xffff;
	vm2 =	vnez.u8 v63  }
0x467: {  	v56 =	vld.idx.msk [tilespmem:v47+s19+$0x0], $0xffff;
	vm0 =	vmor vm0, vm1;
	vm1 =	vmand vm15, vm2;
	vm15 =	veq.s32 v48, v51  }
0x468: {  	vm0 =	vmor vm0, vm1;
	vm1 =	vmand vm15, vm14;
	vm15 =	veq.s32 v48, v57;
	v57 =	vld.idx.msk [tilespmem:v46+s19+$0x0], $0xffff  }
0x469: {  	vm0 =	vmor vm0, vm1;
	vm1 =	vmand vm15, vm10;
	vm15 =	veq.s32 v48, v59  }
0x46a: {  	vm0 =	vmor vm0, vm1;
	vm1 =	vmand vm15, vm7;
	vm15 =	veq.s32 v48, v61  }
0x46b: {  	vm0 =	vmor vm0, vm1;
	vm1 =	vmand vm15, vm6;
	vm15 =	veq.s32 v48, v62  }
0x46c: {  	vm0 =	vmor vm0, vm1;
	vm1 =	vmand vm15, vm9;
	vm15 =	veq.s32 v48, v56  }
0x46d: {  	vm0 =	vmor vm0, vm1;
	vm1 =	vmand vm15, vm8;
	vm15 =	veq.s32 v48, v57  }
0x46e: {  	vm0 =	vmor vm0, vm1;
	vm15 =	vmand vm15, vm13  }
0x46f: {  	vm0 =	vmor vm0, vm15  }
0x470: {  	vm0 =	vmneg vm0;
	_ =	sdelay $0x5  }
0x471: {  	[tilespmem:v48+s20+$0x0] =	vst.idx.msk vm0, v29  }
0x472: {  	v48 =	vld [tilespmem:$0x1E0];
	_ =	sdelay $0x4  }
0x473: {  	[tilespmem:$0x10600] =	vst v48  }
0x474: {  	v58 =	vld.idx.msk [tilespmem:v33+s19+$0x0], $0xffff  }
0x475: {  	v59 =	vld.idx.msk [tilespmem:v34+s19+$0x0], $0xffff;
	_ =	sdelay $0x3  }
0x476: {  	vm15 =	veq.s32 v48, v58;
	v58 =	vld [tilespmem:$0x1FF10]  }
0x477: {  	vm1 =	veq.s32 v48, v59;
	v59 =	vld [tilespmem:$0x1FF20]  }
0x478: {  	v60 =	vld.idx.msk [tilespmem:v35+s19+$0x0], $0xffff  }
0x479: {  	v61 =	vld.idx.msk [tilespmem:v36+s19+$0x0], $0xffff  }
0x47a: {  	v62 =	vld.idx.msk [tilespmem:v37+s19+$0x0], $0xffff  }
0x47b: {  	v63 =	vld.idx.msk [tilespmem:v38+s19+$0x0], $0xffff;
	vm3 =	vnez.u8 v58  }
0x47c: {  	v57 =	vld.idx.msk [tilespmem:v39+s19+$0x0], $0xffff;
	vm0 =	vmand vm15, vm3;
	vm15 =	vnez.u8 v59  }
0x47d: {  	v58 =	vld [tilespmem:$0x1FF70];
	vm1 =	vmand vm1, vm15;
	vm15 =	veq.s32 v48, v60  }
0x47e: {  	v60 =	vld.idx.msk [tilespmem:v40+s19+$0x0], $0xffff;
	vm0 =	vmor vm0, vm1;
	vm1 =	vmand vm15, vm4;
	vm4 =	veq.s32 v48, v61  }
0x47f: {  	v61 =	vld.idx.msk [tilespmem:v41+s19+$0x0], $0xffff;
	vm0 =	vmor vm0, vm1;
	vm1 =	vmand vm4, vm5;
	vm4 =	veq.s32 v48, v62  }
0x480: {  	v62 =	vld.idx.msk [tilespmem:v42+s19+$0x0], $0xffff;
	vm0 =	vmor vm0, vm1;
	vm1 =	vmand vm4, vm12;
	vm4 =	veq.s32 v48, v63  }
0x481: {  	v63 =	vld.idx.msk [tilespmem:v43+s19+$0x0], $0xffff;
	vm0 =	vmor vm0, vm1;
	vm4 =	vmand vm4, vm11  }
0x482: {  	vm15 =	veq.s32 v48, v57;
	v57 =	vld.idx.msk [tilespmem:v44+s19+$0x0], $0xffff;
	vm0 =	vmor vm0, vm4;
	vm4 =	vnez.u8 v58  }
0x483: {  	v59 =	vld.idx.msk [tilespmem:v45+s19+$0x0], $0xffff;
	vm1 =	vmand vm15, vm4;
	vm15 =	veq.s32 v48, v60  }
0x484: {  	v60 =	vld.idx.msk [tilespmem:v47+s19+$0x0], $0xffff;
	vm0 =	vmor vm0, vm1;
	vm1 =	vmand vm15, vm2;
	vm15 =	veq.s32 v48, v61  }
0x485: {  	v61 =	vld.idx.msk [tilespmem:v46+s19+$0x0], $0xffff;
	vm0 =	vmor vm0, vm1;
	vm1 =	vmand vm15, vm14;
	vm15 =	veq.s32 v48, v62  }
0x486: {  	vm0 =	vmor vm0, vm1;
	vm1 =	vmand vm15, vm10;
	vm15 =	veq.s32 v48, v63  }
0x487: {  	vm0 =	vmor vm0, vm1;
	vm1 =	vmand vm15, vm7;
	vm15 =	veq.s32 v48, v57  }
0x488: {  	vm0 =	vmor vm0, vm1;
	vm1 =	vmand vm15, vm6;
	vm15 =	veq.s32 v48, v59  }
0x489: {  	vm0 =	vmor vm0, vm1;
	vm1 =	vmand vm15, vm9;
	vm15 =	veq.s32 v48, v60  }
0x48a: {  	vm0 =	vmor vm0, vm1;
	vm1 =	vmand vm15, vm8;
	vm15 =	veq.s32 v48, v61  }
0x48b: {  	vm0 =	vmor vm0, vm1;
	vm15 =	vmand vm15, vm13  }
0x48c: {  	vm0 =	vmor vm0, vm15  }
0x48d: {  	vm0 =	vmneg vm0;
	_ =	sdelay $0x5  }
0x48e: {  	[tilespmem:v48+s20+$0x0] =	vst.idx.msk vm0, v30  }
0x48f: {  	v48 =	vld [tilespmem:$0x1F0];
	_ =	sdelay $0x4  }
0x490: {  	[tilespmem:$0x10600] =	vst v48  }
0x491: {  	v62 =	vld.idx.msk [tilespmem:v33+s19+$0x0], $0xffff;
	_ =	sdelay $0x3  }
0x492: {  	v63 =	vld.idx.msk [tilespmem:v34+s19+$0x0], $0xffff  }
0x493: {  	vm15 =	veq.s32 v48, v62;
	v62 =	vld [tilespmem:$0x1FF20]  }
0x494: {  	v56 =	vld [tilespmem:$0x1FF30]  }
0x495: {  	v57 =	vld.idx.msk [tilespmem:v35+s19+$0x0], $0xffff  }
0x496: {  	v58 =	vld.idx.msk [tilespmem:v36+s19+$0x0], $0xffff  }
0x497: {  	v59 =	vld.idx.msk [tilespmem:v37+s19+$0x0], $0xffff  }
0x498: {  	v60 =	vld.idx.msk [tilespmem:v38+s19+$0x0], $0xffff;
	vm1 =	veq.s32 v48, v63;
	vm0 =	vmand vm15, vm3;
	vm15 =	vnez.u8 v62  }
0x499: {  	v61 =	vld.idx.msk [tilespmem:v39+s19+$0x0], $0xffff;
	vm1 =	vmand vm1, vm15  }
0x49a: {  	v63 =	vld.idx.msk [tilespmem:v40+s19+$0x0], $0xffff;
	vm15 =	veq.s32 v48, v57;
	vm0 =	vmor vm0, vm1;
	vm1 =	vnez.u8 v56  }
0x49b: {  	v57 =	vld.idx.msk [tilespmem:v41+s19+$0x0], $0xffff;
	vm1 =	vmand vm15, vm1;
	vm15 =	veq.s32 v48, v58  }
0x49c: {  	v58 =	vld.idx.msk [tilespmem:v42+s19+$0x0], $0xffff;
	vm0 =	vmor vm0, vm1;
	vm1 =	vmand vm15, vm5;
	vm5 =	veq.s32 v48, v59  }
0x49d: {  	v59 =	vld.idx.msk [tilespmem:v43+s19+$0x0], $0xffff;
	vm0 =	vmor vm0, vm1;
	vm1 =	vmand vm5, vm12;
	vm5 =	veq.s32 v48, v60  }
0x49e: {  	v60 =	vld.idx.msk [tilespmem:v44+s19+$0x0], $0xffff;
	vm0 =	vmor vm0, vm1;
	vm11 =	vmand vm5, vm11;
	vm5 =	veq.s32 v48, v61  }
0x49f: {  	v61 =	vld.idx.msk [tilespmem:v45+s19+$0x0], $0xffff;
	vm0 =	vmor vm0, vm11;
	vm11 =	vmand vm5, vm4;
	vm4 =	veq.s32 v48, v63  }
0x4a0: {  	v62 =	vld.idx.msk [tilespmem:v47+s19+$0x0], $0xffff;
	vm0 =	vmor vm0, vm11;
	vm5 =	vmand vm4, vm2;
	vm11 =	veq.s32 v48, v57  }
0x4a1: {  	v63 =	vld.idx.msk [tilespmem:v46+s19+$0x0], $0xffff;
	vm0 =	vmor vm0, vm5;
	vm4 =	vmand vm11, vm14;
	vm5 =	veq.s32 v48, v58  }
0x4a2: {  	vm11 =	veq.s32 v48, v59;
	vm0 =	vmor vm0, vm4;
	vm15 =	vmand vm5, vm10  }
0x4a3: {  	vm4 =	veq.s32 v48, v60;
	vm1 =	vmand vm11, vm7;
	vm0 =	vmor vm0, vm15  }
0x4a4: {  	vm5 =	veq.s32 v48, v61;
	vm15 =	vmand vm4, vm6;
	vm0 =	vmor vm0, vm1  }
0x4a5: {  	vm7 =	veq.s32 v48, v62;
	vm1 =	vmand vm5, vm9;
	vm0 =	vmor vm0, vm15  }
0x4a6: {  	vm10 =	vmand vm7, vm8;
	vm11 =	veq.s32 v48, v63;
	vm0 =	vmor vm0, vm1  }
0x4a7: {  	vm15 =	vmand vm11, vm13;
	vm0 =	vmor vm0, vm10  }
0x4a8: {  	vm0 =	vmor vm0, vm15  }
0x4a9: {  	vm0 =	vmneg vm0;
	_ =	sdelay $0x5  }
0x4aa: {  	[tilespmem:v48+s20+$0x0] =	vst.idx.msk vm0, v31  }
0x4ab: {  	[hbm4b:s5+s2] =	stream.linear.scatter [tilespmem:s20], [sflag:$0x3], $0x400, $0x38;
	[tilespmem:$0x10680] =	vst v63  }
0x4ac: {  	_ =	swait.ge [sflag:s11], $0x400  }
0x4ad: {  	[sflag:s11] =	ssyncset.done $0x0  }
0x4ae: {  	[sflag:s11] =	ssyncadd.s32 $0xFFFFFC00  }
0x4af: {  	_ =	swait.ge [sflag:s21], $0x4000  }
0x4b0: {  	[sflag:s21] =	ssyncset.done $0x0  }
0x4b1: {  	[sflag:s21] =	ssyncadd.s32 $0xFFFFC000  }
0x4b2: {  	[hbm4b:s6+s2] =	stream.linear.scatter [tilespmem:s13], [sflag:$0x2], $0x4000, $0x38;
	[tilespmem:$0x10680] =	vst v63  }
0x4b3: {  	_ =	swait.ge [sflag:s21], $0x4000  }
0x4b4: {  	[sflag:s21] =	ssyncset.done $0x0  }
0x4b5: {  	[sflag:s21] =	ssyncadd.s32 $0xFFFFC000  }
0x4b6: {  	[hbm4b:s7+s2] =	stream.linear.scatter [tilespmem:s14], [sflag:$0x2], $0x4000, $0x38;
	[tilespmem:$0x10680] =	vst v63  }
0x4b7: {  	_ =	swait.ge [sflag:s21], $0x4000  }
0x4b8: {  	[sflag:s21] =	ssyncset.done $0x0  }
0x4b9: {  	[sflag:s21] =	ssyncadd.s32 $0xFFFFC000  }
0x4ba: {  	[hbm4b:s8+s2] =	stream.linear.scatter [tilespmem:s16], [sflag:$0x2], $0x4000, $0x38;
	[tilespmem:$0x10680] =	vst v63  }
0x4bb: {  	_ =	swait.ge [sflag:s21], $0x4000  }
0x4bc: {  	[sflag:s21] =	ssyncset.done $0x0  }
0x4bd: {  	[sflag:s21] =	ssyncadd.s32 $0xFFFFC000  }
0x4be: {  	[hbm4b:s9+s2] =	stream.linear.scatter [tilespmem:s18], [sflag:$0x2], $0x4000, $0x38;
	[tilespmem:$0x10680] =	vst v63  }
0x4bf: {  	_ =	swait.ge [sflag:s22], $0x4000  }
0x4c0: {  	[sflag:s22] =	ssyncset.done $0x0  }
0x4c1: {  	[sflag:s22] =	ssyncadd.s32 $0xFFFFC000  }
0x4c2: {  	_ =	swait.ge [sflag:s22], $0x4000  }
0x4c3: {  	[sflag:s22] =	ssyncset.done $0x0  }
0x4c4: {  	[sflag:s22] =	ssyncadd.s32 $0xFFFFC000  }
0x4c5: {  	p0 =	sne.s32 s10, $0x1;
	_ =	swait.ge [sflag:s22], $0x4000  }
.Ltmp0:
0x4c6: {  	[sflag:s22] =	ssyncset.done $0x0;
	(pc) =	sbr.rel @p0 .LBB2_1-.Ltmp0, $4  }
0x4c7: {  	[sflag:s22] =	ssyncadd.s32 $0xFFFFC000  }
0x4c8: {  	_ =	swait.ge [sflag:s22], $0x4000  }
0x4c9: {  	[sflag:s22] =	ssyncset.done $0x0  }
0x4ca: {  	s10 =	sadd.s32 $0xFFFFFFFF, s10;
	[sflag:s22] =	ssyncadd.s32 $0xFFFFC000  }
0x4cb: {  	_ =	sfence.sel $0x180000  }
0x4cc: {  	[bflag:$0x0] =	sbarrier.arrive $0xFFFF  }
0x4cd: {  	p0 =	sne.s32 s0, $0x0;
	_ =	strace $0x90000047  }
0x4ce: {  	s0 =	sadd.s32 @!p0 $0x100000, s1;
	[bflag:$0x2] =	sbarrier.arrive $0xFFFF  }
0x4cf: {  	[sflag:s0] =	ssyncadd.tile.s32 @!p0 $0x1;
	_ =	shalt  }
.Lfunc_end2:
_tile_overlayer_lowered:
.L_overlay_start_2:
0x4d0: {  	(tag) =	ssettag $0x2  }
0x4d1: {  	s0 =	rddreg [dreg:$0x0];
	s2 =	stileid.u32  }
0x4d2: {  	s1 =	rddreg [dreg:$0x1];
	p0 =	sne.s32 s2, $0x0  }
0x4d3: {  	s3 =	rddreg [dreg:$0x2];
	[bflag:$0x3] =	sbarrier.arrive $0xFFFF;
	s2 =	simm.s32 @!p0 $0x1C03  }
0x4d4: {  	[timem:s3], [sflag:s2] =	dma.local @!p0 [hbm:s0], s1  }
0x4d5: {  	s0 =	simm.s32 @!p0 $0x3  }
0x4d6: {  	_ =	swait.ge @!p0 [sflag:s0], s1  }
0x4d7: {  	s1 =	ssub.s32 @!p0 $0x0, s1;
	[sflag:s0] =	ssyncset.done @!p0 $0x0  }
0x4d8: {  	[sflag:s0] =	ssyncadd.s32 @!p0 s1  }
0x4d9: {  	[bflag:$0x3] =	sbarrier.arrive $0xFFFF  }
0x4da: {  	_ =	shalt  }

// kernel: kernel.8.cloned.1.call-start
scs
__scs_entry_jumppad:
0x0: {  	(pc) =	sbr.rel $0x88, $3  }
0x1: {  	(tag) =	ssettag $0x0;
	lr =	simm.s32 $0x1  }
0x2: {  	[smem:$0x3F9A] =	sst lr;
	_ =	strace $0xD0000000  }
0x3: {  	_ = 	snop  }
0x4: {  	_ = 	snop  }
0x5: {  	_ = 	snop  }
0x6: {  	_ = 	snop  }
0x7: {  	_ = 	snop  }
__scs_overlays_trampoline_lowered:
0x8: {  	[smem:$0x3FA9] =	sst s0  }
0x9: {  	[smem:$0x3FAA] =	sst s1  }
0xa: {  	[smem:$0x3FAB] =	sst s2  }
0xb: {  	[smem:$0x3FAC] =	sst s3  }
0xc: {  	[smem:$0x3FAD] =	sst s4  }
0xd: {  	[smem:$0x3FAE] =	sst s5  }
0xe: {  	[smem:$0x3FAF] =	sst s6  }
0xf: {  	[smem:$0x3FB0] =	sst s7  }
0x10: {  	[smem:$0x3FB1] =	sst s8  }
0x11: {  	[smem:$0x3FB2] =	sst s9;
	s0 =	simm.s32 @!p0 $0x0  }
0x12: {  	s1 =	sld [smem:$0x3F98];
	s0 =	simm.s32 @p0 $0x1  }
0x13: {  	[smem:$0x3FB3] =	sst s0;
	s0 =	simm.s32 @!p1 $0x0  }
0x14: {  	s2 =	sld [smem:$0x3F97];
	s0 =	simm.s32 @p1 $0x1  }
0x15: {  	[smem:$0x3FB4] =	sst s0;
	s0 =	simm.s32 @!p2 $0x0  }
0x16: {  	s3 =	sld [smem:$0x3FDB];
	s0 =	simm.s32 @p2 $0x1  }
0x17: {  	s4 =	simm.s32 $0x1BF5;
	[smem:$0x3FB6] =	sst s0  }
0x18: {  	s0 =	sld [smem:$0x3F99];
	_ =	swait.ge [sflag:s4], $0x0  }
0x19: {  	s7 =	sld [smem:$0x3F9A]  }
0x1a: {  	s8 =	sadd.s32 $0xFFFFE003, lr  }
0x1b: {  	s9 =	sadd.s32 $0xFFFFFEF7, lr;
	s5 =	simm.s32 $0xFFFFFFFF;
	p2 =	slt.u32 s8, $0xFFFFF086  }
0x1c: {  	p1 =	slt.u32 s9, $0xF7A;
	s5 =	simm.s32 @!p2 $0x0  }
0x1d: {  	s5 =	simm.s32 @p1 $0x1;
	p0 =	seq.s32 s7, s2  }
0x1e: {  	s7 =	smul.u32 @!p0 $0xF7A, s2;
	p2 =	seq.s32 @!p0 s5, $0x0  }
0x1f: {  	s9 =	smul.u32 $0xF7A, s1;
	s8 =	simm.s32 @!p0 $0x1BF5;
	p2 =	por !p2, p0  }
0x20: {  	[sflag:s8] =	ssyncset.s32 @!p0 $0xFFFFF086;
	s6 =	sadd.s32 @!p0 s3, s7;
	s7 =	simm.s32 @!p0 $0x108  }
0x21: {  	s3 =	sadd.s32 s3, s9;
	s6 =	sadd.s32 @!p0 $0x88, s6;
	s7 =	simm.s32 @p2 $0x1082  }
0x22: {  	[simem:s7], [sflag:s8] =	dma.local @!p0 [hbm:s6], $0xF7A  }
0x23: {  	s9 =	sor.u32 $0xD0000000, s2;
	s6 =	simm.s32 $0x108;
	_ =	swait.ge @!p0 [sflag:s8], $0x0  }
0x24: {  	s3 =	sadd.s32 $0x88, s3;
	s6 =	simm.s32 @!p1 $0x1082;
	[sflag:s4] =	ssyncset.s32 $0xFFFFF086  }
0x25: {  	[simem:s6], [sflag:s4] =	dma.local [hbm:s3], $0xF7A  }
0x26: {  	[smem:$0x3F9A] =	sst s1;
	(tag) =	ssettag s2;
	_ =	strace s9  }
0x27: {  	s1 =	sld [smem:$0x3FAA]  }
0x28: {  	s2 =	sld [smem:$0x3FAB]  }
0x29: {  	s4 =	sld [smem:$0x3FAD]  }
0x2a: {  	p0 =	seq.s32 s5, $0x0;
	s5 =	sld [smem:$0x3FAE]  }
0x2b: {  	s6 =	sld [smem:$0x3FAF]  }
0x2c: {  	s7 =	sld [smem:$0x3FB0]  }
0x2d: {  	s3 =	simm.s32 $0x108;
	s8 =	sld [smem:$0x3FB1]  }
0x2e: {  	s3 =	simm.s32 @!p0 $0x1082;
	s9 =	sld [smem:$0x3FB2]  }
0x2f: {  	lr =	sadd.s32 s0, s3;
	s0 =	sld [smem:$0x3FA9]  }
0x30: {  	s3 =	sld [smem:$0x3FAC]  }
0x31: {  	[smem:$0x3FB5] =	sst s10  }
0x32: {  	s10 =	sld [smem:$0x3FB3];
	_ =	sdelay $0x3  }
0x33: {  	p0 =	seq.s32 s10, $0x1;
	s10 =	sld [smem:$0x3FB5];
	_ =	sdelay $0x3  }
0x34: {  	[smem:$0x3FB5] =	sst s10  }
0x35: {  	s10 =	sld [smem:$0x3FB4];
	_ =	sdelay $0x3  }
0x36: {  	p1 =	seq.s32 s10, $0x1;
	s10 =	sld [smem:$0x3FB5];
	_ =	sdelay $0x3  }
0x37: {  	[smem:$0x3FB5] =	sst s10  }
0x38: {  	s10 =	sld [smem:$0x3FB6]  }
0x39: {  	_ = 	snop;
	(pc) =	sbr.ind lr, $3  }
0x3a: {  	_ = 	snop  }
0x3b: {  	_ = 	snop  }
0x3c: {  	p2 =	seq.s32 s10, $0x1;
	s10 =	sld [smem:$0x3FB5]  }
0x3d: {  	_ =	shalt  }
0x3e: {  	_ =	shalt  }
0x3f: {  	_ =	shalt  }
0x40: {  	_ =	shalt  }
0x41: {  	_ =	shalt  }
0x42: {  	_ =	shalt  }
0x43: {  	_ =	shalt  }
0x44: {  	_ =	shalt  }
0x45: {  	_ =	shalt  }
0x46: {  	_ =	shalt  }
0x47: {  	_ =	shalt  }
0x48: {  	_ =	shalt  }
0x49: {  	_ =	shalt  }
0x4a: {  	_ =	shalt  }
0x4b: {  	_ =	shalt  }
0x4c: {  	_ =	shalt  }
0x4d: {  	_ =	shalt  }
0x4e: {  	_ =	shalt  }
0x4f: {  	_ =	shalt  }
0x50: {  	_ =	shalt  }
0x51: {  	_ =	shalt  }
0x52: {  	_ =	shalt  }
0x53: {  	_ =	shalt  }
0x54: {  	_ =	shalt  }
0x55: {  	_ =	shalt  }
0x56: {  	_ =	shalt  }
0x57: {  	_ =	shalt  }
0x58: {  	_ =	shalt  }
0x59: {  	_ =	shalt  }
0x5a: {  	_ =	shalt  }
0x5b: {  	_ =	shalt  }
0x5c: {  	_ =	shalt  }
0x5d: {  	_ =	shalt  }
0x5e: {  	_ =	shalt  }
0x5f: {  	_ =	shalt  }
0x60: {  	_ =	shalt  }
0x61: {  	_ =	shalt  }
0x62: {  	_ =	shalt  }
0x63: {  	_ =	shalt  }
0x64: {  	_ =	shalt  }
0x65: {  	_ =	shalt  }
0x66: {  	_ =	shalt  }
0x67: {  	_ =	shalt  }
0x68: {  	_ =	shalt  }
0x69: {  	_ =	shalt  }
0x6a: {  	_ =	shalt  }
0x6b: {  	_ =	shalt  }
0x6c: {  	_ =	shalt  }
0x6d: {  	_ =	shalt  }
0x6e: {  	_ =	shalt  }
0x6f: {  	_ =	shalt  }
0x70: {  	_ =	shalt  }
0x71: {  	_ =	shalt  }
0x72: {  	_ =	shalt  }
0x73: {  	_ =	shalt  }
0x74: {  	_ =	shalt  }
0x75: {  	_ =	shalt  }
0x76: {  	_ =	shalt  }
0x77: {  	_ =	shalt  }
0x78: {  	_ =	shalt  }
0x79: {  	_ =	shalt  }
0x7a: {  	_ =	shalt  }
0x7b: {  	_ =	shalt  }
0x7c: {  	_ =	shalt  }
0x7d: {  	_ =	shalt  }
0x7e: {  	_ =	shalt  }
0x7f: {  	_ =	shalt  }
0x80: {  	_ =	shalt  }
0x81: {  	_ =	shalt  }
0x82: {  	_ =	shalt  }
0x83: {  	_ =	shalt  }
0x84: {  	_ =	shalt  }
0x85: {  	_ =	shalt  }
0x86: {  	_ =	shalt  }
0x87: {  	_ =	shalt  }
.Lfunc_end0:
.L_simem_size_0:
called_computation.1_lowered:
.L_overlay_start_0:
0x88: {  	s2 =	sld [smem:$0x3FD9]  }
0x89: {  	s3 =	sld [smem:$0x3FFE];
	_ =	sdelay $0x1  }
0x8a: {  	s1 =	srdreg.scid  }
0x8b: {  	s0 =	sand.u32 $0x1, s1  }
0x8c: {  	s14 =	sshll.u32 s0, $0xA;
	s2 =	sadd.s32 s3, s2  }
0x8d: {  	s2 =	sadd.s32 s2, s14  }
0x8e: {  	[smem:$0x3FC1] =	sst s2  }
0x8f: {  	_ = 	snop  }
0x90: {  	s2 =	sld [smem:$0x3FD0];
	_ =	sdelay $0x2  }
0x91: {  	s15 =	simm.s32 $0xA;
	s4 =	simm.s32 $0x10  }
0x92: {  	[smem:s4], [sflag:s15] =	dma.local [hbm:s2], $0x1  }
0x93: {  	_ =	swait.eq [sflag:s15], $0x1  }
0x94: {  	[sflag:s15] =	ssyncset.done $0x0  }
0x95: {  	[sflag:s15] =	ssyncadd.s32 $0xFFFFFFFF  }
0x96: {  	s16 =	sld [smem:$0x11];
	(tm) =	ssettm $0x1  }
0x97: {  	s17 =	sld [smem:$0x3FFB];
	_ =	sdelay $0x3  }
0x98: {  	_ =	strace s17  }
0x99: {  	s3 =	sld [smem:$0x3FFC];
	_ =	sdelay $0x3  }
0x9a: {  	_ =	strace s3  }
0x9b: {  	s3 =	sld [smem:$0x3FFD];
	_ =	sdelay $0x3  }
0x9c: {  	_ =	strace s3  }
0x9d: {  	_ =	strace $0x8FFFFFFF  }
0x9e: {  	s18 =	sld [smem:$0x3FDB];
	_ =	sdelay $0x1  }
0x9f: {  	s19 =	simm.s32 $_scs_section_size  }
0xa0: {  	s5 =	simm.s32 $_size__tile_overlayer_lowered;
	s6 =	simm.s32 $_tile_overlayer_lowered  }
0xa1: {  	s22 =	simm.s32 $0x1BFF;
	s21 =	sshll.u32 s6, $0x1;
	s3 =	sadd.s32 s19, s18  }
0xa2: {  	s7 =	simm.s32 $0x0;
	s20 =	sshll.u32 s5, $0x1;
	s5 =	sadd.s32 s21, s3  }
0xa3: {  	[timem:s7], [sflag:s22] =	dma.local [hbm:s5], s20  }
0xa4: {  	_ =	swait.ge [sflag:s22], s20  }
0xa5: {  	s4 =	ssub.s32 $0x0, s20;
	[sflag:s22] =	ssyncset.done $0x0  }
0xa6: {  	[sflag:s22] =	ssyncadd.s32 s4;
	_ =	sdelay $0x1  }
0xa7: {  	s23 =	simm.s32 $0x1B8B  }
0xa8: {  	_ =	swait.ge [sflag:s23], $0x1  }
0xa9: {  	[sflag:s23] =	ssyncset.done $0x0  }
0xaa: {  	s25 =	simm.s32 $0x1B8E;
	s24 =	sld [smem:$0x3FFE];
	[sflag:s23] =	ssyncadd.s32 $0xFFFFFFFF  }
0xab: {  	s26 =	simm.s32 $execute0_lowered;
	[smem:$0x3FD2] =	sst s25  }
0xac: {  	s5 =	sshll.u32 s26, $0x1;
	_ =	strace $0x80000049;
	[dreg:$0x1] =	wrdreg $0xFFFFFFFF  }
0xad: {  	s28 =	simm.s32 $_size_execute0_lowered;
	s3 =	sadd.s32 s3, s5;
	[dreg:$0x0] =	wrdreg $0x0  }
0xae: {  	s5 =	sshll.u32 s28, $0x1;
	[dreg:$0x2] =	wrdreg s3  }
0xaf: {  	[dreg:$0x3] =	wrdreg s5  }
0xb0: {  	[dreg:$0x4] =	wrdreg $0xC0  }
0xb1: {  	_ =	task [dreg:s7], $0x5FFFF  }
0xb2: {  	[dreg:$0x1] =	wrdreg $0xFFFFFFFF  }
0xb3: {  	[dreg:$0x0] =	wrdreg $0x60  }
0xb4: {  	[dreg:$0x2] =	wrdreg s16  }
0xb5: {  	[dreg:$0x3] =	wrdreg s24  }
0xb6: {  	[dreg:$0x4] =	wrdreg $0x9  }
0xb7: {  	_ =	task.clear_ibuf [dreg:s7], $0x5FFFF;
	_ =	strace $0x90000049  }
0xb8: {  	s29 =	simm.s32 $0x9;
	_ =	strace $0x8000004B  }
0xb9: {  	_ =	swait.ge [sflag:s29], $0x1  }
0xba: {  	[sflag:s29] =	ssyncadd.s32 $0xFFFFFFFF  }
0xbb: {  	_ =	strace $0x9000004B  }
0xbc: {  	_ =	sfence  }
0xbd: {  	s30 =	sld [smem:$0x0];
	_ =	sdelay $0x2  }
0xbe: {  	s31 =	sshll.u32 s1, $0xD;
	s1 =	sshrl.u32 s1, $0x2  }
0xbf: {  	s3 =	sand.u32 $0x4000, s31;
	s1 =	sadd.s32 s1, s30  }
0xc0: {  	s0 =	sor.u32 s3, s0;
	s1 =	sshll.u32 s1, $0x11  }
0xc1: {  	s0 =	sor.u32 s1, s0  }
0xc2: {  	s0 =	sadd.s32 $0x8F2B, s0  }
0xc3: {  	[sflag:s0] =	ssyncadd.remote.s32 $0x1  }
0xc4: {  	_ =	sfence.sel $0xFFFF  }
0xc5: {  	[dreg:$0x0] =	wrdreg $0xFFFFFFFF;
	(pc) =	sbr.abs _section_cstart, $3  }
0xc6: {  	[dreg:$0x1] =	wrdreg $0xFFFFFFFF  }
0xc7: {  	_ =	task.clear_ibuf [dreg:s7], $0x2FFFF;
	_ =	strace $0x9FFFFFFF  }
0xc8: {  	(tm) =	ssettm $0x7FFFFFFF  }
0xc9: {  	_ =	shalt  }
tec
execute0_lowered:
.L_overlay_start_1:
0x0: {  	(tag) =	ssettag $0x1  }
0x1: {  	s1 =	stileid.u32  }
0x2: {  	p0 =	sgt.u32 s1, $0x3  }
.Ltmp0:
0x3: {  	_ = 	snop;
	(pc) =	sbr.rel @p0 .LBB2_4-.Ltmp0, $4  }
0x4: {  	s3 =	rddreg [dreg:$0x0]  }
0x5: {  	s8 =	rddreg [dreg:$0x1];
	s2 =	simm.s32 $0x0  }
0x6: {  	[smem:$0x7FF] =	sst s2  }
0x7: {  	s0 =	rddreg [dreg:$0x2];
	_ =	strace $0x8000004A  }
0x8: {  	s4 =	srdreg.scid  }
0x9: {  	s29 =	sshll.u32 s1, $0x1;
	s6 =	sand.u32 $0x1, s4  }
0xa: {  	s9 =	sor.u32 s6, s29  }
0xb: {  	s5 =	sadd.s32 $0x46600, s8;
	s7 =	simm.s32 $0x1;
	s4 =	sshll.u32 s9, $0x4  }
0xc: {  	s10 =	ssub.s32 $0x2, s6;
	s4 =	sadd.s32 s3, s4;
	s3 =	simm.s32 $0x2  }
0xd: {  	[tilespmem:s2], [sflag:$0x2] =	stream.linear.gather [hbm4b:s4+s2], $0x80, $0x38;
	[tilespmem:$0x4080] =	vst v63  }
0xe: {  	s6 =	simm.s32 $0x80;
	s11 =	sshrl.u32 s10, $0x1;
	_ =	swait.ge [sflag:s3], $0x80  }
0xf: {  	s9 =	sshll.u32 s9, $0xB;
	s31 =	ssub.s32 s10, s11;
	[sflag:s3] =	ssyncset.done $0x0  }
0x10: {  	s30 =	sadd.s32 s9, s8;
	s9 =	smax.u32 s31, $0x1;
	[sflag:s3] =	ssyncadd.s32 $0xFFFFFF80  }
0x11: {  	[tilespmem:s6], [sflag:$0x1] =	stream.indirect.gather [hbm4b:s5+s6], $0x80, s2, s6, $0xb8;
	[tilespmem:$0x4080] =	vst v63  }
0x12: {  	p0 =	sne.s32 s9, $0x1;
	_ =	swait.ge [sflag:s7], $0x4000  }
.Ltmp1:
0x13: {  	[sflag:s7] =	ssyncset.done $0x0;
	(pc) =	sbr.rel @!p0 .LBB2_3-.Ltmp1, $4  }
0x14: {  	s8 =	sadd.s32 $0x2400, s30;
	[sflag:s7] =	ssyncadd.s32 $0xFFFFC000  }
0x15: {  	[hbm4b:s8+s2] =	stream.linear.scatter [tilespmem:s6], [sflag:$0x2], $0x4000, $0x38;
	[tilespmem:$0x4080] =	vst v63  }
0x16: {  	_ =	swait.ge [sflag:s3], $0x4000  }
0x17: {  	s9 =	sadd.s32 $0xFFFFFFFF, s9;
	[sflag:s3] =	ssyncset.done $0x0  }
.LBB2_2:
0x18: {  	p0 =	sne.s32 s9, $0x1;
	s9 =	sadd.s32 $0xFFFFFFFF, s9;
	[sflag:s3] =	ssyncadd.s32 $0xFFFFC000  }
0x19: {  	[tilespmem:s2], [sflag:$0x2] =	stream.linear.gather [hbm4b:s4+s2], $0x80, $0x38;
	[tilespmem:$0x4080] =	vst v63  }
0x1a: {  	_ =	swait.ge [sflag:s3], $0x80  }
0x1b: {  	[sflag:s3] =	ssyncset.done $0x0  }
0x1c: {  	[sflag:s3] =	ssyncadd.s32 $0xFFFFFF80  }
0x1d: {  	[tilespmem:s6], [sflag:$0x1] =	stream.indirect.gather [hbm4b:s5+s6], $0x80, s2, s6, $0xb8;
	[tilespmem:$0x4080] =	vst v63  }
0x1e: {  	_ =	swait.ge [sflag:s7], $0x4000  }
.Ltmp2:
0x1f: {  	[sflag:s7] =	ssyncset.done $0x0;
	(pc) =	sbr.rel @p0 .LBB2_2-.Ltmp2, $4  }
0x20: {  	[sflag:s7] =	ssyncadd.s32 $0xFFFFC000  }
0x21: {  	[hbm4b:s8+s2] =	stream.linear.scatter [tilespmem:s6], [sflag:$0x2], $0x4000, $0x38;
	[tilespmem:$0x4080] =	vst v63  }
0x22: {  	_ =	swait.ge [sflag:s3], $0x4000  }
0x23: {  	[sflag:s3] =	ssyncset.done $0x0  }
.LBB2_3:
0x24: {  	[sflag:s3] =	ssyncadd.s32 $0xFFFFC000  }
.LBB2_4:
0x25: {  	_ =	sfence.sel $0x180000  }
0x26: {  	[bflag:$0x0] =	sbarrier.arrive $0xFFFF  }
0x27: {  	p0 =	sne.s32 s1, $0x0;
	_ =	strace $0x9000004A  }
0x28: {  	s0 =	sadd.s32 @!p0 $0x100000, s0;
	[bflag:$0x2] =	sbarrier.arrive $0xFFFF  }
0x29: {  	[sflag:s0] =	ssyncadd.tile.s32 @!p0 $0x1;
	_ =	shalt  }
.Lfunc_end2:
_tile_overlayer_lowered:
.L_overlay_start_2:
0x2a: {  	(tag) =	ssettag $0x2  }
0x2b: {  	s0 =	rddreg [dreg:$0x0];
	s2 =	stileid.u32  }
0x2c: {  	s1 =	rddreg [dreg:$0x1];
	p0 =	sne.s32 s2, $0x0  }
0x2d: {  	s3 =	rddreg [dreg:$0x2];
	[bflag:$0x3] =	sbarrier.arrive $0xFFFF;
	s2 =	simm.s32 @!p0 $0x1C02  }
0x2e: {  	[timem:s3], [sflag:s2] =	dma.local @!p0 [hbm:s0], s1  }
0x2f: {  	s0 =	simm.s32 @!p0 $0x2  }
0x30: {  	_ =	swait.ge @!p0 [sflag:s0], s1  }
0x31: {  	s1 =	ssub.s32 @!p0 $0x0, s1;
	[sflag:s0] =	ssyncset.done @!p0 $0x0  }
0x32: {  	[sflag:s0] =	ssyncadd.s32 @!p0 s1  }
0x33: {  	[bflag:$0x3] =	sbarrier.arrive $0xFFFF  }
0x34: {  	_ =	shalt  }

</sc_bundles>
